<compile_context>
chip_gen: v7x
topology: tpu7x:2x2x1
jax: 0.10.2.dev20260603
libtpu: 0.0.44.dev20260713+nightly
codegen_flags: <defaults>
</compile_context>

<pallas_src>
import functools

import jax
import jax.numpy as jnp
from jax import lax
from jax.experimental import pallas as pl
from jax.experimental.pallas import tpu as pltpu
from jax.experimental.pallas import tpu_sc as plsc

N = 10000
E = 320000
F = 128
NCORE = 2
NSUB = 16
NW = NCORE * NSUB
EPT = E // NW
CH = 80
NCHUNK = EPT // CH
NPAD = 10240
RPT = NPAD // NSUB
DCOL = 16


def _sc_agg(table, src, dst, *, with_deg):
  mesh = plsc.VectorSubcoreMesh(core_axis_name="c", subcore_axis_name="s")

  out_type = [jax.ShapeDtypeStruct((NCORE, NPAD, F), jnp.float32)]
  scratch = [
      pltpu.VMEM((4, CH), jnp.int32),
      pltpu.VMEM((4, CH), jnp.int32),
      pltpu.VMEM((2, CH, F), jnp.float32),
      pltpu.VMEM_SHARED((NPAD, F), jnp.float32),
      pltpu.SemaphoreType.DMA((4,)),
      pltpu.SemaphoreType.DMA((2,)),
      pltpu.SemaphoreType.DMA((2,)),
  ]
  if with_deg:
    out_type.append(jax.ShapeDtypeStruct((NCORE, NPAD, DCOL), jnp.float32))
    scratch += [
        pltpu.VMEM((CH, DCOL), jnp.float32),
        pltpu.VMEM_SHARED((NPAD, DCOL), jnp.float32),
        pltpu.SemaphoreType.DMA((2,)),
    ]

  def body(table_hbm, src_hbm, dst_hbm, zrow_hbm, *rest):
    if with_deg:
      (zdeg_hbm, ones_hbm, acc_out, deg_out, src_v, dst_v, rows_v, acc_sh,
       sem_i, sem_g, sem_s, ones_v, deg_sh, sem_d) = rest
    else:
      (acc_out, src_v, dst_v, rows_v, acc_sh, sem_i, sem_g, sem_s) = rest

    cid = lax.axis_index("c")
    sid = lax.axis_index("s")
    ebase = (cid * NSUB + sid) * EPT

    def idx_start(c, q):
      off = ebase + c * CH
      pltpu.async_copy(src_hbm.at[pl.ds(off, CH)], src_v.at[q], sem_i.at[q])
      pltpu.async_copy(dst_hbm.at[pl.ds(off, CH)], dst_v.at[q], sem_i.at[q])

    def idx_wait(q):
      pltpu.make_async_copy(src_hbm.at[pl.ds(0, CH)], src_v.at[q],
                            sem_i.at[q]).wait()
      pltpu.make_async_copy(dst_hbm.at[pl.ds(0, CH)], dst_v.at[q],
                            sem_i.at[q]).wait()

    def gather_start(q, b):
      pltpu.async_copy(table_hbm.at[src_v.at[q]], rows_v.at[b], sem_g.at[b])

    def gather_wait(q, b):
      pltpu.make_async_copy(table_hbm.at[src_v.at[q]], rows_v.at[b],
                            sem_g.at[b]).wait()

    def scat_start(q, b):
      pltpu.async_copy(rows_v.at[b], acc_sh.at[dst_v.at[q]], sem_s.at[b],
                       add=True)
      if with_deg:
        pltpu.async_copy(ones_v, deg_sh.at[dst_v.at[q]], sem_d.at[b],
                         add=True)

    def scat_wait(q, b):
      pltpu.make_async_copy(rows_v.at[b], acc_sh.at[dst_v.at[q]],
                            sem_s.at[b]).wait()
      if with_deg:
        pltpu.make_async_copy(ones_v, deg_sh.at[dst_v.at[q]],
                              sem_d.at[b]).wait()

    pltpu.sync_copy(zrow_hbm, acc_sh.at[pl.ds(sid * RPT, RPT)])
    if with_deg:
      pltpu.sync_copy(zdeg_hbm, deg_sh.at[pl.ds(sid * RPT, RPT)])
      pltpu.sync_copy(ones_hbm, ones_v)

    plsc.subcore_barrier()

    idx_start(0, 0)
    idx_start(1, 1)
    idx_start(2, 2)
    idx_wait(0)
    gather_start(0, 0)

    gather_wait(0, 0)
    idx_wait(1)
    gather_start(1, 1)
    scat_start(0, 0)

    @pl.loop(0, (NCHUNK - 5) // 4)
    def _quad(t):
      for j in range(4):
        q = (1 + j) & 3
        b = (1 + j) & 1
        q1, qm1 = (q + 1) & 3, (q - 1) & 3
        b1 = 1 - b
        cc = 1 + 4 * t + j
        gather_wait(q, b)
        scat_wait(qm1, b1)
        idx_wait(q1)
        gather_start(q1, b1)
        scat_start(q, b)
        idx_start(cc + 2, (q + 2) & 3)

    for cc in range(NCHUNK - 4, NCHUNK):
      q = cc & 3
      b = cc & 1
      q1, qm1 = (q + 1) & 3, (q - 1) & 3
      b1 = 1 - b
      gather_wait(q, b)
      scat_wait(qm1, b1)
      if cc + 1 < NCHUNK:
        idx_wait(q1)
        gather_start(q1, b1)
      scat_start(q, b)
      if cc + 2 < NCHUNK:
        idx_start(cc + 2, (q + 2) & 3)
    scat_wait((NCHUNK - 1) & 3, (NCHUNK - 1) & 1)

    plsc.subcore_barrier()

    pltpu.sync_copy(acc_sh.at[pl.ds(sid * RPT, RPT)],
                    acc_out.at[cid, pl.ds(sid * RPT, RPT)])
    if with_deg:
      pltpu.sync_copy(deg_sh.at[pl.ds(sid * RPT, RPT)],
                      deg_out.at[cid, pl.ds(sid * RPT, RPT)])

  run = pl.kernel(
      body, out_type=out_type, mesh=mesh, scratch_types=scratch,
      compiler_params=pltpu.CompilerParams(use_tc_tiling_on_sc=False))
  zrow = jnp.zeros((RPT, F), jnp.float32)
  if with_deg:
    res = run(table, src, dst, zrow,
              jnp.zeros((RPT, DCOL), jnp.float32),
              jnp.ones((CH, DCOL), jnp.float32))
  else:
    res = run(table, src, dst, zrow)
  return res if with_deg else res[0]



_RB = 1000
_GRID = N // _RB


def _row_spec():
  return pl.BlockSpec((_RB, F), lambda i: (i, 0))


def _full_spec():
  return pl.BlockSpec((F, F), lambda i: (0, 0))


def _deg_spec():
  return pl.BlockSpec((_RB, DCOL), lambda i: (i, 0))


def _pre_body(x_ref, wl_ref, wr_ref, b_ref, y_ref, r_ref):
  xb = x_ref[...]
  y_ref[...] = jnp.dot(xb, wl_ref[...], preferred_element_type=jnp.float32)
  r_ref[...] = (jnp.dot(xb, wr_ref[...], preferred_element_type=jnp.float32)
                + b_ref[...])


def _mid_body(p0, p1, d0, d1, r1, w2l, w2r, emb_ref, y2_ref, r2_ref):
  deg = jnp.maximum(d0[:, 0:1] + d1[:, 0:1], 1.0)
  emb = (p0[...] + p1[...]) / deg + r1[...]
  emb_ref[...] = emb
  h = jnp.maximum(emb, 0.0)
  y2_ref[...] = jnp.dot(h, w2l[...], preferred_element_type=jnp.float32)
  r2_ref[...] = jnp.dot(h, w2r[...], preferred_element_type=jnp.float32)


def _fin_body(q0, q1, d0, d1, r2, b2, out_ref):
  deg = jnp.maximum(d0[:, 0:1] + d1[:, 0:1], 1.0)
  out_ref[...] = (q0[...] + q1[...]) / deg + r2[...] + b2[...]


def kernel(x, edge_index, W1_l, b1_l, W1_r, W2_l, b2_l, W2_r):
  src = edge_index[0]
  dst = edge_index[1]
  f32 = jnp.float32

  pre = pl.pallas_call(
      _pre_body,
      grid=(_GRID,),
      in_specs=[_row_spec(), _full_spec(), _full_spec(),
                pl.BlockSpec((1, F), lambda i: (0, 0))],
      out_specs=[_row_spec(), _row_spec()],
      out_shape=[jax.ShapeDtypeStruct((N, F), f32)] * 2,
  )
  y1, r1 = pre(x, W1_l.T, W1_r.T, b1_l.reshape(1, F))

  acc1, degp = _sc_agg(y1, src, dst, with_deg=True)

  mid = pl.pallas_call(
      _mid_body,
      grid=(_GRID,),
      in_specs=[_row_spec(), _row_spec(), _deg_spec(), _deg_spec(),
                _row_spec(), _full_spec(), _full_spec()],
      out_specs=[_row_spec(), _row_spec(), _row_spec()],
      out_shape=[jax.ShapeDtypeStruct((N, F), f32)] * 3,
  )
  emb, y2, r2 = mid(acc1[0], acc1[1], degp[0], degp[1], r1,
                    W2_l.T, W2_r.T)

  acc2 = _sc_agg(y2, src, dst, with_deg=False)

  fin = pl.pallas_call(
      _fin_body,
      grid=(_GRID,),
      in_specs=[_row_spec(), _row_spec(), _deg_spec(), _deg_spec(),
                _row_spec(), pl.BlockSpec((1, F), lambda i: (0, 0))],
      out_specs=_row_spec(),
      out_shape=jax.ShapeDtypeStruct((N, F), f32),
  )
  logits = fin(acc2[0], acc2[1], degp[0], degp[1], r2, b2_l.reshape(1, F))

  return (logits, emb)

# --- scband reference (transcript-rebuilt; emitter-appended) ---
"""Pipeline reference for scband-graph-sagenet-64733747085462 (READ-ONLY COPY).

The authoritative reference and input builder live on the scoring server;
editing this copy changes nothing except your own understanding.
"""

import jax, jax.numpy as jnp
import numpy as np

N = 10000
E = 320000
NF = 128
HC = 128
NC = 128


def setup_inputs(seed: int = 0) -> dict:
    key = jax.random.key(seed)
    ks = jax.random.split(key, 8)
    x = jax.random.normal(ks[0], (N, NF), dtype=jnp.float32)
    edge_index = jax.random.randint(ks[1], (2, E), 0, N, dtype=jnp.int32)
    s1 = 1.0 / np.sqrt(NF)
    s2 = 1.0 / np.sqrt(HC)
    W1_l = jax.random.uniform(ks[2], (HC, NF), jnp.float32, -s1, s1)
    b1_l = jnp.zeros((HC,), jnp.float32)
    W1_r = jax.random.uniform(ks[3], (HC, NF), jnp.float32, -s1, s1)
    W2_l = jax.random.uniform(ks[4], (NC, HC), jnp.float32, -s2, s2)
    b2_l = jnp.zeros((NC,), jnp.float32)
    W2_r = jax.random.uniform(ks[5], (NC, HC), jnp.float32, -s2, s2)
    return {"x": x, "edge_index": edge_index, "W1_l": W1_l, "b1_l": b1_l,
            "W1_r": W1_r, "W2_l": W2_l, "b2_l": b2_l, "W2_r": W2_r}


def _sage_conv(x, edge_index, W_l, b_l, W_r):
    # PyG SAGEConv: out = lin_l(mean_{j in N(i)} x_j) + lin_r(x_i)
    src = edge_index[0]
    dst = edge_index[1]
    msg = jnp.take(x, src, axis=0)                      # gather source features
    agg = jax.ops.segment_sum(msg, dst, num_segments=N)  # scatter-add by dst
    deg = jax.ops.segment_sum(jnp.ones((edge_index.shape[1],), x.dtype), dst,
                              num_segments=N)
    agg = agg / jnp.maximum(deg, 1.0)[:, None]           # mean aggregation
    return agg @ W_l.T + b_l + x @ W_r.T


def reference(x, edge_index, W1_l, b1_l, W1_r, W2_l, b2_l, W2_r):
    # GraphSAGENet.forward (eval mode: dropout is identity)
    emb = _sage_conv(x, edge_index, W1_l, b1_l, W1_r)
    h_act = jax.nn.relu(emb)
    logits = _sage_conv(h_act, edge_index, W2_l, b2_l, W2_r)
    return (logits, emb)

if __name__ == "__main__":
    import jax
    _d = setup_inputs()
    print(jax.jit(kernel)(*tuple(_d.values())))

</pallas_src>

<mosaic_0001>
#map = affine_map<(d0, d1) -> (0, 0)>
#map1 = affine_map<(d0, d1) -> (0)>
#map2 = affine_map<(d0, d1) -> (0, 0, 0)>
module attributes {stable_mosaic.version = 14 : i64} {
  func.func @body(%arg0: i32, %arg1: i32, %arg2: memref<10000x128xf32, #tpu.memory_space<hbm>>, %arg3: memref<320000xi32, #tpu.memory_space<hbm>>, %arg4: memref<320000xi32, #tpu.memory_space<hbm>>, %arg5: memref<640x128xf32, #tpu.memory_space<hbm>>, %arg6: memref<2x10240x128xf32, #tpu.memory_space<hbm>>, %arg7: memref<4x80xi32, #tpu.memory_space<vmem>>, %arg8: memref<4x80xi32, #tpu.memory_space<vmem>>, %arg9: memref<2x80x128xf32, #tpu.memory_space<vmem>>, %arg10: memref<10240x128xf32, #tpu.memory_space<vmem_shared>>, %arg11: memref<4x!tpu.dma_semaphore, #tpu.memory_space<semaphore_mem>>, %arg12: memref<2x!tpu.dma_semaphore, #tpu.memory_space<semaphore_mem>>, %arg13: memref<2x!tpu.dma_semaphore, #tpu.memory_space<semaphore_mem>>) attributes {dimension_semantics = [#tpu.dimension_semantics<core_parallel>, #tpu.dimension_semantics<subcore_parallel>], iteration_bounds = array<i64: 2, 16>, scalar_prefetch = 0 : i64, scratch_operands = 7 : i64, tpu.core_type = #tpu.core_type<sc_vector_subcore>, window_params = [{transform_indices = #map}, {transform_indices = #map1}, {transform_indices = #map1}, {transform_indices = #map}, {transform_indices = #map2}]} {
    %mul3A = arith.constant 16 : i32
    %mul3A_0 = arith.muli %arg0, %mul3A : i32
    %add3A = arith.addi %mul3A_0, %arg1 : i32
    %mul3A_1 = arith.constant 10000 : i32
    %mul3A_2 = arith.muli %add3A, %mul3A_1 : i32
    %mul3A_3 = arith.constant 640 : i32
    %mul3A_4 = arith.muli %arg1, %mul3A_3 : i32
    "tpu.region"() ({
      %run_scoped3A = tpu.sem_alloc : memref<!tpu.dma_semaphore, #tpu.memory_space<semaphore_mem>>
      %dma_start3A_582 = arith.constant 0 : i32
      %dma_start3A_583 = tpu.memref_slice %arg10[%mul3A_4, %dma_start3A_582] : memref<10240x128xf32, #tpu.memory_space<vmem_shared>> -> memref<640x128xf32, #tpu.memory_space<vmem_shared>>
      tpu.enqueue_dma source(%arg5 : memref<640x128xf32, #tpu.memory_space<hbm>>) target(%dma_start3A_583 : memref<640x128xf32, #tpu.memory_space<vmem_shared>>) target_semaphore(%run_scoped3A : memref<!tpu.dma_semaphore, #tpu.memory_space<semaphore_mem>>)
      %dma_wait3A_584 = arith.constant 0 : i32
      %dma_wait3A_585 = tpu.memref_slice %arg10[%mul3A_4, %dma_wait3A_584] : memref<10240x128xf32, #tpu.memory_space<vmem_shared>> -> memref<640x128xf32, #tpu.memory_space<vmem_shared>>
      tpu.wait_dma2 semaphore(%run_scoped3A : memref<!tpu.dma_semaphore, #tpu.memory_space<semaphore_mem>>) src(%arg5 : memref<640x128xf32, #tpu.memory_space<hbm>>) dst(%dma_wait3A_585 : memref<640x128xf32, #tpu.memory_space<vmem_shared>>)
      tpu.yield
    }) : () -> ()
    %barrier3A = arith.constant 0 : index
    tpu.barrier barrier_id(%barrier3A)
    %add3A_5 = arith.constant 0 : i32
    %add3A_6 = arith.addi %mul3A_2, %add3A_5 : i32
    %dma_start3A = arith.constant 0 : i32
    %dma_start3A_7 = arith.constant 0 : i32
    %dma_start3A_8 = arith.constant 0 : i32
    %dma_start3A_9 = tpu.memref_slice %arg7[%dma_start3A, %dma_start3A_8] : memref<4x80xi32, #tpu.memory_space<vmem>> -> memref<1x80xi32, #tpu.memory_space<vmem>>
    %dma_start3A_10 = tpu.memref_squeeze %dma_start3A_9 : memref<1x80xi32, #tpu.memory_space<vmem>> -> memref<80xi32, #tpu.memory_space<vmem>>
    %dma_start3A_11 = tpu.memref_slice %arg3[%add3A_6] : memref<320000xi32, #tpu.memory_space<hbm>> -> memref<80xi32, #tpu.memory_space<hbm>>
    %dma_start3A_12 = tpu.memref_slice %arg11[%dma_start3A_7] : memref<4x!tpu.dma_semaphore, #tpu.memory_space<semaphore_mem>> -> memref<1x!tpu.dma_semaphore, #tpu.memory_space<semaphore_mem>>
    %dma_start3A_13 = tpu.memref_squeeze %dma_start3A_12 : memref<1x!tpu.dma_semaphore, #tpu.memory_space<semaphore_mem>> -> memref<!tpu.dma_semaphore, #tpu.memory_space<semaphore_mem>>
    %dma_start3A_14 = arith.constant 0 : i32
    %dma_start3A_15 = tpu.memref_slice %arg7[%dma_start3A, %dma_start3A_14] : memref<4x80xi32, #tpu.memory_space<vmem>> -> memref<1x80xi32, #tpu.memory_space<vmem>>
    %dma_start3A_16 = tpu.memref_squeeze %dma_start3A_15 : memref<1x80xi32, #tpu.memory_space<vmem>> -> memref<80xi32, #tpu.memory_space<vmem>>
    %dma_start3A_17 = tpu.memref_slice %arg3[%add3A_6] : memref<320000xi32, #tpu.memory_space<hbm>> -> memref<80xi32, #tpu.memory_space<hbm>>
    tpu.enqueue_dma source(%dma_start3A_17 : memref<80xi32, #tpu.memory_space<hbm>>) target(%dma_start3A_16 : memref<80xi32, #tpu.memory_space<vmem>>) target_semaphore(%dma_start3A_13 : memref<!tpu.dma_semaphore, #tpu.memory_space<semaphore_mem>>)
    %dma_start3A_18 = arith.constant 0 : i32
    %dma_start3A_19 = arith.constant 0 : i32
    %dma_start3A_20 = arith.constant 0 : i32
    %dma_start3A_21 = tpu.memref_slice %arg8[%dma_start3A_18, %dma_start3A_20] : memref<4x80xi32, #tpu.memory_space<vmem>> -> memref<1x80xi32, #tpu.memory_space<vmem>>
    %dma_start3A_22 = tpu.memref_squeeze %dma_start3A_21 : memref<1x80xi32, #tpu.memory_space<vmem>> -> memref<80xi32, #tpu.memory_space<vmem>>
    %dma_start3A_23 = tpu.memref_slice %arg4[%add3A_6] : memref<320000xi32, #tpu.memory_space<hbm>> -> memref<80xi32, #tpu.memory_space<hbm>>
    %dma_start3A_24 = tpu.memref_slice %arg11[%dma_start3A_19] : memref<4x!tpu.dma_semaphore, #tpu.memory_space<semaphore_mem>> -> memref<1x!tpu.dma_semaphore, #tpu.memory_space<semaphore_mem>>
    %dma_start3A_25 = tpu.memref_squeeze %dma_start3A_24 : memref<1x!tpu.dma_semaphore, #tpu.memory_space<semaphore_mem>> -> memref<!tpu.dma_semaphore, #tpu.memory_space<semaphore_mem>>
    %dma_start3A_26 = arith.constant 0 : i32
    %dma_start3A_27 = tpu.memref_slice %arg8[%dma_start3A_18, %dma_start3A_26] : memref<4x80xi32, #tpu.memory_space<vmem>> -> memref<1x80xi32, #tpu.memory_space<vmem>>
    %dma_start3A_28 = tpu.memref_squeeze %dma_start3A_27 : memref<1x80xi32, #tpu.memory_space<vmem>> -> memref<80xi32, #tpu.memory_space<vmem>>
    %dma_start3A_29 = tpu.memref_slice %arg4[%add3A_6] : memref<320000xi32, #tpu.memory_space<hbm>> -> memref<80xi32, #tpu.memory_space<hbm>>
    tpu.enqueue_dma source(%dma_start3A_29 : memref<80xi32, #tpu.memory_space<hbm>>) target(%dma_start3A_28 : memref<80xi32, #tpu.memory_space<vmem>>) target_semaphore(%dma_start3A_25 : memref<!tpu.dma_semaphore, #tpu.memory_space<semaphore_mem>>)
    %add3A_30 = arith.constant 80 : i32
    %add3A_31 = arith.addi %mul3A_2, %add3A_30 : i32
    %dma_start3A_32 = arith.constant 1 : i32
    %dma_start3A_33 = arith.constant 1 : i32
    %dma_start3A_34 = arith.constant 0 : i32
    %dma_start3A_35 = tpu.memref_slice %arg7[%dma_start3A_32, %dma_start3A_34] : memref<4x80xi32, #tpu.memory_space<vmem>> -> memref<1x80xi32, #tpu.memory_space<vmem>>
    %dma_start3A_36 = tpu.memref_squeeze %dma_start3A_35 : memref<1x80xi32, #tpu.memory_space<vmem>> -> memref<80xi32, #tpu.memory_space<vmem>>
    %dma_start3A_37 = tpu.memref_slice %arg3[%add3A_31] : memref<320000xi32, #tpu.memory_space<hbm>> -> memref<80xi32, #tpu.memory_space<hbm>>
    %dma_start3A_38 = tpu.memref_slice %arg11[%dma_start3A_33] : memref<4x!tpu.dma_semaphore, #tpu.memory_space<semaphore_mem>> -> memref<1x!tpu.dma_semaphore, #tpu.memory_space<semaphore_mem>>
    %dma_start3A_39 = tpu.memref_squeeze %dma_start3A_38 : memref<1x!tpu.dma_semaphore, #tpu.memory_space<semaphore_mem>> -> memref<!tpu.dma_semaphore, #tpu.memory_space<semaphore_mem>>
    %dma_start3A_40 = arith.constant 0 : i32
    %dma_start3A_41 = tpu.memref_slice %arg7[%dma_start3A_32, %dma_start3A_40] : memref<4x80xi32, #tpu.memory_space<vmem>> -> memref<1x80xi32, #tpu.memory_space<vmem>>
    %dma_start3A_42 = tpu.memref_squeeze %dma_start3A_41 : memref<1x80xi32, #tpu.memory_space<vmem>> -> memref<80xi32, #tpu.memory_space<vmem>>
    %dma_start3A_43 = tpu.memref_slice %arg3[%add3A_31] : memref<320000xi32, #tpu.memory_space<hbm>> -> memref<80xi32, #tpu.memory_space<hbm>>
    tpu.enqueue_dma source(%dma_start3A_43 : memref<80xi32, #tpu.memory_space<hbm>>) target(%dma_start3A_42 : memref<80xi32, #tpu.memory_space<vmem>>) target_semaphore(%dma_start3A_39 : memref<!tpu.dma_semaphore, #tpu.memory_space<semaphore_mem>>)
    %dma_start3A_44 = arith.constant 1 : i32
    %dma_start3A_45 = arith.constant 1 : i32
    %dma_start3A_46 = arith.constant 0 : i32
    %dma_start3A_47 = tpu.memref_slice %arg8[%dma_start3A_44, %dma_start3A_46] : memref<4x80xi32, #tpu.memory_space<vmem>> -> memref<1x80xi32, #tpu.memory_space<vmem>>
    %dma_start3A_48 = tpu.memref_squeeze %dma_start3A_47 : memref<1x80xi32, #tpu.memory_space<vmem>> -> memref<80xi32, #tpu.memory_space<vmem>>
    %dma_start3A_49 = tpu.memref_slice %arg4[%add3A_31] : memref<320000xi32, #tpu.memory_space<hbm>> -> memref<80xi32, #tpu.memory_space<hbm>>
    %dma_start3A_50 = tpu.memref_slice %arg11[%dma_start3A_45] : memref<4x!tpu.dma_semaphore, #tpu.memory_space<semaphore_mem>> -> memref<1x!tpu.dma_semaphore, #tpu.memory_space<semaphore_mem>>
    %dma_start3A_51 = tpu.memref_squeeze %dma_start3A_50 : memref<1x!tpu.dma_semaphore, #tpu.memory_space<semaphore_mem>> -> memref<!tpu.dma_semaphore, #tpu.memory_space<semaphore_mem>>
    %dma_start3A_52 = arith.constant 0 : i32
    %dma_start3A_53 = tpu.memref_slice %arg8[%dma_start3A_44, %dma_start3A_52] : memref<4x80xi32, #tpu.memory_space<vmem>> -> memref<1x80xi32, #tpu.memory_space<vmem>>
    %dma_start3A_54 = tpu.memref_squeeze %dma_start3A_53 : memref<1x80xi32, #tpu.memory_space<vmem>> -> memref<80xi32, #tpu.memory_space<vmem>>
    %dma_start3A_55 = tpu.memref_slice %arg4[%add3A_31] : memref<320000xi32, #tpu.memory_space<hbm>> -> memref<80xi32, #tpu.memory_space<hbm>>
    tpu.enqueue_dma source(%dma_start3A_55 : memref<80xi32, #tpu.memory_space<hbm>>) target(%dma_start3A_54 : memref<80xi32, #tpu.memory_space<vmem>>) target_semaphore(%dma_start3A_51 : memref<!tpu.dma_semaphore, #tpu.memory_space<semaphore_mem>>)
    %add3A_56 = arith.constant 160 : i32
    %add3A_57 = arith.addi %mul3A_2, %add3A_56 : i32
    %dma_start3A_58 = arith.constant 2 : i32
    %dma_start3A_59 = arith.constant 2 : i32
    %dma_start3A_60 = arith.constant 0 : i32
    %dma_start3A_61 = tpu.memref_slice %arg7[%dma_start3A_58, %dma_start3A_60] : memref<4x80xi32, #tpu.memory_space<vmem>> -> memref<1x80xi32, #tpu.memory_space<vmem>>
    %dma_start3A_62 = tpu.memref_squeeze %dma_start3A_61 : memref<1x80xi32, #tpu.memory_space<vmem>> -> memref<80xi32, #tpu.memory_space<vmem>>
    %dma_start3A_63 = tpu.memref_slice %arg3[%add3A_57] : memref<320000xi32, #tpu.memory_space<hbm>> -> memref<80xi32, #tpu.memory_space<hbm>>
    %dma_start3A_64 = tpu.memref_slice %arg11[%dma_start3A_59] : memref<4x!tpu.dma_semaphore, #tpu.memory_space<semaphore_mem>> -> memref<1x!tpu.dma_semaphore, #tpu.memory_space<semaphore_mem>>
    %dma_start3A_65 = tpu.memref_squeeze %dma_start3A_64 : memref<1x!tpu.dma_semaphore, #tpu.memory_space<semaphore_mem>> -> memref<!tpu.dma_semaphore, #tpu.memory_space<semaphore_mem>>
    %dma_start3A_66 = arith.constant 0 : i32
    %dma_start3A_67 = tpu.memref_slice %arg7[%dma_start3A_58, %dma_start3A_66] : memref<4x80xi32, #tpu.memory_space<vmem>> -> memref<1x80xi32, #tpu.memory_space<vmem>>
    %dma_start3A_68 = tpu.memref_squeeze %dma_start3A_67 : memref<1x80xi32, #tpu.memory_space<vmem>> -> memref<80xi32, #tpu.memory_space<vmem>>
    %dma_start3A_69 = tpu.memref_slice %arg3[%add3A_57] : memref<320000xi32, #tpu.memory_space<hbm>> -> memref<80xi32, #tpu.memory_space<hbm>>
    tpu.enqueue_dma source(%dma_start3A_69 : memref<80xi32, #tpu.memory_space<hbm>>) target(%dma_start3A_68 : memref<80xi32, #tpu.memory_space<vmem>>) target_semaphore(%dma_start3A_65 : memref<!tpu.dma_semaphore, #tpu.memory_space<semaphore_mem>>)
    %dma_start3A_70 = arith.constant 2 : i32
    %dma_start3A_71 = arith.constant 2 : i32
    %dma_start3A_72 = arith.constant 0 : i32
    %dma_start3A_73 = tpu.memref_slice %arg8[%dma_start3A_70, %dma_start3A_72] : memref<4x80xi32, #tpu.memory_space<vmem>> -> memref<1x80xi32, #tpu.memory_space<vmem>>
    %dma_start3A_74 = tpu.memref_squeeze %dma_start3A_73 : memref<1x80xi32, #tpu.memory_space<vmem>> -> memref<80xi32, #tpu.memory_space<vmem>>
    %dma_start3A_75 = tpu.memref_slice %arg4[%add3A_57] : memref<320000xi32, #tpu.memory_space<hbm>> -> memref<80xi32, #tpu.memory_space<hbm>>
    %dma_start3A_76 = tpu.memref_slice %arg11[%dma_start3A_71] : memref<4x!tpu.dma_semaphore, #tpu.memory_space<semaphore_mem>> -> memref<1x!tpu.dma_semaphore, #tpu.memory_space<semaphore_mem>>
    %dma_start3A_77 = tpu.memref_squeeze %dma_start3A_76 : memref<1x!tpu.dma_semaphore, #tpu.memory_space<semaphore_mem>> -> memref<!tpu.dma_semaphore, #tpu.memory_space<semaphore_mem>>
    %dma_start3A_78 = arith.constant 0 : i32
    %dma_start3A_79 = tpu.memref_slice %arg8[%dma_start3A_70, %dma_start3A_78] : memref<4x80xi32, #tpu.memory_space<vmem>> -> memref<1x80xi32, #tpu.memory_space<vmem>>
    %dma_start3A_80 = tpu.memref_squeeze %dma_start3A_79 : memref<1x80xi32, #tpu.memory_space<vmem>> -> memref<80xi32, #tpu.memory_space<vmem>>
    %dma_start3A_81 = tpu.memref_slice %arg4[%add3A_57] : memref<320000xi32, #tpu.memory_space<hbm>> -> memref<80xi32, #tpu.memory_space<hbm>>
    tpu.enqueue_dma source(%dma_start3A_81 : memref<80xi32, #tpu.memory_space<hbm>>) target(%dma_start3A_80 : memref<80xi32, #tpu.memory_space<vmem>>) target_semaphore(%dma_start3A_77 : memref<!tpu.dma_semaphore, #tpu.memory_space<semaphore_mem>>)
    %dma_wait3A = arith.constant 0 : i32
    %dma_wait3A_82 = arith.constant 0 : i32
    %dma_wait3A_83 = arith.constant 0 : i32
    %dma_wait3A_84 = tpu.memref_slice %arg7[%dma_wait3A, %dma_wait3A_83] : memref<4x80xi32, #tpu.memory_space<vmem>> -> memref<1x80xi32, #tpu.memory_space<vmem>>
    %dma_wait3A_85 = tpu.memref_squeeze %dma_wait3A_84 : memref<1x80xi32, #tpu.memory_space<vmem>> -> memref<80xi32, #tpu.memory_space<vmem>>
    %dma_wait3A_86 = arith.constant 0 : i32
    %dma_wait3A_87 = tpu.memref_slice %arg3[%dma_wait3A_86] : memref<320000xi32, #tpu.memory_space<hbm>> -> memref<80xi32, #tpu.memory_space<hbm>>
    %dma_wait3A_88 = tpu.memref_slice %arg11[%dma_wait3A_82] : memref<4x!tpu.dma_semaphore, #tpu.memory_space<semaphore_mem>> -> memref<1x!tpu.dma_semaphore, #tpu.memory_space<semaphore_mem>>
    %dma_wait3A_89 = tpu.memref_squeeze %dma_wait3A_88 : memref<1x!tpu.dma_semaphore, #tpu.memory_space<semaphore_mem>> -> memref<!tpu.dma_semaphore, #tpu.memory_space<semaphore_mem>>
    %dma_wait3A_90 = arith.constant 0 : i32
    %dma_wait3A_91 = tpu.memref_slice %arg7[%dma_wait3A, %dma_wait3A_90] : memref<4x80xi32, #tpu.memory_space<vmem>> -> memref<1x80xi32, #tpu.memory_space<vmem>>
    %dma_wait3A_92 = tpu.memref_squeeze %dma_wait3A_91 : memref<1x80xi32, #tpu.memory_space<vmem>> -> memref<80xi32, #tpu.memory_space<vmem>>
    %dma_wait3A_93 = arith.constant 0 : i32
    %dma_wait3A_94 = tpu.memref_slice %arg3[%dma_wait3A_93] : memref<320000xi32, #tpu.memory_space<hbm>> -> memref<80xi32, #tpu.memory_space<hbm>>
    tpu.wait_dma2 semaphore(%dma_wait3A_89 : memref<!tpu.dma_semaphore, #tpu.memory_space<semaphore_mem>>) src(%dma_wait3A_94 : memref<80xi32, #tpu.memory_space<hbm>>) dst(%dma_wait3A_92 : memref<80xi32, #tpu.memory_space<vmem>>)
    %dma_wait3A_95 = arith.constant 0 : i32
    %dma_wait3A_96 = arith.constant 0 : i32
    %dma_wait3A_97 = arith.constant 0 : i32
    %dma_wait3A_98 = tpu.memref_slice %arg8[%dma_wait3A_95, %dma_wait3A_97] : memref<4x80xi32, #tpu.memory_space<vmem>> -> memref<1x80xi32, #tpu.memory_space<vmem>>
    %dma_wait3A_99 = tpu.memref_squeeze %dma_wait3A_98 : memref<1x80xi32, #tpu.memory_space<vmem>> -> memref<80xi32, #tpu.memory_space<vmem>>
    %dma_wait3A_100 = arith.constant 0 : i32
    %dma_wait3A_101 = tpu.memref_slice %arg4[%dma_wait3A_100] : memref<320000xi32, #tpu.memory_space<hbm>> -> memref<80xi32, #tpu.memory_space<hbm>>
    %dma_wait3A_102 = tpu.memref_slice %arg11[%dma_wait3A_96] : memref<4x!tpu.dma_semaphore, #tpu.memory_space<semaphore_mem>> -> memref<1x!tpu.dma_semaphore, #tpu.memory_space<semaphore_mem>>
    %dma_wait3A_103 = tpu.memref_squeeze %dma_wait3A_102 : memref<1x!tpu.dma_semaphore, #tpu.memory_space<semaphore_mem>> -> memref<!tpu.dma_semaphore, #tpu.memory_space<semaphore_mem>>
    %dma_wait3A_104 = arith.constant 0 : i32
    %dma_wait3A_105 = tpu.memref_slice %arg8[%dma_wait3A_95, %dma_wait3A_104] : memref<4x80xi32, #tpu.memory_space<vmem>> -> memref<1x80xi32, #tpu.memory_space<vmem>>
    %dma_wait3A_106 = tpu.memref_squeeze %dma_wait3A_105 : memref<1x80xi32, #tpu.memory_space<vmem>> -> memref<80xi32, #tpu.memory_space<vmem>>
    %dma_wait3A_107 = arith.constant 0 : i32
    %dma_wait3A_108 = tpu.memref_slice %arg4[%dma_wait3A_107] : memref<320000xi32, #tpu.memory_space<hbm>> -> memref<80xi32, #tpu.memory_space<hbm>>
    tpu.wait_dma2 semaphore(%dma_wait3A_103 : memref<!tpu.dma_semaphore, #tpu.memory_space<semaphore_mem>>) src(%dma_wait3A_108 : memref<80xi32, #tpu.memory_space<hbm>>) dst(%dma_wait3A_106 : memref<80xi32, #tpu.memory_space<vmem>>)
    %dma_start3A_109 = arith.constant 0 : i32
    %dma_start3A_110 = arith.constant 0 : i32
    %dma_start3A_111 = arith.constant 0 : i32
    %dma_start3A_112 = arith.constant 0 : i32
    %dma_start3A_113 = arith.constant 0 : i32
    %dma_start3A_114 = tpu.memref_slice %arg9[%dma_start3A_110, %dma_start3A_112, %dma_start3A_113] : memref<2x80x128xf32, #tpu.memory_space<vmem>> -> memref<1x80x128xf32, #tpu.memory_space<vmem>>
    %dma_start3A_115 = tpu.memref_squeeze %dma_start3A_114 : memref<1x80x128xf32, #tpu.memory_space<vmem>> -> memref<80x128xf32, #tpu.memory_space<vmem>>
    %dma_start3A_116 = arith.constant 0 : i32
    %dma_start3A_117 = tpu.memref_slice %arg7[%dma_start3A_109, %dma_start3A_116] : memref<4x80xi32, #tpu.memory_space<vmem>> -> memref<1x80xi32, #tpu.memory_space<vmem>>
    %dma_start3A_118 = tpu.memref_squeeze %dma_start3A_117 : memref<1x80xi32, #tpu.memory_space<vmem>> -> memref<80xi32, #tpu.memory_space<vmem>>
    %dma_start3A_119 = arith.constant 0 : i32
    %dma_start3A_120 = arith.constant 0 : i32
    %dma_start3A_121 = tpu.memref_slice %arg2[%dma_start3A_119, %dma_start3A_120] : memref<10000x128xf32, #tpu.memory_space<hbm>> -> memref<10000x128xf32, #tpu.memory_space<hbm>>
    %dma_start3A_122 = tpu.memref_slice %arg12[%dma_start3A_111] : memref<2x!tpu.dma_semaphore, #tpu.memory_space<semaphore_mem>> -> memref<1x!tpu.dma_semaphore, #tpu.memory_space<semaphore_mem>>
    %dma_start3A_123 = tpu.memref_squeeze %dma_start3A_122 : memref<1x!tpu.dma_semaphore, #tpu.memory_space<semaphore_mem>> -> memref<!tpu.dma_semaphore, #tpu.memory_space<semaphore_mem>>
    tpu.enqueue_indirect_dma source(%dma_start3A_121 : memref<10000x128xf32, #tpu.memory_space<hbm>>) target(%dma_start3A_115 : memref<80x128xf32, #tpu.memory_space<vmem>>) offsets(%dma_start3A_118 : memref<80xi32, #tpu.memory_space<vmem>>) semaphore(%dma_start3A_123 : memref<!tpu.dma_semaphore, #tpu.memory_space<semaphore_mem>>)
    %dma_wait3A_124 = arith.constant 0 : i32
    %dma_wait3A_125 = arith.constant 0 : i32
    %dma_wait3A_126 = arith.constant 0 : i32
    %dma_wait3A_127 = arith.constant 0 : i32
    %dma_wait3A_128 = arith.constant 0 : i32
    %dma_wait3A_129 = tpu.memref_slice %arg9[%dma_wait3A_125, %dma_wait3A_127, %dma_wait3A_128] : memref<2x80x128xf32, #tpu.memory_space<vmem>> -> memref<1x80x128xf32, #tpu.memory_space<vmem>>
    %dma_wait3A_130 = tpu.memref_squeeze %dma_wait3A_129 : memref<1x80x128xf32, #tpu.memory_space<vmem>> -> memref<80x128xf32, #tpu.memory_space<vmem>>
    %dma_wait3A_131 = arith.constant 0 : i32
    %dma_wait3A_132 = tpu.memref_slice %arg7[%dma_wait3A_124, %dma_wait3A_131] : memref<4x80xi32, #tpu.memory_space<vmem>> -> memref<1x80xi32, #tpu.memory_space<vmem>>
    %dma_wait3A_133 = tpu.memref_squeeze %dma_wait3A_132 : memref<1x80xi32, #tpu.memory_space<vmem>> -> memref<80xi32, #tpu.memory_space<vmem>>
    %dma_wait3A_134 = arith.constant 0 : i32
    %dma_wait3A_135 = arith.constant 0 : i32
    %dma_wait3A_136 = tpu.memref_slice %arg2[%dma_wait3A_134, %dma_wait3A_135] : memref<10000x128xf32, #tpu.memory_space<hbm>> -> memref<10000x128xf32, #tpu.memory_space<hbm>>
    %dma_wait3A_137 = tpu.memref_slice %arg12[%dma_wait3A_126] : memref<2x!tpu.dma_semaphore, #tpu.memory_space<semaphore_mem>> -> memref<1x!tpu.dma_semaphore, #tpu.memory_space<semaphore_mem>>
    %dma_wait3A_138 = tpu.memref_squeeze %dma_wait3A_137 : memref<1x!tpu.dma_semaphore, #tpu.memory_space<semaphore_mem>> -> memref<!tpu.dma_semaphore, #tpu.memory_space<semaphore_mem>>
    tpu.wait_indirect_dma semaphore(%dma_wait3A_138 : memref<!tpu.dma_semaphore, #tpu.memory_space<semaphore_mem>>) src(%dma_wait3A_136 : memref<10000x128xf32, #tpu.memory_space<hbm>>) dst(%dma_wait3A_130 : memref<80x128xf32, #tpu.memory_space<vmem>>)
    %dma_wait3A_139 = arith.constant 1 : i32
    %dma_wait3A_140 = arith.constant 1 : i32
    %dma_wait3A_141 = arith.constant 0 : i32
    %dma_wait3A_142 = tpu.memref_slice %arg7[%dma_wait3A_139, %dma_wait3A_141] : memref<4x80xi32, #tpu.memory_space<vmem>> -> memref<1x80xi32, #tpu.memory_space<vmem>>
    %dma_wait3A_143 = tpu.memref_squeeze %dma_wait3A_142 : memref<1x80xi32, #tpu.memory_space<vmem>> -> memref<80xi32, #tpu.memory_space<vmem>>
    %dma_wait3A_144 = arith.constant 0 : i32
    %dma_wait3A_145 = tpu.memref_slice %arg3[%dma_wait3A_144] : memref<320000xi32, #tpu.memory_space<hbm>> -> memref<80xi32, #tpu.memory_space<hbm>>
    %dma_wait3A_146 = tpu.memref_slice %arg11[%dma_wait3A_140] : memref<4x!tpu.dma_semaphore, #tpu.memory_space<semaphore_mem>> -> memref<1x!tpu.dma_semaphore, #tpu.memory_space<semaphore_mem>>
    %dma_wait3A_147 = tpu.memref_squeeze %dma_wait3A_146 : memref<1x!tpu.dma_semaphore, #tpu.memory_space<semaphore_mem>> -> memref<!tpu.dma_semaphore, #tpu.memory_space<semaphore_mem>>
    %dma_wait3A_148 = arith.constant 0 : i32
    %dma_wait3A_149 = tpu.memref_slice %arg7[%dma_wait3A_139, %dma_wait3A_148] : memref<4x80xi32, #tpu.memory_space<vmem>> -> memref<1x80xi32, #tpu.memory_space<vmem>>
    %dma_wait3A_150 = tpu.memref_squeeze %dma_wait3A_149 : memref<1x80xi32, #tpu.memory_space<vmem>> -> memref<80xi32, #tpu.memory_space<vmem>>
    %dma_wait3A_151 = arith.constant 0 : i32
    %dma_wait3A_152 = tpu.memref_slice %arg3[%dma_wait3A_151] : memref<320000xi32, #tpu.memory_space<hbm>> -> memref<80xi32, #tpu.memory_space<hbm>>
    tpu.wait_dma2 semaphore(%dma_wait3A_147 : memref<!tpu.dma_semaphore, #tpu.memory_space<semaphore_mem>>) src(%dma_wait3A_152 : memref<80xi32, #tpu.memory_space<hbm>>) dst(%dma_wait3A_150 : memref<80xi32, #tpu.memory_space<vmem>>)
    %dma_wait3A_153 = arith.constant 1 : i32
    %dma_wait3A_154 = arith.constant 1 : i32
    %dma_wait3A_155 = arith.constant 0 : i32
    %dma_wait3A_156 = tpu.memref_slice %arg8[%dma_wait3A_153, %dma_wait3A_155] : memref<4x80xi32, #tpu.memory_space<vmem>> -> memref<1x80xi32, #tpu.memory_space<vmem>>
    %dma_wait3A_157 = tpu.memref_squeeze %dma_wait3A_156 : memref<1x80xi32, #tpu.memory_space<vmem>> -> memref<80xi32, #tpu.memory_space<vmem>>
    %dma_wait3A_158 = arith.constant 0 : i32
    %dma_wait3A_159 = tpu.memref_slice %arg4[%dma_wait3A_158] : memref<320000xi32, #tpu.memory_space<hbm>> -> memref<80xi32, #tpu.memory_space<hbm>>
    %dma_wait3A_160 = tpu.memref_slice %arg11[%dma_wait3A_154] : memref<4x!tpu.dma_semaphore, #tpu.memory_space<semaphore_mem>> -> memref<1x!tpu.dma_semaphore, #tpu.memory_space<semaphore_mem>>
    %dma_wait3A_161 = tpu.memref_squeeze %dma_wait3A_160 : memref<1x!tpu.dma_semaphore, #tpu.memory_space<semaphore_mem>> -> memref<!tpu.dma_semaphore, #tpu.memory_space<semaphore_mem>>
    %dma_wait3A_162 = arith.constant 0 : i32
    %dma_wait3A_163 = tpu.memref_slice %arg8[%dma_wait3A_153, %dma_wait3A_162] : memref<4x80xi32, #tpu.memory_space<vmem>> -> memref<1x80xi32, #tpu.memory_space<vmem>>
    %dma_wait3A_164 = tpu.memref_squeeze %dma_wait3A_163 : memref<1x80xi32, #tpu.memory_space<vmem>> -> memref<80xi32, #tpu.memory_space<vmem>>
    %dma_wait3A_165 = arith.constant 0 : i32
    %dma_wait3A_166 = tpu.memref_slice %arg4[%dma_wait3A_165] : memref<320000xi32, #tpu.memory_space<hbm>> -> memref<80xi32, #tpu.memory_space<hbm>>
    tpu.wait_dma2 semaphore(%dma_wait3A_161 : memref<!tpu.dma_semaphore, #tpu.memory_space<semaphore_mem>>) src(%dma_wait3A_166 : memref<80xi32, #tpu.memory_space<hbm>>) dst(%dma_wait3A_164 : memref<80xi32, #tpu.memory_space<vmem>>)
    %dma_start3A_167 = arith.constant 1 : i32
    %dma_start3A_168 = arith.constant 1 : i32
    %dma_start3A_169 = arith.constant 1 : i32
    %dma_start3A_170 = arith.constant 0 : i32
    %dma_start3A_171 = arith.constant 0 : i32
    %dma_start3A_172 = tpu.memref_slice %arg9[%dma_start3A_168, %dma_start3A_170, %dma_start3A_171] : memref<2x80x128xf32, #tpu.memory_space<vmem>> -> memref<1x80x128xf32, #tpu.memory_space<vmem>>
    %dma_start3A_173 = tpu.memref_squeeze %dma_start3A_172 : memref<1x80x128xf32, #tpu.memory_space<vmem>> -> memref<80x128xf32, #tpu.memory_space<vmem>>
    %dma_start3A_174 = arith.constant 0 : i32
    %dma_start3A_175 = tpu.memref_slice %arg7[%dma_start3A_167, %dma_start3A_174] : memref<4x80xi32, #tpu.memory_space<vmem>> -> memref<1x80xi32, #tpu.memory_space<vmem>>
    %dma_start3A_176 = tpu.memref_squeeze %dma_start3A_175 : memref<1x80xi32, #tpu.memory_space<vmem>> -> memref<80xi32, #tpu.memory_space<vmem>>
    %dma_start3A_177 = arith.constant 0 : i32
    %dma_start3A_178 = arith.constant 0 : i32
    %dma_start3A_179 = tpu.memref_slice %arg2[%dma_start3A_177, %dma_start3A_178] : memref<10000x128xf32, #tpu.memory_space<hbm>> -> memref<10000x128xf32, #tpu.memory_space<hbm>>
    %dma_start3A_180 = tpu.memref_slice %arg12[%dma_start3A_169] : memref<2x!tpu.dma_semaphore, #tpu.memory_space<semaphore_mem>> -> memref<1x!tpu.dma_semaphore, #tpu.memory_space<semaphore_mem>>
    %dma_start3A_181 = tpu.memref_squeeze %dma_start3A_180 : memref<1x!tpu.dma_semaphore, #tpu.memory_space<semaphore_mem>> -> memref<!tpu.dma_semaphore, #tpu.memory_space<semaphore_mem>>
    tpu.enqueue_indirect_dma source(%dma_start3A_179 : memref<10000x128xf32, #tpu.memory_space<hbm>>) target(%dma_start3A_173 : memref<80x128xf32, #tpu.memory_space<vmem>>) offsets(%dma_start3A_176 : memref<80xi32, #tpu.memory_space<vmem>>) semaphore(%dma_start3A_181 : memref<!tpu.dma_semaphore, #tpu.memory_space<semaphore_mem>>)
    %dma_start3A_182 = arith.constant 0 : i32
    %dma_start3A_183 = arith.constant 0 : i32
    %dma_start3A_184 = arith.constant 0 : i32
    %dma_start3A_185 = arith.constant 0 : i32
    %dma_start3A_186 = arith.constant 0 : i32
    %dma_start3A_187 = tpu.memref_slice %arg9[%dma_start3A_182, %dma_start3A_185, %dma_start3A_186] : memref<2x80x128xf32, #tpu.memory_space<vmem>> -> memref<1x80x128xf32, #tpu.memory_space<vmem>>
    %dma_start3A_188 = tpu.memref_squeeze %dma_start3A_187 : memref<1x80x128xf32, #tpu.memory_space<vmem>> -> memref<80x128xf32, #tpu.memory_space<vmem>>
    %dma_start3A_189 = arith.constant 0 : i32
    %dma_start3A_190 = tpu.memref_slice %arg8[%dma_start3A_183, %dma_start3A_189] : memref<4x80xi32, #tpu.memory_space<vmem>> -> memref<1x80xi32, #tpu.memory_space<vmem>>
    %dma_start3A_191 = tpu.memref_squeeze %dma_start3A_190 : memref<1x80xi32, #tpu.memory_space<vmem>> -> memref<80xi32, #tpu.memory_space<vmem>>
    %dma_start3A_192 = arith.constant 0 : i32
    %dma_start3A_193 = arith.constant 0 : i32
    %dma_start3A_194 = tpu.memref_slice %arg10[%dma_start3A_192, %dma_start3A_193] : memref<10240x128xf32, #tpu.memory_space<vmem_shared>> -> memref<10240x128xf32, #tpu.memory_space<vmem_shared>>
    %dma_start3A_195 = tpu.memref_slice %arg13[%dma_start3A_184] : memref<2x!tpu.dma_semaphore, #tpu.memory_space<semaphore_mem>> -> memref<1x!tpu.dma_semaphore, #tpu.memory_space<semaphore_mem>>
    %dma_start3A_196 = tpu.memref_squeeze %dma_start3A_195 : memref<1x!tpu.dma_semaphore, #tpu.memory_space<semaphore_mem>> -> memref<!tpu.dma_semaphore, #tpu.memory_space<semaphore_mem>>
    tpu.enqueue_indirect_dma source(%dma_start3A_188 : memref<80x128xf32, #tpu.memory_space<vmem>>) target(%dma_start3A_194 : memref<10240x128xf32, #tpu.memory_space<vmem_shared>>) offsets(%dma_start3A_191 : memref<80xi32, #tpu.memory_space<vmem>>) semaphore(%dma_start3A_196 : memref<!tpu.dma_semaphore, #tpu.memory_space<semaphore_mem>>) {add = true}
    %scan3A = arith.constant 0 : i32
    %scan3A_197 = arith.constant 30 : i32
    %scan3A_198 = arith.addi %scan3A, %scan3A_197 : i32
    %scan3A_199 = arith.constant 1 : i32
    scf.for %scan3A_582 = %scan3A to %scan3A_198 step %scan3A_199  : i32 {
      %mul3A_583 = arith.constant 1 : i32
      %mul3A_584 = arith.muli %scan3A_582, %mul3A_583 : i32
      %add3A_585 = arith.constant 0 : i32
      %add3A_586 = arith.addi %add3A_585, %mul3A_584 : i32
      %mul3A_587 = arith.constant 4 : i32
      %mul3A_588 = arith.muli %mul3A_587, %add3A_586 : i32
      %add3A_589 = arith.constant 1 : i32
      %add3A_590 = arith.addi %add3A_589, %mul3A_588 : i32
      %add3A_591 = arith.constant 0 : i32
      %add3A_592 = arith.addi %add3A_590, %add3A_591 : i32
      %dma_wait3A_593 = arith.constant 1 : i32
      %dma_wait3A_594 = arith.constant 1 : i32
      %dma_wait3A_595 = arith.constant 1 : i32
      %dma_wait3A_596 = arith.constant 0 : i32
      %dma_wait3A_597 = arith.constant 0 : i32
      %dma_wait3A_598 = tpu.memref_slice %arg9[%dma_wait3A_594, %dma_wait3A_596, %dma_wait3A_597] : memref<2x80x128xf32, #tpu.memory_space<vmem>> -> memref<1x80x128xf32, #tpu.memory_space<vmem>>
      %dma_wait3A_599 = tpu.memref_squeeze %dma_wait3A_598 : memref<1x80x128xf32, #tpu.memory_space<vmem>> -> memref<80x128xf32, #tpu.memory_space<vmem>>
      %dma_wait3A_600 = arith.constant 0 : i32
      %dma_wait3A_601 = tpu.memref_slice %arg7[%dma_wait3A_593, %dma_wait3A_600] : memref<4x80xi32, #tpu.memory_space<vmem>> -> memref<1x80xi32, #tpu.memory_space<vmem>>
      %dma_wait3A_602 = tpu.memref_squeeze %dma_wait3A_601 : memref<1x80xi32, #tpu.memory_space<vmem>> -> memref<80xi32, #tpu.memory_space<vmem>>
      %dma_wait3A_603 = arith.constant 0 : i32
      %dma_wait3A_604 = arith.constant 0 : i32
      %dma_wait3A_605 = tpu.memref_slice %arg2[%dma_wait3A_603, %dma_wait3A_604] : memref<10000x128xf32, #tpu.memory_space<hbm>> -> memref<10000x128xf32, #tpu.memory_space<hbm>>
      %dma_wait3A_606 = tpu.memref_slice %arg12[%dma_wait3A_595] : memref<2x!tpu.dma_semaphore, #tpu.memory_space<semaphore_mem>> -> memref<1x!tpu.dma_semaphore, #tpu.memory_space<semaphore_mem>>
      %dma_wait3A_607 = tpu.memref_squeeze %dma_wait3A_606 : memref<1x!tpu.dma_semaphore, #tpu.memory_space<semaphore_mem>> -> memref<!tpu.dma_semaphore, #tpu.memory_space<semaphore_mem>>
      tpu.wait_indirect_dma semaphore(%dma_wait3A_607 : memref<!tpu.dma_semaphore, #tpu.memory_space<semaphore_mem>>) src(%dma_wait3A_605 : memref<10000x128xf32, #tpu.memory_space<hbm>>) dst(%dma_wait3A_599 : memref<80x128xf32, #tpu.memory_space<vmem>>)
      %dma_wait3A_608 = arith.constant 0 : i32
      %dma_wait3A_609 = arith.constant 0 : i32
      %dma_wait3A_610 = arith.constant 0 : i32
      %dma_wait3A_611 = arith.constant 0 : i32
      %dma_wait3A_612 = arith.constant 0 : i32
      %dma_wait3A_613 = tpu.memref_slice %arg9[%dma_wait3A_608, %dma_wait3A_611, %dma_wait3A_612] : memref<2x80x128xf32, #tpu.memory_space<vmem>> -> memref<1x80x128xf32, #tpu.memory_space<vmem>>
      %dma_wait3A_614 = tpu.memref_squeeze %dma_wait3A_613 : memref<1x80x128xf32, #tpu.memory_space<vmem>> -> memref<80x128xf32, #tpu.memory_space<vmem>>
      %dma_wait3A_615 = arith.constant 0 : i32
      %dma_wait3A_616 = tpu.memref_slice %arg8[%dma_wait3A_609, %dma_wait3A_615] : memref<4x80xi32, #tpu.memory_space<vmem>> -> memref<1x80xi32, #tpu.memory_space<vmem>>
      %dma_wait3A_617 = tpu.memref_squeeze %dma_wait3A_616 : memref<1x80xi32, #tpu.memory_space<vmem>> -> memref<80xi32, #tpu.memory_space<vmem>>
      %dma_wait3A_618 = arith.constant 0 : i32
      %dma_wait3A_619 = arith.constant 0 : i32
      %dma_wait3A_620 = tpu.memref_slice %arg10[%dma_wait3A_618, %dma_wait3A_619] : memref<10240x128xf32, #tpu.memory_space<vmem_shared>> -> memref<10240x128xf32, #tpu.memory_space<vmem_shared>>
      %dma_wait3A_621 = tpu.memref_slice %arg13[%dma_wait3A_610] : memref<2x!tpu.dma_semaphore, #tpu.memory_space<semaphore_mem>> -> memref<1x!tpu.dma_semaphore, #tpu.memory_space<semaphore_mem>>
      %dma_wait3A_622 = tpu.memref_squeeze %dma_wait3A_621 : memref<1x!tpu.dma_semaphore, #tpu.memory_space<semaphore_mem>> -> memref<!tpu.dma_semaphore, #tpu.memory_space<semaphore_mem>>
      tpu.wait_indirect_dma semaphore(%dma_wait3A_622 : memref<!tpu.dma_semaphore, #tpu.memory_space<semaphore_mem>>) src(%dma_wait3A_614 : memref<80x128xf32, #tpu.memory_space<vmem>>) dst(%dma_wait3A_620 : memref<10240x128xf32, #tpu.memory_space<vmem_shared>>)
      %dma_wait3A_623 = arith.constant 2 : i32
      %dma_wait3A_624 = arith.constant 2 : i32
      %dma_wait3A_625 = arith.constant 0 : i32
      %dma_wait3A_626 = tpu.memref_slice %arg7[%dma_wait3A_623, %dma_wait3A_625] : memref<4x80xi32, #tpu.memory_space<vmem>> -> memref<1x80xi32, #tpu.memory_space<vmem>>
      %dma_wait3A_627 = tpu.memref_squeeze %dma_wait3A_626 : memref<1x80xi32, #tpu.memory_space<vmem>> -> memref<80xi32, #tpu.memory_space<vmem>>
      %dma_wait3A_628 = arith.constant 0 : i32
      %dma_wait3A_629 = tpu.memref_slice %arg3[%dma_wait3A_628] : memref<320000xi32, #tpu.memory_space<hbm>> -> memref<80xi32, #tpu.memory_space<hbm>>
      %dma_wait3A_630 = tpu.memref_slice %arg11[%dma_wait3A_624] : memref<4x!tpu.dma_semaphore, #tpu.memory_space<semaphore_mem>> -> memref<1x!tpu.dma_semaphore, #tpu.memory_space<semaphore_mem>>
      %dma_wait3A_631 = tpu.memref_squeeze %dma_wait3A_630 : memref<1x!tpu.dma_semaphore, #tpu.memory_space<semaphore_mem>> -> memref<!tpu.dma_semaphore, #tpu.memory_space<semaphore_mem>>
      %dma_wait3A_632 = arith.constant 0 : i32
      %dma_wait3A_633 = tpu.memref_slice %arg7[%dma_wait3A_623, %dma_wait3A_632] : memref<4x80xi32, #tpu.memory_space<vmem>> -> memref<1x80xi32, #tpu.memory_space<vmem>>
      %dma_wait3A_634 = tpu.memref_squeeze %dma_wait3A_633 : memref<1x80xi32, #tpu.memory_space<vmem>> -> memref<80xi32, #tpu.memory_space<vmem>>
      %dma_wait3A_635 = arith.constant 0 : i32
      %dma_wait3A_636 = tpu.memref_slice %arg3[%dma_wait3A_635] : memref<320000xi32, #tpu.memory_space<hbm>> -> memref<80xi32, #tpu.memory_space<hbm>>
      tpu.wait_dma2 semaphore(%dma_wait3A_631 : memref<!tpu.dma_semaphore, #tpu.memory_space<semaphore_mem>>) src(%dma_wait3A_636 : memref<80xi32, #tpu.memory_space<hbm>>) dst(%dma_wait3A_634 : memref<80xi32, #tpu.memory_space<vmem>>)
      %dma_wait3A_637 = arith.constant 2 : i32
      %dma_wait3A_638 = arith.constant 2 : i32
      %dma_wait3A_639 = arith.constant 0 : i32
      %dma_wait3A_640 = tpu.memref_slice %arg8[%dma_wait3A_637, %dma_wait3A_639] : memref<4x80xi32, #tpu.memory_space<vmem>> -> memref<1x80xi32, #tpu.memory_space<vmem>>
      %dma_wait3A_641 = tpu.memref_squeeze %dma_wait3A_640 : memref<1x80xi32, #tpu.memory_space<vmem>> -> memref<80xi32, #tpu.memory_space<vmem>>
      %dma_wait3A_642 = arith.constant 0 : i32
      %dma_wait3A_643 = tpu.memref_slice %arg4[%dma_wait3A_642] : memref<320000xi32, #tpu.memory_space<hbm>> -> memref<80xi32, #tpu.memory_space<hbm>>
      %dma_wait3A_644 = tpu.memref_slice %arg11[%dma_wait3A_638] : memref<4x!tpu.dma_semaphore, #tpu.memory_space<semaphore_mem>> -> memref<1x!tpu.dma_semaphore, #tpu.memory_space<semaphore_mem>>
      %dma_wait3A_645 = tpu.memref_squeeze %dma_wait3A_644 : memref<1x!tpu.dma_semaphore, #tpu.memory_space<semaphore_mem>> -> memref<!tpu.dma_semaphore, #tpu.memory_space<semaphore_mem>>
      %dma_wait3A_646 = arith.constant 0 : i32
      %dma_wait3A_647 = tpu.memref_slice %arg8[%dma_wait3A_637, %dma_wait3A_646] : memref<4x80xi32, #tpu.memory_space<vmem>> -> memref<1x80xi32, #tpu.memory_space<vmem>>
      %dma_wait3A_648 = tpu.memref_squeeze %dma_wait3A_647 : memref<1x80xi32, #tpu.memory_space<vmem>> -> memref<80xi32, #tpu.memory_space<vmem>>
      %dma_wait3A_649 = arith.constant 0 : i32
      %dma_wait3A_650 = tpu.memref_slice %arg4[%dma_wait3A_649] : memref<320000xi32, #tpu.memory_space<hbm>> -> memref<80xi32, #tpu.memory_space<hbm>>
      tpu.wait_dma2 semaphore(%dma_wait3A_645 : memref<!tpu.dma_semaphore, #tpu.memory_space<semaphore_mem>>) src(%dma_wait3A_650 : memref<80xi32, #tpu.memory_space<hbm>>) dst(%dma_wait3A_648 : memref<80xi32, #tpu.memory_space<vmem>>)
      %dma_start3A_651 = arith.constant 2 : i32
      %dma_start3A_652 = arith.constant 0 : i32
      %dma_start3A_653 = arith.constant 0 : i32
      %dma_start3A_654 = arith.constant 0 : i32
      %dma_start3A_655 = arith.constant 0 : i32
      %dma_start3A_656 = tpu.memref_slice %arg9[%dma_start3A_652, %dma_start3A_654, %dma_start3A_655] : memref<2x80x128xf32, #tpu.memory_space<vmem>> -> memref<1x80x128xf32, #tpu.memory_space<vmem>>
      %dma_start3A_657 = tpu.memref_squeeze %dma_start3A_656 : memref<1x80x128xf32, #tpu.memory_space<vmem>> -> memref<80x128xf32, #tpu.memory_space<vmem>>
      %dma_start3A_658 = arith.constant 0 : i32
      %dma_start3A_659 = tpu.memref_slice %arg7[%dma_start3A_651, %dma_start3A_658] : memref<4x80xi32, #tpu.memory_space<vmem>> -> memref<1x80xi32, #tpu.memory_space<vmem>>
      %dma_start3A_660 = tpu.memref_squeeze %dma_start3A_659 : memref<1x80xi32, #tpu.memory_space<vmem>> -> memref<80xi32, #tpu.memory_space<vmem>>
      %dma_start3A_661 = arith.constant 0 : i32
      %dma_start3A_662 = arith.constant 0 : i32
      %dma_start3A_663 = tpu.memref_slice %arg2[%dma_start3A_661, %dma_start3A_662] : memref<10000x128xf32, #tpu.memory_space<hbm>> -> memref<10000x128xf32, #tpu.memory_space<hbm>>
      %dma_start3A_664 = tpu.memref_slice %arg12[%dma_start3A_653] : memref<2x!tpu.dma_semaphore, #tpu.memory_space<semaphore_mem>> -> memref<1x!tpu.dma_semaphore, #tpu.memory_space<semaphore_mem>>
      %dma_start3A_665 = tpu.memref_squeeze %dma_start3A_664 : memref<1x!tpu.dma_semaphore, #tpu.memory_space<semaphore_mem>> -> memref<!tpu.dma_semaphore, #tpu.memory_space<semaphore_mem>>
      tpu.enqueue_indirect_dma source(%dma_start3A_663 : memref<10000x128xf32, #tpu.memory_space<hbm>>) target(%dma_start3A_657 : memref<80x128xf32, #tpu.memory_space<vmem>>) offsets(%dma_start3A_660 : memref<80xi32, #tpu.memory_space<vmem>>) semaphore(%dma_start3A_665 : memref<!tpu.dma_semaphore, #tpu.memory_space<semaphore_mem>>)
      %dma_start3A_666 = arith.constant 1 : i32
      %dma_start3A_667 = arith.constant 1 : i32
      %dma_start3A_668 = arith.constant 1 : i32
      %dma_start3A_669 = arith.constant 0 : i32
      %dma_start3A_670 = arith.constant 0 : i32
      %dma_start3A_671 = tpu.memref_slice %arg9[%dma_start3A_666, %dma_start3A_669, %dma_start3A_670] : memref<2x80x128xf32, #tpu.memory_space<vmem>> -> memref<1x80x128xf32, #tpu.memory_space<vmem>>
      %dma_start3A_672 = tpu.memref_squeeze %dma_start3A_671 : memref<1x80x128xf32, #tpu.memory_space<vmem>> -> memref<80x128xf32, #tpu.memory_space<vmem>>
      %dma_start3A_673 = arith.constant 0 : i32
      %dma_start3A_674 = tpu.memref_slice %arg8[%dma_start3A_667, %dma_start3A_673] : memref<4x80xi32, #tpu.memory_space<vmem>> -> memref<1x80xi32, #tpu.memory_space<vmem>>
      %dma_start3A_675 = tpu.memref_squeeze %dma_start3A_674 : memref<1x80xi32, #tpu.memory_space<vmem>> -> memref<80xi32, #tpu.memory_space<vmem>>
      %dma_start3A_676 = arith.constant 0 : i32
      %dma_start3A_677 = arith.constant 0 : i32
      %dma_start3A_678 = tpu.memref_slice %arg10[%dma_start3A_676, %dma_start3A_677] : memref<10240x128xf32, #tpu.memory_space<vmem_shared>> -> memref<10240x128xf32, #tpu.memory_space<vmem_shared>>
      %dma_start3A_679 = tpu.memref_slice %arg13[%dma_start3A_668] : memref<2x!tpu.dma_semaphore, #tpu.memory_space<semaphore_mem>> -> memref<1x!tpu.dma_semaphore, #tpu.memory_space<semaphore_mem>>
      %dma_start3A_680 = tpu.memref_squeeze %dma_start3A_679 : memref<1x!tpu.dma_semaphore, #tpu.memory_space<semaphore_mem>> -> memref<!tpu.dma_semaphore, #tpu.memory_space<semaphore_mem>>
      tpu.enqueue_indirect_dma source(%dma_start3A_672 : memref<80x128xf32, #tpu.memory_space<vmem>>) target(%dma_start3A_678 : memref<10240x128xf32, #tpu.memory_space<vmem_shared>>) offsets(%dma_start3A_675 : memref<80xi32, #tpu.memory_space<vmem>>) semaphore(%dma_start3A_680 : memref<!tpu.dma_semaphore, #tpu.memory_space<semaphore_mem>>) {add = true}
      %add3A_681 = arith.constant 2 : i32
      %add3A_682 = arith.addi %add3A_592, %add3A_681 : i32
      %mul3A_683 = arith.constant 80 : i32
      %mul3A_684 = arith.muli %add3A_682, %mul3A_683 : i32
      %add3A_685 = arith.addi %mul3A_2, %mul3A_684 : i32
      %dma_start3A_686 = arith.constant 3 : i32
      %dma_start3A_687 = arith.constant 3 : i32
      %dma_start3A_688 = arith.constant 0 : i32
      %dma_start3A_689 = tpu.memref_slice %arg7[%dma_start3A_686, %dma_start3A_688] : memref<4x80xi32, #tpu.memory_space<vmem>> -> memref<1x80xi32, #tpu.memory_space<vmem>>
      %dma_start3A_690 = tpu.memref_squeeze %dma_start3A_689 : memref<1x80xi32, #tpu.memory_space<vmem>> -> memref<80xi32, #tpu.memory_space<vmem>>
      %dma_start3A_691 = tpu.memref_slice %arg3[%add3A_685] : memref<320000xi32, #tpu.memory_space<hbm>> -> memref<80xi32, #tpu.memory_space<hbm>>
      %dma_start3A_692 = tpu.memref_slice %arg11[%dma_start3A_687] : memref<4x!tpu.dma_semaphore, #tpu.memory_space<semaphore_mem>> -> memref<1x!tpu.dma_semaphore, #tpu.memory_space<semaphore_mem>>
      %dma_start3A_693 = tpu.memref_squeeze %dma_start3A_692 : memref<1x!tpu.dma_semaphore, #tpu.memory_space<semaphore_mem>> -> memref<!tpu.dma_semaphore, #tpu.memory_space<semaphore_mem>>
      %dma_start3A_694 = arith.constant 0 : i32
      %dma_start3A_695 = tpu.memref_slice %arg7[%dma_start3A_686, %dma_start3A_694] : memref<4x80xi32, #tpu.memory_space<vmem>> -> memref<1x80xi32, #tpu.memory_space<vmem>>
      %dma_start3A_696 = tpu.memref_squeeze %dma_start3A_695 : memref<1x80xi32, #tpu.memory_space<vmem>> -> memref<80xi32, #tpu.memory_space<vmem>>
      %dma_start3A_697 = tpu.memref_slice %arg3[%add3A_685] : memref<320000xi32, #tpu.memory_space<hbm>> -> memref<80xi32, #tpu.memory_space<hbm>>
      tpu.enqueue_dma source(%dma_start3A_697 : memref<80xi32, #tpu.memory_space<hbm>>) target(%dma_start3A_696 : memref<80xi32, #tpu.memory_space<vmem>>) target_semaphore(%dma_start3A_693 : memref<!tpu.dma_semaphore, #tpu.memory_space<semaphore_mem>>)
      %dma_start3A_698 = arith.constant 3 : i32
      %dma_start3A_699 = arith.constant 3 : i32
      %dma_start3A_700 = arith.constant 0 : i32
      %dma_start3A_701 = tpu.memref_slice %arg8[%dma_start3A_698, %dma_start3A_700] : memref<4x80xi32, #tpu.memory_space<vmem>> -> memref<1x80xi32, #tpu.memory_space<vmem>>
      %dma_start3A_702 = tpu.memref_squeeze %dma_start3A_701 : memref<1x80xi32, #tpu.memory_space<vmem>> -> memref<80xi32, #tpu.memory_space<vmem>>
      %dma_start3A_703 = tpu.memref_slice %arg4[%add3A_685] : memref<320000xi32, #tpu.memory_space<hbm>> -> memref<80xi32, #tpu.memory_space<hbm>>
      %dma_start3A_704 = tpu.memref_slice %arg11[%dma_start3A_699] : memref<4x!tpu.dma_semaphore, #tpu.memory_space<semaphore_mem>> -> memref<1x!tpu.dma_semaphore, #tpu.memory_space<semaphore_mem>>
      %dma_start3A_705 = tpu.memref_squeeze %dma_start3A_704 : memref<1x!tpu.dma_semaphore, #tpu.memory_space<semaphore_mem>> -> memref<!tpu.dma_semaphore, #tpu.memory_space<semaphore_mem>>
      %dma_start3A_706 = arith.constant 0 : i32
      %dma_start3A_707 = tpu.memref_slice %arg8[%dma_start3A_698, %dma_start3A_706] : memref<4x80xi32, #tpu.memory_space<vmem>> -> memref<1x80xi32, #tpu.memory_space<vmem>>
      %dma_start3A_708 = tpu.memref_squeeze %dma_start3A_707 : memref<1x80xi32, #tpu.memory_space<vmem>> -> memref<80xi32, #tpu.memory_space<vmem>>
      %dma_start3A_709 = tpu.memref_slice %arg4[%add3A_685] : memref<320000xi32, #tpu.memory_space<hbm>> -> memref<80xi32, #tpu.memory_space<hbm>>
      tpu.enqueue_dma source(%dma_start3A_709 : memref<80xi32, #tpu.memory_space<hbm>>) target(%dma_start3A_708 : memref<80xi32, #tpu.memory_space<vmem>>) target_semaphore(%dma_start3A_705 : memref<!tpu.dma_semaphore, #tpu.memory_space<semaphore_mem>>)
      %mul3A_710 = arith.constant 4 : i32
      %mul3A_711 = arith.muli %mul3A_710, %add3A_586 : i32
      %add3A_712 = arith.constant 1 : i32
      %add3A_713 = arith.addi %add3A_712, %mul3A_711 : i32
      %add3A_714 = arith.constant 1 : i32
      %add3A_715 = arith.addi %add3A_713, %add3A_714 : i32
      %dma_wait3A_716 = arith.constant 2 : i32
      %dma_wait3A_717 = arith.constant 0 : i32
      %dma_wait3A_718 = arith.constant 0 : i32
      %dma_wait3A_719 = arith.constant 0 : i32
      %dma_wait3A_720 = arith.constant 0 : i32
      %dma_wait3A_721 = tpu.memref_slice %arg9[%dma_wait3A_717, %dma_wait3A_719, %dma_wait3A_720] : memref<2x80x128xf32, #tpu.memory_space<vmem>> -> memref<1x80x128xf32, #tpu.memory_space<vmem>>
      %dma_wait3A_722 = tpu.memref_squeeze %dma_wait3A_721 : memref<1x80x128xf32, #tpu.memory_space<vmem>> -> memref<80x128xf32, #tpu.memory_space<vmem>>
      %dma_wait3A_723 = arith.constant 0 : i32
      %dma_wait3A_724 = tpu.memref_slice %arg7[%dma_wait3A_716, %dma_wait3A_723] : memref<4x80xi32, #tpu.memory_space<vmem>> -> memref<1x80xi32, #tpu.memory_space<vmem>>
      %dma_wait3A_725 = tpu.memref_squeeze %dma_wait3A_724 : memref<1x80xi32, #tpu.memory_space<vmem>> -> memref<80xi32, #tpu.memory_space<vmem>>
      %dma_wait3A_726 = arith.constant 0 : i32
      %dma_wait3A_727 = arith.constant 0 : i32
      %dma_wait3A_728 = tpu.memref_slice %arg2[%dma_wait3A_726, %dma_wait3A_727] : memref<10000x128xf32, #tpu.memory_space<hbm>> -> memref<10000x128xf32, #tpu.memory_space<hbm>>
      %dma_wait3A_729 = tpu.memref_slice %arg12[%dma_wait3A_718] : memref<2x!tpu.dma_semaphore, #tpu.memory_space<semaphore_mem>> -> memref<1x!tpu.dma_semaphore, #tpu.memory_space<semaphore_mem>>
      %dma_wait3A_730 = tpu.memref_squeeze %dma_wait3A_729 : memref<1x!tpu.dma_semaphore, #tpu.memory_space<semaphore_mem>> -> memref<!tpu.dma_semaphore, #tpu.memory_space<semaphore_mem>>
      tpu.wait_indirect_dma semaphore(%dma_wait3A_730 : memref<!tpu.dma_semaphore, #tpu.memory_space<semaphore_mem>>) src(%dma_wait3A_728 : memref<10000x128xf32, #tpu.memory_space<hbm>>) dst(%dma_wait3A_722 : memref<80x128xf32, #tpu.memory_space<vmem>>)
      %dma_wait3A_731 = arith.constant 1 : i32
      %dma_wait3A_732 = arith.constant 1 : i32
      %dma_wait3A_733 = arith.constant 1 : i32
      %dma_wait3A_734 = arith.constant 0 : i32
      %dma_wait3A_735 = arith.constant 0 : i32
      %dma_wait3A_736 = tpu.memref_slice %arg9[%dma_wait3A_731, %dma_wait3A_734, %dma_wait3A_735] : memref<2x80x128xf32, #tpu.memory_space<vmem>> -> memref<1x80x128xf32, #tpu.memory_space<vmem>>
      %dma_wait3A_737 = tpu.memref_squeeze %dma_wait3A_736 : memref<1x80x128xf32, #tpu.memory_space<vmem>> -> memref<80x128xf32, #tpu.memory_space<vmem>>
      %dma_wait3A_738 = arith.constant 0 : i32
      %dma_wait3A_739 = tpu.memref_slice %arg8[%dma_wait3A_732, %dma_wait3A_738] : memref<4x80xi32, #tpu.memory_space<vmem>> -> memref<1x80xi32, #tpu.memory_space<vmem>>
      %dma_wait3A_740 = tpu.memref_squeeze %dma_wait3A_739 : memref<1x80xi32, #tpu.memory_space<vmem>> -> memref<80xi32, #tpu.memory_space<vmem>>
      %dma_wait3A_741 = arith.constant 0 : i32
      %dma_wait3A_742 = arith.constant 0 : i32
      %dma_wait3A_743 = tpu.memref_slice %arg10[%dma_wait3A_741, %dma_wait3A_742] : memref<10240x128xf32, #tpu.memory_space<vmem_shared>> -> memref<10240x128xf32, #tpu.memory_space<vmem_shared>>
      %dma_wait3A_744 = tpu.memref_slice %arg13[%dma_wait3A_733] : memref<2x!tpu.dma_semaphore, #tpu.memory_space<semaphore_mem>> -> memref<1x!tpu.dma_semaphore, #tpu.memory_space<semaphore_mem>>
      %dma_wait3A_745 = tpu.memref_squeeze %dma_wait3A_744 : memref<1x!tpu.dma_semaphore, #tpu.memory_space<semaphore_mem>> -> memref<!tpu.dma_semaphore, #tpu.memory_space<semaphore_mem>>
      tpu.wait_indirect_dma semaphore(%dma_wait3A_745 : memref<!tpu.dma_semaphore, #tpu.memory_space<semaphore_mem>>) src(%dma_wait3A_737 : memref<80x128xf32, #tpu.memory_space<vmem>>) dst(%dma_wait3A_743 : memref<10240x128xf32, #tpu.memory_space<vmem_shared>>)
      %dma_wait3A_746 = arith.constant 3 : i32
      %dma_wait3A_747 = arith.constant 3 : i32
      %dma_wait3A_748 = arith.constant 0 : i32
      %dma_wait3A_749 = tpu.memref_slice %arg7[%dma_wait3A_746, %dma_wait3A_748] : memref<4x80xi32, #tpu.memory_space<vmem>> -> memref<1x80xi32, #tpu.memory_space<vmem>>
      %dma_wait3A_750 = tpu.memref_squeeze %dma_wait3A_749 : memref<1x80xi32, #tpu.memory_space<vmem>> -> memref<80xi32, #tpu.memory_space<vmem>>
      %dma_wait3A_751 = arith.constant 0 : i32
      %dma_wait3A_752 = tpu.memref_slice %arg3[%dma_wait3A_751] : memref<320000xi32, #tpu.memory_space<hbm>> -> memref<80xi32, #tpu.memory_space<hbm>>
      %dma_wait3A_753 = tpu.memref_slice %arg11[%dma_wait3A_747] : memref<4x!tpu.dma_semaphore, #tpu.memory_space<semaphore_mem>> -> memref<1x!tpu.dma_semaphore, #tpu.memory_space<semaphore_mem>>
      %dma_wait3A_754 = tpu.memref_squeeze %dma_wait3A_753 : memref<1x!tpu.dma_semaphore, #tpu.memory_space<semaphore_mem>> -> memref<!tpu.dma_semaphore, #tpu.memory_space<semaphore_mem>>
      %dma_wait3A_755 = arith.constant 0 : i32
      %dma_wait3A_756 = tpu.memref_slice %arg7[%dma_wait3A_746, %dma_wait3A_755] : memref<4x80xi32, #tpu.memory_space<vmem>> -> memref<1x80xi32, #tpu.memory_space<vmem>>
      %dma_wait3A_757 = tpu.memref_squeeze %dma_wait3A_756 : memref<1x80xi32, #tpu.memory_space<vmem>> -> memref<80xi32, #tpu.memory_space<vmem>>
      %dma_wait3A_758 = arith.constant 0 : i32
      %dma_wait3A_759 = tpu.memref_slice %arg3[%dma_wait3A_758] : memref<320000xi32, #tpu.memory_space<hbm>> -> memref<80xi32, #tpu.memory_space<hbm>>
      tpu.wait_dma2 semaphore(%dma_wait3A_754 : memref<!tpu.dma_semaphore, #tpu.memory_space<semaphore_mem>>) src(%dma_wait3A_759 : memref<80xi32, #tpu.memory_space<hbm>>) dst(%dma_wait3A_757 : memref<80xi32, #tpu.memory_space<vmem>>)
      %dma_wait3A_760 = arith.constant 3 : i32
      %dma_wait3A_761 = arith.constant 3 : i32
      %dma_wait3A_762 = arith.constant 0 : i32
      %dma_wait3A_763 = tpu.memref_slice %arg8[%dma_wait3A_760, %dma_wait3A_762] : memref<4x80xi32, #tpu.memory_space<vmem>> -> memref<1x80xi32, #tpu.memory_space<vmem>>
      %dma_wait3A_764 = tpu.memref_squeeze %dma_wait3A_763 : memref<1x80xi32, #tpu.memory_space<vmem>> -> memref<80xi32, #tpu.memory_space<vmem>>
      %dma_wait3A_765 = arith.constant 0 : i32
      %dma_wait3A_766 = tpu.memref_slice %arg4[%dma_wait3A_765] : memref<320000xi32, #tpu.memory_space<hbm>> -> memref<80xi32, #tpu.memory_space<hbm>>
      %dma_wait3A_767 = tpu.memref_slice %arg11[%dma_wait3A_761] : memref<4x!tpu.dma_semaphore, #tpu.memory_space<semaphore_mem>> -> memref<1x!tpu.dma_semaphore, #tpu.memory_space<semaphore_mem>>
      %dma_wait3A_768 = tpu.memref_squeeze %dma_wait3A_767 : memref<1x!tpu.dma_semaphore, #tpu.memory_space<semaphore_mem>> -> memref<!tpu.dma_semaphore, #tpu.memory_space<semaphore_mem>>
      %dma_wait3A_769 = arith.constant 0 : i32
      %dma_wait3A_770 = tpu.memref_slice %arg8[%dma_wait3A_760, %dma_wait3A_769] : memref<4x80xi32, #tpu.memory_space<vmem>> -> memref<1x80xi32, #tpu.memory_space<vmem>>
      %dma_wait3A_771 = tpu.memref_squeeze %dma_wait3A_770 : memref<1x80xi32, #tpu.memory_space<vmem>> -> memref<80xi32, #tpu.memory_space<vmem>>
      %dma_wait3A_772 = arith.constant 0 : i32
      %dma_wait3A_773 = tpu.memref_slice %arg4[%dma_wait3A_772] : memref<320000xi32, #tpu.memory_space<hbm>> -> memref<80xi32, #tpu.memory_space<hbm>>
      tpu.wait_dma2 semaphore(%dma_wait3A_768 : memref<!tpu.dma_semaphore, #tpu.memory_space<semaphore_mem>>) src(%dma_wait3A_773 : memref<80xi32, #tpu.memory_space<hbm>>) dst(%dma_wait3A_771 : memref<80xi32, #tpu.memory_space<vmem>>)
      %dma_start3A_774 = arith.constant 3 : i32
      %dma_start3A_775 = arith.constant 1 : i32
      %dma_start3A_776 = arith.constant 1 : i32
      %dma_start3A_777 = arith.constant 0 : i32
      %dma_start3A_778 = arith.constant 0 : i32
      %dma_start3A_779 = tpu.memref_slice %arg9[%dma_start3A_775, %dma_start3A_777, %dma_start3A_778] : memref<2x80x128xf32, #tpu.memory_space<vmem>> -> memref<1x80x128xf32, #tpu.memory_space<vmem>>
      %dma_start3A_780 = tpu.memref_squeeze %dma_start3A_779 : memref<1x80x128xf32, #tpu.memory_space<vmem>> -> memref<80x128xf32, #tpu.memory_space<vmem>>
      %dma_start3A_781 = arith.constant 0 : i32
      %dma_start3A_782 = tpu.memref_slice %arg7[%dma_start3A_774, %dma_start3A_781] : memref<4x80xi32, #tpu.memory_space<vmem>> -> memref<1x80xi32, #tpu.memory_space<vmem>>
      %dma_start3A_783 = tpu.memref_squeeze %dma_start3A_782 : memref<1x80xi32, #tpu.memory_space<vmem>> -> memref<80xi32, #tpu.memory_space<vmem>>
      %dma_start3A_784 = arith.constant 0 : i32
      %dma_start3A_785 = arith.constant 0 : i32
      %dma_start3A_786 = tpu.memref_slice %arg2[%dma_start3A_784, %dma_start3A_785] : memref<10000x128xf32, #tpu.memory_space<hbm>> -> memref<10000x128xf32, #tpu.memory_space<hbm>>
      %dma_start3A_787 = tpu.memref_slice %arg12[%dma_start3A_776] : memref<2x!tpu.dma_semaphore, #tpu.memory_space<semaphore_mem>> -> memref<1x!tpu.dma_semaphore, #tpu.memory_space<semaphore_mem>>
      %dma_start3A_788 = tpu.memref_squeeze %dma_start3A_787 : memref<1x!tpu.dma_semaphore, #tpu.memory_space<semaphore_mem>> -> memref<!tpu.dma_semaphore, #tpu.memory_space<semaphore_mem>>
      tpu.enqueue_indirect_dma source(%dma_start3A_786 : memref<10000x128xf32, #tpu.memory_space<hbm>>) target(%dma_start3A_780 : memref<80x128xf32, #tpu.memory_space<vmem>>) offsets(%dma_start3A_783 : memref<80xi32, #tpu.memory_space<vmem>>) semaphore(%dma_start3A_788 : memref<!tpu.dma_semaphore, #tpu.memory_space<semaphore_mem>>)
      %dma_start3A_789 = arith.constant 0 : i32
      %dma_start3A_790 = arith.constant 2 : i32
      %dma_start3A_791 = arith.constant 0 : i32
      %dma_start3A_792 = arith.constant 0 : i32
      %dma_start3A_793 = arith.constant 0 : i32
      %dma_start3A_794 = tpu.memref_slice %arg9[%dma_start3A_789, %dma_start3A_792, %dma_start3A_793] : memref<2x80x128xf32, #tpu.memory_space<vmem>> -> memref<1x80x128xf32, #tpu.memory_space<vmem>>
      %dma_start3A_795 = tpu.memref_squeeze %dma_start3A_794 : memref<1x80x128xf32, #tpu.memory_space<vmem>> -> memref<80x128xf32, #tpu.memory_space<vmem>>
      %dma_start3A_796 = arith.constant 0 : i32
      %dma_start3A_797 = tpu.memref_slice %arg8[%dma_start3A_790, %dma_start3A_796] : memref<4x80xi32, #tpu.memory_space<vmem>> -> memref<1x80xi32, #tpu.memory_space<vmem>>
      %dma_start3A_798 = tpu.memref_squeeze %dma_start3A_797 : memref<1x80xi32, #tpu.memory_space<vmem>> -> memref<80xi32, #tpu.memory_space<vmem>>
      %dma_start3A_799 = arith.constant 0 : i32
      %dma_start3A_800 = arith.constant 0 : i32
      %dma_start3A_801 = tpu.memref_slice %arg10[%dma_start3A_799, %dma_start3A_800] : memref<10240x128xf32, #tpu.memory_space<vmem_shared>> -> memref<10240x128xf32, #tpu.memory_space<vmem_shared>>
      %dma_start3A_802 = tpu.memref_slice %arg13[%dma_start3A_791] : memref<2x!tpu.dma_semaphore, #tpu.memory_space<semaphore_mem>> -> memref<1x!tpu.dma_semaphore, #tpu.memory_space<semaphore_mem>>
      %dma_start3A_803 = tpu.memref_squeeze %dma_start3A_802 : memref<1x!tpu.dma_semaphore, #tpu.memory_space<semaphore_mem>> -> memref<!tpu.dma_semaphore, #tpu.memory_space<semaphore_mem>>
      tpu.enqueue_indirect_dma source(%dma_start3A_795 : memref<80x128xf32, #tpu.memory_space<vmem>>) target(%dma_start3A_801 : memref<10240x128xf32, #tpu.memory_space<vmem_shared>>) offsets(%dma_start3A_798 : memref<80xi32, #tpu.memory_space<vmem>>) semaphore(%dma_start3A_803 : memref<!tpu.dma_semaphore, #tpu.memory_space<semaphore_mem>>) {add = true}
      %add3A_804 = arith.constant 2 : i32
      %add3A_805 = arith.addi %add3A_715, %add3A_804 : i32
      %mul3A_806 = arith.constant 80 : i32
      %mul3A_807 = arith.muli %add3A_805, %mul3A_806 : i32
      %add3A_808 = arith.addi %mul3A_2, %mul3A_807 : i32
      %dma_start3A_809 = arith.constant 0 : i32
      %dma_start3A_810 = arith.constant 0 : i32
      %dma_start3A_811 = arith.constant 0 : i32
      %dma_start3A_812 = tpu.memref_slice %arg7[%dma_start3A_809, %dma_start3A_811] : memref<4x80xi32, #tpu.memory_space<vmem>> -> memref<1x80xi32, #tpu.memory_space<vmem>>
      %dma_start3A_813 = tpu.memref_squeeze %dma_start3A_812 : memref<1x80xi32, #tpu.memory_space<vmem>> -> memref<80xi32, #tpu.memory_space<vmem>>
      %dma_start3A_814 = tpu.memref_slice %arg3[%add3A_808] : memref<320000xi32, #tpu.memory_space<hbm>> -> memref<80xi32, #tpu.memory_space<hbm>>
      %dma_start3A_815 = tpu.memref_slice %arg11[%dma_start3A_810] : memref<4x!tpu.dma_semaphore, #tpu.memory_space<semaphore_mem>> -> memref<1x!tpu.dma_semaphore, #tpu.memory_space<semaphore_mem>>
      %dma_start3A_816 = tpu.memref_squeeze %dma_start3A_815 : memref<1x!tpu.dma_semaphore, #tpu.memory_space<semaphore_mem>> -> memref<!tpu.dma_semaphore, #tpu.memory_space<semaphore_mem>>
      %dma_start3A_817 = arith.constant 0 : i32
      %dma_start3A_818 = tpu.memref_slice %arg7[%dma_start3A_809, %dma_start3A_817] : memref<4x80xi32, #tpu.memory_space<vmem>> -> memref<1x80xi32, #tpu.memory_space<vmem>>
      %dma_start3A_819 = tpu.memref_squeeze %dma_start3A_818 : memref<1x80xi32, #tpu.memory_space<vmem>> -> memref<80xi32, #tpu.memory_space<vmem>>
      %dma_start3A_820 = tpu.memref_slice %arg3[%add3A_808] : memref<320000xi32, #tpu.memory_space<hbm>> -> memref<80xi32, #tpu.memory_space<hbm>>
      tpu.enqueue_dma source(%dma_start3A_820 : memref<80xi32, #tpu.memory_space<hbm>>) target(%dma_start3A_819 : memref<80xi32, #tpu.memory_space<vmem>>) target_semaphore(%dma_start3A_816 : memref<!tpu.dma_semaphore, #tpu.memory_space<semaphore_mem>>)
      %dma_start3A_821 = arith.constant 0 : i32
      %dma_start3A_822 = arith.constant 0 : i32
      %dma_start3A_823 = arith.constant 0 : i32
      %dma_start3A_824 = tpu.memref_slice %arg8[%dma_start3A_821, %dma_start3A_823] : memref<4x80xi32, #tpu.memory_space<vmem>> -> memref<1x80xi32, #tpu.memory_space<vmem>>
      %dma_start3A_825 = tpu.memref_squeeze %dma_start3A_824 : memref<1x80xi32, #tpu.memory_space<vmem>> -> memref<80xi32, #tpu.memory_space<vmem>>
      %dma_start3A_826 = tpu.memref_slice %arg4[%add3A_808] : memref<320000xi32, #tpu.memory_space<hbm>> -> memref<80xi32, #tpu.memory_space<hbm>>
      %dma_start3A_827 = tpu.memref_slice %arg11[%dma_start3A_822] : memref<4x!tpu.dma_semaphore, #tpu.memory_space<semaphore_mem>> -> memref<1x!tpu.dma_semaphore, #tpu.memory_space<semaphore_mem>>
      %dma_start3A_828 = tpu.memref_squeeze %dma_start3A_827 : memref<1x!tpu.dma_semaphore, #tpu.memory_space<semaphore_mem>> -> memref<!tpu.dma_semaphore, #tpu.memory_space<semaphore_mem>>
      %dma_start3A_829 = arith.constant 0 : i32
      %dma_start3A_830 = tpu.memref_slice %arg8[%dma_start3A_821, %dma_start3A_829] : memref<4x80xi32, #tpu.memory_space<vmem>> -> memref<1x80xi32, #tpu.memory_space<vmem>>
      %dma_start3A_831 = tpu.memref_squeeze %dma_start3A_830 : memref<1x80xi32, #tpu.memory_space<vmem>> -> memref<80xi32, #tpu.memory_space<vmem>>
      %dma_start3A_832 = tpu.memref_slice %arg4[%add3A_808] : memref<320000xi32, #tpu.memory_space<hbm>> -> memref<80xi32, #tpu.memory_space<hbm>>
      tpu.enqueue_dma source(%dma_start3A_832 : memref<80xi32, #tpu.memory_space<hbm>>) target(%dma_start3A_831 : memref<80xi32, #tpu.memory_space<vmem>>) target_semaphore(%dma_start3A_828 : memref<!tpu.dma_semaphore, #tpu.memory_space<semaphore_mem>>)
      %mul3A_833 = arith.constant 4 : i32
      %mul3A_834 = arith.muli %mul3A_833, %add3A_586 : i32
      %add3A_835 = arith.constant 1 : i32
      %add3A_836 = arith.addi %add3A_835, %mul3A_834 : i32
      %add3A_837 = arith.constant 2 : i32
      %add3A_838 = arith.addi %add3A_836, %add3A_837 : i32
      %dma_wait3A_839 = arith.constant 3 : i32
      %dma_wait3A_840 = arith.constant 1 : i32
      %dma_wait3A_841 = arith.constant 1 : i32
      %dma_wait3A_842 = arith.constant 0 : i32
      %dma_wait3A_843 = arith.constant 0 : i32
      %dma_wait3A_844 = tpu.memref_slice %arg9[%dma_wait3A_840, %dma_wait3A_842, %dma_wait3A_843] : memref<2x80x128xf32, #tpu.memory_space<vmem>> -> memref<1x80x128xf32, #tpu.memory_space<vmem>>
      %dma_wait3A_845 = tpu.memref_squeeze %dma_wait3A_844 : memref<1x80x128xf32, #tpu.memory_space<vmem>> -> memref<80x128xf32, #tpu.memory_space<vmem>>
      %dma_wait3A_846 = arith.constant 0 : i32
      %dma_wait3A_847 = tpu.memref_slice %arg7[%dma_wait3A_839, %dma_wait3A_846] : memref<4x80xi32, #tpu.memory_space<vmem>> -> memref<1x80xi32, #tpu.memory_space<vmem>>
      %dma_wait3A_848 = tpu.memref_squeeze %dma_wait3A_847 : memref<1x80xi32, #tpu.memory_space<vmem>> -> memref<80xi32, #tpu.memory_space<vmem>>
      %dma_wait3A_849 = arith.constant 0 : i32
      %dma_wait3A_850 = arith.constant 0 : i32
      %dma_wait3A_851 = tpu.memref_slice %arg2[%dma_wait3A_849, %dma_wait3A_850] : memref<10000x128xf32, #tpu.memory_space<hbm>> -> memref<10000x128xf32, #tpu.memory_space<hbm>>
      %dma_wait3A_852 = tpu.memref_slice %arg12[%dma_wait3A_841] : memref<2x!tpu.dma_semaphore, #tpu.memory_space<semaphore_mem>> -> memref<1x!tpu.dma_semaphore, #tpu.memory_space<semaphore_mem>>
      %dma_wait3A_853 = tpu.memref_squeeze %dma_wait3A_852 : memref<1x!tpu.dma_semaphore, #tpu.memory_space<semaphore_mem>> -> memref<!tpu.dma_semaphore, #tpu.memory_space<semaphore_mem>>
      tpu.wait_indirect_dma semaphore(%dma_wait3A_853 : memref<!tpu.dma_semaphore, #tpu.memory_space<semaphore_mem>>) src(%dma_wait3A_851 : memref<10000x128xf32, #tpu.memory_space<hbm>>) dst(%dma_wait3A_845 : memref<80x128xf32, #tpu.memory_space<vmem>>)
      %dma_wait3A_854 = arith.constant 0 : i32
      %dma_wait3A_855 = arith.constant 2 : i32
      %dma_wait3A_856 = arith.constant 0 : i32
      %dma_wait3A_857 = arith.constant 0 : i32
      %dma_wait3A_858 = arith.constant 0 : i32
      %dma_wait3A_859 = tpu.memref_slice %arg9[%dma_wait3A_854, %dma_wait3A_857, %dma_wait3A_858] : memref<2x80x128xf32, #tpu.memory_space<vmem>> -> memref<1x80x128xf32, #tpu.memory_space<vmem>>
      %dma_wait3A_860 = tpu.memref_squeeze %dma_wait3A_859 : memref<1x80x128xf32, #tpu.memory_space<vmem>> -> memref<80x128xf32, #tpu.memory_space<vmem>>
      %dma_wait3A_861 = arith.constant 0 : i32
      %dma_wait3A_862 = tpu.memref_slice %arg8[%dma_wait3A_855, %dma_wait3A_861] : memref<4x80xi32, #tpu.memory_space<vmem>> -> memref<1x80xi32, #tpu.memory_space<vmem>>
      %dma_wait3A_863 = tpu.memref_squeeze %dma_wait3A_862 : memref<1x80xi32, #tpu.memory_space<vmem>> -> memref<80xi32, #tpu.memory_space<vmem>>
      %dma_wait3A_864 = arith.constant 0 : i32
      %dma_wait3A_865 = arith.constant 0 : i32
      %dma_wait3A_866 = tpu.memref_slice %arg10[%dma_wait3A_864, %dma_wait3A_865] : memref<10240x128xf32, #tpu.memory_space<vmem_shared>> -> memref<10240x128xf32, #tpu.memory_space<vmem_shared>>
      %dma_wait3A_867 = tpu.memref_slice %arg13[%dma_wait3A_856] : memref<2x!tpu.dma_semaphore, #tpu.memory_space<semaphore_mem>> -> memref<1x!tpu.dma_semaphore, #tpu.memory_space<semaphore_mem>>
      %dma_wait3A_868 = tpu.memref_squeeze %dma_wait3A_867 : memref<1x!tpu.dma_semaphore, #tpu.memory_space<semaphore_mem>> -> memref<!tpu.dma_semaphore, #tpu.memory_space<semaphore_mem>>
      tpu.wait_indirect_dma semaphore(%dma_wait3A_868 : memref<!tpu.dma_semaphore, #tpu.memory_space<semaphore_mem>>) src(%dma_wait3A_860 : memref<80x128xf32, #tpu.memory_space<vmem>>) dst(%dma_wait3A_866 : memref<10240x128xf32, #tpu.memory_space<vmem_shared>>)
      %dma_wait3A_869 = arith.constant 0 : i32
      %dma_wait3A_870 = arith.constant 0 : i32
      %dma_wait3A_871 = arith.constant 0 : i32
      %dma_wait3A_872 = tpu.memref_slice %arg7[%dma_wait3A_869, %dma_wait3A_871] : memref<4x80xi32, #tpu.memory_space<vmem>> -> memref<1x80xi32, #tpu.memory_space<vmem>>
      %dma_wait3A_873 = tpu.memref_squeeze %dma_wait3A_872 : memref<1x80xi32, #tpu.memory_space<vmem>> -> memref<80xi32, #tpu.memory_space<vmem>>
      %dma_wait3A_874 = arith.constant 0 : i32
      %dma_wait3A_875 = tpu.memref_slice %arg3[%dma_wait3A_874] : memref<320000xi32, #tpu.memory_space<hbm>> -> memref<80xi32, #tpu.memory_space<hbm>>
      %dma_wait3A_876 = tpu.memref_slice %arg11[%dma_wait3A_870] : memref<4x!tpu.dma_semaphore, #tpu.memory_space<semaphore_mem>> -> memref<1x!tpu.dma_semaphore, #tpu.memory_space<semaphore_mem>>
      %dma_wait3A_877 = tpu.memref_squeeze %dma_wait3A_876 : memref<1x!tpu.dma_semaphore, #tpu.memory_space<semaphore_mem>> -> memref<!tpu.dma_semaphore, #tpu.memory_space<semaphore_mem>>
      %dma_wait3A_878 = arith.constant 0 : i32
      %dma_wait3A_879 = tpu.memref_slice %arg7[%dma_wait3A_869, %dma_wait3A_878] : memref<4x80xi32, #tpu.memory_space<vmem>> -> memref<1x80xi32, #tpu.memory_space<vmem>>
      %dma_wait3A_880 = tpu.memref_squeeze %dma_wait3A_879 : memref<1x80xi32, #tpu.memory_space<vmem>> -> memref<80xi32, #tpu.memory_space<vmem>>
      %dma_wait3A_881 = arith.constant 0 : i32
      %dma_wait3A_882 = tpu.memref_slice %arg3[%dma_wait3A_881] : memref<320000xi32, #tpu.memory_space<hbm>> -> memref<80xi32, #tpu.memory_space<hbm>>
      tpu.wait_dma2 semaphore(%dma_wait3A_877 : memref<!tpu.dma_semaphore, #tpu.memory_space<semaphore_mem>>) src(%dma_wait3A_882 : memref<80xi32, #tpu.memory_space<hbm>>) dst(%dma_wait3A_880 : memref<80xi32, #tpu.memory_space<vmem>>)
      %dma_wait3A_883 = arith.constant 0 : i32
      %dma_wait3A_884 = arith.constant 0 : i32
      %dma_wait3A_885 = arith.constant 0 : i32
      %dma_wait3A_886 = tpu.memref_slice %arg8[%dma_wait3A_883, %dma_wait3A_885] : memref<4x80xi32, #tpu.memory_space<vmem>> -> memref<1x80xi32, #tpu.memory_space<vmem>>
      %dma_wait3A_887 = tpu.memref_squeeze %dma_wait3A_886 : memref<1x80xi32, #tpu.memory_space<vmem>> -> memref<80xi32, #tpu.memory_space<vmem>>
      %dma_wait3A_888 = arith.constant 0 : i32
      %dma_wait3A_889 = tpu.memref_slice %arg4[%dma_wait3A_888] : memref<320000xi32, #tpu.memory_space<hbm>> -> memref<80xi32, #tpu.memory_space<hbm>>
      %dma_wait3A_890 = tpu.memref_slice %arg11[%dma_wait3A_884] : memref<4x!tpu.dma_semaphore, #tpu.memory_space<semaphore_mem>> -> memref<1x!tpu.dma_semaphore, #tpu.memory_space<semaphore_mem>>
      %dma_wait3A_891 = tpu.memref_squeeze %dma_wait3A_890 : memref<1x!tpu.dma_semaphore, #tpu.memory_space<semaphore_mem>> -> memref<!tpu.dma_semaphore, #tpu.memory_space<semaphore_mem>>
      %dma_wait3A_892 = arith.constant 0 : i32
      %dma_wait3A_893 = tpu.memref_slice %arg8[%dma_wait3A_883, %dma_wait3A_892] : memref<4x80xi32, #tpu.memory_space<vmem>> -> memref<1x80xi32, #tpu.memory_space<vmem>>
      %dma_wait3A_894 = tpu.memref_squeeze %dma_wait3A_893 : memref<1x80xi32, #tpu.memory_space<vmem>> -> memref<80xi32, #tpu.memory_space<vmem>>
      %dma_wait3A_895 = arith.constant 0 : i32
      %dma_wait3A_896 = tpu.memref_slice %arg4[%dma_wait3A_895] : memref<320000xi32, #tpu.memory_space<hbm>> -> memref<80xi32, #tpu.memory_space<hbm>>
      tpu.wait_dma2 semaphore(%dma_wait3A_891 : memref<!tpu.dma_semaphore, #tpu.memory_space<semaphore_mem>>) src(%dma_wait3A_896 : memref<80xi32, #tpu.memory_space<hbm>>) dst(%dma_wait3A_894 : memref<80xi32, #tpu.memory_space<vmem>>)
      %dma_start3A_897 = arith.constant 0 : i32
      %dma_start3A_898 = arith.constant 0 : i32
      %dma_start3A_899 = arith.constant 0 : i32
      %dma_start3A_900 = arith.constant 0 : i32
      %dma_start3A_901 = arith.constant 0 : i32
      %dma_start3A_902 = tpu.memref_slice %arg9[%dma_start3A_898, %dma_start3A_900, %dma_start3A_901] : memref<2x80x128xf32, #tpu.memory_space<vmem>> -> memref<1x80x128xf32, #tpu.memory_space<vmem>>
      %dma_start3A_903 = tpu.memref_squeeze %dma_start3A_902 : memref<1x80x128xf32, #tpu.memory_space<vmem>> -> memref<80x128xf32, #tpu.memory_space<vmem>>
      %dma_start3A_904 = arith.constant 0 : i32
      %dma_start3A_905 = tpu.memref_slice %arg7[%dma_start3A_897, %dma_start3A_904] : memref<4x80xi32, #tpu.memory_space<vmem>> -> memref<1x80xi32, #tpu.memory_space<vmem>>
      %dma_start3A_906 = tpu.memref_squeeze %dma_start3A_905 : memref<1x80xi32, #tpu.memory_space<vmem>> -> memref<80xi32, #tpu.memory_space<vmem>>
      %dma_start3A_907 = arith.constant 0 : i32
      %dma_start3A_908 = arith.constant 0 : i32
      %dma_start3A_909 = tpu.memref_slice %arg2[%dma_start3A_907, %dma_start3A_908] : memref<10000x128xf32, #tpu.memory_space<hbm>> -> memref<10000x128xf32, #tpu.memory_space<hbm>>
      %dma_start3A_910 = tpu.memref_slice %arg12[%dma_start3A_899] : memref<2x!tpu.dma_semaphore, #tpu.memory_space<semaphore_mem>> -> memref<1x!tpu.dma_semaphore, #tpu.memory_space<semaphore_mem>>
      %dma_start3A_911 = tpu.memref_squeeze %dma_start3A_910 : memref<1x!tpu.dma_semaphore, #tpu.memory_space<semaphore_mem>> -> memref<!tpu.dma_semaphore, #tpu.memory_space<semaphore_mem>>
      tpu.enqueue_indirect_dma source(%dma_start3A_909 : memref<10000x128xf32, #tpu.memory_space<hbm>>) target(%dma_start3A_903 : memref<80x128xf32, #tpu.memory_space<vmem>>) offsets(%dma_start3A_906 : memref<80xi32, #tpu.memory_space<vmem>>) semaphore(%dma_start3A_911 : memref<!tpu.dma_semaphore, #tpu.memory_space<semaphore_mem>>)
      %dma_start3A_912 = arith.constant 1 : i32
      %dma_start3A_913 = arith.constant 3 : i32
      %dma_start3A_914 = arith.constant 1 : i32
      %dma_start3A_915 = arith.constant 0 : i32
      %dma_start3A_916 = arith.constant 0 : i32
      %dma_start3A_917 = tpu.memref_slice %arg9[%dma_start3A_912, %dma_start3A_915, %dma_start3A_916] : memref<2x80x128xf32, #tpu.memory_space<vmem>> -> memref<1x80x128xf32, #tpu.memory_space<vmem>>
      %dma_start3A_918 = tpu.memref_squeeze %dma_start3A_917 : memref<1x80x128xf32, #tpu.memory_space<vmem>> -> memref<80x128xf32, #tpu.memory_space<vmem>>
      %dma_start3A_919 = arith.constant 0 : i32
      %dma_start3A_920 = tpu.memref_slice %arg8[%dma_start3A_913, %dma_start3A_919] : memref<4x80xi32, #tpu.memory_space<vmem>> -> memref<1x80xi32, #tpu.memory_space<vmem>>
      %dma_start3A_921 = tpu.memref_squeeze %dma_start3A_920 : memref<1x80xi32, #tpu.memory_space<vmem>> -> memref<80xi32, #tpu.memory_space<vmem>>
      %dma_start3A_922 = arith.constant 0 : i32
      %dma_start3A_923 = arith.constant 0 : i32
      %dma_start3A_924 = tpu.memref_slice %arg10[%dma_start3A_922, %dma_start3A_923] : memref<10240x128xf32, #tpu.memory_space<vmem_shared>> -> memref<10240x128xf32, #tpu.memory_space<vmem_shared>>
      %dma_start3A_925 = tpu.memref_slice %arg13[%dma_start3A_914] : memref<2x!tpu.dma_semaphore, #tpu.memory_space<semaphore_mem>> -> memref<1x!tpu.dma_semaphore, #tpu.memory_space<semaphore_mem>>
      %dma_start3A_926 = tpu.memref_squeeze %dma_start3A_925 : memref<1x!tpu.dma_semaphore, #tpu.memory_space<semaphore_mem>> -> memref<!tpu.dma_semaphore, #tpu.memory_space<semaphore_mem>>
      tpu.enqueue_indirect_dma source(%dma_start3A_918 : memref<80x128xf32, #tpu.memory_space<vmem>>) target(%dma_start3A_924 : memref<10240x128xf32, #tpu.memory_space<vmem_shared>>) offsets(%dma_start3A_921 : memref<80xi32, #tpu.memory_space<vmem>>) semaphore(%dma_start3A_926 : memref<!tpu.dma_semaphore, #tpu.memory_space<semaphore_mem>>) {add = true}
      %add3A_927 = arith.constant 2 : i32
      %add3A_928 = arith.addi %add3A_838, %add3A_927 : i32
      %mul3A_929 = arith.constant 80 : i32
      %mul3A_930 = arith.muli %add3A_928, %mul3A_929 : i32
      %add3A_931 = arith.addi %mul3A_2, %mul3A_930 : i32
      %dma_start3A_932 = arith.constant 1 : i32
      %dma_start3A_933 = arith.constant 1 : i32
      %dma_start3A_934 = arith.constant 0 : i32
      %dma_start3A_935 = tpu.memref_slice %arg7[%dma_start3A_932, %dma_start3A_934] : memref<4x80xi32, #tpu.memory_space<vmem>> -> memref<1x80xi32, #tpu.memory_space<vmem>>
      %dma_start3A_936 = tpu.memref_squeeze %dma_start3A_935 : memref<1x80xi32, #tpu.memory_space<vmem>> -> memref<80xi32, #tpu.memory_space<vmem>>
      %dma_start3A_937 = tpu.memref_slice %arg3[%add3A_931] : memref<320000xi32, #tpu.memory_space<hbm>> -> memref<80xi32, #tpu.memory_space<hbm>>
      %dma_start3A_938 = tpu.memref_slice %arg11[%dma_start3A_933] : memref<4x!tpu.dma_semaphore, #tpu.memory_space<semaphore_mem>> -> memref<1x!tpu.dma_semaphore, #tpu.memory_space<semaphore_mem>>
      %dma_start3A_939 = tpu.memref_squeeze %dma_start3A_938 : memref<1x!tpu.dma_semaphore, #tpu.memory_space<semaphore_mem>> -> memref<!tpu.dma_semaphore, #tpu.memory_space<semaphore_mem>>
      %dma_start3A_940 = arith.constant 0 : i32
      %dma_start3A_941 = tpu.memref_slice %arg7[%dma_start3A_932, %dma_start3A_940] : memref<4x80xi32, #tpu.memory_space<vmem>> -> memref<1x80xi32, #tpu.memory_space<vmem>>
      %dma_start3A_942 = tpu.memref_squeeze %dma_start3A_941 : memref<1x80xi32, #tpu.memory_space<vmem>> -> memref<80xi32, #tpu.memory_space<vmem>>
      %dma_start3A_943 = tpu.memref_slice %arg3[%add3A_931] : memref<320000xi32, #tpu.memory_space<hbm>> -> memref<80xi32, #tpu.memory_space<hbm>>
      tpu.enqueue_dma source(%dma_start3A_943 : memref<80xi32, #tpu.memory_space<hbm>>) target(%dma_start3A_942 : memref<80xi32, #tpu.memory_space<vmem>>) target_semaphore(%dma_start3A_939 : memref<!tpu.dma_semaphore, #tpu.memory_space<semaphore_mem>>)
      %dma_start3A_944 = arith.constant 1 : i32
      %dma_start3A_945 = arith.constant 1 : i32
      %dma_start3A_946 = arith.constant 0 : i32
      %dma_start3A_947 = tpu.memref_slice %arg8[%dma_start3A_944, %dma_start3A_946] : memref<4x80xi32, #tpu.memory_space<vmem>> -> memref<1x80xi32, #tpu.memory_space<vmem>>
      %dma_start3A_948 = tpu.memref_squeeze %dma_start3A_947 : memref<1x80xi32, #tpu.memory_space<vmem>> -> memref<80xi32, #tpu.memory_space<vmem>>
      %dma_start3A_949 = tpu.memref_slice %arg4[%add3A_931] : memref<320000xi32, #tpu.memory_space<hbm>> -> memref<80xi32, #tpu.memory_space<hbm>>
      %dma_start3A_950 = tpu.memref_slice %arg11[%dma_start3A_945] : memref<4x!tpu.dma_semaphore, #tpu.memory_space<semaphore_mem>> -> memref<1x!tpu.dma_semaphore, #tpu.memory_space<semaphore_mem>>
      %dma_start3A_951 = tpu.memref_squeeze %dma_start3A_950 : memref<1x!tpu.dma_semaphore, #tpu.memory_space<semaphore_mem>> -> memref<!tpu.dma_semaphore, #tpu.memory_space<semaphore_mem>>
      %dma_start3A_952 = arith.constant 0 : i32
      %dma_start3A_953 = tpu.memref_slice %arg8[%dma_start3A_944, %dma_start3A_952] : memref<4x80xi32, #tpu.memory_space<vmem>> -> memref<1x80xi32, #tpu.memory_space<vmem>>
      %dma_start3A_954 = tpu.memref_squeeze %dma_start3A_953 : memref<1x80xi32, #tpu.memory_space<vmem>> -> memref<80xi32, #tpu.memory_space<vmem>>
      %dma_start3A_955 = tpu.memref_slice %arg4[%add3A_931] : memref<320000xi32, #tpu.memory_space<hbm>> -> memref<80xi32, #tpu.memory_space<hbm>>
      tpu.enqueue_dma source(%dma_start3A_955 : memref<80xi32, #tpu.memory_space<hbm>>) target(%dma_start3A_954 : memref<80xi32, #tpu.memory_space<vmem>>) target_semaphore(%dma_start3A_951 : memref<!tpu.dma_semaphore, #tpu.memory_space<semaphore_mem>>)
      %mul3A_956 = arith.constant 4 : i32
      %mul3A_957 = arith.muli %mul3A_956, %add3A_586 : i32
      %add3A_958 = arith.constant 1 : i32
      %add3A_959 = arith.addi %add3A_958, %mul3A_957 : i32
      %add3A_960 = arith.constant 3 : i32
      %add3A_961 = arith.addi %add3A_959, %add3A_960 : i32
      %dma_wait3A_962 = arith.constant 0 : i32
      %dma_wait3A_963 = arith.constant 0 : i32
      %dma_wait3A_964 = arith.constant 0 : i32
      %dma_wait3A_965 = arith.constant 0 : i32
      %dma_wait3A_966 = arith.constant 0 : i32
      %dma_wait3A_967 = tpu.memref_slice %arg9[%dma_wait3A_963, %dma_wait3A_965, %dma_wait3A_966] : memref<2x80x128xf32, #tpu.memory_space<vmem>> -> memref<1x80x128xf32, #tpu.memory_space<vmem>>
      %dma_wait3A_968 = tpu.memref_squeeze %dma_wait3A_967 : memref<1x80x128xf32, #tpu.memory_space<vmem>> -> memref<80x128xf32, #tpu.memory_space<vmem>>
      %dma_wait3A_969 = arith.constant 0 : i32
      %dma_wait3A_970 = tpu.memref_slice %arg7[%dma_wait3A_962, %dma_wait3A_969] : memref<4x80xi32, #tpu.memory_space<vmem>> -> memref<1x80xi32, #tpu.memory_space<vmem>>
      %dma_wait3A_971 = tpu.memref_squeeze %dma_wait3A_970 : memref<1x80xi32, #tpu.memory_space<vmem>> -> memref<80xi32, #tpu.memory_space<vmem>>
      %dma_wait3A_972 = arith.constant 0 : i32
      %dma_wait3A_973 = arith.constant 0 : i32
      %dma_wait3A_974 = tpu.memref_slice %arg2[%dma_wait3A_972, %dma_wait3A_973] : memref<10000x128xf32, #tpu.memory_space<hbm>> -> memref<10000x128xf32, #tpu.memory_space<hbm>>
      %dma_wait3A_975 = tpu.memref_slice %arg12[%dma_wait3A_964] : memref<2x!tpu.dma_semaphore, #tpu.memory_space<semaphore_mem>> -> memref<1x!tpu.dma_semaphore, #tpu.memory_space<semaphore_mem>>
      %dma_wait3A_976 = tpu.memref_squeeze %dma_wait3A_975 : memref<1x!tpu.dma_semaphore, #tpu.memory_space<semaphore_mem>> -> memref<!tpu.dma_semaphore, #tpu.memory_space<semaphore_mem>>
      tpu.wait_indirect_dma semaphore(%dma_wait3A_976 : memref<!tpu.dma_semaphore, #tpu.memory_space<semaphore_mem>>) src(%dma_wait3A_974 : memref<10000x128xf32, #tpu.memory_space<hbm>>) dst(%dma_wait3A_968 : memref<80x128xf32, #tpu.memory_space<vmem>>)
      %dma_wait3A_977 = arith.constant 1 : i32
      %dma_wait3A_978 = arith.constant 3 : i32
      %dma_wait3A_979 = arith.constant 1 : i32
      %dma_wait3A_980 = arith.constant 0 : i32
      %dma_wait3A_981 = arith.constant 0 : i32
      %dma_wait3A_982 = tpu.memref_slice %arg9[%dma_wait3A_977, %dma_wait3A_980, %dma_wait3A_981] : memref<2x80x128xf32, #tpu.memory_space<vmem>> -> memref<1x80x128xf32, #tpu.memory_space<vmem>>
      %dma_wait3A_983 = tpu.memref_squeeze %dma_wait3A_982 : memref<1x80x128xf32, #tpu.memory_space<vmem>> -> memref<80x128xf32, #tpu.memory_space<vmem>>
      %dma_wait3A_984 = arith.constant 0 : i32
      %dma_wait3A_985 = tpu.memref_slice %arg8[%dma_wait3A_978, %dma_wait3A_984] : memref<4x80xi32, #tpu.memory_space<vmem>> -> memref<1x80xi32, #tpu.memory_space<vmem>>
      %dma_wait3A_986 = tpu.memref_squeeze %dma_wait3A_985 : memref<1x80xi32, #tpu.memory_space<vmem>> -> memref<80xi32, #tpu.memory_space<vmem>>
      %dma_wait3A_987 = arith.constant 0 : i32
      %dma_wait3A_988 = arith.constant 0 : i32
      %dma_wait3A_989 = tpu.memref_slice %arg10[%dma_wait3A_987, %dma_wait3A_988] : memref<10240x128xf32, #tpu.memory_space<vmem_shared>> -> memref<10240x128xf32, #tpu.memory_space<vmem_shared>>
      %dma_wait3A_990 = tpu.memref_slice %arg13[%dma_wait3A_979] : memref<2x!tpu.dma_semaphore, #tpu.memory_space<semaphore_mem>> -> memref<1x!tpu.dma_semaphore, #tpu.memory_space<semaphore_mem>>
      %dma_wait3A_991 = tpu.memref_squeeze %dma_wait3A_990 : memref<1x!tpu.dma_semaphore, #tpu.memory_space<semaphore_mem>> -> memref<!tpu.dma_semaphore, #tpu.memory_space<semaphore_mem>>
      tpu.wait_indirect_dma semaphore(%dma_wait3A_991 : memref<!tpu.dma_semaphore, #tpu.memory_space<semaphore_mem>>) src(%dma_wait3A_983 : memref<80x128xf32, #tpu.memory_space<vmem>>) dst(%dma_wait3A_989 : memref<10240x128xf32, #tpu.memory_space<vmem_shared>>)
      %dma_wait3A_992 = arith.constant 1 : i32
      %dma_wait3A_993 = arith.constant 1 : i32
      %dma_wait3A_994 = arith.constant 0 : i32
      %dma_wait3A_995 = tpu.memref_slice %arg7[%dma_wait3A_992, %dma_wait3A_994] : memref<4x80xi32, #tpu.memory_space<vmem>> -> memref<1x80xi32, #tpu.memory_space<vmem>>
      %dma_wait3A_996 = tpu.memref_squeeze %dma_wait3A_995 : memref<1x80xi32, #tpu.memory_space<vmem>> -> memref<80xi32, #tpu.memory_space<vmem>>
      %dma_wait3A_997 = arith.constant 0 : i32
      %dma_wait3A_998 = tpu.memref_slice %arg3[%dma_wait3A_997] : memref<320000xi32, #tpu.memory_space<hbm>> -> memref<80xi32, #tpu.memory_space<hbm>>
      %dma_wait3A_999 = tpu.memref_slice %arg11[%dma_wait3A_993] : memref<4x!tpu.dma_semaphore, #tpu.memory_space<semaphore_mem>> -> memref<1x!tpu.dma_semaphore, #tpu.memory_space<semaphore_mem>>
      %dma_wait3A_1000 = tpu.memref_squeeze %dma_wait3A_999 : memref<1x!tpu.dma_semaphore, #tpu.memory_space<semaphore_mem>> -> memref<!tpu.dma_semaphore, #tpu.memory_space<semaphore_mem>>
      %dma_wait3A_1001 = arith.constant 0 : i32
      %dma_wait3A_1002 = tpu.memref_slice %arg7[%dma_wait3A_992, %dma_wait3A_1001] : memref<4x80xi32, #tpu.memory_space<vmem>> -> memref<1x80xi32, #tpu.memory_space<vmem>>
      %dma_wait3A_1003 = tpu.memref_squeeze %dma_wait3A_1002 : memref<1x80xi32, #tpu.memory_space<vmem>> -> memref<80xi32, #tpu.memory_space<vmem>>
      %dma_wait3A_1004 = arith.constant 0 : i32
      %dma_wait3A_1005 = tpu.memref_slice %arg3[%dma_wait3A_1004] : memref<320000xi32, #tpu.memory_space<hbm>> -> memref<80xi32, #tpu.memory_space<hbm>>
      tpu.wait_dma2 semaphore(%dma_wait3A_1000 : memref<!tpu.dma_semaphore, #tpu.memory_space<semaphore_mem>>) src(%dma_wait3A_1005 : memref<80xi32, #tpu.memory_space<hbm>>) dst(%dma_wait3A_1003 : memref<80xi32, #tpu.memory_space<vmem>>)
      %dma_wait3A_1006 = arith.constant 1 : i32
      %dma_wait3A_1007 = arith.constant 1 : i32
      %dma_wait3A_1008 = arith.constant 0 : i32
      %dma_wait3A_1009 = tpu.memref_slice %arg8[%dma_wait3A_1006, %dma_wait3A_1008] : memref<4x80xi32, #tpu.memory_space<vmem>> -> memref<1x80xi32, #tpu.memory_space<vmem>>
      %dma_wait3A_1010 = tpu.memref_squeeze %dma_wait3A_1009 : memref<1x80xi32, #tpu.memory_space<vmem>> -> memref<80xi32, #tpu.memory_space<vmem>>
      %dma_wait3A_1011 = arith.constant 0 : i32
      %dma_wait3A_1012 = tpu.memref_slice %arg4[%dma_wait3A_1011] : memref<320000xi32, #tpu.memory_space<hbm>> -> memref<80xi32, #tpu.memory_space<hbm>>
      %dma_wait3A_1013 = tpu.memref_slice %arg11[%dma_wait3A_1007] : memref<4x!tpu.dma_semaphore, #tpu.memory_space<semaphore_mem>> -> memref<1x!tpu.dma_semaphore, #tpu.memory_space<semaphore_mem>>
      %dma_wait3A_1014 = tpu.memref_squeeze %dma_wait3A_1013 : memref<1x!tpu.dma_semaphore, #tpu.memory_space<semaphore_mem>> -> memref<!tpu.dma_semaphore, #tpu.memory_space<semaphore_mem>>
      %dma_wait3A_1015 = arith.constant 0 : i32
      %dma_wait3A_1016 = tpu.memref_slice %arg8[%dma_wait3A_1006, %dma_wait3A_1015] : memref<4x80xi32, #tpu.memory_space<vmem>> -> memref<1x80xi32, #tpu.memory_space<vmem>>
      %dma_wait3A_1017 = tpu.memref_squeeze %dma_wait3A_1016 : memref<1x80xi32, #tpu.memory_space<vmem>> -> memref<80xi32, #tpu.memory_space<vmem>>
      %dma_wait3A_1018 = arith.constant 0 : i32
      %dma_wait3A_1019 = tpu.memref_slice %arg4[%dma_wait3A_1018] : memref<320000xi32, #tpu.memory_space<hbm>> -> memref<80xi32, #tpu.memory_space<hbm>>
      tpu.wait_dma2 semaphore(%dma_wait3A_1014 : memref<!tpu.dma_semaphore, #tpu.memory_space<semaphore_mem>>) src(%dma_wait3A_1019 : memref<80xi32, #tpu.memory_space<hbm>>) dst(%dma_wait3A_1017 : memref<80xi32, #tpu.memory_space<vmem>>)
      %dma_start3A_1020 = arith.constant 1 : i32
      %dma_start3A_1021 = arith.constant 1 : i32
      %dma_start3A_1022 = arith.constant 1 : i32
      %dma_start3A_1023 = arith.constant 0 : i32
      %dma_start3A_1024 = arith.constant 0 : i32
      %dma_start3A_1025 = tpu.memref_slice %arg9[%dma_start3A_1021, %dma_start3A_1023, %dma_start3A_1024] : memref<2x80x128xf32, #tpu.memory_space<vmem>> -> memref<1x80x128xf32, #tpu.memory_space<vmem>>
      %dma_start3A_1026 = tpu.memref_squeeze %dma_start3A_1025 : memref<1x80x128xf32, #tpu.memory_space<vmem>> -> memref<80x128xf32, #tpu.memory_space<vmem>>
      %dma_start3A_1027 = arith.constant 0 : i32
      %dma_start3A_1028 = tpu.memref_slice %arg7[%dma_start3A_1020, %dma_start3A_1027] : memref<4x80xi32, #tpu.memory_space<vmem>> -> memref<1x80xi32, #tpu.memory_space<vmem>>
      %dma_start3A_1029 = tpu.memref_squeeze %dma_start3A_1028 : memref<1x80xi32, #tpu.memory_space<vmem>> -> memref<80xi32, #tpu.memory_space<vmem>>
      %dma_start3A_1030 = arith.constant 0 : i32
      %dma_start3A_1031 = arith.constant 0 : i32
      %dma_start3A_1032 = tpu.memref_slice %arg2[%dma_start3A_1030, %dma_start3A_1031] : memref<10000x128xf32, #tpu.memory_space<hbm>> -> memref<10000x128xf32, #tpu.memory_space<hbm>>
      %dma_start3A_1033 = tpu.memref_slice %arg12[%dma_start3A_1022] : memref<2x!tpu.dma_semaphore, #tpu.memory_space<semaphore_mem>> -> memref<1x!tpu.dma_semaphore, #tpu.memory_space<semaphore_mem>>
      %dma_start3A_1034 = tpu.memref_squeeze %dma_start3A_1033 : memref<1x!tpu.dma_semaphore, #tpu.memory_space<semaphore_mem>> -> memref<!tpu.dma_semaphore, #tpu.memory_space<semaphore_mem>>
      tpu.enqueue_indirect_dma source(%dma_start3A_1032 : memref<10000x128xf32, #tpu.memory_space<hbm>>) target(%dma_start3A_1026 : memref<80x128xf32, #tpu.memory_space<vmem>>) offsets(%dma_start3A_1029 : memref<80xi32, #tpu.memory_space<vmem>>) semaphore(%dma_start3A_1034 : memref<!tpu.dma_semaphore, #tpu.memory_space<semaphore_mem>>)
      %dma_start3A_1035 = arith.constant 0 : i32
      %dma_start3A_1036 = arith.constant 0 : i32
      %dma_start3A_1037 = arith.constant 0 : i32
      %dma_start3A_1038 = arith.constant 0 : i32
      %dma_start3A_1039 = arith.constant 0 : i32
      %dma_start3A_1040 = tpu.memref_slice %arg9[%dma_start3A_1035, %dma_start3A_1038, %dma_start3A_1039] : memref<2x80x128xf32, #tpu.memory_space<vmem>> -> memref<1x80x128xf32, #tpu.memory_space<vmem>>
      %dma_start3A_1041 = tpu.memref_squeeze %dma_start3A_1040 : memref<1x80x128xf32, #tpu.memory_space<vmem>> -> memref<80x128xf32, #tpu.memory_space<vmem>>
      %dma_start3A_1042 = arith.constant 0 : i32
      %dma_start3A_1043 = tpu.memref_slice %arg8[%dma_start3A_1036, %dma_start3A_1042] : memref<4x80xi32, #tpu.memory_space<vmem>> -> memref<1x80xi32, #tpu.memory_space<vmem>>
      %dma_start3A_1044 = tpu.memref_squeeze %dma_start3A_1043 : memref<1x80xi32, #tpu.memory_space<vmem>> -> memref<80xi32, #tpu.memory_space<vmem>>
      %dma_start3A_1045 = arith.constant 0 : i32
      %dma_start3A_1046 = arith.constant 0 : i32
      %dma_start3A_1047 = tpu.memref_slice %arg10[%dma_start3A_1045, %dma_start3A_1046] : memref<10240x128xf32, #tpu.memory_space<vmem_shared>> -> memref<10240x128xf32, #tpu.memory_space<vmem_shared>>
      %dma_start3A_1048 = tpu.memref_slice %arg13[%dma_start3A_1037] : memref<2x!tpu.dma_semaphore, #tpu.memory_space<semaphore_mem>> -> memref<1x!tpu.dma_semaphore, #tpu.memory_space<semaphore_mem>>
      %dma_start3A_1049 = tpu.memref_squeeze %dma_start3A_1048 : memref<1x!tpu.dma_semaphore, #tpu.memory_space<semaphore_mem>> -> memref<!tpu.dma_semaphore, #tpu.memory_space<semaphore_mem>>
      tpu.enqueue_indirect_dma source(%dma_start3A_1041 : memref<80x128xf32, #tpu.memory_space<vmem>>) target(%dma_start3A_1047 : memref<10240x128xf32, #tpu.memory_space<vmem_shared>>) offsets(%dma_start3A_1044 : memref<80xi32, #tpu.memory_space<vmem>>) semaphore(%dma_start3A_1049 : memref<!tpu.dma_semaphore, #tpu.memory_space<semaphore_mem>>) {add = true}
      %add3A_1050 = arith.constant 2 : i32
      %add3A_1051 = arith.addi %add3A_961, %add3A_1050 : i32
      %mul3A_1052 = arith.constant 80 : i32
      %mul3A_1053 = arith.muli %add3A_1051, %mul3A_1052 : i32
      %add3A_1054 = arith.addi %mul3A_2, %mul3A_1053 : i32
      %dma_start3A_1055 = arith.constant 2 : i32
      %dma_start3A_1056 = arith.constant 2 : i32
      %dma_start3A_1057 = arith.constant 0 : i32
      %dma_start3A_1058 = tpu.memref_slice %arg7[%dma_start3A_1055, %dma_start3A_1057] : memref<4x80xi32, #tpu.memory_space<vmem>> -> memref<1x80xi32, #tpu.memory_space<vmem>>
      %dma_start3A_1059 = tpu.memref_squeeze %dma_start3A_1058 : memref<1x80xi32, #tpu.memory_space<vmem>> -> memref<80xi32, #tpu.memory_space<vmem>>
      %dma_start3A_1060 = tpu.memref_slice %arg3[%add3A_1054] : memref<320000xi32, #tpu.memory_space<hbm>> -> memref<80xi32, #tpu.memory_space<hbm>>
      %dma_start3A_1061 = tpu.memref_slice %arg11[%dma_start3A_1056] : memref<4x!tpu.dma_semaphore, #tpu.memory_space<semaphore_mem>> -> memref<1x!tpu.dma_semaphore, #tpu.memory_space<semaphore_mem>>
      %dma_start3A_1062 = tpu.memref_squeeze %dma_start3A_1061 : memref<1x!tpu.dma_semaphore, #tpu.memory_space<semaphore_mem>> -> memref<!tpu.dma_semaphore, #tpu.memory_space<semaphore_mem>>
      %dma_start3A_1063 = arith.constant 0 : i32
      %dma_start3A_1064 = tpu.memref_slice %arg7[%dma_start3A_1055, %dma_start3A_1063] : memref<4x80xi32, #tpu.memory_space<vmem>> -> memref<1x80xi32, #tpu.memory_space<vmem>>
      %dma_start3A_1065 = tpu.memref_squeeze %dma_start3A_1064 : memref<1x80xi32, #tpu.memory_space<vmem>> -> memref<80xi32, #tpu.memory_space<vmem>>
      %dma_start3A_1066 = tpu.memref_slice %arg3[%add3A_1054] : memref<320000xi32, #tpu.memory_space<hbm>> -> memref<80xi32, #tpu.memory_space<hbm>>
      tpu.enqueue_dma source(%dma_start3A_1066 : memref<80xi32, #tpu.memory_space<hbm>>) target(%dma_start3A_1065 : memref<80xi32, #tpu.memory_space<vmem>>) target_semaphore(%dma_start3A_1062 : memref<!tpu.dma_semaphore, #tpu.memory_space<semaphore_mem>>)
      %dma_start3A_1067 = arith.constant 2 : i32
      %dma_start3A_1068 = arith.constant 2 : i32
      %dma_start3A_1069 = arith.constant 0 : i32
      %dma_start3A_1070 = tpu.memref_slice %arg8[%dma_start3A_1067, %dma_start3A_1069] : memref<4x80xi32, #tpu.memory_space<vmem>> -> memref<1x80xi32, #tpu.memory_space<vmem>>
      %dma_start3A_1071 = tpu.memref_squeeze %dma_start3A_1070 : memref<1x80xi32, #tpu.memory_space<vmem>> -> memref<80xi32, #tpu.memory_space<vmem>>
      %dma_start3A_1072 = tpu.memref_slice %arg4[%add3A_1054] : memref<320000xi32, #tpu.memory_space<hbm>> -> memref<80xi32, #tpu.memory_space<hbm>>
      %dma_start3A_1073 = tpu.memref_slice %arg11[%dma_start3A_1068] : memref<4x!tpu.dma_semaphore, #tpu.memory_space<semaphore_mem>> -> memref<1x!tpu.dma_semaphore, #tpu.memory_space<semaphore_mem>>
      %dma_start3A_1074 = tpu.memref_squeeze %dma_start3A_1073 : memref<1x!tpu.dma_semaphore, #tpu.memory_space<semaphore_mem>> -> memref<!tpu.dma_semaphore, #tpu.memory_space<semaphore_mem>>
      %dma_start3A_1075 = arith.constant 0 : i32
      %dma_start3A_1076 = tpu.memref_slice %arg8[%dma_start3A_1067, %dma_start3A_1075] : memref<4x80xi32, #tpu.memory_space<vmem>> -> memref<1x80xi32, #tpu.memory_space<vmem>>
      %dma_start3A_1077 = tpu.memref_squeeze %dma_start3A_1076 : memref<1x80xi32, #tpu.memory_space<vmem>> -> memref<80xi32, #tpu.memory_space<vmem>>
      %dma_start3A_1078 = tpu.memref_slice %arg4[%add3A_1054] : memref<320000xi32, #tpu.memory_space<hbm>> -> memref<80xi32, #tpu.memory_space<hbm>>
      tpu.enqueue_dma source(%dma_start3A_1078 : memref<80xi32, #tpu.memory_space<hbm>>) target(%dma_start3A_1077 : memref<80xi32, #tpu.memory_space<vmem>>) target_semaphore(%dma_start3A_1074 : memref<!tpu.dma_semaphore, #tpu.memory_space<semaphore_mem>>)
    }
    %scan3A_200 = arith.constant 30 : i32
    %dma_wait3A_201 = arith.constant 1 : i32
    %dma_wait3A_202 = arith.constant 1 : i32
    %dma_wait3A_203 = arith.constant 1 : i32
    %dma_wait3A_204 = arith.constant 0 : i32
    %dma_wait3A_205 = arith.constant 0 : i32
    %dma_wait3A_206 = tpu.memref_slice %arg9[%dma_wait3A_202, %dma_wait3A_204, %dma_wait3A_205] : memref<2x80x128xf32, #tpu.memory_space<vmem>> -> memref<1x80x128xf32, #tpu.memory_space<vmem>>
    %dma_wait3A_207 = tpu.memref_squeeze %dma_wait3A_206 : memref<1x80x128xf32, #tpu.memory_space<vmem>> -> memref<80x128xf32, #tpu.memory_space<vmem>>
    %dma_wait3A_208 = arith.constant 0 : i32
    %dma_wait3A_209 = tpu.memref_slice %arg7[%dma_wait3A_201, %dma_wait3A_208] : memref<4x80xi32, #tpu.memory_space<vmem>> -> memref<1x80xi32, #tpu.memory_space<vmem>>
    %dma_wait3A_210 = tpu.memref_squeeze %dma_wait3A_209 : memref<1x80xi32, #tpu.memory_space<vmem>> -> memref<80xi32, #tpu.memory_space<vmem>>
    %dma_wait3A_211 = arith.constant 0 : i32
    %dma_wait3A_212 = arith.constant 0 : i32
    %dma_wait3A_213 = tpu.memref_slice %arg2[%dma_wait3A_211, %dma_wait3A_212] : memref<10000x128xf32, #tpu.memory_space<hbm>> -> memref<10000x128xf32, #tpu.memory_space<hbm>>
    %dma_wait3A_214 = tpu.memref_slice %arg12[%dma_wait3A_203] : memref<2x!tpu.dma_semaphore, #tpu.memory_space<semaphore_mem>> -> memref<1x!tpu.dma_semaphore, #tpu.memory_space<semaphore_mem>>
    %dma_wait3A_215 = tpu.memref_squeeze %dma_wait3A_214 : memref<1x!tpu.dma_semaphore, #tpu.memory_space<semaphore_mem>> -> memref<!tpu.dma_semaphore, #tpu.memory_space<semaphore_mem>>
    tpu.wait_indirect_dma semaphore(%dma_wait3A_215 : memref<!tpu.dma_semaphore, #tpu.memory_space<semaphore_mem>>) src(%dma_wait3A_213 : memref<10000x128xf32, #tpu.memory_space<hbm>>) dst(%dma_wait3A_207 : memref<80x128xf32, #tpu.memory_space<vmem>>)
    %dma_wait3A_216 = arith.constant 0 : i32
    %dma_wait3A_217 = arith.constant 0 : i32
    %dma_wait3A_218 = arith.constant 0 : i32
    %dma_wait3A_219 = arith.constant 0 : i32
    %dma_wait3A_220 = arith.constant 0 : i32
    %dma_wait3A_221 = tpu.memref_slice %arg9[%dma_wait3A_216, %dma_wait3A_219, %dma_wait3A_220] : memref<2x80x128xf32, #tpu.memory_space<vmem>> -> memref<1x80x128xf32, #tpu.memory_space<vmem>>
    %dma_wait3A_222 = tpu.memref_squeeze %dma_wait3A_221 : memref<1x80x128xf32, #tpu.memory_space<vmem>> -> memref<80x128xf32, #tpu.memory_space<vmem>>
    %dma_wait3A_223 = arith.constant 0 : i32
    %dma_wait3A_224 = tpu.memref_slice %arg8[%dma_wait3A_217, %dma_wait3A_223] : memref<4x80xi32, #tpu.memory_space<vmem>> -> memref<1x80xi32, #tpu.memory_space<vmem>>
    %dma_wait3A_225 = tpu.memref_squeeze %dma_wait3A_224 : memref<1x80xi32, #tpu.memory_space<vmem>> -> memref<80xi32, #tpu.memory_space<vmem>>
    %dma_wait3A_226 = arith.constant 0 : i32
    %dma_wait3A_227 = arith.constant 0 : i32
    %dma_wait3A_228 = tpu.memref_slice %arg10[%dma_wait3A_226, %dma_wait3A_227] : memref<10240x128xf32, #tpu.memory_space<vmem_shared>> -> memref<10240x128xf32, #tpu.memory_space<vmem_shared>>
    %dma_wait3A_229 = tpu.memref_slice %arg13[%dma_wait3A_218] : memref<2x!tpu.dma_semaphore, #tpu.memory_space<semaphore_mem>> -> memref<1x!tpu.dma_semaphore, #tpu.memory_space<semaphore_mem>>
    %dma_wait3A_230 = tpu.memref_squeeze %dma_wait3A_229 : memref<1x!tpu.dma_semaphore, #tpu.memory_space<semaphore_mem>> -> memref<!tpu.dma_semaphore, #tpu.memory_space<semaphore_mem>>
    tpu.wait_indirect_dma semaphore(%dma_wait3A_230 : memref<!tpu.dma_semaphore, #tpu.memory_space<semaphore_mem>>) src(%dma_wait3A_222 : memref<80x128xf32, #tpu.memory_space<vmem>>) dst(%dma_wait3A_228 : memref<10240x128xf32, #tpu.memory_space<vmem_shared>>)
    %dma_wait3A_231 = arith.constant 2 : i32
    %dma_wait3A_232 = arith.constant 2 : i32
    %dma_wait3A_233 = arith.constant 0 : i32
    %dma_wait3A_234 = tpu.memref_slice %arg7[%dma_wait3A_231, %dma_wait3A_233] : memref<4x80xi32, #tpu.memory_space<vmem>> -> memref<1x80xi32, #tpu.memory_space<vmem>>
    %dma_wait3A_235 = tpu.memref_squeeze %dma_wait3A_234 : memref<1x80xi32, #tpu.memory_space<vmem>> -> memref<80xi32, #tpu.memory_space<vmem>>
    %dma_wait3A_236 = arith.constant 0 : i32
    %dma_wait3A_237 = tpu.memref_slice %arg3[%dma_wait3A_236] : memref<320000xi32, #tpu.memory_space<hbm>> -> memref<80xi32, #tpu.memory_space<hbm>>
    %dma_wait3A_238 = tpu.memref_slice %arg11[%dma_wait3A_232] : memref<4x!tpu.dma_semaphore, #tpu.memory_space<semaphore_mem>> -> memref<1x!tpu.dma_semaphore, #tpu.memory_space<semaphore_mem>>
    %dma_wait3A_239 = tpu.memref_squeeze %dma_wait3A_238 : memref<1x!tpu.dma_semaphore, #tpu.memory_space<semaphore_mem>> -> memref<!tpu.dma_semaphore, #tpu.memory_space<semaphore_mem>>
    %dma_wait3A_240 = arith.constant 0 : i32
    %dma_wait3A_241 = tpu.memref_slice %arg7[%dma_wait3A_231, %dma_wait3A_240] : memref<4x80xi32, #tpu.memory_space<vmem>> -> memref<1x80xi32, #tpu.memory_space<vmem>>
    %dma_wait3A_242 = tpu.memref_squeeze %dma_wait3A_241 : memref<1x80xi32, #tpu.memory_space<vmem>> -> memref<80xi32, #tpu.memory_space<vmem>>
    %dma_wait3A_243 = arith.constant 0 : i32
    %dma_wait3A_244 = tpu.memref_slice %arg3[%dma_wait3A_243] : memref<320000xi32, #tpu.memory_space<hbm>> -> memref<80xi32, #tpu.memory_space<hbm>>
    tpu.wait_dma2 semaphore(%dma_wait3A_239 : memref<!tpu.dma_semaphore, #tpu.memory_space<semaphore_mem>>) src(%dma_wait3A_244 : memref<80xi32, #tpu.memory_space<hbm>>) dst(%dma_wait3A_242 : memref<80xi32, #tpu.memory_space<vmem>>)
    %dma_wait3A_245 = arith.constant 2 : i32
    %dma_wait3A_246 = arith.constant 2 : i32
    %dma_wait3A_247 = arith.constant 0 : i32
    %dma_wait3A_248 = tpu.memref_slice %arg8[%dma_wait3A_245, %dma_wait3A_247] : memref<4x80xi32, #tpu.memory_space<vmem>> -> memref<1x80xi32, #tpu.memory_space<vmem>>
    %dma_wait3A_249 = tpu.memref_squeeze %dma_wait3A_248 : memref<1x80xi32, #tpu.memory_space<vmem>> -> memref<80xi32, #tpu.memory_space<vmem>>
    %dma_wait3A_250 = arith.constant 0 : i32
    %dma_wait3A_251 = tpu.memref_slice %arg4[%dma_wait3A_250] : memref<320000xi32, #tpu.memory_space<hbm>> -> memref<80xi32, #tpu.memory_space<hbm>>
    %dma_wait3A_252 = tpu.memref_slice %arg11[%dma_wait3A_246] : memref<4x!tpu.dma_semaphore, #tpu.memory_space<semaphore_mem>> -> memref<1x!tpu.dma_semaphore, #tpu.memory_space<semaphore_mem>>
    %dma_wait3A_253 = tpu.memref_squeeze %dma_wait3A_252 : memref<1x!tpu.dma_semaphore, #tpu.memory_space<semaphore_mem>> -> memref<!tpu.dma_semaphore, #tpu.memory_space<semaphore_mem>>
    %dma_wait3A_254 = arith.constant 0 : i32
    %dma_wait3A_255 = tpu.memref_slice %arg8[%dma_wait3A_245, %dma_wait3A_254] : memref<4x80xi32, #tpu.memory_space<vmem>> -> memref<1x80xi32, #tpu.memory_space<vmem>>
    %dma_wait3A_256 = tpu.memref_squeeze %dma_wait3A_255 : memref<1x80xi32, #tpu.memory_space<vmem>> -> memref<80xi32, #tpu.memory_space<vmem>>
    %dma_wait3A_257 = arith.constant 0 : i32
    %dma_wait3A_258 = tpu.memref_slice %arg4[%dma_wait3A_257] : memref<320000xi32, #tpu.memory_space<hbm>> -> memref<80xi32, #tpu.memory_space<hbm>>
    tpu.wait_dma2 semaphore(%dma_wait3A_253 : memref<!tpu.dma_semaphore, #tpu.memory_space<semaphore_mem>>) src(%dma_wait3A_258 : memref<80xi32, #tpu.memory_space<hbm>>) dst(%dma_wait3A_256 : memref<80xi32, #tpu.memory_space<vmem>>)
    %dma_start3A_259 = arith.constant 2 : i32
    %dma_start3A_260 = arith.constant 0 : i32
    %dma_start3A_261 = arith.constant 0 : i32
    %dma_start3A_262 = arith.constant 0 : i32
    %dma_start3A_263 = arith.constant 0 : i32
    %dma_start3A_264 = tpu.memref_slice %arg9[%dma_start3A_260, %dma_start3A_262, %dma_start3A_263] : memref<2x80x128xf32, #tpu.memory_space<vmem>> -> memref<1x80x128xf32, #tpu.memory_space<vmem>>
    %dma_start3A_265 = tpu.memref_squeeze %dma_start3A_264 : memref<1x80x128xf32, #tpu.memory_space<vmem>> -> memref<80x128xf32, #tpu.memory_space<vmem>>
    %dma_start3A_266 = arith.constant 0 : i32
    %dma_start3A_267 = tpu.memref_slice %arg7[%dma_start3A_259, %dma_start3A_266] : memref<4x80xi32, #tpu.memory_space<vmem>> -> memref<1x80xi32, #tpu.memory_space<vmem>>
    %dma_start3A_268 = tpu.memref_squeeze %dma_start3A_267 : memref<1x80xi32, #tpu.memory_space<vmem>> -> memref<80xi32, #tpu.memory_space<vmem>>
    %dma_start3A_269 = arith.constant 0 : i32
    %dma_start3A_270 = arith.constant 0 : i32
    %dma_start3A_271 = tpu.memref_slice %arg2[%dma_start3A_269, %dma_start3A_270] : memref<10000x128xf32, #tpu.memory_space<hbm>> -> memref<10000x128xf32, #tpu.memory_space<hbm>>
    %dma_start3A_272 = tpu.memref_slice %arg12[%dma_start3A_261] : memref<2x!tpu.dma_semaphore, #tpu.memory_space<semaphore_mem>> -> memref<1x!tpu.dma_semaphore, #tpu.memory_space<semaphore_mem>>
    %dma_start3A_273 = tpu.memref_squeeze %dma_start3A_272 : memref<1x!tpu.dma_semaphore, #tpu.memory_space<semaphore_mem>> -> memref<!tpu.dma_semaphore, #tpu.memory_space<semaphore_mem>>
    tpu.enqueue_indirect_dma source(%dma_start3A_271 : memref<10000x128xf32, #tpu.memory_space<hbm>>) target(%dma_start3A_265 : memref<80x128xf32, #tpu.memory_space<vmem>>) offsets(%dma_start3A_268 : memref<80xi32, #tpu.memory_space<vmem>>) semaphore(%dma_start3A_273 : memref<!tpu.dma_semaphore, #tpu.memory_space<semaphore_mem>>)
    %dma_start3A_274 = arith.constant 1 : i32
    %dma_start3A_275 = arith.constant 1 : i32
    %dma_start3A_276 = arith.constant 1 : i32
    %dma_start3A_277 = arith.constant 0 : i32
    %dma_start3A_278 = arith.constant 0 : i32
    %dma_start3A_279 = tpu.memref_slice %arg9[%dma_start3A_274, %dma_start3A_277, %dma_start3A_278] : memref<2x80x128xf32, #tpu.memory_space<vmem>> -> memref<1x80x128xf32, #tpu.memory_space<vmem>>
    %dma_start3A_280 = tpu.memref_squeeze %dma_start3A_279 : memref<1x80x128xf32, #tpu.memory_space<vmem>> -> memref<80x128xf32, #tpu.memory_space<vmem>>
    %dma_start3A_281 = arith.constant 0 : i32
    %dma_start3A_282 = tpu.memref_slice %arg8[%dma_start3A_275, %dma_start3A_281] : memref<4x80xi32, #tpu.memory_space<vmem>> -> memref<1x80xi32, #tpu.memory_space<vmem>>
    %dma_start3A_283 = tpu.memref_squeeze %dma_start3A_282 : memref<1x80xi32, #tpu.memory_space<vmem>> -> memref<80xi32, #tpu.memory_space<vmem>>
    %dma_start3A_284 = arith.constant 0 : i32
    %dma_start3A_285 = arith.constant 0 : i32
    %dma_start3A_286 = tpu.memref_slice %arg10[%dma_start3A_284, %dma_start3A_285] : memref<10240x128xf32, #tpu.memory_space<vmem_shared>> -> memref<10240x128xf32, #tpu.memory_space<vmem_shared>>
    %dma_start3A_287 = tpu.memref_slice %arg13[%dma_start3A_276] : memref<2x!tpu.dma_semaphore, #tpu.memory_space<semaphore_mem>> -> memref<1x!tpu.dma_semaphore, #tpu.memory_space<semaphore_mem>>
    %dma_start3A_288 = tpu.memref_squeeze %dma_start3A_287 : memref<1x!tpu.dma_semaphore, #tpu.memory_space<semaphore_mem>> -> memref<!tpu.dma_semaphore, #tpu.memory_space<semaphore_mem>>
    tpu.enqueue_indirect_dma source(%dma_start3A_280 : memref<80x128xf32, #tpu.memory_space<vmem>>) target(%dma_start3A_286 : memref<10240x128xf32, #tpu.memory_space<vmem_shared>>) offsets(%dma_start3A_283 : memref<80xi32, #tpu.memory_space<vmem>>) semaphore(%dma_start3A_288 : memref<!tpu.dma_semaphore, #tpu.memory_space<semaphore_mem>>) {add = true}
    %add3A_289 = arith.constant 9840 : i32
    %add3A_290 = arith.addi %mul3A_2, %add3A_289 : i32
    %dma_start3A_291 = arith.constant 3 : i32
    %dma_start3A_292 = arith.constant 3 : i32
    %dma_start3A_293 = arith.constant 0 : i32
    %dma_start3A_294 = tpu.memref_slice %arg7[%dma_start3A_291, %dma_start3A_293] : memref<4x80xi32, #tpu.memory_space<vmem>> -> memref<1x80xi32, #tpu.memory_space<vmem>>
    %dma_start3A_295 = tpu.memref_squeeze %dma_start3A_294 : memref<1x80xi32, #tpu.memory_space<vmem>> -> memref<80xi32, #tpu.memory_space<vmem>>
    %dma_start3A_296 = tpu.memref_slice %arg3[%add3A_290] : memref<320000xi32, #tpu.memory_space<hbm>> -> memref<80xi32, #tpu.memory_space<hbm>>
    %dma_start3A_297 = tpu.memref_slice %arg11[%dma_start3A_292] : memref<4x!tpu.dma_semaphore, #tpu.memory_space<semaphore_mem>> -> memref<1x!tpu.dma_semaphore, #tpu.memory_space<semaphore_mem>>
    %dma_start3A_298 = tpu.memref_squeeze %dma_start3A_297 : memref<1x!tpu.dma_semaphore, #tpu.memory_space<semaphore_mem>> -> memref<!tpu.dma_semaphore, #tpu.memory_space<semaphore_mem>>
    %dma_start3A_299 = arith.constant 0 : i32
    %dma_start3A_300 = tpu.memref_slice %arg7[%dma_start3A_291, %dma_start3A_299] : memref<4x80xi32, #tpu.memory_space<vmem>> -> memref<1x80xi32, #tpu.memory_space<vmem>>
    %dma_start3A_301 = tpu.memref_squeeze %dma_start3A_300 : memref<1x80xi32, #tpu.memory_space<vmem>> -> memref<80xi32, #tpu.memory_space<vmem>>
    %dma_start3A_302 = tpu.memref_slice %arg3[%add3A_290] : memref<320000xi32, #tpu.memory_space<hbm>> -> memref<80xi32, #tpu.memory_space<hbm>>
    tpu.enqueue_dma source(%dma_start3A_302 : memref<80xi32, #tpu.memory_space<hbm>>) target(%dma_start3A_301 : memref<80xi32, #tpu.memory_space<vmem>>) target_semaphore(%dma_start3A_298 : memref<!tpu.dma_semaphore, #tpu.memory_space<semaphore_mem>>)
    %dma_start3A_303 = arith.constant 3 : i32
    %dma_start3A_304 = arith.constant 3 : i32
    %dma_start3A_305 = arith.constant 0 : i32
    %dma_start3A_306 = tpu.memref_slice %arg8[%dma_start3A_303, %dma_start3A_305] : memref<4x80xi32, #tpu.memory_space<vmem>> -> memref<1x80xi32, #tpu.memory_space<vmem>>
    %dma_start3A_307 = tpu.memref_squeeze %dma_start3A_306 : memref<1x80xi32, #tpu.memory_space<vmem>> -> memref<80xi32, #tpu.memory_space<vmem>>
    %dma_start3A_308 = tpu.memref_slice %arg4[%add3A_290] : memref<320000xi32, #tpu.memory_space<hbm>> -> memref<80xi32, #tpu.memory_space<hbm>>
    %dma_start3A_309 = tpu.memref_slice %arg11[%dma_start3A_304] : memref<4x!tpu.dma_semaphore, #tpu.memory_space<semaphore_mem>> -> memref<1x!tpu.dma_semaphore, #tpu.memory_space<semaphore_mem>>
    %dma_start3A_310 = tpu.memref_squeeze %dma_start3A_309 : memref<1x!tpu.dma_semaphore, #tpu.memory_space<semaphore_mem>> -> memref<!tpu.dma_semaphore, #tpu.memory_space<semaphore_mem>>
    %dma_start3A_311 = arith.constant 0 : i32
    %dma_start3A_312 = tpu.memref_slice %arg8[%dma_start3A_303, %dma_start3A_311] : memref<4x80xi32, #tpu.memory_space<vmem>> -> memref<1x80xi32, #tpu.memory_space<vmem>>
    %dma_start3A_313 = tpu.memref_squeeze %dma_start3A_312 : memref<1x80xi32, #tpu.memory_space<vmem>> -> memref<80xi32, #tpu.memory_space<vmem>>
    %dma_start3A_314 = tpu.memref_slice %arg4[%add3A_290] : memref<320000xi32, #tpu.memory_space<hbm>> -> memref<80xi32, #tpu.memory_space<hbm>>
    tpu.enqueue_dma source(%dma_start3A_314 : memref<80xi32, #tpu.memory_space<hbm>>) target(%dma_start3A_313 : memref<80xi32, #tpu.memory_space<vmem>>) target_semaphore(%dma_start3A_310 : memref<!tpu.dma_semaphore, #tpu.memory_space<semaphore_mem>>)
    %dma_wait3A_315 = arith.constant 2 : i32
    %dma_wait3A_316 = arith.constant 0 : i32
    %dma_wait3A_317 = arith.constant 0 : i32
    %dma_wait3A_318 = arith.constant 0 : i32
    %dma_wait3A_319 = arith.constant 0 : i32
    %dma_wait3A_320 = tpu.memref_slice %arg9[%dma_wait3A_316, %dma_wait3A_318, %dma_wait3A_319] : memref<2x80x128xf32, #tpu.memory_space<vmem>> -> memref<1x80x128xf32, #tpu.memory_space<vmem>>
    %dma_wait3A_321 = tpu.memref_squeeze %dma_wait3A_320 : memref<1x80x128xf32, #tpu.memory_space<vmem>> -> memref<80x128xf32, #tpu.memory_space<vmem>>
    %dma_wait3A_322 = arith.constant 0 : i32
    %dma_wait3A_323 = tpu.memref_slice %arg7[%dma_wait3A_315, %dma_wait3A_322] : memref<4x80xi32, #tpu.memory_space<vmem>> -> memref<1x80xi32, #tpu.memory_space<vmem>>
    %dma_wait3A_324 = tpu.memref_squeeze %dma_wait3A_323 : memref<1x80xi32, #tpu.memory_space<vmem>> -> memref<80xi32, #tpu.memory_space<vmem>>
    %dma_wait3A_325 = arith.constant 0 : i32
    %dma_wait3A_326 = arith.constant 0 : i32
    %dma_wait3A_327 = tpu.memref_slice %arg2[%dma_wait3A_325, %dma_wait3A_326] : memref<10000x128xf32, #tpu.memory_space<hbm>> -> memref<10000x128xf32, #tpu.memory_space<hbm>>
    %dma_wait3A_328 = tpu.memref_slice %arg12[%dma_wait3A_317] : memref<2x!tpu.dma_semaphore, #tpu.memory_space<semaphore_mem>> -> memref<1x!tpu.dma_semaphore, #tpu.memory_space<semaphore_mem>>
    %dma_wait3A_329 = tpu.memref_squeeze %dma_wait3A_328 : memref<1x!tpu.dma_semaphore, #tpu.memory_space<semaphore_mem>> -> memref<!tpu.dma_semaphore, #tpu.memory_space<semaphore_mem>>
    tpu.wait_indirect_dma semaphore(%dma_wait3A_329 : memref<!tpu.dma_semaphore, #tpu.memory_space<semaphore_mem>>) src(%dma_wait3A_327 : memref<10000x128xf32, #tpu.memory_space<hbm>>) dst(%dma_wait3A_321 : memref<80x128xf32, #tpu.memory_space<vmem>>)
    %dma_wait3A_330 = arith.constant 1 : i32
    %dma_wait3A_331 = arith.constant 1 : i32
    %dma_wait3A_332 = arith.constant 1 : i32
    %dma_wait3A_333 = arith.constant 0 : i32
    %dma_wait3A_334 = arith.constant 0 : i32
    %dma_wait3A_335 = tpu.memref_slice %arg9[%dma_wait3A_330, %dma_wait3A_333, %dma_wait3A_334] : memref<2x80x128xf32, #tpu.memory_space<vmem>> -> memref<1x80x128xf32, #tpu.memory_space<vmem>>
    %dma_wait3A_336 = tpu.memref_squeeze %dma_wait3A_335 : memref<1x80x128xf32, #tpu.memory_space<vmem>> -> memref<80x128xf32, #tpu.memory_space<vmem>>
    %dma_wait3A_337 = arith.constant 0 : i32
    %dma_wait3A_338 = tpu.memref_slice %arg8[%dma_wait3A_331, %dma_wait3A_337] : memref<4x80xi32, #tpu.memory_space<vmem>> -> memref<1x80xi32, #tpu.memory_space<vmem>>
    %dma_wait3A_339 = tpu.memref_squeeze %dma_wait3A_338 : memref<1x80xi32, #tpu.memory_space<vmem>> -> memref<80xi32, #tpu.memory_space<vmem>>
    %dma_wait3A_340 = arith.constant 0 : i32
    %dma_wait3A_341 = arith.constant 0 : i32
    %dma_wait3A_342 = tpu.memref_slice %arg10[%dma_wait3A_340, %dma_wait3A_341] : memref<10240x128xf32, #tpu.memory_space<vmem_shared>> -> memref<10240x128xf32, #tpu.memory_space<vmem_shared>>
    %dma_wait3A_343 = tpu.memref_slice %arg13[%dma_wait3A_332] : memref<2x!tpu.dma_semaphore, #tpu.memory_space<semaphore_mem>> -> memref<1x!tpu.dma_semaphore, #tpu.memory_space<semaphore_mem>>
    %dma_wait3A_344 = tpu.memref_squeeze %dma_wait3A_343 : memref<1x!tpu.dma_semaphore, #tpu.memory_space<semaphore_mem>> -> memref<!tpu.dma_semaphore, #tpu.memory_space<semaphore_mem>>
    tpu.wait_indirect_dma semaphore(%dma_wait3A_344 : memref<!tpu.dma_semaphore, #tpu.memory_space<semaphore_mem>>) src(%dma_wait3A_336 : memref<80x128xf32, #tpu.memory_space<vmem>>) dst(%dma_wait3A_342 : memref<10240x128xf32, #tpu.memory_space<vmem_shared>>)
    %dma_wait3A_345 = arith.constant 3 : i32
    %dma_wait3A_346 = arith.constant 3 : i32
    %dma_wait3A_347 = arith.constant 0 : i32
    %dma_wait3A_348 = tpu.memref_slice %arg7[%dma_wait3A_345, %dma_wait3A_347] : memref<4x80xi32, #tpu.memory_space<vmem>> -> memref<1x80xi32, #tpu.memory_space<vmem>>
    %dma_wait3A_349 = tpu.memref_squeeze %dma_wait3A_348 : memref<1x80xi32, #tpu.memory_space<vmem>> -> memref<80xi32, #tpu.memory_space<vmem>>
    %dma_wait3A_350 = arith.constant 0 : i32
    %dma_wait3A_351 = tpu.memref_slice %arg3[%dma_wait3A_350] : memref<320000xi32, #tpu.memory_space<hbm>> -> memref<80xi32, #tpu.memory_space<hbm>>
    %dma_wait3A_352 = tpu.memref_slice %arg11[%dma_wait3A_346] : memref<4x!tpu.dma_semaphore, #tpu.memory_space<semaphore_mem>> -> memref<1x!tpu.dma_semaphore, #tpu.memory_space<semaphore_mem>>
    %dma_wait3A_353 = tpu.memref_squeeze %dma_wait3A_352 : memref<1x!tpu.dma_semaphore, #tpu.memory_space<semaphore_mem>> -> memref<!tpu.dma_semaphore, #tpu.memory_space<semaphore_mem>>
    %dma_wait3A_354 = arith.constant 0 : i32
    %dma_wait3A_355 = tpu.memref_slice %arg7[%dma_wait3A_345, %dma_wait3A_354] : memref<4x80xi32, #tpu.memory_space<vmem>> -> memref<1x80xi32, #tpu.memory_space<vmem>>
    %dma_wait3A_356 = tpu.memref_squeeze %dma_wait3A_355 : memref<1x80xi32, #tpu.memory_space<vmem>> -> memref<80xi32, #tpu.memory_space<vmem>>
    %dma_wait3A_357 = arith.constant 0 : i32
    %dma_wait3A_358 = tpu.memref_slice %arg3[%dma_wait3A_357] : memref<320000xi32, #tpu.memory_space<hbm>> -> memref<80xi32, #tpu.memory_space<hbm>>
    tpu.wait_dma2 semaphore(%dma_wait3A_353 : memref<!tpu.dma_semaphore, #tpu.memory_space<semaphore_mem>>) src(%dma_wait3A_358 : memref<80xi32, #tpu.memory_space<hbm>>) dst(%dma_wait3A_356 : memref<80xi32, #tpu.memory_space<vmem>>)
    %dma_wait3A_359 = arith.constant 3 : i32
    %dma_wait3A_360 = arith.constant 3 : i32
    %dma_wait3A_361 = arith.constant 0 : i32
    %dma_wait3A_362 = tpu.memref_slice %arg8[%dma_wait3A_359, %dma_wait3A_361] : memref<4x80xi32, #tpu.memory_space<vmem>> -> memref<1x80xi32, #tpu.memory_space<vmem>>
    %dma_wait3A_363 = tpu.memref_squeeze %dma_wait3A_362 : memref<1x80xi32, #tpu.memory_space<vmem>> -> memref<80xi32, #tpu.memory_space<vmem>>
    %dma_wait3A_364 = arith.constant 0 : i32
    %dma_wait3A_365 = tpu.memref_slice %arg4[%dma_wait3A_364] : memref<320000xi32, #tpu.memory_space<hbm>> -> memref<80xi32, #tpu.memory_space<hbm>>
    %dma_wait3A_366 = tpu.memref_slice %arg11[%dma_wait3A_360] : memref<4x!tpu.dma_semaphore, #tpu.memory_space<semaphore_mem>> -> memref<1x!tpu.dma_semaphore, #tpu.memory_space<semaphore_mem>>
    %dma_wait3A_367 = tpu.memref_squeeze %dma_wait3A_366 : memref<1x!tpu.dma_semaphore, #tpu.memory_space<semaphore_mem>> -> memref<!tpu.dma_semaphore, #tpu.memory_space<semaphore_mem>>
    %dma_wait3A_368 = arith.constant 0 : i32
    %dma_wait3A_369 = tpu.memref_slice %arg8[%dma_wait3A_359, %dma_wait3A_368] : memref<4x80xi32, #tpu.memory_space<vmem>> -> memref<1x80xi32, #tpu.memory_space<vmem>>
    %dma_wait3A_370 = tpu.memref_squeeze %dma_wait3A_369 : memref<1x80xi32, #tpu.memory_space<vmem>> -> memref<80xi32, #tpu.memory_space<vmem>>
    %dma_wait3A_371 = arith.constant 0 : i32
    %dma_wait3A_372 = tpu.memref_slice %arg4[%dma_wait3A_371] : memref<320000xi32, #tpu.memory_space<hbm>> -> memref<80xi32, #tpu.memory_space<hbm>>
    tpu.wait_dma2 semaphore(%dma_wait3A_367 : memref<!tpu.dma_semaphore, #tpu.memory_space<semaphore_mem>>) src(%dma_wait3A_372 : memref<80xi32, #tpu.memory_space<hbm>>) dst(%dma_wait3A_370 : memref<80xi32, #tpu.memory_space<vmem>>)
    %dma_start3A_373 = arith.constant 3 : i32
    %dma_start3A_374 = arith.constant 1 : i32
    %dma_start3A_375 = arith.constant 1 : i32
    %dma_start3A_376 = arith.constant 0 : i32
    %dma_start3A_377 = arith.constant 0 : i32
    %dma_start3A_378 = tpu.memref_slice %arg9[%dma_start3A_374, %dma_start3A_376, %dma_start3A_377] : memref<2x80x128xf32, #tpu.memory_space<vmem>> -> memref<1x80x128xf32, #tpu.memory_space<vmem>>
    %dma_start3A_379 = tpu.memref_squeeze %dma_start3A_378 : memref<1x80x128xf32, #tpu.memory_space<vmem>> -> memref<80x128xf32, #tpu.memory_space<vmem>>
    %dma_start3A_380 = arith.constant 0 : i32
    %dma_start3A_381 = tpu.memref_slice %arg7[%dma_start3A_373, %dma_start3A_380] : memref<4x80xi32, #tpu.memory_space<vmem>> -> memref<1x80xi32, #tpu.memory_space<vmem>>
    %dma_start3A_382 = tpu.memref_squeeze %dma_start3A_381 : memref<1x80xi32, #tpu.memory_space<vmem>> -> memref<80xi32, #tpu.memory_space<vmem>>
    %dma_start3A_383 = arith.constant 0 : i32
    %dma_start3A_384 = arith.constant 0 : i32
    %dma_start3A_385 = tpu.memref_slice %arg2[%dma_start3A_383, %dma_start3A_384] : memref<10000x128xf32, #tpu.memory_space<hbm>> -> memref<10000x128xf32, #tpu.memory_space<hbm>>
    %dma_start3A_386 = tpu.memref_slice %arg12[%dma_start3A_375] : memref<2x!tpu.dma_semaphore, #tpu.memory_space<semaphore_mem>> -> memref<1x!tpu.dma_semaphore, #tpu.memory_space<semaphore_mem>>
    %dma_start3A_387 = tpu.memref_squeeze %dma_start3A_386 : memref<1x!tpu.dma_semaphore, #tpu.memory_space<semaphore_mem>> -> memref<!tpu.dma_semaphore, #tpu.memory_space<semaphore_mem>>
    tpu.enqueue_indirect_dma source(%dma_start3A_385 : memref<10000x128xf32, #tpu.memory_space<hbm>>) target(%dma_start3A_379 : memref<80x128xf32, #tpu.memory_space<vmem>>) offsets(%dma_start3A_382 : memref<80xi32, #tpu.memory_space<vmem>>) semaphore(%dma_start3A_387 : memref<!tpu.dma_semaphore, #tpu.memory_space<semaphore_mem>>)
    %dma_start3A_388 = arith.constant 0 : i32
    %dma_start3A_389 = arith.constant 2 : i32
    %dma_start3A_390 = arith.constant 0 : i32
    %dma_start3A_391 = arith.constant 0 : i32
    %dma_start3A_392 = arith.constant 0 : i32
    %dma_start3A_393 = tpu.memref_slice %arg9[%dma_start3A_388, %dma_start3A_391, %dma_start3A_392] : memref<2x80x128xf32, #tpu.memory_space<vmem>> -> memref<1x80x128xf32, #tpu.memory_space<vmem>>
    %dma_start3A_394 = tpu.memref_squeeze %dma_start3A_393 : memref<1x80x128xf32, #tpu.memory_space<vmem>> -> memref<80x128xf32, #tpu.memory_space<vmem>>
    %dma_start3A_395 = arith.constant 0 : i32
    %dma_start3A_396 = tpu.memref_slice %arg8[%dma_start3A_389, %dma_start3A_395] : memref<4x80xi32, #tpu.memory_space<vmem>> -> memref<1x80xi32, #tpu.memory_space<vmem>>
    %dma_start3A_397 = tpu.memref_squeeze %dma_start3A_396 : memref<1x80xi32, #tpu.memory_space<vmem>> -> memref<80xi32, #tpu.memory_space<vmem>>
    %dma_start3A_398 = arith.constant 0 : i32
    %dma_start3A_399 = arith.constant 0 : i32
    %dma_start3A_400 = tpu.memref_slice %arg10[%dma_start3A_398, %dma_start3A_399] : memref<10240x128xf32, #tpu.memory_space<vmem_shared>> -> memref<10240x128xf32, #tpu.memory_space<vmem_shared>>
    %dma_start3A_401 = tpu.memref_slice %arg13[%dma_start3A_390] : memref<2x!tpu.dma_semaphore, #tpu.memory_space<semaphore_mem>> -> memref<1x!tpu.dma_semaphore, #tpu.memory_space<semaphore_mem>>
    %dma_start3A_402 = tpu.memref_squeeze %dma_start3A_401 : memref<1x!tpu.dma_semaphore, #tpu.memory_space<semaphore_mem>> -> memref<!tpu.dma_semaphore, #tpu.memory_space<semaphore_mem>>
    tpu.enqueue_indirect_dma source(%dma_start3A_394 : memref<80x128xf32, #tpu.memory_space<vmem>>) target(%dma_start3A_400 : memref<10240x128xf32, #tpu.memory_space<vmem_shared>>) offsets(%dma_start3A_397 : memref<80xi32, #tpu.memory_space<vmem>>) semaphore(%dma_start3A_402 : memref<!tpu.dma_semaphore, #tpu.memory_space<semaphore_mem>>) {add = true}
    %add3A_403 = arith.constant 9920 : i32
    %add3A_404 = arith.addi %mul3A_2, %add3A_403 : i32
    %dma_start3A_405 = arith.constant 0 : i32
    %dma_start3A_406 = arith.constant 0 : i32
    %dma_start3A_407 = arith.constant 0 : i32
    %dma_start3A_408 = tpu.memref_slice %arg7[%dma_start3A_405, %dma_start3A_407] : memref<4x80xi32, #tpu.memory_space<vmem>> -> memref<1x80xi32, #tpu.memory_space<vmem>>
    %dma_start3A_409 = tpu.memref_squeeze %dma_start3A_408 : memref<1x80xi32, #tpu.memory_space<vmem>> -> memref<80xi32, #tpu.memory_space<vmem>>
    %dma_start3A_410 = tpu.memref_slice %arg3[%add3A_404] : memref<320000xi32, #tpu.memory_space<hbm>> -> memref<80xi32, #tpu.memory_space<hbm>>
    %dma_start3A_411 = tpu.memref_slice %arg11[%dma_start3A_406] : memref<4x!tpu.dma_semaphore, #tpu.memory_space<semaphore_mem>> -> memref<1x!tpu.dma_semaphore, #tpu.memory_space<semaphore_mem>>
    %dma_start3A_412 = tpu.memref_squeeze %dma_start3A_411 : memref<1x!tpu.dma_semaphore, #tpu.memory_space<semaphore_mem>> -> memref<!tpu.dma_semaphore, #tpu.memory_space<semaphore_mem>>
    %dma_start3A_413 = arith.constant 0 : i32
    %dma_start3A_414 = tpu.memref_slice %arg7[%dma_start3A_405, %dma_start3A_413] : memref<4x80xi32, #tpu.memory_space<vmem>> -> memref<1x80xi32, #tpu.memory_space<vmem>>
    %dma_start3A_415 = tpu.memref_squeeze %dma_start3A_414 : memref<1x80xi32, #tpu.memory_space<vmem>> -> memref<80xi32, #tpu.memory_space<vmem>>
    %dma_start3A_416 = tpu.memref_slice %arg3[%add3A_404] : memref<320000xi32, #tpu.memory_space<hbm>> -> memref<80xi32, #tpu.memory_space<hbm>>
    tpu.enqueue_dma source(%dma_start3A_416 : memref<80xi32, #tpu.memory_space<hbm>>) target(%dma_start3A_415 : memref<80xi32, #tpu.memory_space<vmem>>) target_semaphore(%dma_start3A_412 : memref<!tpu.dma_semaphore, #tpu.memory_space<semaphore_mem>>)
    %dma_start3A_417 = arith.constant 0 : i32
    %dma_start3A_418 = arith.constant 0 : i32
    %dma_start3A_419 = arith.constant 0 : i32
    %dma_start3A_420 = tpu.memref_slice %arg8[%dma_start3A_417, %dma_start3A_419] : memref<4x80xi32, #tpu.memory_space<vmem>> -> memref<1x80xi32, #tpu.memory_space<vmem>>
    %dma_start3A_421 = tpu.memref_squeeze %dma_start3A_420 : memref<1x80xi32, #tpu.memory_space<vmem>> -> memref<80xi32, #tpu.memory_space<vmem>>
    %dma_start3A_422 = tpu.memref_slice %arg4[%add3A_404] : memref<320000xi32, #tpu.memory_space<hbm>> -> memref<80xi32, #tpu.memory_space<hbm>>
    %dma_start3A_423 = tpu.memref_slice %arg11[%dma_start3A_418] : memref<4x!tpu.dma_semaphore, #tpu.memory_space<semaphore_mem>> -> memref<1x!tpu.dma_semaphore, #tpu.memory_space<semaphore_mem>>
    %dma_start3A_424 = tpu.memref_squeeze %dma_start3A_423 : memref<1x!tpu.dma_semaphore, #tpu.memory_space<semaphore_mem>> -> memref<!tpu.dma_semaphore, #tpu.memory_space<semaphore_mem>>
    %dma_start3A_425 = arith.constant 0 : i32
    %dma_start3A_426 = tpu.memref_slice %arg8[%dma_start3A_417, %dma_start3A_425] : memref<4x80xi32, #tpu.memory_space<vmem>> -> memref<1x80xi32, #tpu.memory_space<vmem>>
    %dma_start3A_427 = tpu.memref_squeeze %dma_start3A_426 : memref<1x80xi32, #tpu.memory_space<vmem>> -> memref<80xi32, #tpu.memory_space<vmem>>
    %dma_start3A_428 = tpu.memref_slice %arg4[%add3A_404] : memref<320000xi32, #tpu.memory_space<hbm>> -> memref<80xi32, #tpu.memory_space<hbm>>
    tpu.enqueue_dma source(%dma_start3A_428 : memref<80xi32, #tpu.memory_space<hbm>>) target(%dma_start3A_427 : memref<80xi32, #tpu.memory_space<vmem>>) target_semaphore(%dma_start3A_424 : memref<!tpu.dma_semaphore, #tpu.memory_space<semaphore_mem>>)
    %dma_wait3A_429 = arith.constant 3 : i32
    %dma_wait3A_430 = arith.constant 1 : i32
    %dma_wait3A_431 = arith.constant 1 : i32
    %dma_wait3A_432 = arith.constant 0 : i32
    %dma_wait3A_433 = arith.constant 0 : i32
    %dma_wait3A_434 = tpu.memref_slice %arg9[%dma_wait3A_430, %dma_wait3A_432, %dma_wait3A_433] : memref<2x80x128xf32, #tpu.memory_space<vmem>> -> memref<1x80x128xf32, #tpu.memory_space<vmem>>
    %dma_wait3A_435 = tpu.memref_squeeze %dma_wait3A_434 : memref<1x80x128xf32, #tpu.memory_space<vmem>> -> memref<80x128xf32, #tpu.memory_space<vmem>>
    %dma_wait3A_436 = arith.constant 0 : i32
    %dma_wait3A_437 = tpu.memref_slice %arg7[%dma_wait3A_429, %dma_wait3A_436] : memref<4x80xi32, #tpu.memory_space<vmem>> -> memref<1x80xi32, #tpu.memory_space<vmem>>
    %dma_wait3A_438 = tpu.memref_squeeze %dma_wait3A_437 : memref<1x80xi32, #tpu.memory_space<vmem>> -> memref<80xi32, #tpu.memory_space<vmem>>
    %dma_wait3A_439 = arith.constant 0 : i32
    %dma_wait3A_440 = arith.constant 0 : i32
    %dma_wait3A_441 = tpu.memref_slice %arg2[%dma_wait3A_439, %dma_wait3A_440] : memref<10000x128xf32, #tpu.memory_space<hbm>> -> memref<10000x128xf32, #tpu.memory_space<hbm>>
    %dma_wait3A_442 = tpu.memref_slice %arg12[%dma_wait3A_431] : memref<2x!tpu.dma_semaphore, #tpu.memory_space<semaphore_mem>> -> memref<1x!tpu.dma_semaphore, #tpu.memory_space<semaphore_mem>>
    %dma_wait3A_443 = tpu.memref_squeeze %dma_wait3A_442 : memref<1x!tpu.dma_semaphore, #tpu.memory_space<semaphore_mem>> -> memref<!tpu.dma_semaphore, #tpu.memory_space<semaphore_mem>>
    tpu.wait_indirect_dma semaphore(%dma_wait3A_443 : memref<!tpu.dma_semaphore, #tpu.memory_space<semaphore_mem>>) src(%dma_wait3A_441 : memref<10000x128xf32, #tpu.memory_space<hbm>>) dst(%dma_wait3A_435 : memref<80x128xf32, #tpu.memory_space<vmem>>)
    %dma_wait3A_444 = arith.constant 0 : i32
    %dma_wait3A_445 = arith.constant 2 : i32
    %dma_wait3A_446 = arith.constant 0 : i32
    %dma_wait3A_447 = arith.constant 0 : i32
    %dma_wait3A_448 = arith.constant 0 : i32
    %dma_wait3A_449 = tpu.memref_slice %arg9[%dma_wait3A_444, %dma_wait3A_447, %dma_wait3A_448] : memref<2x80x128xf32, #tpu.memory_space<vmem>> -> memref<1x80x128xf32, #tpu.memory_space<vmem>>
    %dma_wait3A_450 = tpu.memref_squeeze %dma_wait3A_449 : memref<1x80x128xf32, #tpu.memory_space<vmem>> -> memref<80x128xf32, #tpu.memory_space<vmem>>
    %dma_wait3A_451 = arith.constant 0 : i32
    %dma_wait3A_452 = tpu.memref_slice %arg8[%dma_wait3A_445, %dma_wait3A_451] : memref<4x80xi32, #tpu.memory_space<vmem>> -> memref<1x80xi32, #tpu.memory_space<vmem>>
    %dma_wait3A_453 = tpu.memref_squeeze %dma_wait3A_452 : memref<1x80xi32, #tpu.memory_space<vmem>> -> memref<80xi32, #tpu.memory_space<vmem>>
    %dma_wait3A_454 = arith.constant 0 : i32
    %dma_wait3A_455 = arith.constant 0 : i32
    %dma_wait3A_456 = tpu.memref_slice %arg10[%dma_wait3A_454, %dma_wait3A_455] : memref<10240x128xf32, #tpu.memory_space<vmem_shared>> -> memref<10240x128xf32, #tpu.memory_space<vmem_shared>>
    %dma_wait3A_457 = tpu.memref_slice %arg13[%dma_wait3A_446] : memref<2x!tpu.dma_semaphore, #tpu.memory_space<semaphore_mem>> -> memref<1x!tpu.dma_semaphore, #tpu.memory_space<semaphore_mem>>
    %dma_wait3A_458 = tpu.memref_squeeze %dma_wait3A_457 : memref<1x!tpu.dma_semaphore, #tpu.memory_space<semaphore_mem>> -> memref<!tpu.dma_semaphore, #tpu.memory_space<semaphore_mem>>
    tpu.wait_indirect_dma semaphore(%dma_wait3A_458 : memref<!tpu.dma_semaphore, #tpu.memory_space<semaphore_mem>>) src(%dma_wait3A_450 : memref<80x128xf32, #tpu.memory_space<vmem>>) dst(%dma_wait3A_456 : memref<10240x128xf32, #tpu.memory_space<vmem_shared>>)
    %dma_wait3A_459 = arith.constant 0 : i32
    %dma_wait3A_460 = arith.constant 0 : i32
    %dma_wait3A_461 = arith.constant 0 : i32
    %dma_wait3A_462 = tpu.memref_slice %arg7[%dma_wait3A_459, %dma_wait3A_461] : memref<4x80xi32, #tpu.memory_space<vmem>> -> memref<1x80xi32, #tpu.memory_space<vmem>>
    %dma_wait3A_463 = tpu.memref_squeeze %dma_wait3A_462 : memref<1x80xi32, #tpu.memory_space<vmem>> -> memref<80xi32, #tpu.memory_space<vmem>>
    %dma_wait3A_464 = arith.constant 0 : i32
    %dma_wait3A_465 = tpu.memref_slice %arg3[%dma_wait3A_464] : memref<320000xi32, #tpu.memory_space<hbm>> -> memref<80xi32, #tpu.memory_space<hbm>>
    %dma_wait3A_466 = tpu.memref_slice %arg11[%dma_wait3A_460] : memref<4x!tpu.dma_semaphore, #tpu.memory_space<semaphore_mem>> -> memref<1x!tpu.dma_semaphore, #tpu.memory_space<semaphore_mem>>
    %dma_wait3A_467 = tpu.memref_squeeze %dma_wait3A_466 : memref<1x!tpu.dma_semaphore, #tpu.memory_space<semaphore_mem>> -> memref<!tpu.dma_semaphore, #tpu.memory_space<semaphore_mem>>
    %dma_wait3A_468 = arith.constant 0 : i32
    %dma_wait3A_469 = tpu.memref_slice %arg7[%dma_wait3A_459, %dma_wait3A_468] : memref<4x80xi32, #tpu.memory_space<vmem>> -> memref<1x80xi32, #tpu.memory_space<vmem>>
    %dma_wait3A_470 = tpu.memref_squeeze %dma_wait3A_469 : memref<1x80xi32, #tpu.memory_space<vmem>> -> memref<80xi32, #tpu.memory_space<vmem>>
    %dma_wait3A_471 = arith.constant 0 : i32
    %dma_wait3A_472 = tpu.memref_slice %arg3[%dma_wait3A_471] : memref<320000xi32, #tpu.memory_space<hbm>> -> memref<80xi32, #tpu.memory_space<hbm>>
    tpu.wait_dma2 semaphore(%dma_wait3A_467 : memref<!tpu.dma_semaphore, #tpu.memory_space<semaphore_mem>>) src(%dma_wait3A_472 : memref<80xi32, #tpu.memory_space<hbm>>) dst(%dma_wait3A_470 : memref<80xi32, #tpu.memory_space<vmem>>)
    %dma_wait3A_473 = arith.constant 0 : i32
    %dma_wait3A_474 = arith.constant 0 : i32
    %dma_wait3A_475 = arith.constant 0 : i32
    %dma_wait3A_476 = tpu.memref_slice %arg8[%dma_wait3A_473, %dma_wait3A_475] : memref<4x80xi32, #tpu.memory_space<vmem>> -> memref<1x80xi32, #tpu.memory_space<vmem>>
    %dma_wait3A_477 = tpu.memref_squeeze %dma_wait3A_476 : memref<1x80xi32, #tpu.memory_space<vmem>> -> memref<80xi32, #tpu.memory_space<vmem>>
    %dma_wait3A_478 = arith.constant 0 : i32
    %dma_wait3A_479 = tpu.memref_slice %arg4[%dma_wait3A_478] : memref<320000xi32, #tpu.memory_space<hbm>> -> memref<80xi32, #tpu.memory_space<hbm>>
    %dma_wait3A_480 = tpu.memref_slice %arg11[%dma_wait3A_474] : memref<4x!tpu.dma_semaphore, #tpu.memory_space<semaphore_mem>> -> memref<1x!tpu.dma_semaphore, #tpu.memory_space<semaphore_mem>>
    %dma_wait3A_481 = tpu.memref_squeeze %dma_wait3A_480 : memref<1x!tpu.dma_semaphore, #tpu.memory_space<semaphore_mem>> -> memref<!tpu.dma_semaphore, #tpu.memory_space<semaphore_mem>>
    %dma_wait3A_482 = arith.constant 0 : i32
    %dma_wait3A_483 = tpu.memref_slice %arg8[%dma_wait3A_473, %dma_wait3A_482] : memref<4x80xi32, #tpu.memory_space<vmem>> -> memref<1x80xi32, #tpu.memory_space<vmem>>
    %dma_wait3A_484 = tpu.memref_squeeze %dma_wait3A_483 : memref<1x80xi32, #tpu.memory_space<vmem>> -> memref<80xi32, #tpu.memory_space<vmem>>
    %dma_wait3A_485 = arith.constant 0 : i32
    %dma_wait3A_486 = tpu.memref_slice %arg4[%dma_wait3A_485] : memref<320000xi32, #tpu.memory_space<hbm>> -> memref<80xi32, #tpu.memory_space<hbm>>
    tpu.wait_dma2 semaphore(%dma_wait3A_481 : memref<!tpu.dma_semaphore, #tpu.memory_space<semaphore_mem>>) src(%dma_wait3A_486 : memref<80xi32, #tpu.memory_space<hbm>>) dst(%dma_wait3A_484 : memref<80xi32, #tpu.memory_space<vmem>>)
    %dma_start3A_487 = arith.constant 0 : i32
    %dma_start3A_488 = arith.constant 0 : i32
    %dma_start3A_489 = arith.constant 0 : i32
    %dma_start3A_490 = arith.constant 0 : i32
    %dma_start3A_491 = arith.constant 0 : i32
    %dma_start3A_492 = tpu.memref_slice %arg9[%dma_start3A_488, %dma_start3A_490, %dma_start3A_491] : memref<2x80x128xf32, #tpu.memory_space<vmem>> -> memref<1x80x128xf32, #tpu.memory_space<vmem>>
    %dma_start3A_493 = tpu.memref_squeeze %dma_start3A_492 : memref<1x80x128xf32, #tpu.memory_space<vmem>> -> memref<80x128xf32, #tpu.memory_space<vmem>>
    %dma_start3A_494 = arith.constant 0 : i32
    %dma_start3A_495 = tpu.memref_slice %arg7[%dma_start3A_487, %dma_start3A_494] : memref<4x80xi32, #tpu.memory_space<vmem>> -> memref<1x80xi32, #tpu.memory_space<vmem>>
    %dma_start3A_496 = tpu.memref_squeeze %dma_start3A_495 : memref<1x80xi32, #tpu.memory_space<vmem>> -> memref<80xi32, #tpu.memory_space<vmem>>
    %dma_start3A_497 = arith.constant 0 : i32
    %dma_start3A_498 = arith.constant 0 : i32
    %dma_start3A_499 = tpu.memref_slice %arg2[%dma_start3A_497, %dma_start3A_498] : memref<10000x128xf32, #tpu.memory_space<hbm>> -> memref<10000x128xf32, #tpu.memory_space<hbm>>
    %dma_start3A_500 = tpu.memref_slice %arg12[%dma_start3A_489] : memref<2x!tpu.dma_semaphore, #tpu.memory_space<semaphore_mem>> -> memref<1x!tpu.dma_semaphore, #tpu.memory_space<semaphore_mem>>
    %dma_start3A_501 = tpu.memref_squeeze %dma_start3A_500 : memref<1x!tpu.dma_semaphore, #tpu.memory_space<semaphore_mem>> -> memref<!tpu.dma_semaphore, #tpu.memory_space<semaphore_mem>>
    tpu.enqueue_indirect_dma source(%dma_start3A_499 : memref<10000x128xf32, #tpu.memory_space<hbm>>) target(%dma_start3A_493 : memref<80x128xf32, #tpu.memory_space<vmem>>) offsets(%dma_start3A_496 : memref<80xi32, #tpu.memory_space<vmem>>) semaphore(%dma_start3A_501 : memref<!tpu.dma_semaphore, #tpu.memory_space<semaphore_mem>>)
    %dma_start3A_502 = arith.constant 1 : i32
    %dma_start3A_503 = arith.constant 3 : i32
    %dma_start3A_504 = arith.constant 1 : i32
    %dma_start3A_505 = arith.constant 0 : i32
    %dma_start3A_506 = arith.constant 0 : i32
    %dma_start3A_507 = tpu.memref_slice %arg9[%dma_start3A_502, %dma_start3A_505, %dma_start3A_506] : memref<2x80x128xf32, #tpu.memory_space<vmem>> -> memref<1x80x128xf32, #tpu.memory_space<vmem>>
    %dma_start3A_508 = tpu.memref_squeeze %dma_start3A_507 : memref<1x80x128xf32, #tpu.memory_space<vmem>> -> memref<80x128xf32, #tpu.memory_space<vmem>>
    %dma_start3A_509 = arith.constant 0 : i32
    %dma_start3A_510 = tpu.memref_slice %arg8[%dma_start3A_503, %dma_start3A_509] : memref<4x80xi32, #tpu.memory_space<vmem>> -> memref<1x80xi32, #tpu.memory_space<vmem>>
    %dma_start3A_511 = tpu.memref_squeeze %dma_start3A_510 : memref<1x80xi32, #tpu.memory_space<vmem>> -> memref<80xi32, #tpu.memory_space<vmem>>
    %dma_start3A_512 = arith.constant 0 : i32
    %dma_start3A_513 = arith.constant 0 : i32
    %dma_start3A_514 = tpu.memref_slice %arg10[%dma_start3A_512, %dma_start3A_513] : memref<10240x128xf32, #tpu.memory_space<vmem_shared>> -> memref<10240x128xf32, #tpu.memory_space<vmem_shared>>
    %dma_start3A_515 = tpu.memref_slice %arg13[%dma_start3A_504] : memref<2x!tpu.dma_semaphore, #tpu.memory_space<semaphore_mem>> -> memref<1x!tpu.dma_semaphore, #tpu.memory_space<semaphore_mem>>
    %dma_start3A_516 = tpu.memref_squeeze %dma_start3A_515 : memref<1x!tpu.dma_semaphore, #tpu.memory_space<semaphore_mem>> -> memref<!tpu.dma_semaphore, #tpu.memory_space<semaphore_mem>>
    tpu.enqueue_indirect_dma source(%dma_start3A_508 : memref<80x128xf32, #tpu.memory_space<vmem>>) target(%dma_start3A_514 : memref<10240x128xf32, #tpu.memory_space<vmem_shared>>) offsets(%dma_start3A_511 : memref<80xi32, #tpu.memory_space<vmem>>) semaphore(%dma_start3A_516 : memref<!tpu.dma_semaphore, #tpu.memory_space<semaphore_mem>>) {add = true}
    %dma_wait3A_517 = arith.constant 0 : i32
    %dma_wait3A_518 = arith.constant 0 : i32
    %dma_wait3A_519 = arith.constant 0 : i32
    %dma_wait3A_520 = arith.constant 0 : i32
    %dma_wait3A_521 = arith.constant 0 : i32
    %dma_wait3A_522 = tpu.memref_slice %arg9[%dma_wait3A_518, %dma_wait3A_520, %dma_wait3A_521] : memref<2x80x128xf32, #tpu.memory_space<vmem>> -> memref<1x80x128xf32, #tpu.memory_space<vmem>>
    %dma_wait3A_523 = tpu.memref_squeeze %dma_wait3A_522 : memref<1x80x128xf32, #tpu.memory_space<vmem>> -> memref<80x128xf32, #tpu.memory_space<vmem>>
    %dma_wait3A_524 = arith.constant 0 : i32
    %dma_wait3A_525 = tpu.memref_slice %arg7[%dma_wait3A_517, %dma_wait3A_524] : memref<4x80xi32, #tpu.memory_space<vmem>> -> memref<1x80xi32, #tpu.memory_space<vmem>>
    %dma_wait3A_526 = tpu.memref_squeeze %dma_wait3A_525 : memref<1x80xi32, #tpu.memory_space<vmem>> -> memref<80xi32, #tpu.memory_space<vmem>>
    %dma_wait3A_527 = arith.constant 0 : i32
    %dma_wait3A_528 = arith.constant 0 : i32
    %dma_wait3A_529 = tpu.memref_slice %arg2[%dma_wait3A_527, %dma_wait3A_528] : memref<10000x128xf32, #tpu.memory_space<hbm>> -> memref<10000x128xf32, #tpu.memory_space<hbm>>
    %dma_wait3A_530 = tpu.memref_slice %arg12[%dma_wait3A_519] : memref<2x!tpu.dma_semaphore, #tpu.memory_space<semaphore_mem>> -> memref<1x!tpu.dma_semaphore, #tpu.memory_space<semaphore_mem>>
    %dma_wait3A_531 = tpu.memref_squeeze %dma_wait3A_530 : memref<1x!tpu.dma_semaphore, #tpu.memory_space<semaphore_mem>> -> memref<!tpu.dma_semaphore, #tpu.memory_space<semaphore_mem>>
    tpu.wait_indirect_dma semaphore(%dma_wait3A_531 : memref<!tpu.dma_semaphore, #tpu.memory_space<semaphore_mem>>) src(%dma_wait3A_529 : memref<10000x128xf32, #tpu.memory_space<hbm>>) dst(%dma_wait3A_523 : memref<80x128xf32, #tpu.memory_space<vmem>>)
    %dma_wait3A_532 = arith.constant 1 : i32
    %dma_wait3A_533 = arith.constant 3 : i32
    %dma_wait3A_534 = arith.constant 1 : i32
    %dma_wait3A_535 = arith.constant 0 : i32
    %dma_wait3A_536 = arith.constant 0 : i32
    %dma_wait3A_537 = tpu.memref_slice %arg9[%dma_wait3A_532, %dma_wait3A_535, %dma_wait3A_536] : memref<2x80x128xf32, #tpu.memory_space<vmem>> -> memref<1x80x128xf32, #tpu.memory_space<vmem>>
    %dma_wait3A_538 = tpu.memref_squeeze %dma_wait3A_537 : memref<1x80x128xf32, #tpu.memory_space<vmem>> -> memref<80x128xf32, #tpu.memory_space<vmem>>
    %dma_wait3A_539 = arith.constant 0 : i32
    %dma_wait3A_540 = tpu.memref_slice %arg8[%dma_wait3A_533, %dma_wait3A_539] : memref<4x80xi32, #tpu.memory_space<vmem>> -> memref<1x80xi32, #tpu.memory_space<vmem>>
    %dma_wait3A_541 = tpu.memref_squeeze %dma_wait3A_540 : memref<1x80xi32, #tpu.memory_space<vmem>> -> memref<80xi32, #tpu.memory_space<vmem>>
    %dma_wait3A_542 = arith.constant 0 : i32
    %dma_wait3A_543 = arith.constant 0 : i32
    %dma_wait3A_544 = tpu.memref_slice %arg10[%dma_wait3A_542, %dma_wait3A_543] : memref<10240x128xf32, #tpu.memory_space<vmem_shared>> -> memref<10240x128xf32, #tpu.memory_space<vmem_shared>>
    %dma_wait3A_545 = tpu.memref_slice %arg13[%dma_wait3A_534] : memref<2x!tpu.dma_semaphore, #tpu.memory_space<semaphore_mem>> -> memref<1x!tpu.dma_semaphore, #tpu.memory_space<semaphore_mem>>
    %dma_wait3A_546 = tpu.memref_squeeze %dma_wait3A_545 : memref<1x!tpu.dma_semaphore, #tpu.memory_space<semaphore_mem>> -> memref<!tpu.dma_semaphore, #tpu.memory_space<semaphore_mem>>
    tpu.wait_indirect_dma semaphore(%dma_wait3A_546 : memref<!tpu.dma_semaphore, #tpu.memory_space<semaphore_mem>>) src(%dma_wait3A_538 : memref<80x128xf32, #tpu.memory_space<vmem>>) dst(%dma_wait3A_544 : memref<10240x128xf32, #tpu.memory_space<vmem_shared>>)
    %dma_start3A_547 = arith.constant 0 : i32
    %dma_start3A_548 = arith.constant 0 : i32
    %dma_start3A_549 = arith.constant 0 : i32
    %dma_start3A_550 = arith.constant 0 : i32
    %dma_start3A_551 = arith.constant 0 : i32
    %dma_start3A_552 = tpu.memref_slice %arg9[%dma_start3A_547, %dma_start3A_550, %dma_start3A_551] : memref<2x80x128xf32, #tpu.memory_space<vmem>> -> memref<1x80x128xf32, #tpu.memory_space<vmem>>
    %dma_start3A_553 = tpu.memref_squeeze %dma_start3A_552 : memref<1x80x128xf32, #tpu.memory_space<vmem>> -> memref<80x128xf32, #tpu.memory_space<vmem>>
    %dma_start3A_554 = arith.constant 0 : i32
    %dma_start3A_555 = tpu.memref_slice %arg8[%dma_start3A_548, %dma_start3A_554] : memref<4x80xi32, #tpu.memory_space<vmem>> -> memref<1x80xi32, #tpu.memory_space<vmem>>
    %dma_start3A_556 = tpu.memref_squeeze %dma_start3A_555 : memref<1x80xi32, #tpu.memory_space<vmem>> -> memref<80xi32, #tpu.memory_space<vmem>>
    %dma_start3A_557 = arith.constant 0 : i32
    %dma_start3A_558 = arith.constant 0 : i32
    %dma_start3A_559 = tpu.memref_slice %arg10[%dma_start3A_557, %dma_start3A_558] : memref<10240x128xf32, #tpu.memory_space<vmem_shared>> -> memref<10240x128xf32, #tpu.memory_space<vmem_shared>>
    %dma_start3A_560 = tpu.memref_slice %arg13[%dma_start3A_549] : memref<2x!tpu.dma_semaphore, #tpu.memory_space<semaphore_mem>> -> memref<1x!tpu.dma_semaphore, #tpu.memory_space<semaphore_mem>>
    %dma_start3A_561 = tpu.memref_squeeze %dma_start3A_560 : memref<1x!tpu.dma_semaphore, #tpu.memory_space<semaphore_mem>> -> memref<!tpu.dma_semaphore, #tpu.memory_space<semaphore_mem>>
    tpu.enqueue_indirect_dma source(%dma_start3A_553 : memref<80x128xf32, #tpu.memory_space<vmem>>) target(%dma_start3A_559 : memref<10240x128xf32, #tpu.memory_space<vmem_shared>>) offsets(%dma_start3A_556 : memref<80xi32, #tpu.memory_space<vmem>>) semaphore(%dma_start3A_561 : memref<!tpu.dma_semaphore, #tpu.memory_space<semaphore_mem>>) {add = true}
    %dma_wait3A_562 = arith.constant 0 : i32
    %dma_wait3A_563 = arith.constant 0 : i32
    %dma_wait3A_564 = arith.constant 0 : i32
    %dma_wait3A_565 = arith.constant 0 : i32
    %dma_wait3A_566 = arith.constant 0 : i32
    %dma_wait3A_567 = tpu.memref_slice %arg9[%dma_wait3A_562, %dma_wait3A_565, %dma_wait3A_566] : memref<2x80x128xf32, #tpu.memory_space<vmem>> -> memref<1x80x128xf32, #tpu.memory_space<vmem>>
    %dma_wait3A_568 = tpu.memref_squeeze %dma_wait3A_567 : memref<1x80x128xf32, #tpu.memory_space<vmem>> -> memref<80x128xf32, #tpu.memory_space<vmem>>
    %dma_wait3A_569 = arith.constant 0 : i32
    %dma_wait3A_570 = tpu.memref_slice %arg8[%dma_wait3A_563, %dma_wait3A_569] : memref<4x80xi32, #tpu.memory_space<vmem>> -> memref<1x80xi32, #tpu.memory_space<vmem>>
    %dma_wait3A_571 = tpu.memref_squeeze %dma_wait3A_570 : memref<1x80xi32, #tpu.memory_space<vmem>> -> memref<80xi32, #tpu.memory_space<vmem>>
    %dma_wait3A_572 = arith.constant 0 : i32
    %dma_wait3A_573 = arith.constant 0 : i32
    %dma_wait3A_574 = tpu.memref_slice %arg10[%dma_wait3A_572, %dma_wait3A_573] : memref<10240x128xf32, #tpu.memory_space<vmem_shared>> -> memref<10240x128xf32, #tpu.memory_space<vmem_shared>>
    %dma_wait3A_575 = tpu.memref_slice %arg13[%dma_wait3A_564] : memref<2x!tpu.dma_semaphore, #tpu.memory_space<semaphore_mem>> -> memref<1x!tpu.dma_semaphore, #tpu.memory_space<semaphore_mem>>
    %dma_wait3A_576 = tpu.memref_squeeze %dma_wait3A_575 : memref<1x!tpu.dma_semaphore, #tpu.memory_space<semaphore_mem>> -> memref<!tpu.dma_semaphore, #tpu.memory_space<semaphore_mem>>
    tpu.wait_indirect_dma semaphore(%dma_wait3A_576 : memref<!tpu.dma_semaphore, #tpu.memory_space<semaphore_mem>>) src(%dma_wait3A_568 : memref<80x128xf32, #tpu.memory_space<vmem>>) dst(%dma_wait3A_574 : memref<10240x128xf32, #tpu.memory_space<vmem_shared>>)
    %barrier3A_577 = arith.constant 0 : index
    tpu.barrier barrier_id(%barrier3A_577)
    %mul3A_578 = arith.constant 640 : i32
    %mul3A_579 = arith.muli %arg1, %mul3A_578 : i32
    %mul3A_580 = arith.constant 640 : i32
    %mul3A_581 = arith.muli %arg1, %mul3A_580 : i32
    "tpu.region"() ({
      %run_scoped3A = tpu.sem_alloc : memref<!tpu.dma_semaphore, #tpu.memory_space<semaphore_mem>>
      %dma_start3A_582 = arith.constant 0 : i32
      %dma_start3A_583 = tpu.memref_slice %arg6[%arg0, %mul3A_581, %dma_start3A_582] : memref<2x10240x128xf32, #tpu.memory_space<hbm>> -> memref<1x640x128xf32, #tpu.memory_space<hbm>>
      %dma_start3A_584 = tpu.memref_squeeze %dma_start3A_583 : memref<1x640x128xf32, #tpu.memory_space<hbm>> -> memref<640x128xf32, #tpu.memory_space<hbm>>
      %dma_start3A_585 = arith.constant 0 : i32
      %dma_start3A_586 = tpu.memref_slice %arg10[%mul3A_579, %dma_start3A_585] : memref<10240x128xf32, #tpu.memory_space<vmem_shared>> -> memref<640x128xf32, #tpu.memory_space<vmem_shared>>
      tpu.enqueue_dma source(%dma_start3A_586 : memref<640x128xf32, #tpu.memory_space<vmem_shared>>) target(%dma_start3A_584 : memref<640x128xf32, #tpu.memory_space<hbm>>) target_semaphore(%run_scoped3A : memref<!tpu.dma_semaphore, #tpu.memory_space<semaphore_mem>>)
      %dma_wait3A_587 = arith.constant 0 : i32
      %dma_wait3A_588 = tpu.memref_slice %arg6[%arg0, %mul3A_581, %dma_wait3A_587] : memref<2x10240x128xf32, #tpu.memory_space<hbm>> -> memref<1x640x128xf32, #tpu.memory_space<hbm>>
      %dma_wait3A_589 = tpu.memref_squeeze %dma_wait3A_588 : memref<1x640x128xf32, #tpu.memory_space<hbm>> -> memref<640x128xf32, #tpu.memory_space<hbm>>
      %dma_wait3A_590 = arith.constant 0 : i32
      %dma_wait3A_591 = tpu.memref_slice %arg10[%mul3A_579, %dma_wait3A_590] : memref<10240x128xf32, #tpu.memory_space<vmem_shared>> -> memref<640x128xf32, #tpu.memory_space<vmem_shared>>
      tpu.wait_dma2 semaphore(%run_scoped3A : memref<!tpu.dma_semaphore, #tpu.memory_space<semaphore_mem>>) src(%dma_wait3A_591 : memref<640x128xf32, #tpu.memory_space<vmem_shared>>) dst(%dma_wait3A_589 : memref<640x128xf32, #tpu.memory_space<hbm>>)
      tpu.yield
    }) : () -> ()
    return
  }
}

#map = affine_map<(d0, d1) -> (0, 0)>
#map1 = affine_map<(d0, d1) -> (0)>
#map2 = affine_map<(d0, d1) -> (0, 0, 0)>
module attributes {stable_mosaic.version = 14 : i64} {
  func.func @body(%arg0: i32, %arg1: i32, %arg2: memref<10000x128xf32, #tpu.memory_space<hbm>>, %arg3: memref<320000xi32, #tpu.memory_space<hbm>>, %arg4: memref<320000xi32, #tpu.memory_space<hbm>>, %arg5: memref<640x128xf32, #tpu.memory_space<hbm>>, %arg6: memref<640x16xf32, #tpu.memory_space<hbm>>, %arg7: memref<80x16xf32, #tpu.memory_space<hbm>>, %arg8: memref<2x10240x128xf32, #tpu.memory_space<hbm>>, %arg9: memref<2x10240x16xf32, #tpu.memory_space<hbm>>, %arg10: memref<4x80xi32, #tpu.memory_space<vmem>>, %arg11: memref<4x80xi32, #tpu.memory_space<vmem>>, %arg12: memref<2x80x128xf32, #tpu.memory_space<vmem>>, %arg13: memref<10240x128xf32, #tpu.memory_space<vmem_shared>>, %arg14: memref<4x!tpu.dma_semaphore, #tpu.memory_space<semaphore_mem>>, %arg15: memref<2x!tpu.dma_semaphore, #tpu.memory_space<semaphore_mem>>, %arg16: memref<2x!tpu.dma_semaphore, #tpu.memory_space<semaphore_mem>>, %arg17: memref<80x16xf32, #tpu.memory_space<vmem>>, %arg18: memref<10240x16xf32, #tpu.memory_space<vmem_shared>>, %arg19: memref<2x!tpu.dma_semaphore, #tpu.memory_space<semaphore_mem>>) attributes {dimension_semantics = [#tpu.dimension_semantics<core_parallel>, #tpu.dimension_semantics<subcore_parallel>], iteration_bounds = array<i64: 2, 16>, scalar_prefetch = 0 : i64, scratch_operands = 10 : i64, tpu.core_type = #tpu.core_type<sc_vector_subcore>, window_params = [{transform_indices = #map}, {transform_indices = #map1}, {transform_indices = #map1}, {transform_indices = #map}, {transform_indices = #map}, {transform_indices = #map}, {transform_indices = #map2}, {transform_indices = #map2}]} {
    %mul3A = arith.constant 16 : i32
    %mul3A_0 = arith.muli %arg0, %mul3A : i32
    %add3A = arith.addi %mul3A_0, %arg1 : i32
    %mul3A_1 = arith.constant 10000 : i32
    %mul3A_2 = arith.muli %add3A, %mul3A_1 : i32
    %mul3A_3 = arith.constant 640 : i32
    %mul3A_4 = arith.muli %arg1, %mul3A_3 : i32
    "tpu.region"() ({
      %run_scoped3A = tpu.sem_alloc : memref<!tpu.dma_semaphore, #tpu.memory_space<semaphore_mem>>
      %dma_start3A_688 = arith.constant 0 : i32
      %dma_start3A_689 = tpu.memref_slice %arg13[%mul3A_4, %dma_start3A_688] : memref<10240x128xf32, #tpu.memory_space<vmem_shared>> -> memref<640x128xf32, #tpu.memory_space<vmem_shared>>
      tpu.enqueue_dma source(%arg5 : memref<640x128xf32, #tpu.memory_space<hbm>>) target(%dma_start3A_689 : memref<640x128xf32, #tpu.memory_space<vmem_shared>>) target_semaphore(%run_scoped3A : memref<!tpu.dma_semaphore, #tpu.memory_space<semaphore_mem>>)
      %dma_wait3A_690 = arith.constant 0 : i32
      %dma_wait3A_691 = tpu.memref_slice %arg13[%mul3A_4, %dma_wait3A_690] : memref<10240x128xf32, #tpu.memory_space<vmem_shared>> -> memref<640x128xf32, #tpu.memory_space<vmem_shared>>
      tpu.wait_dma2 semaphore(%run_scoped3A : memref<!tpu.dma_semaphore, #tpu.memory_space<semaphore_mem>>) src(%arg5 : memref<640x128xf32, #tpu.memory_space<hbm>>) dst(%dma_wait3A_691 : memref<640x128xf32, #tpu.memory_space<vmem_shared>>)
      tpu.yield
    }) : () -> ()
    %mul3A_5 = arith.constant 640 : i32
    %mul3A_6 = arith.muli %arg1, %mul3A_5 : i32
    "tpu.region"() ({
      %run_scoped3A = tpu.sem_alloc : memref<!tpu.dma_semaphore, #tpu.memory_space<semaphore_mem>>
      %dma_start3A_688 = arith.constant 0 : i32
      %dma_start3A_689 = tpu.memref_slice %arg18[%mul3A_6, %dma_start3A_688] : memref<10240x16xf32, #tpu.memory_space<vmem_shared>> -> memref<640x16xf32, #tpu.memory_space<vmem_shared>>
      tpu.enqueue_dma source(%arg6 : memref<640x16xf32, #tpu.memory_space<hbm>>) target(%dma_start3A_689 : memref<640x16xf32, #tpu.memory_space<vmem_shared>>) target_semaphore(%run_scoped3A : memref<!tpu.dma_semaphore, #tpu.memory_space<semaphore_mem>>)
      %dma_wait3A_690 = arith.constant 0 : i32
      %dma_wait3A_691 = tpu.memref_slice %arg18[%mul3A_6, %dma_wait3A_690] : memref<10240x16xf32, #tpu.memory_space<vmem_shared>> -> memref<640x16xf32, #tpu.memory_space<vmem_shared>>
      tpu.wait_dma2 semaphore(%run_scoped3A : memref<!tpu.dma_semaphore, #tpu.memory_space<semaphore_mem>>) src(%arg6 : memref<640x16xf32, #tpu.memory_space<hbm>>) dst(%dma_wait3A_691 : memref<640x16xf32, #tpu.memory_space<vmem_shared>>)
      tpu.yield
    }) : () -> ()
    "tpu.region"() ({
      %run_scoped3A = tpu.sem_alloc : memref<!tpu.dma_semaphore, #tpu.memory_space<semaphore_mem>>
      tpu.enqueue_dma source(%arg7 : memref<80x16xf32, #tpu.memory_space<hbm>>) target(%arg17 : memref<80x16xf32, #tpu.memory_space<vmem>>) target_semaphore(%run_scoped3A : memref<!tpu.dma_semaphore, #tpu.memory_space<semaphore_mem>>)
      tpu.wait_dma2 semaphore(%run_scoped3A : memref<!tpu.dma_semaphore, #tpu.memory_space<semaphore_mem>>) src(%arg7 : memref<80x16xf32, #tpu.memory_space<hbm>>) dst(%arg17 : memref<80x16xf32, #tpu.memory_space<vmem>>)
      tpu.yield
    }) : () -> ()
    %barrier3A = arith.constant 0 : index
    tpu.barrier barrier_id(%barrier3A)
    %add3A_7 = arith.constant 0 : i32
    %add3A_8 = arith.addi %mul3A_2, %add3A_7 : i32
    %dma_start3A = arith.constant 0 : i32
    %dma_start3A_9 = arith.constant 0 : i32
    %dma_start3A_10 = arith.constant 0 : i32
    %dma_start3A_11 = tpu.memref_slice %arg10[%dma_start3A, %dma_start3A_10] : memref<4x80xi32, #tpu.memory_space<vmem>> -> memref<1x80xi32, #tpu.memory_space<vmem>>
    %dma_start3A_12 = tpu.memref_squeeze %dma_start3A_11 : memref<1x80xi32, #tpu.memory_space<vmem>> -> memref<80xi32, #tpu.memory_space<vmem>>
    %dma_start3A_13 = tpu.memref_slice %arg3[%add3A_8] : memref<320000xi32, #tpu.memory_space<hbm>> -> memref<80xi32, #tpu.memory_space<hbm>>
    %dma_start3A_14 = tpu.memref_slice %arg14[%dma_start3A_9] : memref<4x!tpu.dma_semaphore, #tpu.memory_space<semaphore_mem>> -> memref<1x!tpu.dma_semaphore, #tpu.memory_space<semaphore_mem>>
    %dma_start3A_15 = tpu.memref_squeeze %dma_start3A_14 : memref<1x!tpu.dma_semaphore, #tpu.memory_space<semaphore_mem>> -> memref<!tpu.dma_semaphore, #tpu.memory_space<semaphore_mem>>
    %dma_start3A_16 = arith.constant 0 : i32
    %dma_start3A_17 = tpu.memref_slice %arg10[%dma_start3A, %dma_start3A_16] : memref<4x80xi32, #tpu.memory_space<vmem>> -> memref<1x80xi32, #tpu.memory_space<vmem>>
    %dma_start3A_18 = tpu.memref_squeeze %dma_start3A_17 : memref<1x80xi32, #tpu.memory_space<vmem>> -> memref<80xi32, #tpu.memory_space<vmem>>
    %dma_start3A_19 = tpu.memref_slice %arg3[%add3A_8] : memref<320000xi32, #tpu.memory_space<hbm>> -> memref<80xi32, #tpu.memory_space<hbm>>
    tpu.enqueue_dma source(%dma_start3A_19 : memref<80xi32, #tpu.memory_space<hbm>>) target(%dma_start3A_18 : memref<80xi32, #tpu.memory_space<vmem>>) target_semaphore(%dma_start3A_15 : memref<!tpu.dma_semaphore, #tpu.memory_space<semaphore_mem>>)
    %dma_start3A_20 = arith.constant 0 : i32
    %dma_start3A_21 = arith.constant 0 : i32
    %dma_start3A_22 = arith.constant 0 : i32
    %dma_start3A_23 = tpu.memref_slice %arg11[%dma_start3A_20, %dma_start3A_22] : memref<4x80xi32, #tpu.memory_space<vmem>> -> memref<1x80xi32, #tpu.memory_space<vmem>>
    %dma_start3A_24 = tpu.memref_squeeze %dma_start3A_23 : memref<1x80xi32, #tpu.memory_space<vmem>> -> memref<80xi32, #tpu.memory_space<vmem>>
    %dma_start3A_25 = tpu.memref_slice %arg4[%add3A_8] : memref<320000xi32, #tpu.memory_space<hbm>> -> memref<80xi32, #tpu.memory_space<hbm>>
    %dma_start3A_26 = tpu.memref_slice %arg14[%dma_start3A_21] : memref<4x!tpu.dma_semaphore, #tpu.memory_space<semaphore_mem>> -> memref<1x!tpu.dma_semaphore, #tpu.memory_space<semaphore_mem>>
    %dma_start3A_27 = tpu.memref_squeeze %dma_start3A_26 : memref<1x!tpu.dma_semaphore, #tpu.memory_space<semaphore_mem>> -> memref<!tpu.dma_semaphore, #tpu.memory_space<semaphore_mem>>
    %dma_start3A_28 = arith.constant 0 : i32
    %dma_start3A_29 = tpu.memref_slice %arg11[%dma_start3A_20, %dma_start3A_28] : memref<4x80xi32, #tpu.memory_space<vmem>> -> memref<1x80xi32, #tpu.memory_space<vmem>>
    %dma_start3A_30 = tpu.memref_squeeze %dma_start3A_29 : memref<1x80xi32, #tpu.memory_space<vmem>> -> memref<80xi32, #tpu.memory_space<vmem>>
    %dma_start3A_31 = tpu.memref_slice %arg4[%add3A_8] : memref<320000xi32, #tpu.memory_space<hbm>> -> memref<80xi32, #tpu.memory_space<hbm>>
    tpu.enqueue_dma source(%dma_start3A_31 : memref<80xi32, #tpu.memory_space<hbm>>) target(%dma_start3A_30 : memref<80xi32, #tpu.memory_space<vmem>>) target_semaphore(%dma_start3A_27 : memref<!tpu.dma_semaphore, #tpu.memory_space<semaphore_mem>>)
    %add3A_32 = arith.constant 80 : i32
    %add3A_33 = arith.addi %mul3A_2, %add3A_32 : i32
    %dma_start3A_34 = arith.constant 1 : i32
    %dma_start3A_35 = arith.constant 1 : i32
    %dma_start3A_36 = arith.constant 0 : i32
    %dma_start3A_37 = tpu.memref_slice %arg10[%dma_start3A_34, %dma_start3A_36] : memref<4x80xi32, #tpu.memory_space<vmem>> -> memref<1x80xi32, #tpu.memory_space<vmem>>
    %dma_start3A_38 = tpu.memref_squeeze %dma_start3A_37 : memref<1x80xi32, #tpu.memory_space<vmem>> -> memref<80xi32, #tpu.memory_space<vmem>>
    %dma_start3A_39 = tpu.memref_slice %arg3[%add3A_33] : memref<320000xi32, #tpu.memory_space<hbm>> -> memref<80xi32, #tpu.memory_space<hbm>>
    %dma_start3A_40 = tpu.memref_slice %arg14[%dma_start3A_35] : memref<4x!tpu.dma_semaphore, #tpu.memory_space<semaphore_mem>> -> memref<1x!tpu.dma_semaphore, #tpu.memory_space<semaphore_mem>>
    %dma_start3A_41 = tpu.memref_squeeze %dma_start3A_40 : memref<1x!tpu.dma_semaphore, #tpu.memory_space<semaphore_mem>> -> memref<!tpu.dma_semaphore, #tpu.memory_space<semaphore_mem>>
    %dma_start3A_42 = arith.constant 0 : i32
    %dma_start3A_43 = tpu.memref_slice %arg10[%dma_start3A_34, %dma_start3A_42] : memref<4x80xi32, #tpu.memory_space<vmem>> -> memref<1x80xi32, #tpu.memory_space<vmem>>
    %dma_start3A_44 = tpu.memref_squeeze %dma_start3A_43 : memref<1x80xi32, #tpu.memory_space<vmem>> -> memref<80xi32, #tpu.memory_space<vmem>>
    %dma_start3A_45 = tpu.memref_slice %arg3[%add3A_33] : memref<320000xi32, #tpu.memory_space<hbm>> -> memref<80xi32, #tpu.memory_space<hbm>>
    tpu.enqueue_dma source(%dma_start3A_45 : memref<80xi32, #tpu.memory_space<hbm>>) target(%dma_start3A_44 : memref<80xi32, #tpu.memory_space<vmem>>) target_semaphore(%dma_start3A_41 : memref<!tpu.dma_semaphore, #tpu.memory_space<semaphore_mem>>)
    %dma_start3A_46 = arith.constant 1 : i32
    %dma_start3A_47 = arith.constant 1 : i32
    %dma_start3A_48 = arith.constant 0 : i32
    %dma_start3A_49 = tpu.memref_slice %arg11[%dma_start3A_46, %dma_start3A_48] : memref<4x80xi32, #tpu.memory_space<vmem>> -> memref<1x80xi32, #tpu.memory_space<vmem>>
    %dma_start3A_50 = tpu.memref_squeeze %dma_start3A_49 : memref<1x80xi32, #tpu.memory_space<vmem>> -> memref<80xi32, #tpu.memory_space<vmem>>
    %dma_start3A_51 = tpu.memref_slice %arg4[%add3A_33] : memref<320000xi32, #tpu.memory_space<hbm>> -> memref<80xi32, #tpu.memory_space<hbm>>
    %dma_start3A_52 = tpu.memref_slice %arg14[%dma_start3A_47] : memref<4x!tpu.dma_semaphore, #tpu.memory_space<semaphore_mem>> -> memref<1x!tpu.dma_semaphore, #tpu.memory_space<semaphore_mem>>
    %dma_start3A_53 = tpu.memref_squeeze %dma_start3A_52 : memref<1x!tpu.dma_semaphore, #tpu.memory_space<semaphore_mem>> -> memref<!tpu.dma_semaphore, #tpu.memory_space<semaphore_mem>>
    %dma_start3A_54 = arith.constant 0 : i32
    %dma_start3A_55 = tpu.memref_slice %arg11[%dma_start3A_46, %dma_start3A_54] : memref<4x80xi32, #tpu.memory_space<vmem>> -> memref<1x80xi32, #tpu.memory_space<vmem>>
    %dma_start3A_56 = tpu.memref_squeeze %dma_start3A_55 : memref<1x80xi32, #tpu.memory_space<vmem>> -> memref<80xi32, #tpu.memory_space<vmem>>
    %dma_start3A_57 = tpu.memref_slice %arg4[%add3A_33] : memref<320000xi32, #tpu.memory_space<hbm>> -> memref<80xi32, #tpu.memory_space<hbm>>
    tpu.enqueue_dma source(%dma_start3A_57 : memref<80xi32, #tpu.memory_space<hbm>>) target(%dma_start3A_56 : memref<80xi32, #tpu.memory_space<vmem>>) target_semaphore(%dma_start3A_53 : memref<!tpu.dma_semaphore, #tpu.memory_space<semaphore_mem>>)
    %add3A_58 = arith.constant 160 : i32
    %add3A_59 = arith.addi %mul3A_2, %add3A_58 : i32
    %dma_start3A_60 = arith.constant 2 : i32
    %dma_start3A_61 = arith.constant 2 : i32
    %dma_start3A_62 = arith.constant 0 : i32
    %dma_start3A_63 = tpu.memref_slice %arg10[%dma_start3A_60, %dma_start3A_62] : memref<4x80xi32, #tpu.memory_space<vmem>> -> memref<1x80xi32, #tpu.memory_space<vmem>>
    %dma_start3A_64 = tpu.memref_squeeze %dma_start3A_63 : memref<1x80xi32, #tpu.memory_space<vmem>> -> memref<80xi32, #tpu.memory_space<vmem>>
    %dma_start3A_65 = tpu.memref_slice %arg3[%add3A_59] : memref<320000xi32, #tpu.memory_space<hbm>> -> memref<80xi32, #tpu.memory_space<hbm>>
    %dma_start3A_66 = tpu.memref_slice %arg14[%dma_start3A_61] : memref<4x!tpu.dma_semaphore, #tpu.memory_space<semaphore_mem>> -> memref<1x!tpu.dma_semaphore, #tpu.memory_space<semaphore_mem>>
    %dma_start3A_67 = tpu.memref_squeeze %dma_start3A_66 : memref<1x!tpu.dma_semaphore, #tpu.memory_space<semaphore_mem>> -> memref<!tpu.dma_semaphore, #tpu.memory_space<semaphore_mem>>
    %dma_start3A_68 = arith.constant 0 : i32
    %dma_start3A_69 = tpu.memref_slice %arg10[%dma_start3A_60, %dma_start3A_68] : memref<4x80xi32, #tpu.memory_space<vmem>> -> memref<1x80xi32, #tpu.memory_space<vmem>>
    %dma_start3A_70 = tpu.memref_squeeze %dma_start3A_69 : memref<1x80xi32, #tpu.memory_space<vmem>> -> memref<80xi32, #tpu.memory_space<vmem>>
    %dma_start3A_71 = tpu.memref_slice %arg3[%add3A_59] : memref<320000xi32, #tpu.memory_space<hbm>> -> memref<80xi32, #tpu.memory_space<hbm>>
    tpu.enqueue_dma source(%dma_start3A_71 : memref<80xi32, #tpu.memory_space<hbm>>) target(%dma_start3A_70 : memref<80xi32, #tpu.memory_space<vmem>>) target_semaphore(%dma_start3A_67 : memref<!tpu.dma_semaphore, #tpu.memory_space<semaphore_mem>>)
    %dma_start3A_72 = arith.constant 2 : i32
    %dma_start3A_73 = arith.constant 2 : i32
    %dma_start3A_74 = arith.constant 0 : i32
    %dma_start3A_75 = tpu.memref_slice %arg11[%dma_start3A_72, %dma_start3A_74] : memref<4x80xi32, #tpu.memory_space<vmem>> -> memref<1x80xi32, #tpu.memory_space<vmem>>
    %dma_start3A_76 = tpu.memref_squeeze %dma_start3A_75 : memref<1x80xi32, #tpu.memory_space<vmem>> -> memref<80xi32, #tpu.memory_space<vmem>>
    %dma_start3A_77 = tpu.memref_slice %arg4[%add3A_59] : memref<320000xi32, #tpu.memory_space<hbm>> -> memref<80xi32, #tpu.memory_space<hbm>>
    %dma_start3A_78 = tpu.memref_slice %arg14[%dma_start3A_73] : memref<4x!tpu.dma_semaphore, #tpu.memory_space<semaphore_mem>> -> memref<1x!tpu.dma_semaphore, #tpu.memory_space<semaphore_mem>>
    %dma_start3A_79 = tpu.memref_squeeze %dma_start3A_78 : memref<1x!tpu.dma_semaphore, #tpu.memory_space<semaphore_mem>> -> memref<!tpu.dma_semaphore, #tpu.memory_space<semaphore_mem>>
    %dma_start3A_80 = arith.constant 0 : i32
    %dma_start3A_81 = tpu.memref_slice %arg11[%dma_start3A_72, %dma_start3A_80] : memref<4x80xi32, #tpu.memory_space<vmem>> -> memref<1x80xi32, #tpu.memory_space<vmem>>
    %dma_start3A_82 = tpu.memref_squeeze %dma_start3A_81 : memref<1x80xi32, #tpu.memory_space<vmem>> -> memref<80xi32, #tpu.memory_space<vmem>>
    %dma_start3A_83 = tpu.memref_slice %arg4[%add3A_59] : memref<320000xi32, #tpu.memory_space<hbm>> -> memref<80xi32, #tpu.memory_space<hbm>>
    tpu.enqueue_dma source(%dma_start3A_83 : memref<80xi32, #tpu.memory_space<hbm>>) target(%dma_start3A_82 : memref<80xi32, #tpu.memory_space<vmem>>) target_semaphore(%dma_start3A_79 : memref<!tpu.dma_semaphore, #tpu.memory_space<semaphore_mem>>)
    %dma_wait3A = arith.constant 0 : i32
    %dma_wait3A_84 = arith.constant 0 : i32
    %dma_wait3A_85 = arith.constant 0 : i32
    %dma_wait3A_86 = tpu.memref_slice %arg10[%dma_wait3A, %dma_wait3A_85] : memref<4x80xi32, #tpu.memory_space<vmem>> -> memref<1x80xi32, #tpu.memory_space<vmem>>
    %dma_wait3A_87 = tpu.memref_squeeze %dma_wait3A_86 : memref<1x80xi32, #tpu.memory_space<vmem>> -> memref<80xi32, #tpu.memory_space<vmem>>
    %dma_wait3A_88 = arith.constant 0 : i32
    %dma_wait3A_89 = tpu.memref_slice %arg3[%dma_wait3A_88] : memref<320000xi32, #tpu.memory_space<hbm>> -> memref<80xi32, #tpu.memory_space<hbm>>
    %dma_wait3A_90 = tpu.memref_slice %arg14[%dma_wait3A_84] : memref<4x!tpu.dma_semaphore, #tpu.memory_space<semaphore_mem>> -> memref<1x!tpu.dma_semaphore, #tpu.memory_space<semaphore_mem>>
    %dma_wait3A_91 = tpu.memref_squeeze %dma_wait3A_90 : memref<1x!tpu.dma_semaphore, #tpu.memory_space<semaphore_mem>> -> memref<!tpu.dma_semaphore, #tpu.memory_space<semaphore_mem>>
    %dma_wait3A_92 = arith.constant 0 : i32
    %dma_wait3A_93 = tpu.memref_slice %arg10[%dma_wait3A, %dma_wait3A_92] : memref<4x80xi32, #tpu.memory_space<vmem>> -> memref<1x80xi32, #tpu.memory_space<vmem>>
    %dma_wait3A_94 = tpu.memref_squeeze %dma_wait3A_93 : memref<1x80xi32, #tpu.memory_space<vmem>> -> memref<80xi32, #tpu.memory_space<vmem>>
    %dma_wait3A_95 = arith.constant 0 : i32
    %dma_wait3A_96 = tpu.memref_slice %arg3[%dma_wait3A_95] : memref<320000xi32, #tpu.memory_space<hbm>> -> memref<80xi32, #tpu.memory_space<hbm>>
    tpu.wait_dma2 semaphore(%dma_wait3A_91 : memref<!tpu.dma_semaphore, #tpu.memory_space<semaphore_mem>>) src(%dma_wait3A_96 : memref<80xi32, #tpu.memory_space<hbm>>) dst(%dma_wait3A_94 : memref<80xi32, #tpu.memory_space<vmem>>)
    %dma_wait3A_97 = arith.constant 0 : i32
    %dma_wait3A_98 = arith.constant 0 : i32
    %dma_wait3A_99 = arith.constant 0 : i32
    %dma_wait3A_100 = tpu.memref_slice %arg11[%dma_wait3A_97, %dma_wait3A_99] : memref<4x80xi32, #tpu.memory_space<vmem>> -> memref<1x80xi32, #tpu.memory_space<vmem>>
    %dma_wait3A_101 = tpu.memref_squeeze %dma_wait3A_100 : memref<1x80xi32, #tpu.memory_space<vmem>> -> memref<80xi32, #tpu.memory_space<vmem>>
    %dma_wait3A_102 = arith.constant 0 : i32
    %dma_wait3A_103 = tpu.memref_slice %arg4[%dma_wait3A_102] : memref<320000xi32, #tpu.memory_space<hbm>> -> memref<80xi32, #tpu.memory_space<hbm>>
    %dma_wait3A_104 = tpu.memref_slice %arg14[%dma_wait3A_98] : memref<4x!tpu.dma_semaphore, #tpu.memory_space<semaphore_mem>> -> memref<1x!tpu.dma_semaphore, #tpu.memory_space<semaphore_mem>>
    %dma_wait3A_105 = tpu.memref_squeeze %dma_wait3A_104 : memref<1x!tpu.dma_semaphore, #tpu.memory_space<semaphore_mem>> -> memref<!tpu.dma_semaphore, #tpu.memory_space<semaphore_mem>>
    %dma_wait3A_106 = arith.constant 0 : i32
    %dma_wait3A_107 = tpu.memref_slice %arg11[%dma_wait3A_97, %dma_wait3A_106] : memref<4x80xi32, #tpu.memory_space<vmem>> -> memref<1x80xi32, #tpu.memory_space<vmem>>
    %dma_wait3A_108 = tpu.memref_squeeze %dma_wait3A_107 : memref<1x80xi32, #tpu.memory_space<vmem>> -> memref<80xi32, #tpu.memory_space<vmem>>
    %dma_wait3A_109 = arith.constant 0 : i32
    %dma_wait3A_110 = tpu.memref_slice %arg4[%dma_wait3A_109] : memref<320000xi32, #tpu.memory_space<hbm>> -> memref<80xi32, #tpu.memory_space<hbm>>
    tpu.wait_dma2 semaphore(%dma_wait3A_105 : memref<!tpu.dma_semaphore, #tpu.memory_space<semaphore_mem>>) src(%dma_wait3A_110 : memref<80xi32, #tpu.memory_space<hbm>>) dst(%dma_wait3A_108 : memref<80xi32, #tpu.memory_space<vmem>>)
    %dma_start3A_111 = arith.constant 0 : i32
    %dma_start3A_112 = arith.constant 0 : i32
    %dma_start3A_113 = arith.constant 0 : i32
    %dma_start3A_114 = arith.constant 0 : i32
    %dma_start3A_115 = arith.constant 0 : i32
    %dma_start3A_116 = tpu.memref_slice %arg12[%dma_start3A_112, %dma_start3A_114, %dma_start3A_115] : memref<2x80x128xf32, #tpu.memory_space<vmem>> -> memref<1x80x128xf32, #tpu.memory_space<vmem>>
    %dma_start3A_117 = tpu.memref_squeeze %dma_start3A_116 : memref<1x80x128xf32, #tpu.memory_space<vmem>> -> memref<80x128xf32, #tpu.memory_space<vmem>>
    %dma_start3A_118 = arith.constant 0 : i32
    %dma_start3A_119 = tpu.memref_slice %arg10[%dma_start3A_111, %dma_start3A_118] : memref<4x80xi32, #tpu.memory_space<vmem>> -> memref<1x80xi32, #tpu.memory_space<vmem>>
    %dma_start3A_120 = tpu.memref_squeeze %dma_start3A_119 : memref<1x80xi32, #tpu.memory_space<vmem>> -> memref<80xi32, #tpu.memory_space<vmem>>
    %dma_start3A_121 = arith.constant 0 : i32
    %dma_start3A_122 = arith.constant 0 : i32
    %dma_start3A_123 = tpu.memref_slice %arg2[%dma_start3A_121, %dma_start3A_122] : memref<10000x128xf32, #tpu.memory_space<hbm>> -> memref<10000x128xf32, #tpu.memory_space<hbm>>
    %dma_start3A_124 = tpu.memref_slice %arg15[%dma_start3A_113] : memref<2x!tpu.dma_semaphore, #tpu.memory_space<semaphore_mem>> -> memref<1x!tpu.dma_semaphore, #tpu.memory_space<semaphore_mem>>
    %dma_start3A_125 = tpu.memref_squeeze %dma_start3A_124 : memref<1x!tpu.dma_semaphore, #tpu.memory_space<semaphore_mem>> -> memref<!tpu.dma_semaphore, #tpu.memory_space<semaphore_mem>>
    tpu.enqueue_indirect_dma source(%dma_start3A_123 : memref<10000x128xf32, #tpu.memory_space<hbm>>) target(%dma_start3A_117 : memref<80x128xf32, #tpu.memory_space<vmem>>) offsets(%dma_start3A_120 : memref<80xi32, #tpu.memory_space<vmem>>) semaphore(%dma_start3A_125 : memref<!tpu.dma_semaphore, #tpu.memory_space<semaphore_mem>>)
    %dma_wait3A_126 = arith.constant 0 : i32
    %dma_wait3A_127 = arith.constant 0 : i32
    %dma_wait3A_128 = arith.constant 0 : i32
    %dma_wait3A_129 = arith.constant 0 : i32
    %dma_wait3A_130 = arith.constant 0 : i32
    %dma_wait3A_131 = tpu.memref_slice %arg12[%dma_wait3A_127, %dma_wait3A_129, %dma_wait3A_130] : memref<2x80x128xf32, #tpu.memory_space<vmem>> -> memref<1x80x128xf32, #tpu.memory_space<vmem>>
    %dma_wait3A_132 = tpu.memref_squeeze %dma_wait3A_131 : memref<1x80x128xf32, #tpu.memory_space<vmem>> -> memref<80x128xf32, #tpu.memory_space<vmem>>
    %dma_wait3A_133 = arith.constant 0 : i32
    %dma_wait3A_134 = tpu.memref_slice %arg10[%dma_wait3A_126, %dma_wait3A_133] : memref<4x80xi32, #tpu.memory_space<vmem>> -> memref<1x80xi32, #tpu.memory_space<vmem>>
    %dma_wait3A_135 = tpu.memref_squeeze %dma_wait3A_134 : memref<1x80xi32, #tpu.memory_space<vmem>> -> memref<80xi32, #tpu.memory_space<vmem>>
    %dma_wait3A_136 = arith.constant 0 : i32
    %dma_wait3A_137 = arith.constant 0 : i32
    %dma_wait3A_138 = tpu.memref_slice %arg2[%dma_wait3A_136, %dma_wait3A_137] : memref<10000x128xf32, #tpu.memory_space<hbm>> -> memref<10000x128xf32, #tpu.memory_space<hbm>>
    %dma_wait3A_139 = tpu.memref_slice %arg15[%dma_wait3A_128] : memref<2x!tpu.dma_semaphore, #tpu.memory_space<semaphore_mem>> -> memref<1x!tpu.dma_semaphore, #tpu.memory_space<semaphore_mem>>
    %dma_wait3A_140 = tpu.memref_squeeze %dma_wait3A_139 : memref<1x!tpu.dma_semaphore, #tpu.memory_space<semaphore_mem>> -> memref<!tpu.dma_semaphore, #tpu.memory_space<semaphore_mem>>
    tpu.wait_indirect_dma semaphore(%dma_wait3A_140 : memref<!tpu.dma_semaphore, #tpu.memory_space<semaphore_mem>>) src(%dma_wait3A_138 : memref<10000x128xf32, #tpu.memory_space<hbm>>) dst(%dma_wait3A_132 : memref<80x128xf32, #tpu.memory_space<vmem>>)
    %dma_wait3A_141 = arith.constant 1 : i32
    %dma_wait3A_142 = arith.constant 1 : i32
    %dma_wait3A_143 = arith.constant 0 : i32
    %dma_wait3A_144 = tpu.memref_slice %arg10[%dma_wait3A_141, %dma_wait3A_143] : memref<4x80xi32, #tpu.memory_space<vmem>> -> memref<1x80xi32, #tpu.memory_space<vmem>>
    %dma_wait3A_145 = tpu.memref_squeeze %dma_wait3A_144 : memref<1x80xi32, #tpu.memory_space<vmem>> -> memref<80xi32, #tpu.memory_space<vmem>>
    %dma_wait3A_146 = arith.constant 0 : i32
    %dma_wait3A_147 = tpu.memref_slice %arg3[%dma_wait3A_146] : memref<320000xi32, #tpu.memory_space<hbm>> -> memref<80xi32, #tpu.memory_space<hbm>>
    %dma_wait3A_148 = tpu.memref_slice %arg14[%dma_wait3A_142] : memref<4x!tpu.dma_semaphore, #tpu.memory_space<semaphore_mem>> -> memref<1x!tpu.dma_semaphore, #tpu.memory_space<semaphore_mem>>
    %dma_wait3A_149 = tpu.memref_squeeze %dma_wait3A_148 : memref<1x!tpu.dma_semaphore, #tpu.memory_space<semaphore_mem>> -> memref<!tpu.dma_semaphore, #tpu.memory_space<semaphore_mem>>
    %dma_wait3A_150 = arith.constant 0 : i32
    %dma_wait3A_151 = tpu.memref_slice %arg10[%dma_wait3A_141, %dma_wait3A_150] : memref<4x80xi32, #tpu.memory_space<vmem>> -> memref<1x80xi32, #tpu.memory_space<vmem>>
    %dma_wait3A_152 = tpu.memref_squeeze %dma_wait3A_151 : memref<1x80xi32, #tpu.memory_space<vmem>> -> memref<80xi32, #tpu.memory_space<vmem>>
    %dma_wait3A_153 = arith.constant 0 : i32
    %dma_wait3A_154 = tpu.memref_slice %arg3[%dma_wait3A_153] : memref<320000xi32, #tpu.memory_space<hbm>> -> memref<80xi32, #tpu.memory_space<hbm>>
    tpu.wait_dma2 semaphore(%dma_wait3A_149 : memref<!tpu.dma_semaphore, #tpu.memory_space<semaphore_mem>>) src(%dma_wait3A_154 : memref<80xi32, #tpu.memory_space<hbm>>) dst(%dma_wait3A_152 : memref<80xi32, #tpu.memory_space<vmem>>)
    %dma_wait3A_155 = arith.constant 1 : i32
    %dma_wait3A_156 = arith.constant 1 : i32
    %dma_wait3A_157 = arith.constant 0 : i32
    %dma_wait3A_158 = tpu.memref_slice %arg11[%dma_wait3A_155, %dma_wait3A_157] : memref<4x80xi32, #tpu.memory_space<vmem>> -> memref<1x80xi32, #tpu.memory_space<vmem>>
    %dma_wait3A_159 = tpu.memref_squeeze %dma_wait3A_158 : memref<1x80xi32, #tpu.memory_space<vmem>> -> memref<80xi32, #tpu.memory_space<vmem>>
    %dma_wait3A_160 = arith.constant 0 : i32
    %dma_wait3A_161 = tpu.memref_slice %arg4[%dma_wait3A_160] : memref<320000xi32, #tpu.memory_space<hbm>> -> memref<80xi32, #tpu.memory_space<hbm>>
    %dma_wait3A_162 = tpu.memref_slice %arg14[%dma_wait3A_156] : memref<4x!tpu.dma_semaphore, #tpu.memory_space<semaphore_mem>> -> memref<1x!tpu.dma_semaphore, #tpu.memory_space<semaphore_mem>>
    %dma_wait3A_163 = tpu.memref_squeeze %dma_wait3A_162 : memref<1x!tpu.dma_semaphore, #tpu.memory_space<semaphore_mem>> -> memref<!tpu.dma_semaphore, #tpu.memory_space<semaphore_mem>>
    %dma_wait3A_164 = arith.constant 0 : i32
    %dma_wait3A_165 = tpu.memref_slice %arg11[%dma_wait3A_155, %dma_wait3A_164] : memref<4x80xi32, #tpu.memory_space<vmem>> -> memref<1x80xi32, #tpu.memory_space<vmem>>
    %dma_wait3A_166 = tpu.memref_squeeze %dma_wait3A_165 : memref<1x80xi32, #tpu.memory_space<vmem>> -> memref<80xi32, #tpu.memory_space<vmem>>
    %dma_wait3A_167 = arith.constant 0 : i32
    %dma_wait3A_168 = tpu.memref_slice %arg4[%dma_wait3A_167] : memref<320000xi32, #tpu.memory_space<hbm>> -> memref<80xi32, #tpu.memory_space<hbm>>
    tpu.wait_dma2 semaphore(%dma_wait3A_163 : memref<!tpu.dma_semaphore, #tpu.memory_space<semaphore_mem>>) src(%dma_wait3A_168 : memref<80xi32, #tpu.memory_space<hbm>>) dst(%dma_wait3A_166 : memref<80xi32, #tpu.memory_space<vmem>>)
    %dma_start3A_169 = arith.constant 1 : i32
    %dma_start3A_170 = arith.constant 1 : i32
    %dma_start3A_171 = arith.constant 1 : i32
    %dma_start3A_172 = arith.constant 0 : i32
    %dma_start3A_173 = arith.constant 0 : i32
    %dma_start3A_174 = tpu.memref_slice %arg12[%dma_start3A_170, %dma_start3A_172, %dma_start3A_173] : memref<2x80x128xf32, #tpu.memory_space<vmem>> -> memref<1x80x128xf32, #tpu.memory_space<vmem>>
    %dma_start3A_175 = tpu.memref_squeeze %dma_start3A_174 : memref<1x80x128xf32, #tpu.memory_space<vmem>> -> memref<80x128xf32, #tpu.memory_space<vmem>>
    %dma_start3A_176 = arith.constant 0 : i32
    %dma_start3A_177 = tpu.memref_slice %arg10[%dma_start3A_169, %dma_start3A_176] : memref<4x80xi32, #tpu.memory_space<vmem>> -> memref<1x80xi32, #tpu.memory_space<vmem>>
    %dma_start3A_178 = tpu.memref_squeeze %dma_start3A_177 : memref<1x80xi32, #tpu.memory_space<vmem>> -> memref<80xi32, #tpu.memory_space<vmem>>
    %dma_start3A_179 = arith.constant 0 : i32
    %dma_start3A_180 = arith.constant 0 : i32
    %dma_start3A_181 = tpu.memref_slice %arg2[%dma_start3A_179, %dma_start3A_180] : memref<10000x128xf32, #tpu.memory_space<hbm>> -> memref<10000x128xf32, #tpu.memory_space<hbm>>
    %dma_start3A_182 = tpu.memref_slice %arg15[%dma_start3A_171] : memref<2x!tpu.dma_semaphore, #tpu.memory_space<semaphore_mem>> -> memref<1x!tpu.dma_semaphore, #tpu.memory_space<semaphore_mem>>
    %dma_start3A_183 = tpu.memref_squeeze %dma_start3A_182 : memref<1x!tpu.dma_semaphore, #tpu.memory_space<semaphore_mem>> -> memref<!tpu.dma_semaphore, #tpu.memory_space<semaphore_mem>>
    tpu.enqueue_indirect_dma source(%dma_start3A_181 : memref<10000x128xf32, #tpu.memory_space<hbm>>) target(%dma_start3A_175 : memref<80x128xf32, #tpu.memory_space<vmem>>) offsets(%dma_start3A_178 : memref<80xi32, #tpu.memory_space<vmem>>) semaphore(%dma_start3A_183 : memref<!tpu.dma_semaphore, #tpu.memory_space<semaphore_mem>>)
    %dma_start3A_184 = arith.constant 0 : i32
    %dma_start3A_185 = arith.constant 0 : i32
    %dma_start3A_186 = arith.constant 0 : i32
    %dma_start3A_187 = arith.constant 0 : i32
    %dma_start3A_188 = arith.constant 0 : i32
    %dma_start3A_189 = tpu.memref_slice %arg12[%dma_start3A_184, %dma_start3A_187, %dma_start3A_188] : memref<2x80x128xf32, #tpu.memory_space<vmem>> -> memref<1x80x128xf32, #tpu.memory_space<vmem>>
    %dma_start3A_190 = tpu.memref_squeeze %dma_start3A_189 : memref<1x80x128xf32, #tpu.memory_space<vmem>> -> memref<80x128xf32, #tpu.memory_space<vmem>>
    %dma_start3A_191 = arith.constant 0 : i32
    %dma_start3A_192 = tpu.memref_slice %arg11[%dma_start3A_185, %dma_start3A_191] : memref<4x80xi32, #tpu.memory_space<vmem>> -> memref<1x80xi32, #tpu.memory_space<vmem>>
    %dma_start3A_193 = tpu.memref_squeeze %dma_start3A_192 : memref<1x80xi32, #tpu.memory_space<vmem>> -> memref<80xi32, #tpu.memory_space<vmem>>
    %dma_start3A_194 = arith.constant 0 : i32
    %dma_start3A_195 = arith.constant 0 : i32
    %dma_start3A_196 = tpu.memref_slice %arg13[%dma_start3A_194, %dma_start3A_195] : memref<10240x128xf32, #tpu.memory_space<vmem_shared>> -> memref<10240x128xf32, #tpu.memory_space<vmem_shared>>
    %dma_start3A_197 = tpu.memref_slice %arg16[%dma_start3A_186] : memref<2x!tpu.dma_semaphore, #tpu.memory_space<semaphore_mem>> -> memref<1x!tpu.dma_semaphore, #tpu.memory_space<semaphore_mem>>
    %dma_start3A_198 = tpu.memref_squeeze %dma_start3A_197 : memref<1x!tpu.dma_semaphore, #tpu.memory_space<semaphore_mem>> -> memref<!tpu.dma_semaphore, #tpu.memory_space<semaphore_mem>>
    tpu.enqueue_indirect_dma source(%dma_start3A_190 : memref<80x128xf32, #tpu.memory_space<vmem>>) target(%dma_start3A_196 : memref<10240x128xf32, #tpu.memory_space<vmem_shared>>) offsets(%dma_start3A_193 : memref<80xi32, #tpu.memory_space<vmem>>) semaphore(%dma_start3A_198 : memref<!tpu.dma_semaphore, #tpu.memory_space<semaphore_mem>>) {add = true}
    %dma_start3A_199 = arith.constant 0 : i32
    %dma_start3A_200 = arith.constant 0 : i32
    %dma_start3A_201 = arith.constant 0 : i32
    %dma_start3A_202 = tpu.memref_slice %arg11[%dma_start3A_199, %dma_start3A_201] : memref<4x80xi32, #tpu.memory_space<vmem>> -> memref<1x80xi32, #tpu.memory_space<vmem>>
    %dma_start3A_203 = tpu.memref_squeeze %dma_start3A_202 : memref<1x80xi32, #tpu.memory_space<vmem>> -> memref<80xi32, #tpu.memory_space<vmem>>
    %dma_start3A_204 = arith.constant 0 : i32
    %dma_start3A_205 = arith.constant 0 : i32
    %dma_start3A_206 = tpu.memref_slice %arg18[%dma_start3A_204, %dma_start3A_205] : memref<10240x16xf32, #tpu.memory_space<vmem_shared>> -> memref<10240x16xf32, #tpu.memory_space<vmem_shared>>
    %dma_start3A_207 = tpu.memref_slice %arg19[%dma_start3A_200] : memref<2x!tpu.dma_semaphore, #tpu.memory_space<semaphore_mem>> -> memref<1x!tpu.dma_semaphore, #tpu.memory_space<semaphore_mem>>
    %dma_start3A_208 = tpu.memref_squeeze %dma_start3A_207 : memref<1x!tpu.dma_semaphore, #tpu.memory_space<semaphore_mem>> -> memref<!tpu.dma_semaphore, #tpu.memory_space<semaphore_mem>>
    tpu.enqueue_indirect_dma source(%arg17 : memref<80x16xf32, #tpu.memory_space<vmem>>) target(%dma_start3A_206 : memref<10240x16xf32, #tpu.memory_space<vmem_shared>>) offsets(%dma_start3A_203 : memref<80xi32, #tpu.memory_space<vmem>>) semaphore(%dma_start3A_208 : memref<!tpu.dma_semaphore, #tpu.memory_space<semaphore_mem>>) {add = true}
    %scan3A = arith.constant 0 : i32
    %scan3A_209 = arith.constant 30 : i32
    %scan3A_210 = arith.addi %scan3A, %scan3A_209 : i32
    %scan3A_211 = arith.constant 1 : i32
    scf.for %scan3A_688 = %scan3A to %scan3A_210 step %scan3A_211  : i32 {
      %mul3A_689 = arith.constant 1 : i32
      %mul3A_690 = arith.muli %scan3A_688, %mul3A_689 : i32
      %add3A_691 = arith.constant 0 : i32
      %add3A_692 = arith.addi %add3A_691, %mul3A_690 : i32
      %mul3A_693 = arith.constant 4 : i32
      %mul3A_694 = arith.muli %mul3A_693, %add3A_692 : i32
      %add3A_695 = arith.constant 1 : i32
      %add3A_696 = arith.addi %add3A_695, %mul3A_694 : i32
      %add3A_697 = arith.constant 0 : i32
      %add3A_698 = arith.addi %add3A_696, %add3A_697 : i32
      %dma_wait3A_699 = arith.constant 1 : i32
      %dma_wait3A_700 = arith.constant 1 : i32
      %dma_wait3A_701 = arith.constant 1 : i32
      %dma_wait3A_702 = arith.constant 0 : i32
      %dma_wait3A_703 = arith.constant 0 : i32
      %dma_wait3A_704 = tpu.memref_slice %arg12[%dma_wait3A_700, %dma_wait3A_702, %dma_wait3A_703] : memref<2x80x128xf32, #tpu.memory_space<vmem>> -> memref<1x80x128xf32, #tpu.memory_space<vmem>>
      %dma_wait3A_705 = tpu.memref_squeeze %dma_wait3A_704 : memref<1x80x128xf32, #tpu.memory_space<vmem>> -> memref<80x128xf32, #tpu.memory_space<vmem>>
      %dma_wait3A_706 = arith.constant 0 : i32
      %dma_wait3A_707 = tpu.memref_slice %arg10[%dma_wait3A_699, %dma_wait3A_706] : memref<4x80xi32, #tpu.memory_space<vmem>> -> memref<1x80xi32, #tpu.memory_space<vmem>>
      %dma_wait3A_708 = tpu.memref_squeeze %dma_wait3A_707 : memref<1x80xi32, #tpu.memory_space<vmem>> -> memref<80xi32, #tpu.memory_space<vmem>>
      %dma_wait3A_709 = arith.constant 0 : i32
      %dma_wait3A_710 = arith.constant 0 : i32
      %dma_wait3A_711 = tpu.memref_slice %arg2[%dma_wait3A_709, %dma_wait3A_710] : memref<10000x128xf32, #tpu.memory_space<hbm>> -> memref<10000x128xf32, #tpu.memory_space<hbm>>
      %dma_wait3A_712 = tpu.memref_slice %arg15[%dma_wait3A_701] : memref<2x!tpu.dma_semaphore, #tpu.memory_space<semaphore_mem>> -> memref<1x!tpu.dma_semaphore, #tpu.memory_space<semaphore_mem>>
      %dma_wait3A_713 = tpu.memref_squeeze %dma_wait3A_712 : memref<1x!tpu.dma_semaphore, #tpu.memory_space<semaphore_mem>> -> memref<!tpu.dma_semaphore, #tpu.memory_space<semaphore_mem>>
      tpu.wait_indirect_dma semaphore(%dma_wait3A_713 : memref<!tpu.dma_semaphore, #tpu.memory_space<semaphore_mem>>) src(%dma_wait3A_711 : memref<10000x128xf32, #tpu.memory_space<hbm>>) dst(%dma_wait3A_705 : memref<80x128xf32, #tpu.memory_space<vmem>>)
      %dma_wait3A_714 = arith.constant 0 : i32
      %dma_wait3A_715 = arith.constant 0 : i32
      %dma_wait3A_716 = arith.constant 0 : i32
      %dma_wait3A_717 = arith.constant 0 : i32
      %dma_wait3A_718 = arith.constant 0 : i32
      %dma_wait3A_719 = tpu.memref_slice %arg12[%dma_wait3A_714, %dma_wait3A_717, %dma_wait3A_718] : memref<2x80x128xf32, #tpu.memory_space<vmem>> -> memref<1x80x128xf32, #tpu.memory_space<vmem>>
      %dma_wait3A_720 = tpu.memref_squeeze %dma_wait3A_719 : memref<1x80x128xf32, #tpu.memory_space<vmem>> -> memref<80x128xf32, #tpu.memory_space<vmem>>
      %dma_wait3A_721 = arith.constant 0 : i32
      %dma_wait3A_722 = tpu.memref_slice %arg11[%dma_wait3A_715, %dma_wait3A_721] : memref<4x80xi32, #tpu.memory_space<vmem>> -> memref<1x80xi32, #tpu.memory_space<vmem>>
      %dma_wait3A_723 = tpu.memref_squeeze %dma_wait3A_722 : memref<1x80xi32, #tpu.memory_space<vmem>> -> memref<80xi32, #tpu.memory_space<vmem>>
      %dma_wait3A_724 = arith.constant 0 : i32
      %dma_wait3A_725 = arith.constant 0 : i32
      %dma_wait3A_726 = tpu.memref_slice %arg13[%dma_wait3A_724, %dma_wait3A_725] : memref<10240x128xf32, #tpu.memory_space<vmem_shared>> -> memref<10240x128xf32, #tpu.memory_space<vmem_shared>>
      %dma_wait3A_727 = tpu.memref_slice %arg16[%dma_wait3A_716] : memref<2x!tpu.dma_semaphore, #tpu.memory_space<semaphore_mem>> -> memref<1x!tpu.dma_semaphore, #tpu.memory_space<semaphore_mem>>
      %dma_wait3A_728 = tpu.memref_squeeze %dma_wait3A_727 : memref<1x!tpu.dma_semaphore, #tpu.memory_space<semaphore_mem>> -> memref<!tpu.dma_semaphore, #tpu.memory_space<semaphore_mem>>
      tpu.wait_indirect_dma semaphore(%dma_wait3A_728 : memref<!tpu.dma_semaphore, #tpu.memory_space<semaphore_mem>>) src(%dma_wait3A_720 : memref<80x128xf32, #tpu.memory_space<vmem>>) dst(%dma_wait3A_726 : memref<10240x128xf32, #tpu.memory_space<vmem_shared>>)
      %dma_wait3A_729 = arith.constant 0 : i32
      %dma_wait3A_730 = arith.constant 0 : i32
      %dma_wait3A_731 = arith.constant 0 : i32
      %dma_wait3A_732 = tpu.memref_slice %arg11[%dma_wait3A_729, %dma_wait3A_731] : memref<4x80xi32, #tpu.memory_space<vmem>> -> memref<1x80xi32, #tpu.memory_space<vmem>>
      %dma_wait3A_733 = tpu.memref_squeeze %dma_wait3A_732 : memref<1x80xi32, #tpu.memory_space<vmem>> -> memref<80xi32, #tpu.memory_space<vmem>>
      %dma_wait3A_734 = arith.constant 0 : i32
      %dma_wait3A_735 = arith.constant 0 : i32
      %dma_wait3A_736 = tpu.memref_slice %arg18[%dma_wait3A_734, %dma_wait3A_735] : memref<10240x16xf32, #tpu.memory_space<vmem_shared>> -> memref<10240x16xf32, #tpu.memory_space<vmem_shared>>
      %dma_wait3A_737 = tpu.memref_slice %arg19[%dma_wait3A_730] : memref<2x!tpu.dma_semaphore, #tpu.memory_space<semaphore_mem>> -> memref<1x!tpu.dma_semaphore, #tpu.memory_space<semaphore_mem>>
      %dma_wait3A_738 = tpu.memref_squeeze %dma_wait3A_737 : memref<1x!tpu.dma_semaphore, #tpu.memory_space<semaphore_mem>> -> memref<!tpu.dma_semaphore, #tpu.memory_space<semaphore_mem>>
      tpu.wait_indirect_dma semaphore(%dma_wait3A_738 : memref<!tpu.dma_semaphore, #tpu.memory_space<semaphore_mem>>) src(%arg17 : memref<80x16xf32, #tpu.memory_space<vmem>>) dst(%dma_wait3A_736 : memref<10240x16xf32, #tpu.memory_space<vmem_shared>>)
      %dma_wait3A_739 = arith.constant 2 : i32
      %dma_wait3A_740 = arith.constant 2 : i32
      %dma_wait3A_741 = arith.constant 0 : i32
      %dma_wait3A_742 = tpu.memref_slice %arg10[%dma_wait3A_739, %dma_wait3A_741] : memref<4x80xi32, #tpu.memory_space<vmem>> -> memref<1x80xi32, #tpu.memory_space<vmem>>
      %dma_wait3A_743 = tpu.memref_squeeze %dma_wait3A_742 : memref<1x80xi32, #tpu.memory_space<vmem>> -> memref<80xi32, #tpu.memory_space<vmem>>
      %dma_wait3A_744 = arith.constant 0 : i32
      %dma_wait3A_745 = tpu.memref_slice %arg3[%dma_wait3A_744] : memref<320000xi32, #tpu.memory_space<hbm>> -> memref<80xi32, #tpu.memory_space<hbm>>
      %dma_wait3A_746 = tpu.memref_slice %arg14[%dma_wait3A_740] : memref<4x!tpu.dma_semaphore, #tpu.memory_space<semaphore_mem>> -> memref<1x!tpu.dma_semaphore, #tpu.memory_space<semaphore_mem>>
      %dma_wait3A_747 = tpu.memref_squeeze %dma_wait3A_746 : memref<1x!tpu.dma_semaphore, #tpu.memory_space<semaphore_mem>> -> memref<!tpu.dma_semaphore, #tpu.memory_space<semaphore_mem>>
      %dma_wait3A_748 = arith.constant 0 : i32
      %dma_wait3A_749 = tpu.memref_slice %arg10[%dma_wait3A_739, %dma_wait3A_748] : memref<4x80xi32, #tpu.memory_space<vmem>> -> memref<1x80xi32, #tpu.memory_space<vmem>>
      %dma_wait3A_750 = tpu.memref_squeeze %dma_wait3A_749 : memref<1x80xi32, #tpu.memory_space<vmem>> -> memref<80xi32, #tpu.memory_space<vmem>>
      %dma_wait3A_751 = arith.constant 0 : i32
      %dma_wait3A_752 = tpu.memref_slice %arg3[%dma_wait3A_751] : memref<320000xi32, #tpu.memory_space<hbm>> -> memref<80xi32, #tpu.memory_space<hbm>>
      tpu.wait_dma2 semaphore(%dma_wait3A_747 : memref<!tpu.dma_semaphore, #tpu.memory_space<semaphore_mem>>) src(%dma_wait3A_752 : memref<80xi32, #tpu.memory_space<hbm>>) dst(%dma_wait3A_750 : memref<80xi32, #tpu.memory_space<vmem>>)
      %dma_wait3A_753 = arith.constant 2 : i32
      %dma_wait3A_754 = arith.constant 2 : i32
      %dma_wait3A_755 = arith.constant 0 : i32
      %dma_wait3A_756 = tpu.memref_slice %arg11[%dma_wait3A_753, %dma_wait3A_755] : memref<4x80xi32, #tpu.memory_space<vmem>> -> memref<1x80xi32, #tpu.memory_space<vmem>>
      %dma_wait3A_757 = tpu.memref_squeeze %dma_wait3A_756 : memref<1x80xi32, #tpu.memory_space<vmem>> -> memref<80xi32, #tpu.memory_space<vmem>>
      %dma_wait3A_758 = arith.constant 0 : i32
      %dma_wait3A_759 = tpu.memref_slice %arg4[%dma_wait3A_758] : memref<320000xi32, #tpu.memory_space<hbm>> -> memref<80xi32, #tpu.memory_space<hbm>>
      %dma_wait3A_760 = tpu.memref_slice %arg14[%dma_wait3A_754] : memref<4x!tpu.dma_semaphore, #tpu.memory_space<semaphore_mem>> -> memref<1x!tpu.dma_semaphore, #tpu.memory_space<semaphore_mem>>
      %dma_wait3A_761 = tpu.memref_squeeze %dma_wait3A_760 : memref<1x!tpu.dma_semaphore, #tpu.memory_space<semaphore_mem>> -> memref<!tpu.dma_semaphore, #tpu.memory_space<semaphore_mem>>
      %dma_wait3A_762 = arith.constant 0 : i32
      %dma_wait3A_763 = tpu.memref_slice %arg11[%dma_wait3A_753, %dma_wait3A_762] : memref<4x80xi32, #tpu.memory_space<vmem>> -> memref<1x80xi32, #tpu.memory_space<vmem>>
      %dma_wait3A_764 = tpu.memref_squeeze %dma_wait3A_763 : memref<1x80xi32, #tpu.memory_space<vmem>> -> memref<80xi32, #tpu.memory_space<vmem>>
      %dma_wait3A_765 = arith.constant 0 : i32
      %dma_wait3A_766 = tpu.memref_slice %arg4[%dma_wait3A_765] : memref<320000xi32, #tpu.memory_space<hbm>> -> memref<80xi32, #tpu.memory_space<hbm>>
      tpu.wait_dma2 semaphore(%dma_wait3A_761 : memref<!tpu.dma_semaphore, #tpu.memory_space<semaphore_mem>>) src(%dma_wait3A_766 : memref<80xi32, #tpu.memory_space<hbm>>) dst(%dma_wait3A_764 : memref<80xi32, #tpu.memory_space<vmem>>)
      %dma_start3A_767 = arith.constant 2 : i32
      %dma_start3A_768 = arith.constant 0 : i32
      %dma_start3A_769 = arith.constant 0 : i32
      %dma_start3A_770 = arith.constant 0 : i32
      %dma_start3A_771 = arith.constant 0 : i32
      %dma_start3A_772 = tpu.memref_slice %arg12[%dma_start3A_768, %dma_start3A_770, %dma_start3A_771] : memref<2x80x128xf32, #tpu.memory_space<vmem>> -> memref<1x80x128xf32, #tpu.memory_space<vmem>>
      %dma_start3A_773 = tpu.memref_squeeze %dma_start3A_772 : memref<1x80x128xf32, #tpu.memory_space<vmem>> -> memref<80x128xf32, #tpu.memory_space<vmem>>
      %dma_start3A_774 = arith.constant 0 : i32
      %dma_start3A_775 = tpu.memref_slice %arg10[%dma_start3A_767, %dma_start3A_774] : memref<4x80xi32, #tpu.memory_space<vmem>> -> memref<1x80xi32, #tpu.memory_space<vmem>>
      %dma_start3A_776 = tpu.memref_squeeze %dma_start3A_775 : memref<1x80xi32, #tpu.memory_space<vmem>> -> memref<80xi32, #tpu.memory_space<vmem>>
      %dma_start3A_777 = arith.constant 0 : i32
      %dma_start3A_778 = arith.constant 0 : i32
      %dma_start3A_779 = tpu.memref_slice %arg2[%dma_start3A_777, %dma_start3A_778] : memref<10000x128xf32, #tpu.memory_space<hbm>> -> memref<10000x128xf32, #tpu.memory_space<hbm>>
      %dma_start3A_780 = tpu.memref_slice %arg15[%dma_start3A_769] : memref<2x!tpu.dma_semaphore, #tpu.memory_space<semaphore_mem>> -> memref<1x!tpu.dma_semaphore, #tpu.memory_space<semaphore_mem>>
      %dma_start3A_781 = tpu.memref_squeeze %dma_start3A_780 : memref<1x!tpu.dma_semaphore, #tpu.memory_space<semaphore_mem>> -> memref<!tpu.dma_semaphore, #tpu.memory_space<semaphore_mem>>
      tpu.enqueue_indirect_dma source(%dma_start3A_779 : memref<10000x128xf32, #tpu.memory_space<hbm>>) target(%dma_start3A_773 : memref<80x128xf32, #tpu.memory_space<vmem>>) offsets(%dma_start3A_776 : memref<80xi32, #tpu.memory_space<vmem>>) semaphore(%dma_start3A_781 : memref<!tpu.dma_semaphore, #tpu.memory_space<semaphore_mem>>)
      %dma_start3A_782 = arith.constant 1 : i32
      %dma_start3A_783 = arith.constant 1 : i32
      %dma_start3A_784 = arith.constant 1 : i32
      %dma_start3A_785 = arith.constant 0 : i32
      %dma_start3A_786 = arith.constant 0 : i32
      %dma_start3A_787 = tpu.memref_slice %arg12[%dma_start3A_782, %dma_start3A_785, %dma_start3A_786] : memref<2x80x128xf32, #tpu.memory_space<vmem>> -> memref<1x80x128xf32, #tpu.memory_space<vmem>>
      %dma_start3A_788 = tpu.memref_squeeze %dma_start3A_787 : memref<1x80x128xf32, #tpu.memory_space<vmem>> -> memref<80x128xf32, #tpu.memory_space<vmem>>
      %dma_start3A_789 = arith.constant 0 : i32
      %dma_start3A_790 = tpu.memref_slice %arg11[%dma_start3A_783, %dma_start3A_789] : memref<4x80xi32, #tpu.memory_space<vmem>> -> memref<1x80xi32, #tpu.memory_space<vmem>>
      %dma_start3A_791 = tpu.memref_squeeze %dma_start3A_790 : memref<1x80xi32, #tpu.memory_space<vmem>> -> memref<80xi32, #tpu.memory_space<vmem>>
      %dma_start3A_792 = arith.constant 0 : i32
      %dma_start3A_793 = arith.constant 0 : i32
      %dma_start3A_794 = tpu.memref_slice %arg13[%dma_start3A_792, %dma_start3A_793] : memref<10240x128xf32, #tpu.memory_space<vmem_shared>> -> memref<10240x128xf32, #tpu.memory_space<vmem_shared>>
      %dma_start3A_795 = tpu.memref_slice %arg16[%dma_start3A_784] : memref<2x!tpu.dma_semaphore, #tpu.memory_space<semaphore_mem>> -> memref<1x!tpu.dma_semaphore, #tpu.memory_space<semaphore_mem>>
      %dma_start3A_796 = tpu.memref_squeeze %dma_start3A_795 : memref<1x!tpu.dma_semaphore, #tpu.memory_space<semaphore_mem>> -> memref<!tpu.dma_semaphore, #tpu.memory_space<semaphore_mem>>
      tpu.enqueue_indirect_dma source(%dma_start3A_788 : memref<80x128xf32, #tpu.memory_space<vmem>>) target(%dma_start3A_794 : memref<10240x128xf32, #tpu.memory_space<vmem_shared>>) offsets(%dma_start3A_791 : memref<80xi32, #tpu.memory_space<vmem>>) semaphore(%dma_start3A_796 : memref<!tpu.dma_semaphore, #tpu.memory_space<semaphore_mem>>) {add = true}
      %dma_start3A_797 = arith.constant 1 : i32
      %dma_start3A_798 = arith.constant 1 : i32
      %dma_start3A_799 = arith.constant 0 : i32
      %dma_start3A_800 = tpu.memref_slice %arg11[%dma_start3A_797, %dma_start3A_799] : memref<4x80xi32, #tpu.memory_space<vmem>> -> memref<1x80xi32, #tpu.memory_space<vmem>>
      %dma_start3A_801 = tpu.memref_squeeze %dma_start3A_800 : memref<1x80xi32, #tpu.memory_space<vmem>> -> memref<80xi32, #tpu.memory_space<vmem>>
      %dma_start3A_802 = arith.constant 0 : i32
      %dma_start3A_803 = arith.constant 0 : i32
      %dma_start3A_804 = tpu.memref_slice %arg18[%dma_start3A_802, %dma_start3A_803] : memref<10240x16xf32, #tpu.memory_space<vmem_shared>> -> memref<10240x16xf32, #tpu.memory_space<vmem_shared>>
      %dma_start3A_805 = tpu.memref_slice %arg19[%dma_start3A_798] : memref<2x!tpu.dma_semaphore, #tpu.memory_space<semaphore_mem>> -> memref<1x!tpu.dma_semaphore, #tpu.memory_space<semaphore_mem>>
      %dma_start3A_806 = tpu.memref_squeeze %dma_start3A_805 : memref<1x!tpu.dma_semaphore, #tpu.memory_space<semaphore_mem>> -> memref<!tpu.dma_semaphore, #tpu.memory_space<semaphore_mem>>
      tpu.enqueue_indirect_dma source(%arg17 : memref<80x16xf32, #tpu.memory_space<vmem>>) target(%dma_start3A_804 : memref<10240x16xf32, #tpu.memory_space<vmem_shared>>) offsets(%dma_start3A_801 : memref<80xi32, #tpu.memory_space<vmem>>) semaphore(%dma_start3A_806 : memref<!tpu.dma_semaphore, #tpu.memory_space<semaphore_mem>>) {add = true}
      %add3A_807 = arith.constant 2 : i32
      %add3A_808 = arith.addi %add3A_698, %add3A_807 : i32
      %mul3A_809 = arith.constant 80 : i32
      %mul3A_810 = arith.muli %add3A_808, %mul3A_809 : i32
      %add3A_811 = arith.addi %mul3A_2, %mul3A_810 : i32
      %dma_start3A_812 = arith.constant 3 : i32
      %dma_start3A_813 = arith.constant 3 : i32
      %dma_start3A_814 = arith.constant 0 : i32
      %dma_start3A_815 = tpu.memref_slice %arg10[%dma_start3A_812, %dma_start3A_814] : memref<4x80xi32, #tpu.memory_space<vmem>> -> memref<1x80xi32, #tpu.memory_space<vmem>>
      %dma_start3A_816 = tpu.memref_squeeze %dma_start3A_815 : memref<1x80xi32, #tpu.memory_space<vmem>> -> memref<80xi32, #tpu.memory_space<vmem>>
      %dma_start3A_817 = tpu.memref_slice %arg3[%add3A_811] : memref<320000xi32, #tpu.memory_space<hbm>> -> memref<80xi32, #tpu.memory_space<hbm>>
      %dma_start3A_818 = tpu.memref_slice %arg14[%dma_start3A_813] : memref<4x!tpu.dma_semaphore, #tpu.memory_space<semaphore_mem>> -> memref<1x!tpu.dma_semaphore, #tpu.memory_space<semaphore_mem>>
      %dma_start3A_819 = tpu.memref_squeeze %dma_start3A_818 : memref<1x!tpu.dma_semaphore, #tpu.memory_space<semaphore_mem>> -> memref<!tpu.dma_semaphore, #tpu.memory_space<semaphore_mem>>
      %dma_start3A_820 = arith.constant 0 : i32
      %dma_start3A_821 = tpu.memref_slice %arg10[%dma_start3A_812, %dma_start3A_820] : memref<4x80xi32, #tpu.memory_space<vmem>> -> memref<1x80xi32, #tpu.memory_space<vmem>>
      %dma_start3A_822 = tpu.memref_squeeze %dma_start3A_821 : memref<1x80xi32, #tpu.memory_space<vmem>> -> memref<80xi32, #tpu.memory_space<vmem>>
      %dma_start3A_823 = tpu.memref_slice %arg3[%add3A_811] : memref<320000xi32, #tpu.memory_space<hbm>> -> memref<80xi32, #tpu.memory_space<hbm>>
      tpu.enqueue_dma source(%dma_start3A_823 : memref<80xi32, #tpu.memory_space<hbm>>) target(%dma_start3A_822 : memref<80xi32, #tpu.memory_space<vmem>>) target_semaphore(%dma_start3A_819 : memref<!tpu.dma_semaphore, #tpu.memory_space<semaphore_mem>>)
      %dma_start3A_824 = arith.constant 3 : i32
      %dma_start3A_825 = arith.constant 3 : i32
      %dma_start3A_826 = arith.constant 0 : i32
      %dma_start3A_827 = tpu.memref_slice %arg11[%dma_start3A_824, %dma_start3A_826] : memref<4x80xi32, #tpu.memory_space<vmem>> -> memref<1x80xi32, #tpu.memory_space<vmem>>
      %dma_start3A_828 = tpu.memref_squeeze %dma_start3A_827 : memref<1x80xi32, #tpu.memory_space<vmem>> -> memref<80xi32, #tpu.memory_space<vmem>>
      %dma_start3A_829 = tpu.memref_slice %arg4[%add3A_811] : memref<320000xi32, #tpu.memory_space<hbm>> -> memref<80xi32, #tpu.memory_space<hbm>>
      %dma_start3A_830 = tpu.memref_slice %arg14[%dma_start3A_825] : memref<4x!tpu.dma_semaphore, #tpu.memory_space<semaphore_mem>> -> memref<1x!tpu.dma_semaphore, #tpu.memory_space<semaphore_mem>>
      %dma_start3A_831 = tpu.memref_squeeze %dma_start3A_830 : memref<1x!tpu.dma_semaphore, #tpu.memory_space<semaphore_mem>> -> memref<!tpu.dma_semaphore, #tpu.memory_space<semaphore_mem>>
      %dma_start3A_832 = arith.constant 0 : i32
      %dma_start3A_833 = tpu.memref_slice %arg11[%dma_start3A_824, %dma_start3A_832] : memref<4x80xi32, #tpu.memory_space<vmem>> -> memref<1x80xi32, #tpu.memory_space<vmem>>
      %dma_start3A_834 = tpu.memref_squeeze %dma_start3A_833 : memref<1x80xi32, #tpu.memory_space<vmem>> -> memref<80xi32, #tpu.memory_space<vmem>>
      %dma_start3A_835 = tpu.memref_slice %arg4[%add3A_811] : memref<320000xi32, #tpu.memory_space<hbm>> -> memref<80xi32, #tpu.memory_space<hbm>>
      tpu.enqueue_dma source(%dma_start3A_835 : memref<80xi32, #tpu.memory_space<hbm>>) target(%dma_start3A_834 : memref<80xi32, #tpu.memory_space<vmem>>) target_semaphore(%dma_start3A_831 : memref<!tpu.dma_semaphore, #tpu.memory_space<semaphore_mem>>)
      %mul3A_836 = arith.constant 4 : i32
      %mul3A_837 = arith.muli %mul3A_836, %add3A_692 : i32
      %add3A_838 = arith.constant 1 : i32
      %add3A_839 = arith.addi %add3A_838, %mul3A_837 : i32
      %add3A_840 = arith.constant 1 : i32
      %add3A_841 = arith.addi %add3A_839, %add3A_840 : i32
      %dma_wait3A_842 = arith.constant 2 : i32
      %dma_wait3A_843 = arith.constant 0 : i32
      %dma_wait3A_844 = arith.constant 0 : i32
      %dma_wait3A_845 = arith.constant 0 : i32
      %dma_wait3A_846 = arith.constant 0 : i32
      %dma_wait3A_847 = tpu.memref_slice %arg12[%dma_wait3A_843, %dma_wait3A_845, %dma_wait3A_846] : memref<2x80x128xf32, #tpu.memory_space<vmem>> -> memref<1x80x128xf32, #tpu.memory_space<vmem>>
      %dma_wait3A_848 = tpu.memref_squeeze %dma_wait3A_847 : memref<1x80x128xf32, #tpu.memory_space<vmem>> -> memref<80x128xf32, #tpu.memory_space<vmem>>
      %dma_wait3A_849 = arith.constant 0 : i32
      %dma_wait3A_850 = tpu.memref_slice %arg10[%dma_wait3A_842, %dma_wait3A_849] : memref<4x80xi32, #tpu.memory_space<vmem>> -> memref<1x80xi32, #tpu.memory_space<vmem>>
      %dma_wait3A_851 = tpu.memref_squeeze %dma_wait3A_850 : memref<1x80xi32, #tpu.memory_space<vmem>> -> memref<80xi32, #tpu.memory_space<vmem>>
      %dma_wait3A_852 = arith.constant 0 : i32
      %dma_wait3A_853 = arith.constant 0 : i32
      %dma_wait3A_854 = tpu.memref_slice %arg2[%dma_wait3A_852, %dma_wait3A_853] : memref<10000x128xf32, #tpu.memory_space<hbm>> -> memref<10000x128xf32, #tpu.memory_space<hbm>>
      %dma_wait3A_855 = tpu.memref_slice %arg15[%dma_wait3A_844] : memref<2x!tpu.dma_semaphore, #tpu.memory_space<semaphore_mem>> -> memref<1x!tpu.dma_semaphore, #tpu.memory_space<semaphore_mem>>
      %dma_wait3A_856 = tpu.memref_squeeze %dma_wait3A_855 : memref<1x!tpu.dma_semaphore, #tpu.memory_space<semaphore_mem>> -> memref<!tpu.dma_semaphore, #tpu.memory_space<semaphore_mem>>
      tpu.wait_indirect_dma semaphore(%dma_wait3A_856 : memref<!tpu.dma_semaphore, #tpu.memory_space<semaphore_mem>>) src(%dma_wait3A_854 : memref<10000x128xf32, #tpu.memory_space<hbm>>) dst(%dma_wait3A_848 : memref<80x128xf32, #tpu.memory_space<vmem>>)
      %dma_wait3A_857 = arith.constant 1 : i32
      %dma_wait3A_858 = arith.constant 1 : i32
      %dma_wait3A_859 = arith.constant 1 : i32
      %dma_wait3A_860 = arith.constant 0 : i32
      %dma_wait3A_861 = arith.constant 0 : i32
      %dma_wait3A_862 = tpu.memref_slice %arg12[%dma_wait3A_857, %dma_wait3A_860, %dma_wait3A_861] : memref<2x80x128xf32, #tpu.memory_space<vmem>> -> memref<1x80x128xf32, #tpu.memory_space<vmem>>
      %dma_wait3A_863 = tpu.memref_squeeze %dma_wait3A_862 : memref<1x80x128xf32, #tpu.memory_space<vmem>> -> memref<80x128xf32, #tpu.memory_space<vmem>>
      %dma_wait3A_864 = arith.constant 0 : i32
      %dma_wait3A_865 = tpu.memref_slice %arg11[%dma_wait3A_858, %dma_wait3A_864] : memref<4x80xi32, #tpu.memory_space<vmem>> -> memref<1x80xi32, #tpu.memory_space<vmem>>
      %dma_wait3A_866 = tpu.memref_squeeze %dma_wait3A_865 : memref<1x80xi32, #tpu.memory_space<vmem>> -> memref<80xi32, #tpu.memory_space<vmem>>
      %dma_wait3A_867 = arith.constant 0 : i32
      %dma_wait3A_868 = arith.constant 0 : i32
      %dma_wait3A_869 = tpu.memref_slice %arg13[%dma_wait3A_867, %dma_wait3A_868] : memref<10240x128xf32, #tpu.memory_space<vmem_shared>> -> memref<10240x128xf32, #tpu.memory_space<vmem_shared>>
      %dma_wait3A_870 = tpu.memref_slice %arg16[%dma_wait3A_859] : memref<2x!tpu.dma_semaphore, #tpu.memory_space<semaphore_mem>> -> memref<1x!tpu.dma_semaphore, #tpu.memory_space<semaphore_mem>>
      %dma_wait3A_871 = tpu.memref_squeeze %dma_wait3A_870 : memref<1x!tpu.dma_semaphore, #tpu.memory_space<semaphore_mem>> -> memref<!tpu.dma_semaphore, #tpu.memory_space<semaphore_mem>>
      tpu.wait_indirect_dma semaphore(%dma_wait3A_871 : memref<!tpu.dma_semaphore, #tpu.memory_space<semaphore_mem>>) src(%dma_wait3A_863 : memref<80x128xf32, #tpu.memory_space<vmem>>) dst(%dma_wait3A_869 : memref<10240x128xf32, #tpu.memory_space<vmem_shared>>)
      %dma_wait3A_872 = arith.constant 1 : i32
      %dma_wait3A_873 = arith.constant 1 : i32
      %dma_wait3A_874 = arith.constant 0 : i32
      %dma_wait3A_875 = tpu.memref_slice %arg11[%dma_wait3A_872, %dma_wait3A_874] : memref<4x80xi32, #tpu.memory_space<vmem>> -> memref<1x80xi32, #tpu.memory_space<vmem>>
      %dma_wait3A_876 = tpu.memref_squeeze %dma_wait3A_875 : memref<1x80xi32, #tpu.memory_space<vmem>> -> memref<80xi32, #tpu.memory_space<vmem>>
      %dma_wait3A_877 = arith.constant 0 : i32
      %dma_wait3A_878 = arith.constant 0 : i32
      %dma_wait3A_879 = tpu.memref_slice %arg18[%dma_wait3A_877, %dma_wait3A_878] : memref<10240x16xf32, #tpu.memory_space<vmem_shared>> -> memref<10240x16xf32, #tpu.memory_space<vmem_shared>>
      %dma_wait3A_880 = tpu.memref_slice %arg19[%dma_wait3A_873] : memref<2x!tpu.dma_semaphore, #tpu.memory_space<semaphore_mem>> -> memref<1x!tpu.dma_semaphore, #tpu.memory_space<semaphore_mem>>
      %dma_wait3A_881 = tpu.memref_squeeze %dma_wait3A_880 : memref<1x!tpu.dma_semaphore, #tpu.memory_space<semaphore_mem>> -> memref<!tpu.dma_semaphore, #tpu.memory_space<semaphore_mem>>
      tpu.wait_indirect_dma semaphore(%dma_wait3A_881 : memref<!tpu.dma_semaphore, #tpu.memory_space<semaphore_mem>>) src(%arg17 : memref<80x16xf32, #tpu.memory_space<vmem>>) dst(%dma_wait3A_879 : memref<10240x16xf32, #tpu.memory_space<vmem_shared>>)
      %dma_wait3A_882 = arith.constant 3 : i32
      %dma_wait3A_883 = arith.constant 3 : i32
      %dma_wait3A_884 = arith.constant 0 : i32
      %dma_wait3A_885 = tpu.memref_slice %arg10[%dma_wait3A_882, %dma_wait3A_884] : memref<4x80xi32, #tpu.memory_space<vmem>> -> memref<1x80xi32, #tpu.memory_space<vmem>>
      %dma_wait3A_886 = tpu.memref_squeeze %dma_wait3A_885 : memref<1x80xi32, #tpu.memory_space<vmem>> -> memref<80xi32, #tpu.memory_space<vmem>>
      %dma_wait3A_887 = arith.constant 0 : i32
      %dma_wait3A_888 = tpu.memref_slice %arg3[%dma_wait3A_887] : memref<320000xi32, #tpu.memory_space<hbm>> -> memref<80xi32, #tpu.memory_space<hbm>>
      %dma_wait3A_889 = tpu.memref_slice %arg14[%dma_wait3A_883] : memref<4x!tpu.dma_semaphore, #tpu.memory_space<semaphore_mem>> -> memref<1x!tpu.dma_semaphore, #tpu.memory_space<semaphore_mem>>
      %dma_wait3A_890 = tpu.memref_squeeze %dma_wait3A_889 : memref<1x!tpu.dma_semaphore, #tpu.memory_space<semaphore_mem>> -> memref<!tpu.dma_semaphore, #tpu.memory_space<semaphore_mem>>
      %dma_wait3A_891 = arith.constant 0 : i32
      %dma_wait3A_892 = tpu.memref_slice %arg10[%dma_wait3A_882, %dma_wait3A_891] : memref<4x80xi32, #tpu.memory_space<vmem>> -> memref<1x80xi32, #tpu.memory_space<vmem>>
      %dma_wait3A_893 = tpu.memref_squeeze %dma_wait3A_892 : memref<1x80xi32, #tpu.memory_space<vmem>> -> memref<80xi32, #tpu.memory_space<vmem>>
      %dma_wait3A_894 = arith.constant 0 : i32
      %dma_wait3A_895 = tpu.memref_slice %arg3[%dma_wait3A_894] : memref<320000xi32, #tpu.memory_space<hbm>> -> memref<80xi32, #tpu.memory_space<hbm>>
      tpu.wait_dma2 semaphore(%dma_wait3A_890 : memref<!tpu.dma_semaphore, #tpu.memory_space<semaphore_mem>>) src(%dma_wait3A_895 : memref<80xi32, #tpu.memory_space<hbm>>) dst(%dma_wait3A_893 : memref<80xi32, #tpu.memory_space<vmem>>)
      %dma_wait3A_896 = arith.constant 3 : i32
      %dma_wait3A_897 = arith.constant 3 : i32
      %dma_wait3A_898 = arith.constant 0 : i32
      %dma_wait3A_899 = tpu.memref_slice %arg11[%dma_wait3A_896, %dma_wait3A_898] : memref<4x80xi32, #tpu.memory_space<vmem>> -> memref<1x80xi32, #tpu.memory_space<vmem>>
      %dma_wait3A_900 = tpu.memref_squeeze %dma_wait3A_899 : memref<1x80xi32, #tpu.memory_space<vmem>> -> memref<80xi32, #tpu.memory_space<vmem>>
      %dma_wait3A_901 = arith.constant 0 : i32
      %dma_wait3A_902 = tpu.memref_slice %arg4[%dma_wait3A_901] : memref<320000xi32, #tpu.memory_space<hbm>> -> memref<80xi32, #tpu.memory_space<hbm>>
      %dma_wait3A_903 = tpu.memref_slice %arg14[%dma_wait3A_897] : memref<4x!tpu.dma_semaphore, #tpu.memory_space<semaphore_mem>> -> memref<1x!tpu.dma_semaphore, #tpu.memory_space<semaphore_mem>>
      %dma_wait3A_904 = tpu.memref_squeeze %dma_wait3A_903 : memref<1x!tpu.dma_semaphore, #tpu.memory_space<semaphore_mem>> -> memref<!tpu.dma_semaphore, #tpu.memory_space<semaphore_mem>>
      %dma_wait3A_905 = arith.constant 0 : i32
      %dma_wait3A_906 = tpu.memref_slice %arg11[%dma_wait3A_896, %dma_wait3A_905] : memref<4x80xi32, #tpu.memory_space<vmem>> -> memref<1x80xi32, #tpu.memory_space<vmem>>
      %dma_wait3A_907 = tpu.memref_squeeze %dma_wait3A_906 : memref<1x80xi32, #tpu.memory_space<vmem>> -> memref<80xi32, #tpu.memory_space<vmem>>
      %dma_wait3A_908 = arith.constant 0 : i32
      %dma_wait3A_909 = tpu.memref_slice %arg4[%dma_wait3A_908] : memref<320000xi32, #tpu.memory_space<hbm>> -> memref<80xi32, #tpu.memory_space<hbm>>
      tpu.wait_dma2 semaphore(%dma_wait3A_904 : memref<!tpu.dma_semaphore, #tpu.memory_space<semaphore_mem>>) src(%dma_wait3A_909 : memref<80xi32, #tpu.memory_space<hbm>>) dst(%dma_wait3A_907 : memref<80xi32, #tpu.memory_space<vmem>>)
      %dma_start3A_910 = arith.constant 3 : i32
      %dma_start3A_911 = arith.constant 1 : i32
      %dma_start3A_912 = arith.constant 1 : i32
      %dma_start3A_913 = arith.constant 0 : i32
      %dma_start3A_914 = arith.constant 0 : i32
      %dma_start3A_915 = tpu.memref_slice %arg12[%dma_start3A_911, %dma_start3A_913, %dma_start3A_914] : memref<2x80x128xf32, #tpu.memory_space<vmem>> -> memref<1x80x128xf32, #tpu.memory_space<vmem>>
      %dma_start3A_916 = tpu.memref_squeeze %dma_start3A_915 : memref<1x80x128xf32, #tpu.memory_space<vmem>> -> memref<80x128xf32, #tpu.memory_space<vmem>>
      %dma_start3A_917 = arith.constant 0 : i32
      %dma_start3A_918 = tpu.memref_slice %arg10[%dma_start3A_910, %dma_start3A_917] : memref<4x80xi32, #tpu.memory_space<vmem>> -> memref<1x80xi32, #tpu.memory_space<vmem>>
      %dma_start3A_919 = tpu.memref_squeeze %dma_start3A_918 : memref<1x80xi32, #tpu.memory_space<vmem>> -> memref<80xi32, #tpu.memory_space<vmem>>
      %dma_start3A_920 = arith.constant 0 : i32
      %dma_start3A_921 = arith.constant 0 : i32
      %dma_start3A_922 = tpu.memref_slice %arg2[%dma_start3A_920, %dma_start3A_921] : memref<10000x128xf32, #tpu.memory_space<hbm>> -> memref<10000x128xf32, #tpu.memory_space<hbm>>
      %dma_start3A_923 = tpu.memref_slice %arg15[%dma_start3A_912] : memref<2x!tpu.dma_semaphore, #tpu.memory_space<semaphore_mem>> -> memref<1x!tpu.dma_semaphore, #tpu.memory_space<semaphore_mem>>
      %dma_start3A_924 = tpu.memref_squeeze %dma_start3A_923 : memref<1x!tpu.dma_semaphore, #tpu.memory_space<semaphore_mem>> -> memref<!tpu.dma_semaphore, #tpu.memory_space<semaphore_mem>>
      tpu.enqueue_indirect_dma source(%dma_start3A_922 : memref<10000x128xf32, #tpu.memory_space<hbm>>) target(%dma_start3A_916 : memref<80x128xf32, #tpu.memory_space<vmem>>) offsets(%dma_start3A_919 : memref<80xi32, #tpu.memory_space<vmem>>) semaphore(%dma_start3A_924 : memref<!tpu.dma_semaphore, #tpu.memory_space<semaphore_mem>>)
      %dma_start3A_925 = arith.constant 0 : i32
      %dma_start3A_926 = arith.constant 2 : i32
      %dma_start3A_927 = arith.constant 0 : i32
      %dma_start3A_928 = arith.constant 0 : i32
      %dma_start3A_929 = arith.constant 0 : i32
      %dma_start3A_930 = tpu.memref_slice %arg12[%dma_start3A_925, %dma_start3A_928, %dma_start3A_929] : memref<2x80x128xf32, #tpu.memory_space<vmem>> -> memref<1x80x128xf32, #tpu.memory_space<vmem>>
      %dma_start3A_931 = tpu.memref_squeeze %dma_start3A_930 : memref<1x80x128xf32, #tpu.memory_space<vmem>> -> memref<80x128xf32, #tpu.memory_space<vmem>>
      %dma_start3A_932 = arith.constant 0 : i32
      %dma_start3A_933 = tpu.memref_slice %arg11[%dma_start3A_926, %dma_start3A_932] : memref<4x80xi32, #tpu.memory_space<vmem>> -> memref<1x80xi32, #tpu.memory_space<vmem>>
      %dma_start3A_934 = tpu.memref_squeeze %dma_start3A_933 : memref<1x80xi32, #tpu.memory_space<vmem>> -> memref<80xi32, #tpu.memory_space<vmem>>
      %dma_start3A_935 = arith.constant 0 : i32
      %dma_start3A_936 = arith.constant 0 : i32
      %dma_start3A_937 = tpu.memref_slice %arg13[%dma_start3A_935, %dma_start3A_936] : memref<10240x128xf32, #tpu.memory_space<vmem_shared>> -> memref<10240x128xf32, #tpu.memory_space<vmem_shared>>
      %dma_start3A_938 = tpu.memref_slice %arg16[%dma_start3A_927] : memref<2x!tpu.dma_semaphore, #tpu.memory_space<semaphore_mem>> -> memref<1x!tpu.dma_semaphore, #tpu.memory_space<semaphore_mem>>
      %dma_start3A_939 = tpu.memref_squeeze %dma_start3A_938 : memref<1x!tpu.dma_semaphore, #tpu.memory_space<semaphore_mem>> -> memref<!tpu.dma_semaphore, #tpu.memory_space<semaphore_mem>>
      tpu.enqueue_indirect_dma source(%dma_start3A_931 : memref<80x128xf32, #tpu.memory_space<vmem>>) target(%dma_start3A_937 : memref<10240x128xf32, #tpu.memory_space<vmem_shared>>) offsets(%dma_start3A_934 : memref<80xi32, #tpu.memory_space<vmem>>) semaphore(%dma_start3A_939 : memref<!tpu.dma_semaphore, #tpu.memory_space<semaphore_mem>>) {add = true}
      %dma_start3A_940 = arith.constant 2 : i32
      %dma_start3A_941 = arith.constant 0 : i32
      %dma_start3A_942 = arith.constant 0 : i32
      %dma_start3A_943 = tpu.memref_slice %arg11[%dma_start3A_940, %dma_start3A_942] : memref<4x80xi32, #tpu.memory_space<vmem>> -> memref<1x80xi32, #tpu.memory_space<vmem>>
      %dma_start3A_944 = tpu.memref_squeeze %dma_start3A_943 : memref<1x80xi32, #tpu.memory_space<vmem>> -> memref<80xi32, #tpu.memory_space<vmem>>
      %dma_start3A_945 = arith.constant 0 : i32
      %dma_start3A_946 = arith.constant 0 : i32
      %dma_start3A_947 = tpu.memref_slice %arg18[%dma_start3A_945, %dma_start3A_946] : memref<10240x16xf32, #tpu.memory_space<vmem_shared>> -> memref<10240x16xf32, #tpu.memory_space<vmem_shared>>
      %dma_start3A_948 = tpu.memref_slice %arg19[%dma_start3A_941] : memref<2x!tpu.dma_semaphore, #tpu.memory_space<semaphore_mem>> -> memref<1x!tpu.dma_semaphore, #tpu.memory_space<semaphore_mem>>
      %dma_start3A_949 = tpu.memref_squeeze %dma_start3A_948 : memref<1x!tpu.dma_semaphore, #tpu.memory_space<semaphore_mem>> -> memref<!tpu.dma_semaphore, #tpu.memory_space<semaphore_mem>>
      tpu.enqueue_indirect_dma source(%arg17 : memref<80x16xf32, #tpu.memory_space<vmem>>) target(%dma_start3A_947 : memref<10240x16xf32, #tpu.memory_space<vmem_shared>>) offsets(%dma_start3A_944 : memref<80xi32, #tpu.memory_space<vmem>>) semaphore(%dma_start3A_949 : memref<!tpu.dma_semaphore, #tpu.memory_space<semaphore_mem>>) {add = true}
      %add3A_950 = arith.constant 2 : i32
      %add3A_951 = arith.addi %add3A_841, %add3A_950 : i32
      %mul3A_952 = arith.constant 80 : i32
      %mul3A_953 = arith.muli %add3A_951, %mul3A_952 : i32
      %add3A_954 = arith.addi %mul3A_2, %mul3A_953 : i32
      %dma_start3A_955 = arith.constant 0 : i32
      %dma_start3A_956 = arith.constant 0 : i32
      %dma_start3A_957 = arith.constant 0 : i32
      %dma_start3A_958 = tpu.memref_slice %arg10[%dma_start3A_955, %dma_start3A_957] : memref<4x80xi32, #tpu.memory_space<vmem>> -> memref<1x80xi32, #tpu.memory_space<vmem>>
      %dma_start3A_959 = tpu.memref_squeeze %dma_start3A_958 : memref<1x80xi32, #tpu.memory_space<vmem>> -> memref<80xi32, #tpu.memory_space<vmem>>
      %dma_start3A_960 = tpu.memref_slice %arg3[%add3A_954] : memref<320000xi32, #tpu.memory_space<hbm>> -> memref<80xi32, #tpu.memory_space<hbm>>
      %dma_start3A_961 = tpu.memref_slice %arg14[%dma_start3A_956] : memref<4x!tpu.dma_semaphore, #tpu.memory_space<semaphore_mem>> -> memref<1x!tpu.dma_semaphore, #tpu.memory_space<semaphore_mem>>
      %dma_start3A_962 = tpu.memref_squeeze %dma_start3A_961 : memref<1x!tpu.dma_semaphore, #tpu.memory_space<semaphore_mem>> -> memref<!tpu.dma_semaphore, #tpu.memory_space<semaphore_mem>>
      %dma_start3A_963 = arith.constant 0 : i32
      %dma_start3A_964 = tpu.memref_slice %arg10[%dma_start3A_955, %dma_start3A_963] : memref<4x80xi32, #tpu.memory_space<vmem>> -> memref<1x80xi32, #tpu.memory_space<vmem>>
      %dma_start3A_965 = tpu.memref_squeeze %dma_start3A_964 : memref<1x80xi32, #tpu.memory_space<vmem>> -> memref<80xi32, #tpu.memory_space<vmem>>
      %dma_start3A_966 = tpu.memref_slice %arg3[%add3A_954] : memref<320000xi32, #tpu.memory_space<hbm>> -> memref<80xi32, #tpu.memory_space<hbm>>
      tpu.enqueue_dma source(%dma_start3A_966 : memref<80xi32, #tpu.memory_space<hbm>>) target(%dma_start3A_965 : memref<80xi32, #tpu.memory_space<vmem>>) target_semaphore(%dma_start3A_962 : memref<!tpu.dma_semaphore, #tpu.memory_space<semaphore_mem>>)
      %dma_start3A_967 = arith.constant 0 : i32
      %dma_start3A_968 = arith.constant 0 : i32
      %dma_start3A_969 = arith.constant 0 : i32
      %dma_start3A_970 = tpu.memref_slice %arg11[%dma_start3A_967, %dma_start3A_969] : memref<4x80xi32, #tpu.memory_space<vmem>> -> memref<1x80xi32, #tpu.memory_space<vmem>>
      %dma_start3A_971 = tpu.memref_squeeze %dma_start3A_970 : memref<1x80xi32, #tpu.memory_space<vmem>> -> memref<80xi32, #tpu.memory_space<vmem>>
      %dma_start3A_972 = tpu.memref_slice %arg4[%add3A_954] : memref<320000xi32, #tpu.memory_space<hbm>> -> memref<80xi32, #tpu.memory_space<hbm>>
      %dma_start3A_973 = tpu.memref_slice %arg14[%dma_start3A_968] : memref<4x!tpu.dma_semaphore, #tpu.memory_space<semaphore_mem>> -> memref<1x!tpu.dma_semaphore, #tpu.memory_space<semaphore_mem>>
      %dma_start3A_974 = tpu.memref_squeeze %dma_start3A_973 : memref<1x!tpu.dma_semaphore, #tpu.memory_space<semaphore_mem>> -> memref<!tpu.dma_semaphore, #tpu.memory_space<semaphore_mem>>
      %dma_start3A_975 = arith.constant 0 : i32
      %dma_start3A_976 = tpu.memref_slice %arg11[%dma_start3A_967, %dma_start3A_975] : memref<4x80xi32, #tpu.memory_space<vmem>> -> memref<1x80xi32, #tpu.memory_space<vmem>>
      %dma_start3A_977 = tpu.memref_squeeze %dma_start3A_976 : memref<1x80xi32, #tpu.memory_space<vmem>> -> memref<80xi32, #tpu.memory_space<vmem>>
      %dma_start3A_978 = tpu.memref_slice %arg4[%add3A_954] : memref<320000xi32, #tpu.memory_space<hbm>> -> memref<80xi32, #tpu.memory_space<hbm>>
      tpu.enqueue_dma source(%dma_start3A_978 : memref<80xi32, #tpu.memory_space<hbm>>) target(%dma_start3A_977 : memref<80xi32, #tpu.memory_space<vmem>>) target_semaphore(%dma_start3A_974 : memref<!tpu.dma_semaphore, #tpu.memory_space<semaphore_mem>>)
      %mul3A_979 = arith.constant 4 : i32
      %mul3A_980 = arith.muli %mul3A_979, %add3A_692 : i32
      %add3A_981 = arith.constant 1 : i32
      %add3A_982 = arith.addi %add3A_981, %mul3A_980 : i32
      %add3A_983 = arith.constant 2 : i32
      %add3A_984 = arith.addi %add3A_982, %add3A_983 : i32
      %dma_wait3A_985 = arith.constant 3 : i32
      %dma_wait3A_986 = arith.constant 1 : i32
      %dma_wait3A_987 = arith.constant 1 : i32
      %dma_wait3A_988 = arith.constant 0 : i32
      %dma_wait3A_989 = arith.constant 0 : i32
      %dma_wait3A_990 = tpu.memref_slice %arg12[%dma_wait3A_986, %dma_wait3A_988, %dma_wait3A_989] : memref<2x80x128xf32, #tpu.memory_space<vmem>> -> memref<1x80x128xf32, #tpu.memory_space<vmem>>
      %dma_wait3A_991 = tpu.memref_squeeze %dma_wait3A_990 : memref<1x80x128xf32, #tpu.memory_space<vmem>> -> memref<80x128xf32, #tpu.memory_space<vmem>>
      %dma_wait3A_992 = arith.constant 0 : i32
      %dma_wait3A_993 = tpu.memref_slice %arg10[%dma_wait3A_985, %dma_wait3A_992] : memref<4x80xi32, #tpu.memory_space<vmem>> -> memref<1x80xi32, #tpu.memory_space<vmem>>
      %dma_wait3A_994 = tpu.memref_squeeze %dma_wait3A_993 : memref<1x80xi32, #tpu.memory_space<vmem>> -> memref<80xi32, #tpu.memory_space<vmem>>
      %dma_wait3A_995 = arith.constant 0 : i32
      %dma_wait3A_996 = arith.constant 0 : i32
      %dma_wait3A_997 = tpu.memref_slice %arg2[%dma_wait3A_995, %dma_wait3A_996] : memref<10000x128xf32, #tpu.memory_space<hbm>> -> memref<10000x128xf32, #tpu.memory_space<hbm>>
      %dma_wait3A_998 = tpu.memref_slice %arg15[%dma_wait3A_987] : memref<2x!tpu.dma_semaphore, #tpu.memory_space<semaphore_mem>> -> memref<1x!tpu.dma_semaphore, #tpu.memory_space<semaphore_mem>>
      %dma_wait3A_999 = tpu.memref_squeeze %dma_wait3A_998 : memref<1x!tpu.dma_semaphore, #tpu.memory_space<semaphore_mem>> -> memref<!tpu.dma_semaphore, #tpu.memory_space<semaphore_mem>>
      tpu.wait_indirect_dma semaphore(%dma_wait3A_999 : memref<!tpu.dma_semaphore, #tpu.memory_space<semaphore_mem>>) src(%dma_wait3A_997 : memref<10000x128xf32, #tpu.memory_space<hbm>>) dst(%dma_wait3A_991 : memref<80x128xf32, #tpu.memory_space<vmem>>)
      %dma_wait3A_1000 = arith.constant 0 : i32
      %dma_wait3A_1001 = arith.constant 2 : i32
      %dma_wait3A_1002 = arith.constant 0 : i32
      %dma_wait3A_1003 = arith.constant 0 : i32
      %dma_wait3A_1004 = arith.constant 0 : i32
      %dma_wait3A_1005 = tpu.memref_slice %arg12[%dma_wait3A_1000, %dma_wait3A_1003, %dma_wait3A_1004] : memref<2x80x128xf32, #tpu.memory_space<vmem>> -> memref<1x80x128xf32, #tpu.memory_space<vmem>>
      %dma_wait3A_1006 = tpu.memref_squeeze %dma_wait3A_1005 : memref<1x80x128xf32, #tpu.memory_space<vmem>> -> memref<80x128xf32, #tpu.memory_space<vmem>>
      %dma_wait3A_1007 = arith.constant 0 : i32
      %dma_wait3A_1008 = tpu.memref_slice %arg11[%dma_wait3A_1001, %dma_wait3A_1007] : memref<4x80xi32, #tpu.memory_space<vmem>> -> memref<1x80xi32, #tpu.memory_space<vmem>>
      %dma_wait3A_1009 = tpu.memref_squeeze %dma_wait3A_1008 : memref<1x80xi32, #tpu.memory_space<vmem>> -> memref<80xi32, #tpu.memory_space<vmem>>
      %dma_wait3A_1010 = arith.constant 0 : i32
      %dma_wait3A_1011 = arith.constant 0 : i32
      %dma_wait3A_1012 = tpu.memref_slice %arg13[%dma_wait3A_1010, %dma_wait3A_1011] : memref<10240x128xf32, #tpu.memory_space<vmem_shared>> -> memref<10240x128xf32, #tpu.memory_space<vmem_shared>>
      %dma_wait3A_1013 = tpu.memref_slice %arg16[%dma_wait3A_1002] : memref<2x!tpu.dma_semaphore, #tpu.memory_space<semaphore_mem>> -> memref<1x!tpu.dma_semaphore, #tpu.memory_space<semaphore_mem>>
      %dma_wait3A_1014 = tpu.memref_squeeze %dma_wait3A_1013 : memref<1x!tpu.dma_semaphore, #tpu.memory_space<semaphore_mem>> -> memref<!tpu.dma_semaphore, #tpu.memory_space<semaphore_mem>>
      tpu.wait_indirect_dma semaphore(%dma_wait3A_1014 : memref<!tpu.dma_semaphore, #tpu.memory_space<semaphore_mem>>) src(%dma_wait3A_1006 : memref<80x128xf32, #tpu.memory_space<vmem>>) dst(%dma_wait3A_1012 : memref<10240x128xf32, #tpu.memory_space<vmem_shared>>)
      %dma_wait3A_1015 = arith.constant 2 : i32
      %dma_wait3A_1016 = arith.constant 0 : i32
      %dma_wait3A_1017 = arith.constant 0 : i32
      %dma_wait3A_1018 = tpu.memref_slice %arg11[%dma_wait3A_1015, %dma_wait3A_1017] : memref<4x80xi32, #tpu.memory_space<vmem>> -> memref<1x80xi32, #tpu.memory_space<vmem>>
      %dma_wait3A_1019 = tpu.memref_squeeze %dma_wait3A_1018 : memref<1x80xi32, #tpu.memory_space<vmem>> -> memref<80xi32, #tpu.memory_space<vmem>>
      %dma_wait3A_1020 = arith.constant 0 : i32
      %dma_wait3A_1021 = arith.constant 0 : i32
      %dma_wait3A_1022 = tpu.memref_slice %arg18[%dma_wait3A_1020, %dma_wait3A_1021] : memref<10240x16xf32, #tpu.memory_space<vmem_shared>> -> memref<10240x16xf32, #tpu.memory_space<vmem_shared>>
      %dma_wait3A_1023 = tpu.memref_slice %arg19[%dma_wait3A_1016] : memref<2x!tpu.dma_semaphore, #tpu.memory_space<semaphore_mem>> -> memref<1x!tpu.dma_semaphore, #tpu.memory_space<semaphore_mem>>
      %dma_wait3A_1024 = tpu.memref_squeeze %dma_wait3A_1023 : memref<1x!tpu.dma_semaphore, #tpu.memory_space<semaphore_mem>> -> memref<!tpu.dma_semaphore, #tpu.memory_space<semaphore_mem>>
      tpu.wait_indirect_dma semaphore(%dma_wait3A_1024 : memref<!tpu.dma_semaphore, #tpu.memory_space<semaphore_mem>>) src(%arg17 : memref<80x16xf32, #tpu.memory_space<vmem>>) dst(%dma_wait3A_1022 : memref<10240x16xf32, #tpu.memory_space<vmem_shared>>)
      %dma_wait3A_1025 = arith.constant 0 : i32
      %dma_wait3A_1026 = arith.constant 0 : i32
      %dma_wait3A_1027 = arith.constant 0 : i32
      %dma_wait3A_1028 = tpu.memref_slice %arg10[%dma_wait3A_1025, %dma_wait3A_1027] : memref<4x80xi32, #tpu.memory_space<vmem>> -> memref<1x80xi32, #tpu.memory_space<vmem>>
      %dma_wait3A_1029 = tpu.memref_squeeze %dma_wait3A_1028 : memref<1x80xi32, #tpu.memory_space<vmem>> -> memref<80xi32, #tpu.memory_space<vmem>>
      %dma_wait3A_1030 = arith.constant 0 : i32
      %dma_wait3A_1031 = tpu.memref_slice %arg3[%dma_wait3A_1030] : memref<320000xi32, #tpu.memory_space<hbm>> -> memref<80xi32, #tpu.memory_space<hbm>>
      %dma_wait3A_1032 = tpu.memref_slice %arg14[%dma_wait3A_1026] : memref<4x!tpu.dma_semaphore, #tpu.memory_space<semaphore_mem>> -> memref<1x!tpu.dma_semaphore, #tpu.memory_space<semaphore_mem>>
      %dma_wait3A_1033 = tpu.memref_squeeze %dma_wait3A_1032 : memref<1x!tpu.dma_semaphore, #tpu.memory_space<semaphore_mem>> -> memref<!tpu.dma_semaphore, #tpu.memory_space<semaphore_mem>>
      %dma_wait3A_1034 = arith.constant 0 : i32
      %dma_wait3A_1035 = tpu.memref_slice %arg10[%dma_wait3A_1025, %dma_wait3A_1034] : memref<4x80xi32, #tpu.memory_space<vmem>> -> memref<1x80xi32, #tpu.memory_space<vmem>>
      %dma_wait3A_1036 = tpu.memref_squeeze %dma_wait3A_1035 : memref<1x80xi32, #tpu.memory_space<vmem>> -> memref<80xi32, #tpu.memory_space<vmem>>
      %dma_wait3A_1037 = arith.constant 0 : i32
      %dma_wait3A_1038 = tpu.memref_slice %arg3[%dma_wait3A_1037] : memref<320000xi32, #tpu.memory_space<hbm>> -> memref<80xi32, #tpu.memory_space<hbm>>
      tpu.wait_dma2 semaphore(%dma_wait3A_1033 : memref<!tpu.dma_semaphore, #tpu.memory_space<semaphore_mem>>) src(%dma_wait3A_1038 : memref<80xi32, #tpu.memory_space<hbm>>) dst(%dma_wait3A_1036 : memref<80xi32, #tpu.memory_space<vmem>>)
      %dma_wait3A_1039 = arith.constant 0 : i32
      %dma_wait3A_1040 = arith.constant 0 : i32
      %dma_wait3A_1041 = arith.constant 0 : i32
      %dma_wait3A_1042 = tpu.memref_slice %arg11[%dma_wait3A_1039, %dma_wait3A_1041] : memref<4x80xi32, #tpu.memory_space<vmem>> -> memref<1x80xi32, #tpu.memory_space<vmem>>
      %dma_wait3A_1043 = tpu.memref_squeeze %dma_wait3A_1042 : memref<1x80xi32, #tpu.memory_space<vmem>> -> memref<80xi32, #tpu.memory_space<vmem>>
      %dma_wait3A_1044 = arith.constant 0 : i32
      %dma_wait3A_1045 = tpu.memref_slice %arg4[%dma_wait3A_1044] : memref<320000xi32, #tpu.memory_space<hbm>> -> memref<80xi32, #tpu.memory_space<hbm>>
      %dma_wait3A_1046 = tpu.memref_slice %arg14[%dma_wait3A_1040] : memref<4x!tpu.dma_semaphore, #tpu.memory_space<semaphore_mem>> -> memref<1x!tpu.dma_semaphore, #tpu.memory_space<semaphore_mem>>
      %dma_wait3A_1047 = tpu.memref_squeeze %dma_wait3A_1046 : memref<1x!tpu.dma_semaphore, #tpu.memory_space<semaphore_mem>> -> memref<!tpu.dma_semaphore, #tpu.memory_space<semaphore_mem>>
      %dma_wait3A_1048 = arith.constant 0 : i32
      %dma_wait3A_1049 = tpu.memref_slice %arg11[%dma_wait3A_1039, %dma_wait3A_1048] : memref<4x80xi32, #tpu.memory_space<vmem>> -> memref<1x80xi32, #tpu.memory_space<vmem>>
      %dma_wait3A_1050 = tpu.memref_squeeze %dma_wait3A_1049 : memref<1x80xi32, #tpu.memory_space<vmem>> -> memref<80xi32, #tpu.memory_space<vmem>>
      %dma_wait3A_1051 = arith.constant 0 : i32
      %dma_wait3A_1052 = tpu.memref_slice %arg4[%dma_wait3A_1051] : memref<320000xi32, #tpu.memory_space<hbm>> -> memref<80xi32, #tpu.memory_space<hbm>>
      tpu.wait_dma2 semaphore(%dma_wait3A_1047 : memref<!tpu.dma_semaphore, #tpu.memory_space<semaphore_mem>>) src(%dma_wait3A_1052 : memref<80xi32, #tpu.memory_space<hbm>>) dst(%dma_wait3A_1050 : memref<80xi32, #tpu.memory_space<vmem>>)
      %dma_start3A_1053 = arith.constant 0 : i32
      %dma_start3A_1054 = arith.constant 0 : i32
      %dma_start3A_1055 = arith.constant 0 : i32
      %dma_start3A_1056 = arith.constant 0 : i32
      %dma_start3A_1057 = arith.constant 0 : i32
      %dma_start3A_1058 = tpu.memref_slice %arg12[%dma_start3A_1054, %dma_start3A_1056, %dma_start3A_1057] : memref<2x80x128xf32, #tpu.memory_space<vmem>> -> memref<1x80x128xf32, #tpu.memory_space<vmem>>
      %dma_start3A_1059 = tpu.memref_squeeze %dma_start3A_1058 : memref<1x80x128xf32, #tpu.memory_space<vmem>> -> memref<80x128xf32, #tpu.memory_space<vmem>>
      %dma_start3A_1060 = arith.constant 0 : i32
      %dma_start3A_1061 = tpu.memref_slice %arg10[%dma_start3A_1053, %dma_start3A_1060] : memref<4x80xi32, #tpu.memory_space<vmem>> -> memref<1x80xi32, #tpu.memory_space<vmem>>
      %dma_start3A_1062 = tpu.memref_squeeze %dma_start3A_1061 : memref<1x80xi32, #tpu.memory_space<vmem>> -> memref<80xi32, #tpu.memory_space<vmem>>
      %dma_start3A_1063 = arith.constant 0 : i32
      %dma_start3A_1064 = arith.constant 0 : i32
      %dma_start3A_1065 = tpu.memref_slice %arg2[%dma_start3A_1063, %dma_start3A_1064] : memref<10000x128xf32, #tpu.memory_space<hbm>> -> memref<10000x128xf32, #tpu.memory_space<hbm>>
      %dma_start3A_1066 = tpu.memref_slice %arg15[%dma_start3A_1055] : memref<2x!tpu.dma_semaphore, #tpu.memory_space<semaphore_mem>> -> memref<1x!tpu.dma_semaphore, #tpu.memory_space<semaphore_mem>>
      %dma_start3A_1067 = tpu.memref_squeeze %dma_start3A_1066 : memref<1x!tpu.dma_semaphore, #tpu.memory_space<semaphore_mem>> -> memref<!tpu.dma_semaphore, #tpu.memory_space<semaphore_mem>>
      tpu.enqueue_indirect_dma source(%dma_start3A_1065 : memref<10000x128xf32, #tpu.memory_space<hbm>>) target(%dma_start3A_1059 : memref<80x128xf32, #tpu.memory_space<vmem>>) offsets(%dma_start3A_1062 : memref<80xi32, #tpu.memory_space<vmem>>) semaphore(%dma_start3A_1067 : memref<!tpu.dma_semaphore, #tpu.memory_space<semaphore_mem>>)
      %dma_start3A_1068 = arith.constant 1 : i32
      %dma_start3A_1069 = arith.constant 3 : i32
      %dma_start3A_1070 = arith.constant 1 : i32
      %dma_start3A_1071 = arith.constant 0 : i32
      %dma_start3A_1072 = arith.constant 0 : i32
      %dma_start3A_1073 = tpu.memref_slice %arg12[%dma_start3A_1068, %dma_start3A_1071, %dma_start3A_1072] : memref<2x80x128xf32, #tpu.memory_space<vmem>> -> memref<1x80x128xf32, #tpu.memory_space<vmem>>
      %dma_start3A_1074 = tpu.memref_squeeze %dma_start3A_1073 : memref<1x80x128xf32, #tpu.memory_space<vmem>> -> memref<80x128xf32, #tpu.memory_space<vmem>>
      %dma_start3A_1075 = arith.constant 0 : i32
      %dma_start3A_1076 = tpu.memref_slice %arg11[%dma_start3A_1069, %dma_start3A_1075] : memref<4x80xi32, #tpu.memory_space<vmem>> -> memref<1x80xi32, #tpu.memory_space<vmem>>
      %dma_start3A_1077 = tpu.memref_squeeze %dma_start3A_1076 : memref<1x80xi32, #tpu.memory_space<vmem>> -> memref<80xi32, #tpu.memory_space<vmem>>
      %dma_start3A_1078 = arith.constant 0 : i32
      %dma_start3A_1079 = arith.constant 0 : i32
      %dma_start3A_1080 = tpu.memref_slice %arg13[%dma_start3A_1078, %dma_start3A_1079] : memref<10240x128xf32, #tpu.memory_space<vmem_shared>> -> memref<10240x128xf32, #tpu.memory_space<vmem_shared>>
      %dma_start3A_1081 = tpu.memref_slice %arg16[%dma_start3A_1070] : memref<2x!tpu.dma_semaphore, #tpu.memory_space<semaphore_mem>> -> memref<1x!tpu.dma_semaphore, #tpu.memory_space<semaphore_mem>>
      %dma_start3A_1082 = tpu.memref_squeeze %dma_start3A_1081 : memref<1x!tpu.dma_semaphore, #tpu.memory_space<semaphore_mem>> -> memref<!tpu.dma_semaphore, #tpu.memory_space<semaphore_mem>>
      tpu.enqueue_indirect_dma source(%dma_start3A_1074 : memref<80x128xf32, #tpu.memory_space<vmem>>) target(%dma_start3A_1080 : memref<10240x128xf32, #tpu.memory_space<vmem_shared>>) offsets(%dma_start3A_1077 : memref<80xi32, #tpu.memory_space<vmem>>) semaphore(%dma_start3A_1082 : memref<!tpu.dma_semaphore, #tpu.memory_space<semaphore_mem>>) {add = true}
      %dma_start3A_1083 = arith.constant 3 : i32
      %dma_start3A_1084 = arith.constant 1 : i32
      %dma_start3A_1085 = arith.constant 0 : i32
      %dma_start3A_1086 = tpu.memref_slice %arg11[%dma_start3A_1083, %dma_start3A_1085] : memref<4x80xi32, #tpu.memory_space<vmem>> -> memref<1x80xi32, #tpu.memory_space<vmem>>
      %dma_start3A_1087 = tpu.memref_squeeze %dma_start3A_1086 : memref<1x80xi32, #tpu.memory_space<vmem>> -> memref<80xi32, #tpu.memory_space<vmem>>
      %dma_start3A_1088 = arith.constant 0 : i32
      %dma_start3A_1089 = arith.constant 0 : i32
      %dma_start3A_1090 = tpu.memref_slice %arg18[%dma_start3A_1088, %dma_start3A_1089] : memref<10240x16xf32, #tpu.memory_space<vmem_shared>> -> memref<10240x16xf32, #tpu.memory_space<vmem_shared>>
      %dma_start3A_1091 = tpu.memref_slice %arg19[%dma_start3A_1084] : memref<2x!tpu.dma_semaphore, #tpu.memory_space<semaphore_mem>> -> memref<1x!tpu.dma_semaphore, #tpu.memory_space<semaphore_mem>>
      %dma_start3A_1092 = tpu.memref_squeeze %dma_start3A_1091 : memref<1x!tpu.dma_semaphore, #tpu.memory_space<semaphore_mem>> -> memref<!tpu.dma_semaphore, #tpu.memory_space<semaphore_mem>>
      tpu.enqueue_indirect_dma source(%arg17 : memref<80x16xf32, #tpu.memory_space<vmem>>) target(%dma_start3A_1090 : memref<10240x16xf32, #tpu.memory_space<vmem_shared>>) offsets(%dma_start3A_1087 : memref<80xi32, #tpu.memory_space<vmem>>) semaphore(%dma_start3A_1092 : memref<!tpu.dma_semaphore, #tpu.memory_space<semaphore_mem>>) {add = true}
      %add3A_1093 = arith.constant 2 : i32
      %add3A_1094 = arith.addi %add3A_984, %add3A_1093 : i32
      %mul3A_1095 = arith.constant 80 : i32
      %mul3A_1096 = arith.muli %add3A_1094, %mul3A_1095 : i32
      %add3A_1097 = arith.addi %mul3A_2, %mul3A_1096 : i32
      %dma_start3A_1098 = arith.constant 1 : i32
      %dma_start3A_1099 = arith.constant 1 : i32
      %dma_start3A_1100 = arith.constant 0 : i32
      %dma_start3A_1101 = tpu.memref_slice %arg10[%dma_start3A_1098, %dma_start3A_1100] : memref<4x80xi32, #tpu.memory_space<vmem>> -> memref<1x80xi32, #tpu.memory_space<vmem>>
      %dma_start3A_1102 = tpu.memref_squeeze %dma_start3A_1101 : memref<1x80xi32, #tpu.memory_space<vmem>> -> memref<80xi32, #tpu.memory_space<vmem>>
      %dma_start3A_1103 = tpu.memref_slice %arg3[%add3A_1097] : memref<320000xi32, #tpu.memory_space<hbm>> -> memref<80xi32, #tpu.memory_space<hbm>>
      %dma_start3A_1104 = tpu.memref_slice %arg14[%dma_start3A_1099] : memref<4x!tpu.dma_semaphore, #tpu.memory_space<semaphore_mem>> -> memref<1x!tpu.dma_semaphore, #tpu.memory_space<semaphore_mem>>
      %dma_start3A_1105 = tpu.memref_squeeze %dma_start3A_1104 : memref<1x!tpu.dma_semaphore, #tpu.memory_space<semaphore_mem>> -> memref<!tpu.dma_semaphore, #tpu.memory_space<semaphore_mem>>
      %dma_start3A_1106 = arith.constant 0 : i32
      %dma_start3A_1107 = tpu.memref_slice %arg10[%dma_start3A_1098, %dma_start3A_1106] : memref<4x80xi32, #tpu.memory_space<vmem>> -> memref<1x80xi32, #tpu.memory_space<vmem>>
      %dma_start3A_1108 = tpu.memref_squeeze %dma_start3A_1107 : memref<1x80xi32, #tpu.memory_space<vmem>> -> memref<80xi32, #tpu.memory_space<vmem>>
      %dma_start3A_1109 = tpu.memref_slice %arg3[%add3A_1097] : memref<320000xi32, #tpu.memory_space<hbm>> -> memref<80xi32, #tpu.memory_space<hbm>>
      tpu.enqueue_dma source(%dma_start3A_1109 : memref<80xi32, #tpu.memory_space<hbm>>) target(%dma_start3A_1108 : memref<80xi32, #tpu.memory_space<vmem>>) target_semaphore(%dma_start3A_1105 : memref<!tpu.dma_semaphore, #tpu.memory_space<semaphore_mem>>)
      %dma_start3A_1110 = arith.constant 1 : i32
      %dma_start3A_1111 = arith.constant 1 : i32
      %dma_start3A_1112 = arith.constant 0 : i32
      %dma_start3A_1113 = tpu.memref_slice %arg11[%dma_start3A_1110, %dma_start3A_1112] : memref<4x80xi32, #tpu.memory_space<vmem>> -> memref<1x80xi32, #tpu.memory_space<vmem>>
      %dma_start3A_1114 = tpu.memref_squeeze %dma_start3A_1113 : memref<1x80xi32, #tpu.memory_space<vmem>> -> memref<80xi32, #tpu.memory_space<vmem>>
      %dma_start3A_1115 = tpu.memref_slice %arg4[%add3A_1097] : memref<320000xi32, #tpu.memory_space<hbm>> -> memref<80xi32, #tpu.memory_space<hbm>>
      %dma_start3A_1116 = tpu.memref_slice %arg14[%dma_start3A_1111] : memref<4x!tpu.dma_semaphore, #tpu.memory_space<semaphore_mem>> -> memref<1x!tpu.dma_semaphore, #tpu.memory_space<semaphore_mem>>
      %dma_start3A_1117 = tpu.memref_squeeze %dma_start3A_1116 : memref<1x!tpu.dma_semaphore, #tpu.memory_space<semaphore_mem>> -> memref<!tpu.dma_semaphore, #tpu.memory_space<semaphore_mem>>
      %dma_start3A_1118 = arith.constant 0 : i32
      %dma_start3A_1119 = tpu.memref_slice %arg11[%dma_start3A_1110, %dma_start3A_1118] : memref<4x80xi32, #tpu.memory_space<vmem>> -> memref<1x80xi32, #tpu.memory_space<vmem>>
      %dma_start3A_1120 = tpu.memref_squeeze %dma_start3A_1119 : memref<1x80xi32, #tpu.memory_space<vmem>> -> memref<80xi32, #tpu.memory_space<vmem>>
      %dma_start3A_1121 = tpu.memref_slice %arg4[%add3A_1097] : memref<320000xi32, #tpu.memory_space<hbm>> -> memref<80xi32, #tpu.memory_space<hbm>>
      tpu.enqueue_dma source(%dma_start3A_1121 : memref<80xi32, #tpu.memory_space<hbm>>) target(%dma_start3A_1120 : memref<80xi32, #tpu.memory_space<vmem>>) target_semaphore(%dma_start3A_1117 : memref<!tpu.dma_semaphore, #tpu.memory_space<semaphore_mem>>)
      %mul3A_1122 = arith.constant 4 : i32
      %mul3A_1123 = arith.muli %mul3A_1122, %add3A_692 : i32
      %add3A_1124 = arith.constant 1 : i32
      %add3A_1125 = arith.addi %add3A_1124, %mul3A_1123 : i32
      %add3A_1126 = arith.constant 3 : i32
      %add3A_1127 = arith.addi %add3A_1125, %add3A_1126 : i32
      %dma_wait3A_1128 = arith.constant 0 : i32
      %dma_wait3A_1129 = arith.constant 0 : i32
      %dma_wait3A_1130 = arith.constant 0 : i32
      %dma_wait3A_1131 = arith.constant 0 : i32
      %dma_wait3A_1132 = arith.constant 0 : i32
      %dma_wait3A_1133 = tpu.memref_slice %arg12[%dma_wait3A_1129, %dma_wait3A_1131, %dma_wait3A_1132] : memref<2x80x128xf32, #tpu.memory_space<vmem>> -> memref<1x80x128xf32, #tpu.memory_space<vmem>>
      %dma_wait3A_1134 = tpu.memref_squeeze %dma_wait3A_1133 : memref<1x80x128xf32, #tpu.memory_space<vmem>> -> memref<80x128xf32, #tpu.memory_space<vmem>>
      %dma_wait3A_1135 = arith.constant 0 : i32
      %dma_wait3A_1136 = tpu.memref_slice %arg10[%dma_wait3A_1128, %dma_wait3A_1135] : memref<4x80xi32, #tpu.memory_space<vmem>> -> memref<1x80xi32, #tpu.memory_space<vmem>>
      %dma_wait3A_1137 = tpu.memref_squeeze %dma_wait3A_1136 : memref<1x80xi32, #tpu.memory_space<vmem>> -> memref<80xi32, #tpu.memory_space<vmem>>
      %dma_wait3A_1138 = arith.constant 0 : i32
      %dma_wait3A_1139 = arith.constant 0 : i32
      %dma_wait3A_1140 = tpu.memref_slice %arg2[%dma_wait3A_1138, %dma_wait3A_1139] : memref<10000x128xf32, #tpu.memory_space<hbm>> -> memref<10000x128xf32, #tpu.memory_space<hbm>>
      %dma_wait3A_1141 = tpu.memref_slice %arg15[%dma_wait3A_1130] : memref<2x!tpu.dma_semaphore, #tpu.memory_space<semaphore_mem>> -> memref<1x!tpu.dma_semaphore, #tpu.memory_space<semaphore_mem>>
      %dma_wait3A_1142 = tpu.memref_squeeze %dma_wait3A_1141 : memref<1x!tpu.dma_semaphore, #tpu.memory_space<semaphore_mem>> -> memref<!tpu.dma_semaphore, #tpu.memory_space<semaphore_mem>>
      tpu.wait_indirect_dma semaphore(%dma_wait3A_1142 : memref<!tpu.dma_semaphore, #tpu.memory_space<semaphore_mem>>) src(%dma_wait3A_1140 : memref<10000x128xf32, #tpu.memory_space<hbm>>) dst(%dma_wait3A_1134 : memref<80x128xf32, #tpu.memory_space<vmem>>)
      %dma_wait3A_1143 = arith.constant 1 : i32
      %dma_wait3A_1144 = arith.constant 3 : i32
      %dma_wait3A_1145 = arith.constant 1 : i32
      %dma_wait3A_1146 = arith.constant 0 : i32
      %dma_wait3A_1147 = arith.constant 0 : i32
      %dma_wait3A_1148 = tpu.memref_slice %arg12[%dma_wait3A_1143, %dma_wait3A_1146, %dma_wait3A_1147] : memref<2x80x128xf32, #tpu.memory_space<vmem>> -> memref<1x80x128xf32, #tpu.memory_space<vmem>>
      %dma_wait3A_1149 = tpu.memref_squeeze %dma_wait3A_1148 : memref<1x80x128xf32, #tpu.memory_space<vmem>> -> memref<80x128xf32, #tpu.memory_space<vmem>>
      %dma_wait3A_1150 = arith.constant 0 : i32
      %dma_wait3A_1151 = tpu.memref_slice %arg11[%dma_wait3A_1144, %dma_wait3A_1150] : memref<4x80xi32, #tpu.memory_space<vmem>> -> memref<1x80xi32, #tpu.memory_space<vmem>>
      %dma_wait3A_1152 = tpu.memref_squeeze %dma_wait3A_1151 : memref<1x80xi32, #tpu.memory_space<vmem>> -> memref<80xi32, #tpu.memory_space<vmem>>
      %dma_wait3A_1153 = arith.constant 0 : i32
      %dma_wait3A_1154 = arith.constant 0 : i32
      %dma_wait3A_1155 = tpu.memref_slice %arg13[%dma_wait3A_1153, %dma_wait3A_1154] : memref<10240x128xf32, #tpu.memory_space<vmem_shared>> -> memref<10240x128xf32, #tpu.memory_space<vmem_shared>>
      %dma_wait3A_1156 = tpu.memref_slice %arg16[%dma_wait3A_1145] : memref<2x!tpu.dma_semaphore, #tpu.memory_space<semaphore_mem>> -> memref<1x!tpu.dma_semaphore, #tpu.memory_space<semaphore_mem>>
      %dma_wait3A_1157 = tpu.memref_squeeze %dma_wait3A_1156 : memref<1x!tpu.dma_semaphore, #tpu.memory_space<semaphore_mem>> -> memref<!tpu.dma_semaphore, #tpu.memory_space<semaphore_mem>>
      tpu.wait_indirect_dma semaphore(%dma_wait3A_1157 : memref<!tpu.dma_semaphore, #tpu.memory_space<semaphore_mem>>) src(%dma_wait3A_1149 : memref<80x128xf32, #tpu.memory_space<vmem>>) dst(%dma_wait3A_1155 : memref<10240x128xf32, #tpu.memory_space<vmem_shared>>)
      %dma_wait3A_1158 = arith.constant 3 : i32
      %dma_wait3A_1159 = arith.constant 1 : i32
      %dma_wait3A_1160 = arith.constant 0 : i32
      %dma_wait3A_1161 = tpu.memref_slice %arg11[%dma_wait3A_1158, %dma_wait3A_1160] : memref<4x80xi32, #tpu.memory_space<vmem>> -> memref<1x80xi32, #tpu.memory_space<vmem>>
      %dma_wait3A_1162 = tpu.memref_squeeze %dma_wait3A_1161 : memref<1x80xi32, #tpu.memory_space<vmem>> -> memref<80xi32, #tpu.memory_space<vmem>>
      %dma_wait3A_1163 = arith.constant 0 : i32
      %dma_wait3A_1164 = arith.constant 0 : i32
      %dma_wait3A_1165 = tpu.memref_slice %arg18[%dma_wait3A_1163, %dma_wait3A_1164] : memref<10240x16xf32, #tpu.memory_space<vmem_shared>> -> memref<10240x16xf32, #tpu.memory_space<vmem_shared>>
      %dma_wait3A_1166 = tpu.memref_slice %arg19[%dma_wait3A_1159] : memref<2x!tpu.dma_semaphore, #tpu.memory_space<semaphore_mem>> -> memref<1x!tpu.dma_semaphore, #tpu.memory_space<semaphore_mem>>
      %dma_wait3A_1167 = tpu.memref_squeeze %dma_wait3A_1166 : memref<1x!tpu.dma_semaphore, #tpu.memory_space<semaphore_mem>> -> memref<!tpu.dma_semaphore, #tpu.memory_space<semaphore_mem>>
      tpu.wait_indirect_dma semaphore(%dma_wait3A_1167 : memref<!tpu.dma_semaphore, #tpu.memory_space<semaphore_mem>>) src(%arg17 : memref<80x16xf32, #tpu.memory_space<vmem>>) dst(%dma_wait3A_1165 : memref<10240x16xf32, #tpu.memory_space<vmem_shared>>)
      %dma_wait3A_1168 = arith.constant 1 : i32
      %dma_wait3A_1169 = arith.constant 1 : i32
      %dma_wait3A_1170 = arith.constant 0 : i32
      %dma_wait3A_1171 = tpu.memref_slice %arg10[%dma_wait3A_1168, %dma_wait3A_1170] : memref<4x80xi32, #tpu.memory_space<vmem>> -> memref<1x80xi32, #tpu.memory_space<vmem>>
      %dma_wait3A_1172 = tpu.memref_squeeze %dma_wait3A_1171 : memref<1x80xi32, #tpu.memory_space<vmem>> -> memref<80xi32, #tpu.memory_space<vmem>>
      %dma_wait3A_1173 = arith.constant 0 : i32
      %dma_wait3A_1174 = tpu.memref_slice %arg3[%dma_wait3A_1173] : memref<320000xi32, #tpu.memory_space<hbm>> -> memref<80xi32, #tpu.memory_space<hbm>>
      %dma_wait3A_1175 = tpu.memref_slice %arg14[%dma_wait3A_1169] : memref<4x!tpu.dma_semaphore, #tpu.memory_space<semaphore_mem>> -> memref<1x!tpu.dma_semaphore, #tpu.memory_space<semaphore_mem>>
      %dma_wait3A_1176 = tpu.memref_squeeze %dma_wait3A_1175 : memref<1x!tpu.dma_semaphore, #tpu.memory_space<semaphore_mem>> -> memref<!tpu.dma_semaphore, #tpu.memory_space<semaphore_mem>>
      %dma_wait3A_1177 = arith.constant 0 : i32
      %dma_wait3A_1178 = tpu.memref_slice %arg10[%dma_wait3A_1168, %dma_wait3A_1177] : memref<4x80xi32, #tpu.memory_space<vmem>> -> memref<1x80xi32, #tpu.memory_space<vmem>>
      %dma_wait3A_1179 = tpu.memref_squeeze %dma_wait3A_1178 : memref<1x80xi32, #tpu.memory_space<vmem>> -> memref<80xi32, #tpu.memory_space<vmem>>
      %dma_wait3A_1180 = arith.constant 0 : i32
      %dma_wait3A_1181 = tpu.memref_slice %arg3[%dma_wait3A_1180] : memref<320000xi32, #tpu.memory_space<hbm>> -> memref<80xi32, #tpu.memory_space<hbm>>
      tpu.wait_dma2 semaphore(%dma_wait3A_1176 : memref<!tpu.dma_semaphore, #tpu.memory_space<semaphore_mem>>) src(%dma_wait3A_1181 : memref<80xi32, #tpu.memory_space<hbm>>) dst(%dma_wait3A_1179 : memref<80xi32, #tpu.memory_space<vmem>>)
      %dma_wait3A_1182 = arith.constant 1 : i32
      %dma_wait3A_1183 = arith.constant 1 : i32
      %dma_wait3A_1184 = arith.constant 0 : i32
      %dma_wait3A_1185 = tpu.memref_slice %arg11[%dma_wait3A_1182, %dma_wait3A_1184] : memref<4x80xi32, #tpu.memory_space<vmem>> -> memref<1x80xi32, #tpu.memory_space<vmem>>
      %dma_wait3A_1186 = tpu.memref_squeeze %dma_wait3A_1185 : memref<1x80xi32, #tpu.memory_space<vmem>> -> memref<80xi32, #tpu.memory_space<vmem>>
      %dma_wait3A_1187 = arith.constant 0 : i32
      %dma_wait3A_1188 = tpu.memref_slice %arg4[%dma_wait3A_1187] : memref<320000xi32, #tpu.memory_space<hbm>> -> memref<80xi32, #tpu.memory_space<hbm>>
      %dma_wait3A_1189 = tpu.memref_slice %arg14[%dma_wait3A_1183] : memref<4x!tpu.dma_semaphore, #tpu.memory_space<semaphore_mem>> -> memref<1x!tpu.dma_semaphore, #tpu.memory_space<semaphore_mem>>
      %dma_wait3A_1190 = tpu.memref_squeeze %dma_wait3A_1189 : memref<1x!tpu.dma_semaphore, #tpu.memory_space<semaphore_mem>> -> memref<!tpu.dma_semaphore, #tpu.memory_space<semaphore_mem>>
      %dma_wait3A_1191 = arith.constant 0 : i32
      %dma_wait3A_1192 = tpu.memref_slice %arg11[%dma_wait3A_1182, %dma_wait3A_1191] : memref<4x80xi32, #tpu.memory_space<vmem>> -> memref<1x80xi32, #tpu.memory_space<vmem>>
      %dma_wait3A_1193 = tpu.memref_squeeze %dma_wait3A_1192 : memref<1x80xi32, #tpu.memory_space<vmem>> -> memref<80xi32, #tpu.memory_space<vmem>>
      %dma_wait3A_1194 = arith.constant 0 : i32
      %dma_wait3A_1195 = tpu.memref_slice %arg4[%dma_wait3A_1194] : memref<320000xi32, #tpu.memory_space<hbm>> -> memref<80xi32, #tpu.memory_space<hbm>>
      tpu.wait_dma2 semaphore(%dma_wait3A_1190 : memref<!tpu.dma_semaphore, #tpu.memory_space<semaphore_mem>>) src(%dma_wait3A_1195 : memref<80xi32, #tpu.memory_space<hbm>>) dst(%dma_wait3A_1193 : memref<80xi32, #tpu.memory_space<vmem>>)
      %dma_start3A_1196 = arith.constant 1 : i32
      %dma_start3A_1197 = arith.constant 1 : i32
      %dma_start3A_1198 = arith.constant 1 : i32
      %dma_start3A_1199 = arith.constant 0 : i32
      %dma_start3A_1200 = arith.constant 0 : i32
      %dma_start3A_1201 = tpu.memref_slice %arg12[%dma_start3A_1197, %dma_start3A_1199, %dma_start3A_1200] : memref<2x80x128xf32, #tpu.memory_space<vmem>> -> memref<1x80x128xf32, #tpu.memory_space<vmem>>
      %dma_start3A_1202 = tpu.memref_squeeze %dma_start3A_1201 : memref<1x80x128xf32, #tpu.memory_space<vmem>> -> memref<80x128xf32, #tpu.memory_space<vmem>>
      %dma_start3A_1203 = arith.constant 0 : i32
      %dma_start3A_1204 = tpu.memref_slice %arg10[%dma_start3A_1196, %dma_start3A_1203] : memref<4x80xi32, #tpu.memory_space<vmem>> -> memref<1x80xi32, #tpu.memory_space<vmem>>
      %dma_start3A_1205 = tpu.memref_squeeze %dma_start3A_1204 : memref<1x80xi32, #tpu.memory_space<vmem>> -> memref<80xi32, #tpu.memory_space<vmem>>
      %dma_start3A_1206 = arith.constant 0 : i32
      %dma_start3A_1207 = arith.constant 0 : i32
      %dma_start3A_1208 = tpu.memref_slice %arg2[%dma_start3A_1206, %dma_start3A_1207] : memref<10000x128xf32, #tpu.memory_space<hbm>> -> memref<10000x128xf32, #tpu.memory_space<hbm>>
      %dma_start3A_1209 = tpu.memref_slice %arg15[%dma_start3A_1198] : memref<2x!tpu.dma_semaphore, #tpu.memory_space<semaphore_mem>> -> memref<1x!tpu.dma_semaphore, #tpu.memory_space<semaphore_mem>>
      %dma_start3A_1210 = tpu.memref_squeeze %dma_start3A_1209 : memref<1x!tpu.dma_semaphore, #tpu.memory_space<semaphore_mem>> -> memref<!tpu.dma_semaphore, #tpu.memory_space<semaphore_mem>>
      tpu.enqueue_indirect_dma source(%dma_start3A_1208 : memref<10000x128xf32, #tpu.memory_space<hbm>>) target(%dma_start3A_1202 : memref<80x128xf32, #tpu.memory_space<vmem>>) offsets(%dma_start3A_1205 : memref<80xi32, #tpu.memory_space<vmem>>) semaphore(%dma_start3A_1210 : memref<!tpu.dma_semaphore, #tpu.memory_space<semaphore_mem>>)
      %dma_start3A_1211 = arith.constant 0 : i32
      %dma_start3A_1212 = arith.constant 0 : i32
      %dma_start3A_1213 = arith.constant 0 : i32
      %dma_start3A_1214 = arith.constant 0 : i32
      %dma_start3A_1215 = arith.constant 0 : i32
      %dma_start3A_1216 = tpu.memref_slice %arg12[%dma_start3A_1211, %dma_start3A_1214, %dma_start3A_1215] : memref<2x80x128xf32, #tpu.memory_space<vmem>> -> memref<1x80x128xf32, #tpu.memory_space<vmem>>
      %dma_start3A_1217 = tpu.memref_squeeze %dma_start3A_1216 : memref<1x80x128xf32, #tpu.memory_space<vmem>> -> memref<80x128xf32, #tpu.memory_space<vmem>>
      %dma_start3A_1218 = arith.constant 0 : i32
      %dma_start3A_1219 = tpu.memref_slice %arg11[%dma_start3A_1212, %dma_start3A_1218] : memref<4x80xi32, #tpu.memory_space<vmem>> -> memref<1x80xi32, #tpu.memory_space<vmem>>
      %dma_start3A_1220 = tpu.memref_squeeze %dma_start3A_1219 : memref<1x80xi32, #tpu.memory_space<vmem>> -> memref<80xi32, #tpu.memory_space<vmem>>
      %dma_start3A_1221 = arith.constant 0 : i32
      %dma_start3A_1222 = arith.constant 0 : i32
      %dma_start3A_1223 = tpu.memref_slice %arg13[%dma_start3A_1221, %dma_start3A_1222] : memref<10240x128xf32, #tpu.memory_space<vmem_shared>> -> memref<10240x128xf32, #tpu.memory_space<vmem_shared>>
      %dma_start3A_1224 = tpu.memref_slice %arg16[%dma_start3A_1213] : memref<2x!tpu.dma_semaphore, #tpu.memory_space<semaphore_mem>> -> memref<1x!tpu.dma_semaphore, #tpu.memory_space<semaphore_mem>>
      %dma_start3A_1225 = tpu.memref_squeeze %dma_start3A_1224 : memref<1x!tpu.dma_semaphore, #tpu.memory_space<semaphore_mem>> -> memref<!tpu.dma_semaphore, #tpu.memory_space<semaphore_mem>>
      tpu.enqueue_indirect_dma source(%dma_start3A_1217 : memref<80x128xf32, #tpu.memory_space<vmem>>) target(%dma_start3A_1223 : memref<10240x128xf32, #tpu.memory_space<vmem_shared>>) offsets(%dma_start3A_1220 : memref<80xi32, #tpu.memory_space<vmem>>) semaphore(%dma_start3A_1225 : memref<!tpu.dma_semaphore, #tpu.memory_space<semaphore_mem>>) {add = true}
      %dma_start3A_1226 = arith.constant 0 : i32
      %dma_start3A_1227 = arith.constant 0 : i32
      %dma_start3A_1228 = arith.constant 0 : i32
      %dma_start3A_1229 = tpu.memref_slice %arg11[%dma_start3A_1226, %dma_start3A_1228] : memref<4x80xi32, #tpu.memory_space<vmem>> -> memref<1x80xi32, #tpu.memory_space<vmem>>
      %dma_start3A_1230 = tpu.memref_squeeze %dma_start3A_1229 : memref<1x80xi32, #tpu.memory_space<vmem>> -> memref<80xi32, #tpu.memory_space<vmem>>
      %dma_start3A_1231 = arith.constant 0 : i32
      %dma_start3A_1232 = arith.constant 0 : i32
      %dma_start3A_1233 = tpu.memref_slice %arg18[%dma_start3A_1231, %dma_start3A_1232] : memref<10240x16xf32, #tpu.memory_space<vmem_shared>> -> memref<10240x16xf32, #tpu.memory_space<vmem_shared>>
      %dma_start3A_1234 = tpu.memref_slice %arg19[%dma_start3A_1227] : memref<2x!tpu.dma_semaphore, #tpu.memory_space<semaphore_mem>> -> memref<1x!tpu.dma_semaphore, #tpu.memory_space<semaphore_mem>>
      %dma_start3A_1235 = tpu.memref_squeeze %dma_start3A_1234 : memref<1x!tpu.dma_semaphore, #tpu.memory_space<semaphore_mem>> -> memref<!tpu.dma_semaphore, #tpu.memory_space<semaphore_mem>>
      tpu.enqueue_indirect_dma source(%arg17 : memref<80x16xf32, #tpu.memory_space<vmem>>) target(%dma_start3A_1233 : memref<10240x16xf32, #tpu.memory_space<vmem_shared>>) offsets(%dma_start3A_1230 : memref<80xi32, #tpu.memory_space<vmem>>) semaphore(%dma_start3A_1235 : memref<!tpu.dma_semaphore, #tpu.memory_space<semaphore_mem>>) {add = true}
      %add3A_1236 = arith.constant 2 : i32
      %add3A_1237 = arith.addi %add3A_1127, %add3A_1236 : i32
      %mul3A_1238 = arith.constant 80 : i32
      %mul3A_1239 = arith.muli %add3A_1237, %mul3A_1238 : i32
      %add3A_1240 = arith.addi %mul3A_2, %mul3A_1239 : i32
      %dma_start3A_1241 = arith.constant 2 : i32
      %dma_start3A_1242 = arith.constant 2 : i32
      %dma_start3A_1243 = arith.constant 0 : i32
      %dma_start3A_1244 = tpu.memref_slice %arg10[%dma_start3A_1241, %dma_start3A_1243] : memref<4x80xi32, #tpu.memory_space<vmem>> -> memref<1x80xi32, #tpu.memory_space<vmem>>
      %dma_start3A_1245 = tpu.memref_squeeze %dma_start3A_1244 : memref<1x80xi32, #tpu.memory_space<vmem>> -> memref<80xi32, #tpu.memory_space<vmem>>
      %dma_start3A_1246 = tpu.memref_slice %arg3[%add3A_1240] : memref<320000xi32, #tpu.memory_space<hbm>> -> memref<80xi32, #tpu.memory_space<hbm>>
      %dma_start3A_1247 = tpu.memref_slice %arg14[%dma_start3A_1242] : memref<4x!tpu.dma_semaphore, #tpu.memory_space<semaphore_mem>> -> memref<1x!tpu.dma_semaphore, #tpu.memory_space<semaphore_mem>>
      %dma_start3A_1248 = tpu.memref_squeeze %dma_start3A_1247 : memref<1x!tpu.dma_semaphore, #tpu.memory_space<semaphore_mem>> -> memref<!tpu.dma_semaphore, #tpu.memory_space<semaphore_mem>>
      %dma_start3A_1249 = arith.constant 0 : i32
      %dma_start3A_1250 = tpu.memref_slice %arg10[%dma_start3A_1241, %dma_start3A_1249] : memref<4x80xi32, #tpu.memory_space<vmem>> -> memref<1x80xi32, #tpu.memory_space<vmem>>
      %dma_start3A_1251 = tpu.memref_squeeze %dma_start3A_1250 : memref<1x80xi32, #tpu.memory_space<vmem>> -> memref<80xi32, #tpu.memory_space<vmem>>
      %dma_start3A_1252 = tpu.memref_slice %arg3[%add3A_1240] : memref<320000xi32, #tpu.memory_space<hbm>> -> memref<80xi32, #tpu.memory_space<hbm>>
      tpu.enqueue_dma source(%dma_start3A_1252 : memref<80xi32, #tpu.memory_space<hbm>>) target(%dma_start3A_1251 : memref<80xi32, #tpu.memory_space<vmem>>) target_semaphore(%dma_start3A_1248 : memref<!tpu.dma_semaphore, #tpu.memory_space<semaphore_mem>>)
      %dma_start3A_1253 = arith.constant 2 : i32
      %dma_start3A_1254 = arith.constant 2 : i32
      %dma_start3A_1255 = arith.constant 0 : i32
      %dma_start3A_1256 = tpu.memref_slice %arg11[%dma_start3A_1253, %dma_start3A_1255] : memref<4x80xi32, #tpu.memory_space<vmem>> -> memref<1x80xi32, #tpu.memory_space<vmem>>
      %dma_start3A_1257 = tpu.memref_squeeze %dma_start3A_1256 : memref<1x80xi32, #tpu.memory_space<vmem>> -> memref<80xi32, #tpu.memory_space<vmem>>
      %dma_start3A_1258 = tpu.memref_slice %arg4[%add3A_1240] : memref<320000xi32, #tpu.memory_space<hbm>> -> memref<80xi32, #tpu.memory_space<hbm>>
      %dma_start3A_1259 = tpu.memref_slice %arg14[%dma_start3A_1254] : memref<4x!tpu.dma_semaphore, #tpu.memory_space<semaphore_mem>> -> memref<1x!tpu.dma_semaphore, #tpu.memory_space<semaphore_mem>>
      %dma_start3A_1260 = tpu.memref_squeeze %dma_start3A_1259 : memref<1x!tpu.dma_semaphore, #tpu.memory_space<semaphore_mem>> -> memref<!tpu.dma_semaphore, #tpu.memory_space<semaphore_mem>>
      %dma_start3A_1261 = arith.constant 0 : i32
      %dma_start3A_1262 = tpu.memref_slice %arg11[%dma_start3A_1253, %dma_start3A_1261] : memref<4x80xi32, #tpu.memory_space<vmem>> -> memref<1x80xi32, #tpu.memory_space<vmem>>
      %dma_start3A_1263 = tpu.memref_squeeze %dma_start3A_1262 : memref<1x80xi32, #tpu.memory_space<vmem>> -> memref<80xi32, #tpu.memory_space<vmem>>
      %dma_start3A_1264 = tpu.memref_slice %arg4[%add3A_1240] : memref<320000xi32, #tpu.memory_space<hbm>> -> memref<80xi32, #tpu.memory_space<hbm>>
      tpu.enqueue_dma source(%dma_start3A_1264 : memref<80xi32, #tpu.memory_space<hbm>>) target(%dma_start3A_1263 : memref<80xi32, #tpu.memory_space<vmem>>) target_semaphore(%dma_start3A_1260 : memref<!tpu.dma_semaphore, #tpu.memory_space<semaphore_mem>>)
    }
    %scan3A_212 = arith.constant 30 : i32
    %dma_wait3A_213 = arith.constant 1 : i32
    %dma_wait3A_214 = arith.constant 1 : i32
    %dma_wait3A_215 = arith.constant 1 : i32
    %dma_wait3A_216 = arith.constant 0 : i32
    %dma_wait3A_217 = arith.constant 0 : i32
    %dma_wait3A_218 = tpu.memref_slice %arg12[%dma_wait3A_214, %dma_wait3A_216, %dma_wait3A_217] : memref<2x80x128xf32, #tpu.memory_space<vmem>> -> memref<1x80x128xf32, #tpu.memory_space<vmem>>
    %dma_wait3A_219 = tpu.memref_squeeze %dma_wait3A_218 : memref<1x80x128xf32, #tpu.memory_space<vmem>> -> memref<80x128xf32, #tpu.memory_space<vmem>>
    %dma_wait3A_220 = arith.constant 0 : i32
    %dma_wait3A_221 = tpu.memref_slice %arg10[%dma_wait3A_213, %dma_wait3A_220] : memref<4x80xi32, #tpu.memory_space<vmem>> -> memref<1x80xi32, #tpu.memory_space<vmem>>
    %dma_wait3A_222 = tpu.memref_squeeze %dma_wait3A_221 : memref<1x80xi32, #tpu.memory_space<vmem>> -> memref<80xi32, #tpu.memory_space<vmem>>
    %dma_wait3A_223 = arith.constant 0 : i32
    %dma_wait3A_224 = arith.constant 0 : i32
    %dma_wait3A_225 = tpu.memref_slice %arg2[%dma_wait3A_223, %dma_wait3A_224] : memref<10000x128xf32, #tpu.memory_space<hbm>> -> memref<10000x128xf32, #tpu.memory_space<hbm>>
    %dma_wait3A_226 = tpu.memref_slice %arg15[%dma_wait3A_215] : memref<2x!tpu.dma_semaphore, #tpu.memory_space<semaphore_mem>> -> memref<1x!tpu.dma_semaphore, #tpu.memory_space<semaphore_mem>>
    %dma_wait3A_227 = tpu.memref_squeeze %dma_wait3A_226 : memref<1x!tpu.dma_semaphore, #tpu.memory_space<semaphore_mem>> -> memref<!tpu.dma_semaphore, #tpu.memory_space<semaphore_mem>>
    tpu.wait_indirect_dma semaphore(%dma_wait3A_227 : memref<!tpu.dma_semaphore, #tpu.memory_space<semaphore_mem>>) src(%dma_wait3A_225 : memref<10000x128xf32, #tpu.memory_space<hbm>>) dst(%dma_wait3A_219 : memref<80x128xf32, #tpu.memory_space<vmem>>)
    %dma_wait3A_228 = arith.constant 0 : i32
    %dma_wait3A_229 = arith.constant 0 : i32
    %dma_wait3A_230 = arith.constant 0 : i32
    %dma_wait3A_231 = arith.constant 0 : i32
    %dma_wait3A_232 = arith.constant 0 : i32
    %dma_wait3A_233 = tpu.memref_slice %arg12[%dma_wait3A_228, %dma_wait3A_231, %dma_wait3A_232] : memref<2x80x128xf32, #tpu.memory_space<vmem>> -> memref<1x80x128xf32, #tpu.memory_space<vmem>>
    %dma_wait3A_234 = tpu.memref_squeeze %dma_wait3A_233 : memref<1x80x128xf32, #tpu.memory_space<vmem>> -> memref<80x128xf32, #tpu.memory_space<vmem>>
    %dma_wait3A_235 = arith.constant 0 : i32
    %dma_wait3A_236 = tpu.memref_slice %arg11[%dma_wait3A_229, %dma_wait3A_235] : memref<4x80xi32, #tpu.memory_space<vmem>> -> memref<1x80xi32, #tpu.memory_space<vmem>>
    %dma_wait3A_237 = tpu.memref_squeeze %dma_wait3A_236 : memref<1x80xi32, #tpu.memory_space<vmem>> -> memref<80xi32, #tpu.memory_space<vmem>>
    %dma_wait3A_238 = arith.constant 0 : i32
    %dma_wait3A_239 = arith.constant 0 : i32
    %dma_wait3A_240 = tpu.memref_slice %arg13[%dma_wait3A_238, %dma_wait3A_239] : memref<10240x128xf32, #tpu.memory_space<vmem_shared>> -> memref<10240x128xf32, #tpu.memory_space<vmem_shared>>
    %dma_wait3A_241 = tpu.memref_slice %arg16[%dma_wait3A_230] : memref<2x!tpu.dma_semaphore, #tpu.memory_space<semaphore_mem>> -> memref<1x!tpu.dma_semaphore, #tpu.memory_space<semaphore_mem>>
    %dma_wait3A_242 = tpu.memref_squeeze %dma_wait3A_241 : memref<1x!tpu.dma_semaphore, #tpu.memory_space<semaphore_mem>> -> memref<!tpu.dma_semaphore, #tpu.memory_space<semaphore_mem>>
    tpu.wait_indirect_dma semaphore(%dma_wait3A_242 : memref<!tpu.dma_semaphore, #tpu.memory_space<semaphore_mem>>) src(%dma_wait3A_234 : memref<80x128xf32, #tpu.memory_space<vmem>>) dst(%dma_wait3A_240 : memref<10240x128xf32, #tpu.memory_space<vmem_shared>>)
    %dma_wait3A_243 = arith.constant 0 : i32
    %dma_wait3A_244 = arith.constant 0 : i32
    %dma_wait3A_245 = arith.constant 0 : i32
    %dma_wait3A_246 = tpu.memref_slice %arg11[%dma_wait3A_243, %dma_wait3A_245] : memref<4x80xi32, #tpu.memory_space<vmem>> -> memref<1x80xi32, #tpu.memory_space<vmem>>
    %dma_wait3A_247 = tpu.memref_squeeze %dma_wait3A_246 : memref<1x80xi32, #tpu.memory_space<vmem>> -> memref<80xi32, #tpu.memory_space<vmem>>
    %dma_wait3A_248 = arith.constant 0 : i32
    %dma_wait3A_249 = arith.constant 0 : i32
    %dma_wait3A_250 = tpu.memref_slice %arg18[%dma_wait3A_248, %dma_wait3A_249] : memref<10240x16xf32, #tpu.memory_space<vmem_shared>> -> memref<10240x16xf32, #tpu.memory_space<vmem_shared>>
    %dma_wait3A_251 = tpu.memref_slice %arg19[%dma_wait3A_244] : memref<2x!tpu.dma_semaphore, #tpu.memory_space<semaphore_mem>> -> memref<1x!tpu.dma_semaphore, #tpu.memory_space<semaphore_mem>>
    %dma_wait3A_252 = tpu.memref_squeeze %dma_wait3A_251 : memref<1x!tpu.dma_semaphore, #tpu.memory_space<semaphore_mem>> -> memref<!tpu.dma_semaphore, #tpu.memory_space<semaphore_mem>>
    tpu.wait_indirect_dma semaphore(%dma_wait3A_252 : memref<!tpu.dma_semaphore, #tpu.memory_space<semaphore_mem>>) src(%arg17 : memref<80x16xf32, #tpu.memory_space<vmem>>) dst(%dma_wait3A_250 : memref<10240x16xf32, #tpu.memory_space<vmem_shared>>)
    %dma_wait3A_253 = arith.constant 2 : i32
    %dma_wait3A_254 = arith.constant 2 : i32
    %dma_wait3A_255 = arith.constant 0 : i32
    %dma_wait3A_256 = tpu.memref_slice %arg10[%dma_wait3A_253, %dma_wait3A_255] : memref<4x80xi32, #tpu.memory_space<vmem>> -> memref<1x80xi32, #tpu.memory_space<vmem>>
    %dma_wait3A_257 = tpu.memref_squeeze %dma_wait3A_256 : memref<1x80xi32, #tpu.memory_space<vmem>> -> memref<80xi32, #tpu.memory_space<vmem>>
    %dma_wait3A_258 = arith.constant 0 : i32
    %dma_wait3A_259 = tpu.memref_slice %arg3[%dma_wait3A_258] : memref<320000xi32, #tpu.memory_space<hbm>> -> memref<80xi32, #tpu.memory_space<hbm>>
    %dma_wait3A_260 = tpu.memref_slice %arg14[%dma_wait3A_254] : memref<4x!tpu.dma_semaphore, #tpu.memory_space<semaphore_mem>> -> memref<1x!tpu.dma_semaphore, #tpu.memory_space<semaphore_mem>>
    %dma_wait3A_261 = tpu.memref_squeeze %dma_wait3A_260 : memref<1x!tpu.dma_semaphore, #tpu.memory_space<semaphore_mem>> -> memref<!tpu.dma_semaphore, #tpu.memory_space<semaphore_mem>>
    %dma_wait3A_262 = arith.constant 0 : i32
    %dma_wait3A_263 = tpu.memref_slice %arg10[%dma_wait3A_253, %dma_wait3A_262] : memref<4x80xi32, #tpu.memory_space<vmem>> -> memref<1x80xi32, #tpu.memory_space<vmem>>
    %dma_wait3A_264 = tpu.memref_squeeze %dma_wait3A_263 : memref<1x80xi32, #tpu.memory_space<vmem>> -> memref<80xi32, #tpu.memory_space<vmem>>
    %dma_wait3A_265 = arith.constant 0 : i32
    %dma_wait3A_266 = tpu.memref_slice %arg3[%dma_wait3A_265] : memref<320000xi32, #tpu.memory_space<hbm>> -> memref<80xi32, #tpu.memory_space<hbm>>
    tpu.wait_dma2 semaphore(%dma_wait3A_261 : memref<!tpu.dma_semaphore, #tpu.memory_space<semaphore_mem>>) src(%dma_wait3A_266 : memref<80xi32, #tpu.memory_space<hbm>>) dst(%dma_wait3A_264 : memref<80xi32, #tpu.memory_space<vmem>>)
    %dma_wait3A_267 = arith.constant 2 : i32
    %dma_wait3A_268 = arith.constant 2 : i32
    %dma_wait3A_269 = arith.constant 0 : i32
    %dma_wait3A_270 = tpu.memref_slice %arg11[%dma_wait3A_267, %dma_wait3A_269] : memref<4x80xi32, #tpu.memory_space<vmem>> -> memref<1x80xi32, #tpu.memory_space<vmem>>
    %dma_wait3A_271 = tpu.memref_squeeze %dma_wait3A_270 : memref<1x80xi32, #tpu.memory_space<vmem>> -> memref<80xi32, #tpu.memory_space<vmem>>
    %dma_wait3A_272 = arith.constant 0 : i32
    %dma_wait3A_273 = tpu.memref_slice %arg4[%dma_wait3A_272] : memref<320000xi32, #tpu.memory_space<hbm>> -> memref<80xi32, #tpu.memory_space<hbm>>
    %dma_wait3A_274 = tpu.memref_slice %arg14[%dma_wait3A_268] : memref<4x!tpu.dma_semaphore, #tpu.memory_space<semaphore_mem>> -> memref<1x!tpu.dma_semaphore, #tpu.memory_space<semaphore_mem>>
    %dma_wait3A_275 = tpu.memref_squeeze %dma_wait3A_274 : memref<1x!tpu.dma_semaphore, #tpu.memory_space<semaphore_mem>> -> memref<!tpu.dma_semaphore, #tpu.memory_space<semaphore_mem>>
    %dma_wait3A_276 = arith.constant 0 : i32
    %dma_wait3A_277 = tpu.memref_slice %arg11[%dma_wait3A_267, %dma_wait3A_276] : memref<4x80xi32, #tpu.memory_space<vmem>> -> memref<1x80xi32, #tpu.memory_space<vmem>>
    %dma_wait3A_278 = tpu.memref_squeeze %dma_wait3A_277 : memref<1x80xi32, #tpu.memory_space<vmem>> -> memref<80xi32, #tpu.memory_space<vmem>>
    %dma_wait3A_279 = arith.constant 0 : i32
    %dma_wait3A_280 = tpu.memref_slice %arg4[%dma_wait3A_279] : memref<320000xi32, #tpu.memory_space<hbm>> -> memref<80xi32, #tpu.memory_space<hbm>>
    tpu.wait_dma2 semaphore(%dma_wait3A_275 : memref<!tpu.dma_semaphore, #tpu.memory_space<semaphore_mem>>) src(%dma_wait3A_280 : memref<80xi32, #tpu.memory_space<hbm>>) dst(%dma_wait3A_278 : memref<80xi32, #tpu.memory_space<vmem>>)
    %dma_start3A_281 = arith.constant 2 : i32
    %dma_start3A_282 = arith.constant 0 : i32
    %dma_start3A_283 = arith.constant 0 : i32
    %dma_start3A_284 = arith.constant 0 : i32
    %dma_start3A_285 = arith.constant 0 : i32
    %dma_start3A_286 = tpu.memref_slice %arg12[%dma_start3A_282, %dma_start3A_284, %dma_start3A_285] : memref<2x80x128xf32, #tpu.memory_space<vmem>> -> memref<1x80x128xf32, #tpu.memory_space<vmem>>
    %dma_start3A_287 = tpu.memref_squeeze %dma_start3A_286 : memref<1x80x128xf32, #tpu.memory_space<vmem>> -> memref<80x128xf32, #tpu.memory_space<vmem>>
    %dma_start3A_288 = arith.constant 0 : i32
    %dma_start3A_289 = tpu.memref_slice %arg10[%dma_start3A_281, %dma_start3A_288] : memref<4x80xi32, #tpu.memory_space<vmem>> -> memref<1x80xi32, #tpu.memory_space<vmem>>
    %dma_start3A_290 = tpu.memref_squeeze %dma_start3A_289 : memref<1x80xi32, #tpu.memory_space<vmem>> -> memref<80xi32, #tpu.memory_space<vmem>>
    %dma_start3A_291 = arith.constant 0 : i32
    %dma_start3A_292 = arith.constant 0 : i32
    %dma_start3A_293 = tpu.memref_slice %arg2[%dma_start3A_291, %dma_start3A_292] : memref<10000x128xf32, #tpu.memory_space<hbm>> -> memref<10000x128xf32, #tpu.memory_space<hbm>>
    %dma_start3A_294 = tpu.memref_slice %arg15[%dma_start3A_283] : memref<2x!tpu.dma_semaphore, #tpu.memory_space<semaphore_mem>> -> memref<1x!tpu.dma_semaphore, #tpu.memory_space<semaphore_mem>>
    %dma_start3A_295 = tpu.memref_squeeze %dma_start3A_294 : memref<1x!tpu.dma_semaphore, #tpu.memory_space<semaphore_mem>> -> memref<!tpu.dma_semaphore, #tpu.memory_space<semaphore_mem>>
    tpu.enqueue_indirect_dma source(%dma_start3A_293 : memref<10000x128xf32, #tpu.memory_space<hbm>>) target(%dma_start3A_287 : memref<80x128xf32, #tpu.memory_space<vmem>>) offsets(%dma_start3A_290 : memref<80xi32, #tpu.memory_space<vmem>>) semaphore(%dma_start3A_295 : memref<!tpu.dma_semaphore, #tpu.memory_space<semaphore_mem>>)
    %dma_start3A_296 = arith.constant 1 : i32
    %dma_start3A_297 = arith.constant 1 : i32
    %dma_start3A_298 = arith.constant 1 : i32
    %dma_start3A_299 = arith.constant 0 : i32
    %dma_start3A_300 = arith.constant 0 : i32
    %dma_start3A_301 = tpu.memref_slice %arg12[%dma_start3A_296, %dma_start3A_299, %dma_start3A_300] : memref<2x80x128xf32, #tpu.memory_space<vmem>> -> memref<1x80x128xf32, #tpu.memory_space<vmem>>
    %dma_start3A_302 = tpu.memref_squeeze %dma_start3A_301 : memref<1x80x128xf32, #tpu.memory_space<vmem>> -> memref<80x128xf32, #tpu.memory_space<vmem>>
    %dma_start3A_303 = arith.constant 0 : i32
    %dma_start3A_304 = tpu.memref_slice %arg11[%dma_start3A_297, %dma_start3A_303] : memref<4x80xi32, #tpu.memory_space<vmem>> -> memref<1x80xi32, #tpu.memory_space<vmem>>
    %dma_start3A_305 = tpu.memref_squeeze %dma_start3A_304 : memref<1x80xi32, #tpu.memory_space<vmem>> -> memref<80xi32, #tpu.memory_space<vmem>>
    %dma_start3A_306 = arith.constant 0 : i32
    %dma_start3A_307 = arith.constant 0 : i32
    %dma_start3A_308 = tpu.memref_slice %arg13[%dma_start3A_306, %dma_start3A_307] : memref<10240x128xf32, #tpu.memory_space<vmem_shared>> -> memref<10240x128xf32, #tpu.memory_space<vmem_shared>>
    %dma_start3A_309 = tpu.memref_slice %arg16[%dma_start3A_298] : memref<2x!tpu.dma_semaphore, #tpu.memory_space<semaphore_mem>> -> memref<1x!tpu.dma_semaphore, #tpu.memory_space<semaphore_mem>>
    %dma_start3A_310 = tpu.memref_squeeze %dma_start3A_309 : memref<1x!tpu.dma_semaphore, #tpu.memory_space<semaphore_mem>> -> memref<!tpu.dma_semaphore, #tpu.memory_space<semaphore_mem>>
    tpu.enqueue_indirect_dma source(%dma_start3A_302 : memref<80x128xf32, #tpu.memory_space<vmem>>) target(%dma_start3A_308 : memref<10240x128xf32, #tpu.memory_space<vmem_shared>>) offsets(%dma_start3A_305 : memref<80xi32, #tpu.memory_space<vmem>>) semaphore(%dma_start3A_310 : memref<!tpu.dma_semaphore, #tpu.memory_space<semaphore_mem>>) {add = true}
    %dma_start3A_311 = arith.constant 1 : i32
    %dma_start3A_312 = arith.constant 1 : i32
    %dma_start3A_313 = arith.constant 0 : i32
    %dma_start3A_314 = tpu.memref_slice %arg11[%dma_start3A_311, %dma_start3A_313] : memref<4x80xi32, #tpu.memory_space<vmem>> -> memref<1x80xi32, #tpu.memory_space<vmem>>
    %dma_start3A_315 = tpu.memref_squeeze %dma_start3A_314 : memref<1x80xi32, #tpu.memory_space<vmem>> -> memref<80xi32, #tpu.memory_space<vmem>>
    %dma_start3A_316 = arith.constant 0 : i32
    %dma_start3A_317 = arith.constant 0 : i32
    %dma_start3A_318 = tpu.memref_slice %arg18[%dma_start3A_316, %dma_start3A_317] : memref<10240x16xf32, #tpu.memory_space<vmem_shared>> -> memref<10240x16xf32, #tpu.memory_space<vmem_shared>>
    %dma_start3A_319 = tpu.memref_slice %arg19[%dma_start3A_312] : memref<2x!tpu.dma_semaphore, #tpu.memory_space<semaphore_mem>> -> memref<1x!tpu.dma_semaphore, #tpu.memory_space<semaphore_mem>>
    %dma_start3A_320 = tpu.memref_squeeze %dma_start3A_319 : memref<1x!tpu.dma_semaphore, #tpu.memory_space<semaphore_mem>> -> memref<!tpu.dma_semaphore, #tpu.memory_space<semaphore_mem>>
    tpu.enqueue_indirect_dma source(%arg17 : memref<80x16xf32, #tpu.memory_space<vmem>>) target(%dma_start3A_318 : memref<10240x16xf32, #tpu.memory_space<vmem_shared>>) offsets(%dma_start3A_315 : memref<80xi32, #tpu.memory_space<vmem>>) semaphore(%dma_start3A_320 : memref<!tpu.dma_semaphore, #tpu.memory_space<semaphore_mem>>) {add = true}
    %add3A_321 = arith.constant 9840 : i32
    %add3A_322 = arith.addi %mul3A_2, %add3A_321 : i32
    %dma_start3A_323 = arith.constant 3 : i32
    %dma_start3A_324 = arith.constant 3 : i32
    %dma_start3A_325 = arith.constant 0 : i32
    %dma_start3A_326 = tpu.memref_slice %arg10[%dma_start3A_323, %dma_start3A_325] : memref<4x80xi32, #tpu.memory_space<vmem>> -> memref<1x80xi32, #tpu.memory_space<vmem>>
    %dma_start3A_327 = tpu.memref_squeeze %dma_start3A_326 : memref<1x80xi32, #tpu.memory_space<vmem>> -> memref<80xi32, #tpu.memory_space<vmem>>
    %dma_start3A_328 = tpu.memref_slice %arg3[%add3A_322] : memref<320000xi32, #tpu.memory_space<hbm>> -> memref<80xi32, #tpu.memory_space<hbm>>
    %dma_start3A_329 = tpu.memref_slice %arg14[%dma_start3A_324] : memref<4x!tpu.dma_semaphore, #tpu.memory_space<semaphore_mem>> -> memref<1x!tpu.dma_semaphore, #tpu.memory_space<semaphore_mem>>
    %dma_start3A_330 = tpu.memref_squeeze %dma_start3A_329 : memref<1x!tpu.dma_semaphore, #tpu.memory_space<semaphore_mem>> -> memref<!tpu.dma_semaphore, #tpu.memory_space<semaphore_mem>>
    %dma_start3A_331 = arith.constant 0 : i32
    %dma_start3A_332 = tpu.memref_slice %arg10[%dma_start3A_323, %dma_start3A_331] : memref<4x80xi32, #tpu.memory_space<vmem>> -> memref<1x80xi32, #tpu.memory_space<vmem>>
    %dma_start3A_333 = tpu.memref_squeeze %dma_start3A_332 : memref<1x80xi32, #tpu.memory_space<vmem>> -> memref<80xi32, #tpu.memory_space<vmem>>
    %dma_start3A_334 = tpu.memref_slice %arg3[%add3A_322] : memref<320000xi32, #tpu.memory_space<hbm>> -> memref<80xi32, #tpu.memory_space<hbm>>
    tpu.enqueue_dma source(%dma_start3A_334 : memref<80xi32, #tpu.memory_space<hbm>>) target(%dma_start3A_333 : memref<80xi32, #tpu.memory_space<vmem>>) target_semaphore(%dma_start3A_330 : memref<!tpu.dma_semaphore, #tpu.memory_space<semaphore_mem>>)
    %dma_start3A_335 = arith.constant 3 : i32
    %dma_start3A_336 = arith.constant 3 : i32
    %dma_start3A_337 = arith.constant 0 : i32
    %dma_start3A_338 = tpu.memref_slice %arg11[%dma_start3A_335, %dma_start3A_337] : memref<4x80xi32, #tpu.memory_space<vmem>> -> memref<1x80xi32, #tpu.memory_space<vmem>>
    %dma_start3A_339 = tpu.memref_squeeze %dma_start3A_338 : memref<1x80xi32, #tpu.memory_space<vmem>> -> memref<80xi32, #tpu.memory_space<vmem>>
    %dma_start3A_340 = tpu.memref_slice %arg4[%add3A_322] : memref<320000xi32, #tpu.memory_space<hbm>> -> memref<80xi32, #tpu.memory_space<hbm>>
    %dma_start3A_341 = tpu.memref_slice %arg14[%dma_start3A_336] : memref<4x!tpu.dma_semaphore, #tpu.memory_space<semaphore_mem>> -> memref<1x!tpu.dma_semaphore, #tpu.memory_space<semaphore_mem>>
    %dma_start3A_342 = tpu.memref_squeeze %dma_start3A_341 : memref<1x!tpu.dma_semaphore, #tpu.memory_space<semaphore_mem>> -> memref<!tpu.dma_semaphore, #tpu.memory_space<semaphore_mem>>
    %dma_start3A_343 = arith.constant 0 : i32
    %dma_start3A_344 = tpu.memref_slice %arg11[%dma_start3A_335, %dma_start3A_343] : memref<4x80xi32, #tpu.memory_space<vmem>> -> memref<1x80xi32, #tpu.memory_space<vmem>>
    %dma_start3A_345 = tpu.memref_squeeze %dma_start3A_344 : memref<1x80xi32, #tpu.memory_space<vmem>> -> memref<80xi32, #tpu.memory_space<vmem>>
    %dma_start3A_346 = tpu.memref_slice %arg4[%add3A_322] : memref<320000xi32, #tpu.memory_space<hbm>> -> memref<80xi32, #tpu.memory_space<hbm>>
    tpu.enqueue_dma source(%dma_start3A_346 : memref<80xi32, #tpu.memory_space<hbm>>) target(%dma_start3A_345 : memref<80xi32, #tpu.memory_space<vmem>>) target_semaphore(%dma_start3A_342 : memref<!tpu.dma_semaphore, #tpu.memory_space<semaphore_mem>>)
    %dma_wait3A_347 = arith.constant 2 : i32
    %dma_wait3A_348 = arith.constant 0 : i32
    %dma_wait3A_349 = arith.constant 0 : i32
    %dma_wait3A_350 = arith.constant 0 : i32
    %dma_wait3A_351 = arith.constant 0 : i32
    %dma_wait3A_352 = tpu.memref_slice %arg12[%dma_wait3A_348, %dma_wait3A_350, %dma_wait3A_351] : memref<2x80x128xf32, #tpu.memory_space<vmem>> -> memref<1x80x128xf32, #tpu.memory_space<vmem>>
    %dma_wait3A_353 = tpu.memref_squeeze %dma_wait3A_352 : memref<1x80x128xf32, #tpu.memory_space<vmem>> -> memref<80x128xf32, #tpu.memory_space<vmem>>
    %dma_wait3A_354 = arith.constant 0 : i32
    %dma_wait3A_355 = tpu.memref_slice %arg10[%dma_wait3A_347, %dma_wait3A_354] : memref<4x80xi32, #tpu.memory_space<vmem>> -> memref<1x80xi32, #tpu.memory_space<vmem>>
    %dma_wait3A_356 = tpu.memref_squeeze %dma_wait3A_355 : memref<1x80xi32, #tpu.memory_space<vmem>> -> memref<80xi32, #tpu.memory_space<vmem>>
    %dma_wait3A_357 = arith.constant 0 : i32
    %dma_wait3A_358 = arith.constant 0 : i32
    %dma_wait3A_359 = tpu.memref_slice %arg2[%dma_wait3A_357, %dma_wait3A_358] : memref<10000x128xf32, #tpu.memory_space<hbm>> -> memref<10000x128xf32, #tpu.memory_space<hbm>>
    %dma_wait3A_360 = tpu.memref_slice %arg15[%dma_wait3A_349] : memref<2x!tpu.dma_semaphore, #tpu.memory_space<semaphore_mem>> -> memref<1x!tpu.dma_semaphore, #tpu.memory_space<semaphore_mem>>
    %dma_wait3A_361 = tpu.memref_squeeze %dma_wait3A_360 : memref<1x!tpu.dma_semaphore, #tpu.memory_space<semaphore_mem>> -> memref<!tpu.dma_semaphore, #tpu.memory_space<semaphore_mem>>
    tpu.wait_indirect_dma semaphore(%dma_wait3A_361 : memref<!tpu.dma_semaphore, #tpu.memory_space<semaphore_mem>>) src(%dma_wait3A_359 : memref<10000x128xf32, #tpu.memory_space<hbm>>) dst(%dma_wait3A_353 : memref<80x128xf32, #tpu.memory_space<vmem>>)
    %dma_wait3A_362 = arith.constant 1 : i32
    %dma_wait3A_363 = arith.constant 1 : i32
    %dma_wait3A_364 = arith.constant 1 : i32
    %dma_wait3A_365 = arith.constant 0 : i32
    %dma_wait3A_366 = arith.constant 0 : i32
    %dma_wait3A_367 = tpu.memref_slice %arg12[%dma_wait3A_362, %dma_wait3A_365, %dma_wait3A_366] : memref<2x80x128xf32, #tpu.memory_space<vmem>> -> memref<1x80x128xf32, #tpu.memory_space<vmem>>
    %dma_wait3A_368 = tpu.memref_squeeze %dma_wait3A_367 : memref<1x80x128xf32, #tpu.memory_space<vmem>> -> memref<80x128xf32, #tpu.memory_space<vmem>>
    %dma_wait3A_369 = arith.constant 0 : i32
    %dma_wait3A_370 = tpu.memref_slice %arg11[%dma_wait3A_363, %dma_wait3A_369] : memref<4x80xi32, #tpu.memory_space<vmem>> -> memref<1x80xi32, #tpu.memory_space<vmem>>
    %dma_wait3A_371 = tpu.memref_squeeze %dma_wait3A_370 : memref<1x80xi32, #tpu.memory_space<vmem>> -> memref<80xi32, #tpu.memory_space<vmem>>
    %dma_wait3A_372 = arith.constant 0 : i32
    %dma_wait3A_373 = arith.constant 0 : i32
    %dma_wait3A_374 = tpu.memref_slice %arg13[%dma_wait3A_372, %dma_wait3A_373] : memref<10240x128xf32, #tpu.memory_space<vmem_shared>> -> memref<10240x128xf32, #tpu.memory_space<vmem_shared>>
    %dma_wait3A_375 = tpu.memref_slice %arg16[%dma_wait3A_364] : memref<2x!tpu.dma_semaphore, #tpu.memory_space<semaphore_mem>> -> memref<1x!tpu.dma_semaphore, #tpu.memory_space<semaphore_mem>>
    %dma_wait3A_376 = tpu.memref_squeeze %dma_wait3A_375 : memref<1x!tpu.dma_semaphore, #tpu.memory_space<semaphore_mem>> -> memref<!tpu.dma_semaphore, #tpu.memory_space<semaphore_mem>>
    tpu.wait_indirect_dma semaphore(%dma_wait3A_376 : memref<!tpu.dma_semaphore, #tpu.memory_space<semaphore_mem>>) src(%dma_wait3A_368 : memref<80x128xf32, #tpu.memory_space<vmem>>) dst(%dma_wait3A_374 : memref<10240x128xf32, #tpu.memory_space<vmem_shared>>)
    %dma_wait3A_377 = arith.constant 1 : i32
    %dma_wait3A_378 = arith.constant 1 : i32
    %dma_wait3A_379 = arith.constant 0 : i32
    %dma_wait3A_380 = tpu.memref_slice %arg11[%dma_wait3A_377, %dma_wait3A_379] : memref<4x80xi32, #tpu.memory_space<vmem>> -> memref<1x80xi32, #tpu.memory_space<vmem>>
    %dma_wait3A_381 = tpu.memref_squeeze %dma_wait3A_380 : memref<1x80xi32, #tpu.memory_space<vmem>> -> memref<80xi32, #tpu.memory_space<vmem>>
    %dma_wait3A_382 = arith.constant 0 : i32
    %dma_wait3A_383 = arith.constant 0 : i32
    %dma_wait3A_384 = tpu.memref_slice %arg18[%dma_wait3A_382, %dma_wait3A_383] : memref<10240x16xf32, #tpu.memory_space<vmem_shared>> -> memref<10240x16xf32, #tpu.memory_space<vmem_shared>>
    %dma_wait3A_385 = tpu.memref_slice %arg19[%dma_wait3A_378] : memref<2x!tpu.dma_semaphore, #tpu.memory_space<semaphore_mem>> -> memref<1x!tpu.dma_semaphore, #tpu.memory_space<semaphore_mem>>
    %dma_wait3A_386 = tpu.memref_squeeze %dma_wait3A_385 : memref<1x!tpu.dma_semaphore, #tpu.memory_space<semaphore_mem>> -> memref<!tpu.dma_semaphore, #tpu.memory_space<semaphore_mem>>
    tpu.wait_indirect_dma semaphore(%dma_wait3A_386 : memref<!tpu.dma_semaphore, #tpu.memory_space<semaphore_mem>>) src(%arg17 : memref<80x16xf32, #tpu.memory_space<vmem>>) dst(%dma_wait3A_384 : memref<10240x16xf32, #tpu.memory_space<vmem_shared>>)
    %dma_wait3A_387 = arith.constant 3 : i32
    %dma_wait3A_388 = arith.constant 3 : i32
    %dma_wait3A_389 = arith.constant 0 : i32
    %dma_wait3A_390 = tpu.memref_slice %arg10[%dma_wait3A_387, %dma_wait3A_389] : memref<4x80xi32, #tpu.memory_space<vmem>> -> memref<1x80xi32, #tpu.memory_space<vmem>>
    %dma_wait3A_391 = tpu.memref_squeeze %dma_wait3A_390 : memref<1x80xi32, #tpu.memory_space<vmem>> -> memref<80xi32, #tpu.memory_space<vmem>>
    %dma_wait3A_392 = arith.constant 0 : i32
    %dma_wait3A_393 = tpu.memref_slice %arg3[%dma_wait3A_392] : memref<320000xi32, #tpu.memory_space<hbm>> -> memref<80xi32, #tpu.memory_space<hbm>>
    %dma_wait3A_394 = tpu.memref_slice %arg14[%dma_wait3A_388] : memref<4x!tpu.dma_semaphore, #tpu.memory_space<semaphore_mem>> -> memref<1x!tpu.dma_semaphore, #tpu.memory_space<semaphore_mem>>
    %dma_wait3A_395 = tpu.memref_squeeze %dma_wait3A_394 : memref<1x!tpu.dma_semaphore, #tpu.memory_space<semaphore_mem>> -> memref<!tpu.dma_semaphore, #tpu.memory_space<semaphore_mem>>
    %dma_wait3A_396 = arith.constant 0 : i32
    %dma_wait3A_397 = tpu.memref_slice %arg10[%dma_wait3A_387, %dma_wait3A_396] : memref<4x80xi32, #tpu.memory_space<vmem>> -> memref<1x80xi32, #tpu.memory_space<vmem>>
    %dma_wait3A_398 = tpu.memref_squeeze %dma_wait3A_397 : memref<1x80xi32, #tpu.memory_space<vmem>> -> memref<80xi32, #tpu.memory_space<vmem>>
    %dma_wait3A_399 = arith.constant 0 : i32
    %dma_wait3A_400 = tpu.memref_slice %arg3[%dma_wait3A_399] : memref<320000xi32, #tpu.memory_space<hbm>> -> memref<80xi32, #tpu.memory_space<hbm>>
    tpu.wait_dma2 semaphore(%dma_wait3A_395 : memref<!tpu.dma_semaphore, #tpu.memory_space<semaphore_mem>>) src(%dma_wait3A_400 : memref<80xi32, #tpu.memory_space<hbm>>) dst(%dma_wait3A_398 : memref<80xi32, #tpu.memory_space<vmem>>)
    %dma_wait3A_401 = arith.constant 3 : i32
    %dma_wait3A_402 = arith.constant 3 : i32
    %dma_wait3A_403 = arith.constant 0 : i32
    %dma_wait3A_404 = tpu.memref_slice %arg11[%dma_wait3A_401, %dma_wait3A_403] : memref<4x80xi32, #tpu.memory_space<vmem>> -> memref<1x80xi32, #tpu.memory_space<vmem>>
    %dma_wait3A_405 = tpu.memref_squeeze %dma_wait3A_404 : memref<1x80xi32, #tpu.memory_space<vmem>> -> memref<80xi32, #tpu.memory_space<vmem>>
    %dma_wait3A_406 = arith.constant 0 : i32
    %dma_wait3A_407 = tpu.memref_slice %arg4[%dma_wait3A_406] : memref<320000xi32, #tpu.memory_space<hbm>> -> memref<80xi32, #tpu.memory_space<hbm>>
    %dma_wait3A_408 = tpu.memref_slice %arg14[%dma_wait3A_402] : memref<4x!tpu.dma_semaphore, #tpu.memory_space<semaphore_mem>> -> memref<1x!tpu.dma_semaphore, #tpu.memory_space<semaphore_mem>>
    %dma_wait3A_409 = tpu.memref_squeeze %dma_wait3A_408 : memref<1x!tpu.dma_semaphore, #tpu.memory_space<semaphore_mem>> -> memref<!tpu.dma_semaphore, #tpu.memory_space<semaphore_mem>>
    %dma_wait3A_410 = arith.constant 0 : i32
    %dma_wait3A_411 = tpu.memref_slice %arg11[%dma_wait3A_401, %dma_wait3A_410] : memref<4x80xi32, #tpu.memory_space<vmem>> -> memref<1x80xi32, #tpu.memory_space<vmem>>
    %dma_wait3A_412 = tpu.memref_squeeze %dma_wait3A_411 : memref<1x80xi32, #tpu.memory_space<vmem>> -> memref<80xi32, #tpu.memory_space<vmem>>
    %dma_wait3A_413 = arith.constant 0 : i32
    %dma_wait3A_414 = tpu.memref_slice %arg4[%dma_wait3A_413] : memref<320000xi32, #tpu.memory_space<hbm>> -> memref<80xi32, #tpu.memory_space<hbm>>
    tpu.wait_dma2 semaphore(%dma_wait3A_409 : memref<!tpu.dma_semaphore, #tpu.memory_space<semaphore_mem>>) src(%dma_wait3A_414 : memref<80xi32, #tpu.memory_space<hbm>>) dst(%dma_wait3A_412 : memref<80xi32, #tpu.memory_space<vmem>>)
    %dma_start3A_415 = arith.constant 3 : i32
    %dma_start3A_416 = arith.constant 1 : i32
    %dma_start3A_417 = arith.constant 1 : i32
    %dma_start3A_418 = arith.constant 0 : i32
    %dma_start3A_419 = arith.constant 0 : i32
    %dma_start3A_420 = tpu.memref_slice %arg12[%dma_start3A_416, %dma_start3A_418, %dma_start3A_419] : memref<2x80x128xf32, #tpu.memory_space<vmem>> -> memref<1x80x128xf32, #tpu.memory_space<vmem>>
    %dma_start3A_421 = tpu.memref_squeeze %dma_start3A_420 : memref<1x80x128xf32, #tpu.memory_space<vmem>> -> memref<80x128xf32, #tpu.memory_space<vmem>>
    %dma_start3A_422 = arith.constant 0 : i32
    %dma_start3A_423 = tpu.memref_slice %arg10[%dma_start3A_415, %dma_start3A_422] : memref<4x80xi32, #tpu.memory_space<vmem>> -> memref<1x80xi32, #tpu.memory_space<vmem>>
    %dma_start3A_424 = tpu.memref_squeeze %dma_start3A_423 : memref<1x80xi32, #tpu.memory_space<vmem>> -> memref<80xi32, #tpu.memory_space<vmem>>
    %dma_start3A_425 = arith.constant 0 : i32
    %dma_start3A_426 = arith.constant 0 : i32
    %dma_start3A_427 = tpu.memref_slice %arg2[%dma_start3A_425, %dma_start3A_426] : memref<10000x128xf32, #tpu.memory_space<hbm>> -> memref<10000x128xf32, #tpu.memory_space<hbm>>
    %dma_start3A_428 = tpu.memref_slice %arg15[%dma_start3A_417] : memref<2x!tpu.dma_semaphore, #tpu.memory_space<semaphore_mem>> -> memref<1x!tpu.dma_semaphore, #tpu.memory_space<semaphore_mem>>
    %dma_start3A_429 = tpu.memref_squeeze %dma_start3A_428 : memref<1x!tpu.dma_semaphore, #tpu.memory_space<semaphore_mem>> -> memref<!tpu.dma_semaphore, #tpu.memory_space<semaphore_mem>>
    tpu.enqueue_indirect_dma source(%dma_start3A_427 : memref<10000x128xf32, #tpu.memory_space<hbm>>) target(%dma_start3A_421 : memref<80x128xf32, #tpu.memory_space<vmem>>) offsets(%dma_start3A_424 : memref<80xi32, #tpu.memory_space<vmem>>) semaphore(%dma_start3A_429 : memref<!tpu.dma_semaphore, #tpu.memory_space<semaphore_mem>>)
    %dma_start3A_430 = arith.constant 0 : i32
    %dma_start3A_431 = arith.constant 2 : i32
    %dma_start3A_432 = arith.constant 0 : i32
    %dma_start3A_433 = arith.constant 0 : i32
    %dma_start3A_434 = arith.constant 0 : i32
    %dma_start3A_435 = tpu.memref_slice %arg12[%dma_start3A_430, %dma_start3A_433, %dma_start3A_434] : memref<2x80x128xf32, #tpu.memory_space<vmem>> -> memref<1x80x128xf32, #tpu.memory_space<vmem>>
    %dma_start3A_436 = tpu.memref_squeeze %dma_start3A_435 : memref<1x80x128xf32, #tpu.memory_space<vmem>> -> memref<80x128xf32, #tpu.memory_space<vmem>>
    %dma_start3A_437 = arith.constant 0 : i32
    %dma_start3A_438 = tpu.memref_slice %arg11[%dma_start3A_431, %dma_start3A_437] : memref<4x80xi32, #tpu.memory_space<vmem>> -> memref<1x80xi32, #tpu.memory_space<vmem>>
    %dma_start3A_439 = tpu.memref_squeeze %dma_start3A_438 : memref<1x80xi32, #tpu.memory_space<vmem>> -> memref<80xi32, #tpu.memory_space<vmem>>
    %dma_start3A_440 = arith.constant 0 : i32
    %dma_start3A_441 = arith.constant 0 : i32
    %dma_start3A_442 = tpu.memref_slice %arg13[%dma_start3A_440, %dma_start3A_441] : memref<10240x128xf32, #tpu.memory_space<vmem_shared>> -> memref<10240x128xf32, #tpu.memory_space<vmem_shared>>
    %dma_start3A_443 = tpu.memref_slice %arg16[%dma_start3A_432] : memref<2x!tpu.dma_semaphore, #tpu.memory_space<semaphore_mem>> -> memref<1x!tpu.dma_semaphore, #tpu.memory_space<semaphore_mem>>
    %dma_start3A_444 = tpu.memref_squeeze %dma_start3A_443 : memref<1x!tpu.dma_semaphore, #tpu.memory_space<semaphore_mem>> -> memref<!tpu.dma_semaphore, #tpu.memory_space<semaphore_mem>>
    tpu.enqueue_indirect_dma source(%dma_start3A_436 : memref<80x128xf32, #tpu.memory_space<vmem>>) target(%dma_start3A_442 : memref<10240x128xf32, #tpu.memory_space<vmem_shared>>) offsets(%dma_start3A_439 : memref<80xi32, #tpu.memory_space<vmem>>) semaphore(%dma_start3A_444 : memref<!tpu.dma_semaphore, #tpu.memory_space<semaphore_mem>>) {add = true}
    %dma_start3A_445 = arith.constant 2 : i32
    %dma_start3A_446 = arith.constant 0 : i32
    %dma_start3A_447 = arith.constant 0 : i32
    %dma_start3A_448 = tpu.memref_slice %arg11[%dma_start3A_445, %dma_start3A_447] : memref<4x80xi32, #tpu.memory_space<vmem>> -> memref<1x80xi32, #tpu.memory_space<vmem>>
    %dma_start3A_449 = tpu.memref_squeeze %dma_start3A_448 : memref<1x80xi32, #tpu.memory_space<vmem>> -> memref<80xi32, #tpu.memory_space<vmem>>
    %dma_start3A_450 = arith.constant 0 : i32
    %dma_start3A_451 = arith.constant 0 : i32
    %dma_start3A_452 = tpu.memref_slice %arg18[%dma_start3A_450, %dma_start3A_451] : memref<10240x16xf32, #tpu.memory_space<vmem_shared>> -> memref<10240x16xf32, #tpu.memory_space<vmem_shared>>
    %dma_start3A_453 = tpu.memref_slice %arg19[%dma_start3A_446] : memref<2x!tpu.dma_semaphore, #tpu.memory_space<semaphore_mem>> -> memref<1x!tpu.dma_semaphore, #tpu.memory_space<semaphore_mem>>
    %dma_start3A_454 = tpu.memref_squeeze %dma_start3A_453 : memref<1x!tpu.dma_semaphore, #tpu.memory_space<semaphore_mem>> -> memref<!tpu.dma_semaphore, #tpu.memory_space<semaphore_mem>>
    tpu.enqueue_indirect_dma source(%arg17 : memref<80x16xf32, #tpu.memory_space<vmem>>) target(%dma_start3A_452 : memref<10240x16xf32, #tpu.memory_space<vmem_shared>>) offsets(%dma_start3A_449 : memref<80xi32, #tpu.memory_space<vmem>>) semaphore(%dma_start3A_454 : memref<!tpu.dma_semaphore, #tpu.memory_space<semaphore_mem>>) {add = true}
    %add3A_455 = arith.constant 9920 : i32
    %add3A_456 = arith.addi %mul3A_2, %add3A_455 : i32
    %dma_start3A_457 = arith.constant 0 : i32
    %dma_start3A_458 = arith.constant 0 : i32
    %dma_start3A_459 = arith.constant 0 : i32
    %dma_start3A_460 = tpu.memref_slice %arg10[%dma_start3A_457, %dma_start3A_459] : memref<4x80xi32, #tpu.memory_space<vmem>> -> memref<1x80xi32, #tpu.memory_space<vmem>>
    %dma_start3A_461 = tpu.memref_squeeze %dma_start3A_460 : memref<1x80xi32, #tpu.memory_space<vmem>> -> memref<80xi32, #tpu.memory_space<vmem>>
    %dma_start3A_462 = tpu.memref_slice %arg3[%add3A_456] : memref<320000xi32, #tpu.memory_space<hbm>> -> memref<80xi32, #tpu.memory_space<hbm>>
    %dma_start3A_463 = tpu.memref_slice %arg14[%dma_start3A_458] : memref<4x!tpu.dma_semaphore, #tpu.memory_space<semaphore_mem>> -> memref<1x!tpu.dma_semaphore, #tpu.memory_space<semaphore_mem>>
    %dma_start3A_464 = tpu.memref_squeeze %dma_start3A_463 : memref<1x!tpu.dma_semaphore, #tpu.memory_space<semaphore_mem>> -> memref<!tpu.dma_semaphore, #tpu.memory_space<semaphore_mem>>
    %dma_start3A_465 = arith.constant 0 : i32
    %dma_start3A_466 = tpu.memref_slice %arg10[%dma_start3A_457, %dma_start3A_465] : memref<4x80xi32, #tpu.memory_space<vmem>> -> memref<1x80xi32, #tpu.memory_space<vmem>>
    %dma_start3A_467 = tpu.memref_squeeze %dma_start3A_466 : memref<1x80xi32, #tpu.memory_space<vmem>> -> memref<80xi32, #tpu.memory_space<vmem>>
    %dma_start3A_468 = tpu.memref_slice %arg3[%add3A_456] : memref<320000xi32, #tpu.memory_space<hbm>> -> memref<80xi32, #tpu.memory_space<hbm>>
    tpu.enqueue_dma source(%dma_start3A_468 : memref<80xi32, #tpu.memory_space<hbm>>) target(%dma_start3A_467 : memref<80xi32, #tpu.memory_space<vmem>>) target_semaphore(%dma_start3A_464 : memref<!tpu.dma_semaphore, #tpu.memory_space<semaphore_mem>>)
    %dma_start3A_469 = arith.constant 0 : i32
    %dma_start3A_470 = arith.constant 0 : i32
    %dma_start3A_471 = arith.constant 0 : i32
    %dma_start3A_472 = tpu.memref_slice %arg11[%dma_start3A_469, %dma_start3A_471] : memref<4x80xi32, #tpu.memory_space<vmem>> -> memref<1x80xi32, #tpu.memory_space<vmem>>
    %dma_start3A_473 = tpu.memref_squeeze %dma_start3A_472 : memref<1x80xi32, #tpu.memory_space<vmem>> -> memref<80xi32, #tpu.memory_space<vmem>>
    %dma_start3A_474 = tpu.memref_slice %arg4[%add3A_456] : memref<320000xi32, #tpu.memory_space<hbm>> -> memref<80xi32, #tpu.memory_space<hbm>>
    %dma_start3A_475 = tpu.memref_slice %arg14[%dma_start3A_470] : memref<4x!tpu.dma_semaphore, #tpu.memory_space<semaphore_mem>> -> memref<1x!tpu.dma_semaphore, #tpu.memory_space<semaphore_mem>>
    %dma_start3A_476 = tpu.memref_squeeze %dma_start3A_475 : memref<1x!tpu.dma_semaphore, #tpu.memory_space<semaphore_mem>> -> memref<!tpu.dma_semaphore, #tpu.memory_space<semaphore_mem>>
    %dma_start3A_477 = arith.constant 0 : i32
    %dma_start3A_478 = tpu.memref_slice %arg11[%dma_start3A_469, %dma_start3A_477] : memref<4x80xi32, #tpu.memory_space<vmem>> -> memref<1x80xi32, #tpu.memory_space<vmem>>
    %dma_start3A_479 = tpu.memref_squeeze %dma_start3A_478 : memref<1x80xi32, #tpu.memory_space<vmem>> -> memref<80xi32, #tpu.memory_space<vmem>>
    %dma_start3A_480 = tpu.memref_slice %arg4[%add3A_456] : memref<320000xi32, #tpu.memory_space<hbm>> -> memref<80xi32, #tpu.memory_space<hbm>>
    tpu.enqueue_dma source(%dma_start3A_480 : memref<80xi32, #tpu.memory_space<hbm>>) target(%dma_start3A_479 : memref<80xi32, #tpu.memory_space<vmem>>) target_semaphore(%dma_start3A_476 : memref<!tpu.dma_semaphore, #tpu.memory_space<semaphore_mem>>)
    %dma_wait3A_481 = arith.constant 3 : i32
    %dma_wait3A_482 = arith.constant 1 : i32
    %dma_wait3A_483 = arith.constant 1 : i32
    %dma_wait3A_484 = arith.constant 0 : i32
    %dma_wait3A_485 = arith.constant 0 : i32
    %dma_wait3A_486 = tpu.memref_slice %arg12[%dma_wait3A_482, %dma_wait3A_484, %dma_wait3A_485] : memref<2x80x128xf32, #tpu.memory_space<vmem>> -> memref<1x80x128xf32, #tpu.memory_space<vmem>>
    %dma_wait3A_487 = tpu.memref_squeeze %dma_wait3A_486 : memref<1x80x128xf32, #tpu.memory_space<vmem>> -> memref<80x128xf32, #tpu.memory_space<vmem>>
    %dma_wait3A_488 = arith.constant 0 : i32
    %dma_wait3A_489 = tpu.memref_slice %arg10[%dma_wait3A_481, %dma_wait3A_488] : memref<4x80xi32, #tpu.memory_space<vmem>> -> memref<1x80xi32, #tpu.memory_space<vmem>>
    %dma_wait3A_490 = tpu.memref_squeeze %dma_wait3A_489 : memref<1x80xi32, #tpu.memory_space<vmem>> -> memref<80xi32, #tpu.memory_space<vmem>>
    %dma_wait3A_491 = arith.constant 0 : i32
    %dma_wait3A_492 = arith.constant 0 : i32
    %dma_wait3A_493 = tpu.memref_slice %arg2[%dma_wait3A_491, %dma_wait3A_492] : memref<10000x128xf32, #tpu.memory_space<hbm>> -> memref<10000x128xf32, #tpu.memory_space<hbm>>
    %dma_wait3A_494 = tpu.memref_slice %arg15[%dma_wait3A_483] : memref<2x!tpu.dma_semaphore, #tpu.memory_space<semaphore_mem>> -> memref<1x!tpu.dma_semaphore, #tpu.memory_space<semaphore_mem>>
    %dma_wait3A_495 = tpu.memref_squeeze %dma_wait3A_494 : memref<1x!tpu.dma_semaphore, #tpu.memory_space<semaphore_mem>> -> memref<!tpu.dma_semaphore, #tpu.memory_space<semaphore_mem>>
    tpu.wait_indirect_dma semaphore(%dma_wait3A_495 : memref<!tpu.dma_semaphore, #tpu.memory_space<semaphore_mem>>) src(%dma_wait3A_493 : memref<10000x128xf32, #tpu.memory_space<hbm>>) dst(%dma_wait3A_487 : memref<80x128xf32, #tpu.memory_space<vmem>>)
    %dma_wait3A_496 = arith.constant 0 : i32
    %dma_wait3A_497 = arith.constant 2 : i32
    %dma_wait3A_498 = arith.constant 0 : i32
    %dma_wait3A_499 = arith.constant 0 : i32
    %dma_wait3A_500 = arith.constant 0 : i32
    %dma_wait3A_501 = tpu.memref_slice %arg12[%dma_wait3A_496, %dma_wait3A_499, %dma_wait3A_500] : memref<2x80x128xf32, #tpu.memory_space<vmem>> -> memref<1x80x128xf32, #tpu.memory_space<vmem>>
    %dma_wait3A_502 = tpu.memref_squeeze %dma_wait3A_501 : memref<1x80x128xf32, #tpu.memory_space<vmem>> -> memref<80x128xf32, #tpu.memory_space<vmem>>
    %dma_wait3A_503 = arith.constant 0 : i32
    %dma_wait3A_504 = tpu.memref_slice %arg11[%dma_wait3A_497, %dma_wait3A_503] : memref<4x80xi32, #tpu.memory_space<vmem>> -> memref<1x80xi32, #tpu.memory_space<vmem>>
    %dma_wait3A_505 = tpu.memref_squeeze %dma_wait3A_504 : memref<1x80xi32, #tpu.memory_space<vmem>> -> memref<80xi32, #tpu.memory_space<vmem>>
    %dma_wait3A_506 = arith.constant 0 : i32
    %dma_wait3A_507 = arith.constant 0 : i32
    %dma_wait3A_508 = tpu.memref_slice %arg13[%dma_wait3A_506, %dma_wait3A_507] : memref<10240x128xf32, #tpu.memory_space<vmem_shared>> -> memref<10240x128xf32, #tpu.memory_space<vmem_shared>>
    %dma_wait3A_509 = tpu.memref_slice %arg16[%dma_wait3A_498] : memref<2x!tpu.dma_semaphore, #tpu.memory_space<semaphore_mem>> -> memref<1x!tpu.dma_semaphore, #tpu.memory_space<semaphore_mem>>
    %dma_wait3A_510 = tpu.memref_squeeze %dma_wait3A_509 : memref<1x!tpu.dma_semaphore, #tpu.memory_space<semaphore_mem>> -> memref<!tpu.dma_semaphore, #tpu.memory_space<semaphore_mem>>
    tpu.wait_indirect_dma semaphore(%dma_wait3A_510 : memref<!tpu.dma_semaphore, #tpu.memory_space<semaphore_mem>>) src(%dma_wait3A_502 : memref<80x128xf32, #tpu.memory_space<vmem>>) dst(%dma_wait3A_508 : memref<10240x128xf32, #tpu.memory_space<vmem_shared>>)
    %dma_wait3A_511 = arith.constant 2 : i32
    %dma_wait3A_512 = arith.constant 0 : i32
    %dma_wait3A_513 = arith.constant 0 : i32
    %dma_wait3A_514 = tpu.memref_slice %arg11[%dma_wait3A_511, %dma_wait3A_513] : memref<4x80xi32, #tpu.memory_space<vmem>> -> memref<1x80xi32, #tpu.memory_space<vmem>>
    %dma_wait3A_515 = tpu.memref_squeeze %dma_wait3A_514 : memref<1x80xi32, #tpu.memory_space<vmem>> -> memref<80xi32, #tpu.memory_space<vmem>>
    %dma_wait3A_516 = arith.constant 0 : i32
    %dma_wait3A_517 = arith.constant 0 : i32
    %dma_wait3A_518 = tpu.memref_slice %arg18[%dma_wait3A_516, %dma_wait3A_517] : memref<10240x16xf32, #tpu.memory_space<vmem_shared>> -> memref<10240x16xf32, #tpu.memory_space<vmem_shared>>
    %dma_wait3A_519 = tpu.memref_slice %arg19[%dma_wait3A_512] : memref<2x!tpu.dma_semaphore, #tpu.memory_space<semaphore_mem>> -> memref<1x!tpu.dma_semaphore, #tpu.memory_space<semaphore_mem>>
    %dma_wait3A_520 = tpu.memref_squeeze %dma_wait3A_519 : memref<1x!tpu.dma_semaphore, #tpu.memory_space<semaphore_mem>> -> memref<!tpu.dma_semaphore, #tpu.memory_space<semaphore_mem>>
    tpu.wait_indirect_dma semaphore(%dma_wait3A_520 : memref<!tpu.dma_semaphore, #tpu.memory_space<semaphore_mem>>) src(%arg17 : memref<80x16xf32, #tpu.memory_space<vmem>>) dst(%dma_wait3A_518 : memref<10240x16xf32, #tpu.memory_space<vmem_shared>>)
    %dma_wait3A_521 = arith.constant 0 : i32
    %dma_wait3A_522 = arith.constant 0 : i32
    %dma_wait3A_523 = arith.constant 0 : i32
    %dma_wait3A_524 = tpu.memref_slice %arg10[%dma_wait3A_521, %dma_wait3A_523] : memref<4x80xi32, #tpu.memory_space<vmem>> -> memref<1x80xi32, #tpu.memory_space<vmem>>
    %dma_wait3A_525 = tpu.memref_squeeze %dma_wait3A_524 : memref<1x80xi32, #tpu.memory_space<vmem>> -> memref<80xi32, #tpu.memory_space<vmem>>
    %dma_wait3A_526 = arith.constant 0 : i32
    %dma_wait3A_527 = tpu.memref_slice %arg3[%dma_wait3A_526] : memref<320000xi32, #tpu.memory_space<hbm>> -> memref<80xi32, #tpu.memory_space<hbm>>
    %dma_wait3A_528 = tpu.memref_slice %arg14[%dma_wait3A_522] : memref<4x!tpu.dma_semaphore, #tpu.memory_space<semaphore_mem>> -> memref<1x!tpu.dma_semaphore, #tpu.memory_space<semaphore_mem>>
    %dma_wait3A_529 = tpu.memref_squeeze %dma_wait3A_528 : memref<1x!tpu.dma_semaphore, #tpu.memory_space<semaphore_mem>> -> memref<!tpu.dma_semaphore, #tpu.memory_space<semaphore_mem>>
    %dma_wait3A_530 = arith.constant 0 : i32
    %dma_wait3A_531 = tpu.memref_slice %arg10[%dma_wait3A_521, %dma_wait3A_530] : memref<4x80xi32, #tpu.memory_space<vmem>> -> memref<1x80xi32, #tpu.memory_space<vmem>>
    %dma_wait3A_532 = tpu.memref_squeeze %dma_wait3A_531 : memref<1x80xi32, #tpu.memory_space<vmem>> -> memref<80xi32, #tpu.memory_space<vmem>>
    %dma_wait3A_533 = arith.constant 0 : i32
    %dma_wait3A_534 = tpu.memref_slice %arg3[%dma_wait3A_533] : memref<320000xi32, #tpu.memory_space<hbm>> -> memref<80xi32, #tpu.memory_space<hbm>>
    tpu.wait_dma2 semaphore(%dma_wait3A_529 : memref<!tpu.dma_semaphore, #tpu.memory_space<semaphore_mem>>) src(%dma_wait3A_534 : memref<80xi32, #tpu.memory_space<hbm>>) dst(%dma_wait3A_532 : memref<80xi32, #tpu.memory_space<vmem>>)
    %dma_wait3A_535 = arith.constant 0 : i32
    %dma_wait3A_536 = arith.constant 0 : i32
    %dma_wait3A_537 = arith.constant 0 : i32
    %dma_wait3A_538 = tpu.memref_slice %arg11[%dma_wait3A_535, %dma_wait3A_537] : memref<4x80xi32, #tpu.memory_space<vmem>> -> memref<1x80xi32, #tpu.memory_space<vmem>>
    %dma_wait3A_539 = tpu.memref_squeeze %dma_wait3A_538 : memref<1x80xi32, #tpu.memory_space<vmem>> -> memref<80xi32, #tpu.memory_space<vmem>>
    %dma_wait3A_540 = arith.constant 0 : i32
    %dma_wait3A_541 = tpu.memref_slice %arg4[%dma_wait3A_540] : memref<320000xi32, #tpu.memory_space<hbm>> -> memref<80xi32, #tpu.memory_space<hbm>>
    %dma_wait3A_542 = tpu.memref_slice %arg14[%dma_wait3A_536] : memref<4x!tpu.dma_semaphore, #tpu.memory_space<semaphore_mem>> -> memref<1x!tpu.dma_semaphore, #tpu.memory_space<semaphore_mem>>
    %dma_wait3A_543 = tpu.memref_squeeze %dma_wait3A_542 : memref<1x!tpu.dma_semaphore, #tpu.memory_space<semaphore_mem>> -> memref<!tpu.dma_semaphore, #tpu.memory_space<semaphore_mem>>
    %dma_wait3A_544 = arith.constant 0 : i32
    %dma_wait3A_545 = tpu.memref_slice %arg11[%dma_wait3A_535, %dma_wait3A_544] : memref<4x80xi32, #tpu.memory_space<vmem>> -> memref<1x80xi32, #tpu.memory_space<vmem>>
    %dma_wait3A_546 = tpu.memref_squeeze %dma_wait3A_545 : memref<1x80xi32, #tpu.memory_space<vmem>> -> memref<80xi32, #tpu.memory_space<vmem>>
    %dma_wait3A_547 = arith.constant 0 : i32
    %dma_wait3A_548 = tpu.memref_slice %arg4[%dma_wait3A_547] : memref<320000xi32, #tpu.memory_space<hbm>> -> memref<80xi32, #tpu.memory_space<hbm>>
    tpu.wait_dma2 semaphore(%dma_wait3A_543 : memref<!tpu.dma_semaphore, #tpu.memory_space<semaphore_mem>>) src(%dma_wait3A_548 : memref<80xi32, #tpu.memory_space<hbm>>) dst(%dma_wait3A_546 : memref<80xi32, #tpu.memory_space<vmem>>)
    %dma_start3A_549 = arith.constant 0 : i32
    %dma_start3A_550 = arith.constant 0 : i32
    %dma_start3A_551 = arith.constant 0 : i32
    %dma_start3A_552 = arith.constant 0 : i32
    %dma_start3A_553 = arith.constant 0 : i32
    %dma_start3A_554 = tpu.memref_slice %arg12[%dma_start3A_550, %dma_start3A_552, %dma_start3A_553] : memref<2x80x128xf32, #tpu.memory_space<vmem>> -> memref<1x80x128xf32, #tpu.memory_space<vmem>>
    %dma_start3A_555 = tpu.memref_squeeze %dma_start3A_554 : memref<1x80x128xf32, #tpu.memory_space<vmem>> -> memref<80x128xf32, #tpu.memory_space<vmem>>
    %dma_start3A_556 = arith.constant 0 : i32
    %dma_start3A_557 = tpu.memref_slice %arg10[%dma_start3A_549, %dma_start3A_556] : memref<4x80xi32, #tpu.memory_space<vmem>> -> memref<1x80xi32, #tpu.memory_space<vmem>>
    %dma_start3A_558 = tpu.memref_squeeze %dma_start3A_557 : memref<1x80xi32, #tpu.memory_space<vmem>> -> memref<80xi32, #tpu.memory_space<vmem>>
    %dma_start3A_559 = arith.constant 0 : i32
    %dma_start3A_560 = arith.constant 0 : i32
    %dma_start3A_561 = tpu.memref_slice %arg2[%dma_start3A_559, %dma_start3A_560] : memref<10000x128xf32, #tpu.memory_space<hbm>> -> memref<10000x128xf32, #tpu.memory_space<hbm>>
    %dma_start3A_562 = tpu.memref_slice %arg15[%dma_start3A_551] : memref<2x!tpu.dma_semaphore, #tpu.memory_space<semaphore_mem>> -> memref<1x!tpu.dma_semaphore, #tpu.memory_space<semaphore_mem>>
    %dma_start3A_563 = tpu.memref_squeeze %dma_start3A_562 : memref<1x!tpu.dma_semaphore, #tpu.memory_space<semaphore_mem>> -> memref<!tpu.dma_semaphore, #tpu.memory_space<semaphore_mem>>
    tpu.enqueue_indirect_dma source(%dma_start3A_561 : memref<10000x128xf32, #tpu.memory_space<hbm>>) target(%dma_start3A_555 : memref<80x128xf32, #tpu.memory_space<vmem>>) offsets(%dma_start3A_558 : memref<80xi32, #tpu.memory_space<vmem>>) semaphore(%dma_start3A_563 : memref<!tpu.dma_semaphore, #tpu.memory_space<semaphore_mem>>)
    %dma_start3A_564 = arith.constant 1 : i32
    %dma_start3A_565 = arith.constant 3 : i32
    %dma_start3A_566 = arith.constant 1 : i32
    %dma_start3A_567 = arith.constant 0 : i32
    %dma_start3A_568 = arith.constant 0 : i32
    %dma_start3A_569 = tpu.memref_slice %arg12[%dma_start3A_564, %dma_start3A_567, %dma_start3A_568] : memref<2x80x128xf32, #tpu.memory_space<vmem>> -> memref<1x80x128xf32, #tpu.memory_space<vmem>>
    %dma_start3A_570 = tpu.memref_squeeze %dma_start3A_569 : memref<1x80x128xf32, #tpu.memory_space<vmem>> -> memref<80x128xf32, #tpu.memory_space<vmem>>
    %dma_start3A_571 = arith.constant 0 : i32
    %dma_start3A_572 = tpu.memref_slice %arg11[%dma_start3A_565, %dma_start3A_571] : memref<4x80xi32, #tpu.memory_space<vmem>> -> memref<1x80xi32, #tpu.memory_space<vmem>>
    %dma_start3A_573 = tpu.memref_squeeze %dma_start3A_572 : memref<1x80xi32, #tpu.memory_space<vmem>> -> memref<80xi32, #tpu.memory_space<vmem>>
    %dma_start3A_574 = arith.constant 0 : i32
    %dma_start3A_575 = arith.constant 0 : i32
    %dma_start3A_576 = tpu.memref_slice %arg13[%dma_start3A_574, %dma_start3A_575] : memref<10240x128xf32, #tpu.memory_space<vmem_shared>> -> memref<10240x128xf32, #tpu.memory_space<vmem_shared>>
    %dma_start3A_577 = tpu.memref_slice %arg16[%dma_start3A_566] : memref<2x!tpu.dma_semaphore, #tpu.memory_space<semaphore_mem>> -> memref<1x!tpu.dma_semaphore, #tpu.memory_space<semaphore_mem>>
    %dma_start3A_578 = tpu.memref_squeeze %dma_start3A_577 : memref<1x!tpu.dma_semaphore, #tpu.memory_space<semaphore_mem>> -> memref<!tpu.dma_semaphore, #tpu.memory_space<semaphore_mem>>
    tpu.enqueue_indirect_dma source(%dma_start3A_570 : memref<80x128xf32, #tpu.memory_space<vmem>>) target(%dma_start3A_576 : memref<10240x128xf32, #tpu.memory_space<vmem_shared>>) offsets(%dma_start3A_573 : memref<80xi32, #tpu.memory_space<vmem>>) semaphore(%dma_start3A_578 : memref<!tpu.dma_semaphore, #tpu.memory_space<semaphore_mem>>) {add = true}
    %dma_start3A_579 = arith.constant 3 : i32
    %dma_start3A_580 = arith.constant 1 : i32
    %dma_start3A_581 = arith.constant 0 : i32
    %dma_start3A_582 = tpu.memref_slice %arg11[%dma_start3A_579, %dma_start3A_581] : memref<4x80xi32, #tpu.memory_space<vmem>> -> memref<1x80xi32, #tpu.memory_space<vmem>>
    %dma_start3A_583 = tpu.memref_squeeze %dma_start3A_582 : memref<1x80xi32, #tpu.memory_space<vmem>> -> memref<80xi32, #tpu.memory_space<vmem>>
    %dma_start3A_584 = arith.constant 0 : i32
    %dma_start3A_585 = arith.constant 0 : i32
    %dma_start3A_586 = tpu.memref_slice %arg18[%dma_start3A_584, %dma_start3A_585] : memref<10240x16xf32, #tpu.memory_space<vmem_shared>> -> memref<10240x16xf32, #tpu.memory_space<vmem_shared>>
    %dma_start3A_587 = tpu.memref_slice %arg19[%dma_start3A_580] : memref<2x!tpu.dma_semaphore, #tpu.memory_space<semaphore_mem>> -> memref<1x!tpu.dma_semaphore, #tpu.memory_space<semaphore_mem>>
    %dma_start3A_588 = tpu.memref_squeeze %dma_start3A_587 : memref<1x!tpu.dma_semaphore, #tpu.memory_space<semaphore_mem>> -> memref<!tpu.dma_semaphore, #tpu.memory_space<semaphore_mem>>
    tpu.enqueue_indirect_dma source(%arg17 : memref<80x16xf32, #tpu.memory_space<vmem>>) target(%dma_start3A_586 : memref<10240x16xf32, #tpu.memory_space<vmem_shared>>) offsets(%dma_start3A_583 : memref<80xi32, #tpu.memory_space<vmem>>) semaphore(%dma_start3A_588 : memref<!tpu.dma_semaphore, #tpu.memory_space<semaphore_mem>>) {add = true}
    %dma_wait3A_589 = arith.constant 0 : i32
    %dma_wait3A_590 = arith.constant 0 : i32
    %dma_wait3A_591 = arith.constant 0 : i32
    %dma_wait3A_592 = arith.constant 0 : i32
    %dma_wait3A_593 = arith.constant 0 : i32
    %dma_wait3A_594 = tpu.memref_slice %arg12[%dma_wait3A_590, %dma_wait3A_592, %dma_wait3A_593] : memref<2x80x128xf32, #tpu.memory_space<vmem>> -> memref<1x80x128xf32, #tpu.memory_space<vmem>>
    %dma_wait3A_595 = tpu.memref_squeeze %dma_wait3A_594 : memref<1x80x128xf32, #tpu.memory_space<vmem>> -> memref<80x128xf32, #tpu.memory_space<vmem>>
    %dma_wait3A_596 = arith.constant 0 : i32
    %dma_wait3A_597 = tpu.memref_slice %arg10[%dma_wait3A_589, %dma_wait3A_596] : memref<4x80xi32, #tpu.memory_space<vmem>> -> memref<1x80xi32, #tpu.memory_space<vmem>>
    %dma_wait3A_598 = tpu.memref_squeeze %dma_wait3A_597 : memref<1x80xi32, #tpu.memory_space<vmem>> -> memref<80xi32, #tpu.memory_space<vmem>>
    %dma_wait3A_599 = arith.constant 0 : i32
    %dma_wait3A_600 = arith.constant 0 : i32
    %dma_wait3A_601 = tpu.memref_slice %arg2[%dma_wait3A_599, %dma_wait3A_600] : memref<10000x128xf32, #tpu.memory_space<hbm>> -> memref<10000x128xf32, #tpu.memory_space<hbm>>
    %dma_wait3A_602 = tpu.memref_slice %arg15[%dma_wait3A_591] : memref<2x!tpu.dma_semaphore, #tpu.memory_space<semaphore_mem>> -> memref<1x!tpu.dma_semaphore, #tpu.memory_space<semaphore_mem>>
    %dma_wait3A_603 = tpu.memref_squeeze %dma_wait3A_602 : memref<1x!tpu.dma_semaphore, #tpu.memory_space<semaphore_mem>> -> memref<!tpu.dma_semaphore, #tpu.memory_space<semaphore_mem>>
    tpu.wait_indirect_dma semaphore(%dma_wait3A_603 : memref<!tpu.dma_semaphore, #tpu.memory_space<semaphore_mem>>) src(%dma_wait3A_601 : memref<10000x128xf32, #tpu.memory_space<hbm>>) dst(%dma_wait3A_595 : memref<80x128xf32, #tpu.memory_space<vmem>>)
    %dma_wait3A_604 = arith.constant 1 : i32
    %dma_wait3A_605 = arith.constant 3 : i32
    %dma_wait3A_606 = arith.constant 1 : i32
    %dma_wait3A_607 = arith.constant 0 : i32
    %dma_wait3A_608 = arith.constant 0 : i32
    %dma_wait3A_609 = tpu.memref_slice %arg12[%dma_wait3A_604, %dma_wait3A_607, %dma_wait3A_608] : memref<2x80x128xf32, #tpu.memory_space<vmem>> -> memref<1x80x128xf32, #tpu.memory_space<vmem>>
    %dma_wait3A_610 = tpu.memref_squeeze %dma_wait3A_609 : memref<1x80x128xf32, #tpu.memory_space<vmem>> -> memref<80x128xf32, #tpu.memory_space<vmem>>
    %dma_wait3A_611 = arith.constant 0 : i32
    %dma_wait3A_612 = tpu.memref_slice %arg11[%dma_wait3A_605, %dma_wait3A_611] : memref<4x80xi32, #tpu.memory_space<vmem>> -> memref<1x80xi32, #tpu.memory_space<vmem>>
    %dma_wait3A_613 = tpu.memref_squeeze %dma_wait3A_612 : memref<1x80xi32, #tpu.memory_space<vmem>> -> memref<80xi32, #tpu.memory_space<vmem>>
    %dma_wait3A_614 = arith.constant 0 : i32
    %dma_wait3A_615 = arith.constant 0 : i32
    %dma_wait3A_616 = tpu.memref_slice %arg13[%dma_wait3A_614, %dma_wait3A_615] : memref<10240x128xf32, #tpu.memory_space<vmem_shared>> -> memref<10240x128xf32, #tpu.memory_space<vmem_shared>>
    %dma_wait3A_617 = tpu.memref_slice %arg16[%dma_wait3A_606] : memref<2x!tpu.dma_semaphore, #tpu.memory_space<semaphore_mem>> -> memref<1x!tpu.dma_semaphore, #tpu.memory_space<semaphore_mem>>
    %dma_wait3A_618 = tpu.memref_squeeze %dma_wait3A_617 : memref<1x!tpu.dma_semaphore, #tpu.memory_space<semaphore_mem>> -> memref<!tpu.dma_semaphore, #tpu.memory_space<semaphore_mem>>
    tpu.wait_indirect_dma semaphore(%dma_wait3A_618 : memref<!tpu.dma_semaphore, #tpu.memory_space<semaphore_mem>>) src(%dma_wait3A_610 : memref<80x128xf32, #tpu.memory_space<vmem>>) dst(%dma_wait3A_616 : memref<10240x128xf32, #tpu.memory_space<vmem_shared>>)
    %dma_wait3A_619 = arith.constant 3 : i32
    %dma_wait3A_620 = arith.constant 1 : i32
    %dma_wait3A_621 = arith.constant 0 : i32
    %dma_wait3A_622 = tpu.memref_slice %arg11[%dma_wait3A_619, %dma_wait3A_621] : memref<4x80xi32, #tpu.memory_space<vmem>> -> memref<1x80xi32, #tpu.memory_space<vmem>>
    %dma_wait3A_623 = tpu.memref_squeeze %dma_wait3A_622 : memref<1x80xi32, #tpu.memory_space<vmem>> -> memref<80xi32, #tpu.memory_space<vmem>>
    %dma_wait3A_624 = arith.constant 0 : i32
    %dma_wait3A_625 = arith.constant 0 : i32
    %dma_wait3A_626 = tpu.memref_slice %arg18[%dma_wait3A_624, %dma_wait3A_625] : memref<10240x16xf32, #tpu.memory_space<vmem_shared>> -> memref<10240x16xf32, #tpu.memory_space<vmem_shared>>
    %dma_wait3A_627 = tpu.memref_slice %arg19[%dma_wait3A_620] : memref<2x!tpu.dma_semaphore, #tpu.memory_space<semaphore_mem>> -> memref<1x!tpu.dma_semaphore, #tpu.memory_space<semaphore_mem>>
    %dma_wait3A_628 = tpu.memref_squeeze %dma_wait3A_627 : memref<1x!tpu.dma_semaphore, #tpu.memory_space<semaphore_mem>> -> memref<!tpu.dma_semaphore, #tpu.memory_space<semaphore_mem>>
    tpu.wait_indirect_dma semaphore(%dma_wait3A_628 : memref<!tpu.dma_semaphore, #tpu.memory_space<semaphore_mem>>) src(%arg17 : memref<80x16xf32, #tpu.memory_space<vmem>>) dst(%dma_wait3A_626 : memref<10240x16xf32, #tpu.memory_space<vmem_shared>>)
    %dma_start3A_629 = arith.constant 0 : i32
    %dma_start3A_630 = arith.constant 0 : i32
    %dma_start3A_631 = arith.constant 0 : i32
    %dma_start3A_632 = arith.constant 0 : i32
    %dma_start3A_633 = arith.constant 0 : i32
    %dma_start3A_634 = tpu.memref_slice %arg12[%dma_start3A_629, %dma_start3A_632, %dma_start3A_633] : memref<2x80x128xf32, #tpu.memory_space<vmem>> -> memref<1x80x128xf32, #tpu.memory_space<vmem>>
    %dma_start3A_635 = tpu.memref_squeeze %dma_start3A_634 : memref<1x80x128xf32, #tpu.memory_space<vmem>> -> memref<80x128xf32, #tpu.memory_space<vmem>>
    %dma_start3A_636 = arith.constant 0 : i32
    %dma_start3A_637 = tpu.memref_slice %arg11[%dma_start3A_630, %dma_start3A_636] : memref<4x80xi32, #tpu.memory_space<vmem>> -> memref<1x80xi32, #tpu.memory_space<vmem>>
    %dma_start3A_638 = tpu.memref_squeeze %dma_start3A_637 : memref<1x80xi32, #tpu.memory_space<vmem>> -> memref<80xi32, #tpu.memory_space<vmem>>
    %dma_start3A_639 = arith.constant 0 : i32
    %dma_start3A_640 = arith.constant 0 : i32
    %dma_start3A_641 = tpu.memref_slice %arg13[%dma_start3A_639, %dma_start3A_640] : memref<10240x128xf32, #tpu.memory_space<vmem_shared>> -> memref<10240x128xf32, #tpu.memory_space<vmem_shared>>
    %dma_start3A_642 = tpu.memref_slice %arg16[%dma_start3A_631] : memref<2x!tpu.dma_semaphore, #tpu.memory_space<semaphore_mem>> -> memref<1x!tpu.dma_semaphore, #tpu.memory_space<semaphore_mem>>
    %dma_start3A_643 = tpu.memref_squeeze %dma_start3A_642 : memref<1x!tpu.dma_semaphore, #tpu.memory_space<semaphore_mem>> -> memref<!tpu.dma_semaphore, #tpu.memory_space<semaphore_mem>>
    tpu.enqueue_indirect_dma source(%dma_start3A_635 : memref<80x128xf32, #tpu.memory_space<vmem>>) target(%dma_start3A_641 : memref<10240x128xf32, #tpu.memory_space<vmem_shared>>) offsets(%dma_start3A_638 : memref<80xi32, #tpu.memory_space<vmem>>) semaphore(%dma_start3A_643 : memref<!tpu.dma_semaphore, #tpu.memory_space<semaphore_mem>>) {add = true}
    %dma_start3A_644 = arith.constant 0 : i32
    %dma_start3A_645 = arith.constant 0 : i32
    %dma_start3A_646 = arith.constant 0 : i32
    %dma_start3A_647 = tpu.memref_slice %arg11[%dma_start3A_644, %dma_start3A_646] : memref<4x80xi32, #tpu.memory_space<vmem>> -> memref<1x80xi32, #tpu.memory_space<vmem>>
    %dma_start3A_648 = tpu.memref_squeeze %dma_start3A_647 : memref<1x80xi32, #tpu.memory_space<vmem>> -> memref<80xi32, #tpu.memory_space<vmem>>
    %dma_start3A_649 = arith.constant 0 : i32
    %dma_start3A_650 = arith.constant 0 : i32
    %dma_start3A_651 = tpu.memref_slice %arg18[%dma_start3A_649, %dma_start3A_650] : memref<10240x16xf32, #tpu.memory_space<vmem_shared>> -> memref<10240x16xf32, #tpu.memory_space<vmem_shared>>
    %dma_start3A_652 = tpu.memref_slice %arg19[%dma_start3A_645] : memref<2x!tpu.dma_semaphore, #tpu.memory_space<semaphore_mem>> -> memref<1x!tpu.dma_semaphore, #tpu.memory_space<semaphore_mem>>
    %dma_start3A_653 = tpu.memref_squeeze %dma_start3A_652 : memref<1x!tpu.dma_semaphore, #tpu.memory_space<semaphore_mem>> -> memref<!tpu.dma_semaphore, #tpu.memory_space<semaphore_mem>>
    tpu.enqueue_indirect_dma source(%arg17 : memref<80x16xf32, #tpu.memory_space<vmem>>) target(%dma_start3A_651 : memref<10240x16xf32, #tpu.memory_space<vmem_shared>>) offsets(%dma_start3A_648 : memref<80xi32, #tpu.memory_space<vmem>>) semaphore(%dma_start3A_653 : memref<!tpu.dma_semaphore, #tpu.memory_space<semaphore_mem>>) {add = true}
    %dma_wait3A_654 = arith.constant 0 : i32
    %dma_wait3A_655 = arith.constant 0 : i32
    %dma_wait3A_656 = arith.constant 0 : i32
    %dma_wait3A_657 = arith.constant 0 : i32
    %dma_wait3A_658 = arith.constant 0 : i32
    %dma_wait3A_659 = tpu.memref_slice %arg12[%dma_wait3A_654, %dma_wait3A_657, %dma_wait3A_658] : memref<2x80x128xf32, #tpu.memory_space<vmem>> -> memref<1x80x128xf32, #tpu.memory_space<vmem>>
    %dma_wait3A_660 = tpu.memref_squeeze %dma_wait3A_659 : memref<1x80x128xf32, #tpu.memory_space<vmem>> -> memref<80x128xf32, #tpu.memory_space<vmem>>
    %dma_wait3A_661 = arith.constant 0 : i32
    %dma_wait3A_662 = tpu.memref_slice %arg11[%dma_wait3A_655, %dma_wait3A_661] : memref<4x80xi32, #tpu.memory_space<vmem>> -> memref<1x80xi32, #tpu.memory_space<vmem>>
    %dma_wait3A_663 = tpu.memref_squeeze %dma_wait3A_662 : memref<1x80xi32, #tpu.memory_space<vmem>> -> memref<80xi32, #tpu.memory_space<vmem>>
    %dma_wait3A_664 = arith.constant 0 : i32
    %dma_wait3A_665 = arith.constant 0 : i32
    %dma_wait3A_666 = tpu.memref_slice %arg13[%dma_wait3A_664, %dma_wait3A_665] : memref<10240x128xf32, #tpu.memory_space<vmem_shared>> -> memref<10240x128xf32, #tpu.memory_space<vmem_shared>>
    %dma_wait3A_667 = tpu.memref_slice %arg16[%dma_wait3A_656] : memref<2x!tpu.dma_semaphore, #tpu.memory_space<semaphore_mem>> -> memref<1x!tpu.dma_semaphore, #tpu.memory_space<semaphore_mem>>
    %dma_wait3A_668 = tpu.memref_squeeze %dma_wait3A_667 : memref<1x!tpu.dma_semaphore, #tpu.memory_space<semaphore_mem>> -> memref<!tpu.dma_semaphore, #tpu.memory_space<semaphore_mem>>
    tpu.wait_indirect_dma semaphore(%dma_wait3A_668 : memref<!tpu.dma_semaphore, #tpu.memory_space<semaphore_mem>>) src(%dma_wait3A_660 : memref<80x128xf32, #tpu.memory_space<vmem>>) dst(%dma_wait3A_666 : memref<10240x128xf32, #tpu.memory_space<vmem_shared>>)
    %dma_wait3A_669 = arith.constant 0 : i32
    %dma_wait3A_670 = arith.constant 0 : i32
    %dma_wait3A_671 = arith.constant 0 : i32
    %dma_wait3A_672 = tpu.memref_slice %arg11[%dma_wait3A_669, %dma_wait3A_671] : memref<4x80xi32, #tpu.memory_space<vmem>> -> memref<1x80xi32, #tpu.memory_space<vmem>>
    %dma_wait3A_673 = tpu.memref_squeeze %dma_wait3A_672 : memref<1x80xi32, #tpu.memory_space<vmem>> -> memref<80xi32, #tpu.memory_space<vmem>>
    %dma_wait3A_674 = arith.constant 0 : i32
    %dma_wait3A_675 = arith.constant 0 : i32
    %dma_wait3A_676 = tpu.memref_slice %arg18[%dma_wait3A_674, %dma_wait3A_675] : memref<10240x16xf32, #tpu.memory_space<vmem_shared>> -> memref<10240x16xf32, #tpu.memory_space<vmem_shared>>
    %dma_wait3A_677 = tpu.memref_slice %arg19[%dma_wait3A_670] : memref<2x!tpu.dma_semaphore, #tpu.memory_space<semaphore_mem>> -> memref<1x!tpu.dma_semaphore, #tpu.memory_space<semaphore_mem>>
    %dma_wait3A_678 = tpu.memref_squeeze %dma_wait3A_677 : memref<1x!tpu.dma_semaphore, #tpu.memory_space<semaphore_mem>> -> memref<!tpu.dma_semaphore, #tpu.memory_space<semaphore_mem>>
    tpu.wait_indirect_dma semaphore(%dma_wait3A_678 : memref<!tpu.dma_semaphore, #tpu.memory_space<semaphore_mem>>) src(%arg17 : memref<80x16xf32, #tpu.memory_space<vmem>>) dst(%dma_wait3A_676 : memref<10240x16xf32, #tpu.memory_space<vmem_shared>>)
    %barrier3A_679 = arith.constant 0 : index
    tpu.barrier barrier_id(%barrier3A_679)
    %mul3A_680 = arith.constant 640 : i32
    %mul3A_681 = arith.muli %arg1, %mul3A_680 : i32
    %mul3A_682 = arith.constant 640 : i32
    %mul3A_683 = arith.muli %arg1, %mul3A_682 : i32
    "tpu.region"() ({
      %run_scoped3A = tpu.sem_alloc : memref<!tpu.dma_semaphore, #tpu.memory_space<semaphore_mem>>
      %dma_start3A_688 = arith.constant 0 : i32
      %dma_start3A_689 = tpu.memref_slice %arg8[%arg0, %mul3A_683, %dma_start3A_688] : memref<2x10240x128xf32, #tpu.memory_space<hbm>> -> memref<1x640x128xf32, #tpu.memory_space<hbm>>
      %dma_start3A_690 = tpu.memref_squeeze %dma_start3A_689 : memref<1x640x128xf32, #tpu.memory_space<hbm>> -> memref<640x128xf32, #tpu.memory_space<hbm>>
      %dma_start3A_691 = arith.constant 0 : i32
      %dma_start3A_692 = tpu.memref_slice %arg13[%mul3A_681, %dma_start3A_691] : memref<10240x128xf32, #tpu.memory_space<vmem_shared>> -> memref<640x128xf32, #tpu.memory_space<vmem_shared>>
      tpu.enqueue_dma source(%dma_start3A_692 : memref<640x128xf32, #tpu.memory_space<vmem_shared>>) target(%dma_start3A_690 : memref<640x128xf32, #tpu.memory_space<hbm>>) target_semaphore(%run_scoped3A : memref<!tpu.dma_semaphore, #tpu.memory_space<semaphore_mem>>)
      %dma_wait3A_693 = arith.constant 0 : i32
      %dma_wait3A_694 = tpu.memref_slice %arg8[%arg0, %mul3A_683, %dma_wait3A_693] : memref<2x10240x128xf32, #tpu.memory_space<hbm>> -> memref<1x640x128xf32, #tpu.memory_space<hbm>>
      %dma_wait3A_695 = tpu.memref_squeeze %dma_wait3A_694 : memref<1x640x128xf32, #tpu.memory_space<hbm>> -> memref<640x128xf32, #tpu.memory_space<hbm>>
      %dma_wait3A_696 = arith.constant 0 : i32
      %dma_wait3A_697 = tpu.memref_slice %arg13[%mul3A_681, %dma_wait3A_696] : memref<10240x128xf32, #tpu.memory_space<vmem_shared>> -> memref<640x128xf32, #tpu.memory_space<vmem_shared>>
      tpu.wait_dma2 semaphore(%run_scoped3A : memref<!tpu.dma_semaphore, #tpu.memory_space<semaphore_mem>>) src(%dma_wait3A_697 : memref<640x128xf32, #tpu.memory_space<vmem_shared>>) dst(%dma_wait3A_695 : memref<640x128xf32, #tpu.memory_space<hbm>>)
      tpu.yield
    }) : () -> ()
    %mul3A_684 = arith.constant 640 : i32
    %mul3A_685 = arith.muli %arg1, %mul3A_684 : i32
    %mul3A_686 = arith.constant 640 : i32
    %mul3A_687 = arith.muli %arg1, %mul3A_686 : i32
    "tpu.region"() ({
      %run_scoped3A = tpu.sem_alloc : memref<!tpu.dma_semaphore, #tpu.memory_space<semaphore_mem>>
      %dma_start3A_688 = arith.constant 0 : i32
      %dma_start3A_689 = tpu.memref_slice %arg9[%arg0, %mul3A_687, %dma_start3A_688] : memref<2x10240x16xf32, #tpu.memory_space<hbm>> -> memref<1x640x16xf32, #tpu.memory_space<hbm>>
      %dma_start3A_690 = tpu.memref_squeeze %dma_start3A_689 : memref<1x640x16xf32, #tpu.memory_space<hbm>> -> memref<640x16xf32, #tpu.memory_space<hbm>>
      %dma_start3A_691 = arith.constant 0 : i32
      %dma_start3A_692 = tpu.memref_slice %arg18[%mul3A_685, %dma_start3A_691] : memref<10240x16xf32, #tpu.memory_space<vmem_shared>> -> memref<640x16xf32, #tpu.memory_space<vmem_shared>>
      tpu.enqueue_dma source(%dma_start3A_692 : memref<640x16xf32, #tpu.memory_space<vmem_shared>>) target(%dma_start3A_690 : memref<640x16xf32, #tpu.memory_space<hbm>>) target_semaphore(%run_scoped3A : memref<!tpu.dma_semaphore, #tpu.memory_space<semaphore_mem>>)
      %dma_wait3A_693 = arith.constant 0 : i32
      %dma_wait3A_694 = tpu.memref_slice %arg9[%arg0, %mul3A_687, %dma_wait3A_693] : memref<2x10240x16xf32, #tpu.memory_space<hbm>> -> memref<1x640x16xf32, #tpu.memory_space<hbm>>
      %dma_wait3A_695 = tpu.memref_squeeze %dma_wait3A_694 : memref<1x640x16xf32, #tpu.memory_space<hbm>> -> memref<640x16xf32, #tpu.memory_space<hbm>>
      %dma_wait3A_696 = arith.constant 0 : i32
      %dma_wait3A_697 = tpu.memref_slice %arg18[%mul3A_685, %dma_wait3A_696] : memref<10240x16xf32, #tpu.memory_space<vmem_shared>> -> memref<640x16xf32, #tpu.memory_space<vmem_shared>>
      tpu.wait_dma2 semaphore(%run_scoped3A : memref<!tpu.dma_semaphore, #tpu.memory_space<semaphore_mem>>) src(%dma_wait3A_697 : memref<640x16xf32, #tpu.memory_space<vmem_shared>>) dst(%dma_wait3A_695 : memref<640x16xf32, #tpu.memory_space<hbm>>)
      tpu.yield
    }) : () -> ()
    return
  }
}

module attributes {stable_mosaic.version = 14 : i64} {
  func.func @_pre_body(%arg0: i32, %arg1: memref<1000x128xf32, #tpu.memory_space<vmem>>, %arg2: memref<128x128xf32, #tpu.memory_space<vmem>>, %arg3: memref<128x128xf32, #tpu.memory_space<vmem>>, %arg4: memref<1x128xf32, #tpu.memory_space<vmem>>, %arg5: memref<1000x128xf32, #tpu.memory_space<vmem>>, %arg6: memref<1000x128xf32, #tpu.memory_space<vmem>>) attributes {dimension_semantics = [#tpu.dimension_semantics<arbitrary>], iteration_bounds = array<i64: 10>, scalar_prefetch = 0 : i64, scratch_operands = 0 : i64, tpu.core_type = #tpu.core_type<tc>, window_params = [{transform_indices = @transform_0, window_bounds = array<i64: 1000, 128>}, {pipeline_mode = #tpu.pipeline_mode<synchronous>, transform_indices = @transform_1, window_bounds = array<i64: 128, 128>}, {pipeline_mode = #tpu.pipeline_mode<synchronous>, transform_indices = @transform_2, window_bounds = array<i64: 128, 128>}, {pipeline_mode = #tpu.pipeline_mode<synchronous>, transform_indices = @transform_3, window_bounds = array<i64: 1, 128>}, {transform_indices = @transform_4, window_bounds = array<i64: 1000, 128>}, {transform_indices = @transform_5, window_bounds = array<i64: 1000, 128>}]} {
    %get3A = arith.constant 0 : index
    %get3A_0 = arith.constant 0 : index
    %get3A_1 = vector.load %arg1[%get3A, %get3A_0] : memref<1000x128xf32, #tpu.memory_space<vmem>>, vector<1000x128xf32>
    %get3A_2 = arith.constant 0 : index
    %get3A_3 = arith.constant 0 : index
    %get3A_4 = vector.load %arg2[%get3A_2, %get3A_3] : memref<128x128xf32, #tpu.memory_space<vmem>>, vector<128x128xf32>
    %dot_general3A = arith.constant dense<0.000000e+00> : vector<1000x128xf32>
    %dot_general3A_5 = tpu.matmul %get3A_1, %get3A_4, %dot_general3A {dimension_numbers = #tpu.dot_dimension_numbers<[1], [0], [0], [1], [0, 0, 1, 1], [], []>, transpose_lhs_hint = false} : vector<1000x128xf32>, vector<128x128xf32>, vector<1000x128xf32> -> vector<1000x128xf32>
    %swap3A = arith.constant 0 : index
    %swap3A_6 = arith.constant 0 : index
    %swap3A_7 = vector.load %arg5[%swap3A, %swap3A_6] : memref<1000x128xf32, #tpu.memory_space<vmem>>, vector<1000x128xf32>
    tpu.vector_store %arg5[%swap3A, %swap3A_6], %dot_general3A_5 {strides = array<i32>} : memref<1000x128xf32, #tpu.memory_space<vmem>>, vector<1000x128xf32>,
    %get3A_8 = arith.constant 0 : index
    %get3A_9 = arith.constant 0 : index
    %get3A_10 = vector.load %arg3[%get3A_8, %get3A_9] : memref<128x128xf32, #tpu.memory_space<vmem>>, vector<128x128xf32>
    %dot_general3A_11 = arith.constant dense<0.000000e+00> : vector<1000x128xf32>
    %dot_general3A_12 = tpu.matmul %get3A_1, %get3A_10, %dot_general3A_11 {dimension_numbers = #tpu.dot_dimension_numbers<[1], [0], [0], [1], [0, 0, 1, 1], [], []>, transpose_lhs_hint = false} : vector<1000x128xf32>, vector<128x128xf32>, vector<1000x128xf32> -> vector<1000x128xf32>
    %get3A_13 = arith.constant 0 : index
    %get3A_14 = arith.constant 0 : index
    %get3A_15 = vector.load %arg4[%get3A_13, %get3A_14] : memref<1x128xf32, #tpu.memory_space<vmem>>, vector<1x128xf32>
    %add3A = vector.broadcast %get3A_15 : vector<1x128xf32> to vector<1000x128xf32>
    %add3A_16 = arith.addf %dot_general3A_12, %add3A : vector<1000x128xf32>
    %swap3A_17 = arith.constant 0 : index
    %swap3A_18 = arith.constant 0 : index
    %swap3A_19 = vector.load %arg6[%swap3A_17, %swap3A_18] : memref<1000x128xf32, #tpu.memory_space<vmem>>, vector<1000x128xf32>
    tpu.vector_store %arg6[%swap3A_17, %swap3A_18], %add3A_16 {strides = array<i32>} : memref<1000x128xf32, #tpu.memory_space<vmem>>, vector<1000x128xf32>,
    return
  }
  func.func @transform_0(%arg0: i32) -> (i32, i32) {
    %c0_i32 = arith.constant 0 : i32
    %c0_i32_0 = arith.constant 0 : i32
    return %arg0, %c0_i32 : i32, i32
  }
  func.func @transform_1(%arg0: i32) -> (i32, i32) {
    %c0_i32 = arith.constant 0 : i32
    %c0_i32_0 = arith.constant 0 : i32
    %c0_i32_1 = arith.constant 0 : i32
    return %c0_i32, %c0_i32_0 : i32, i32
  }
  func.func @transform_2(%arg0: i32) -> (i32, i32) {
    %c0_i32 = arith.constant 0 : i32
    %c0_i32_0 = arith.constant 0 : i32
    %c0_i32_1 = arith.constant 0 : i32
    return %c0_i32, %c0_i32_0 : i32, i32
  }
  func.func @transform_3(%arg0: i32) -> (i32, i32) {
    %c0_i32 = arith.constant 0 : i32
    %c0_i32_0 = arith.constant 0 : i32
    %c0_i32_1 = arith.constant 0 : i32
    return %c0_i32, %c0_i32_0 : i32, i32
  }
  func.func @transform_4(%arg0: i32) -> (i32, i32) {
    %c0_i32 = arith.constant 0 : i32
    %c0_i32_0 = arith.constant 0 : i32
    return %arg0, %c0_i32 : i32, i32
  }
  func.func @transform_5(%arg0: i32) -> (i32, i32) {
    %c0_i32 = arith.constant 0 : i32
    %c0_i32_0 = arith.constant 0 : i32
    return %arg0, %c0_i32 : i32, i32
  }
}

module attributes {stable_mosaic.version = 14 : i64} {
  func.func @_mid_body(%arg0: i32, %arg1: memref<1000x128xf32, #tpu.memory_space<vmem>>, %arg2: memref<1000x128xf32, #tpu.memory_space<vmem>>, %arg3: memref<1000x16xf32, #tpu.memory_space<vmem>>, %arg4: memref<1000x16xf32, #tpu.memory_space<vmem>>, %arg5: memref<1000x128xf32, #tpu.memory_space<vmem>>, %arg6: memref<128x128xf32, #tpu.memory_space<vmem>>, %arg7: memref<128x128xf32, #tpu.memory_space<vmem>>, %arg8: memref<1000x128xf32, #tpu.memory_space<vmem>>, %arg9: memref<1000x128xf32, #tpu.memory_space<vmem>>, %arg10: memref<1000x128xf32, #tpu.memory_space<vmem>>) attributes {dimension_semantics = [#tpu.dimension_semantics<arbitrary>], iteration_bounds = array<i64: 10>, scalar_prefetch = 0 : i64, scratch_operands = 0 : i64, tpu.core_type = #tpu.core_type<tc>, window_params = [{transform_indices = @transform_0, window_bounds = array<i64: 1000, 128>}, {transform_indices = @transform_1, window_bounds = array<i64: 1000, 128>}, {transform_indices = @transform_2, window_bounds = array<i64: 1000, 16>}, {transform_indices = @transform_3, window_bounds = array<i64: 1000, 16>}, {transform_indices = @transform_4, window_bounds = array<i64: 1000, 128>}, {pipeline_mode = #tpu.pipeline_mode<synchronous>, transform_indices = @transform_5, window_bounds = array<i64: 128, 128>}, {pipeline_mode = #tpu.pipeline_mode<synchronous>, transform_indices = @transform_6, window_bounds = array<i64: 128, 128>}, {transform_indices = @transform_7, window_bounds = array<i64: 1000, 128>}, {transform_indices = @transform_8, window_bounds = array<i64: 1000, 128>}, {transform_indices = @transform_9, window_bounds = array<i64: 1000, 128>}]} {
    %get3A = arith.constant 0 : index
    %get3A_0 = arith.constant 0 : index
    %get3A_1 = vector.load %arg3[%get3A, %get3A_0] : memref<1000x16xf32, #tpu.memory_space<vmem>>, vector<1000x1xf32>
    %get3A_2 = arith.constant 0 : index
    %get3A_3 = arith.constant 0 : index
    %get3A_4 = vector.load %arg4[%get3A_2, %get3A_3] : memref<1000x16xf32, #tpu.memory_space<vmem>>, vector<1000x1xf32>
    %add3A = arith.addf %get3A_1, %get3A_4 : vector<1000x1xf32>
    %max3A = arith.constant 1.000000e+00 : f32
    %max3A_5 = vector.broadcast %max3A : f32 to vector<1000x1xf32>
    %max3A_6 = arith.maximumf %add3A, %max3A_5 : vector<1000x1xf32>
    %get3A_7 = arith.constant 0 : index
    %get3A_8 = arith.constant 0 : index
    %get3A_9 = vector.load %arg1[%get3A_7, %get3A_8] : memref<1000x128xf32, #tpu.memory_space<vmem>>, vector<1000x128xf32>
    %get3A_10 = arith.constant 0 : index
    %get3A_11 = arith.constant 0 : index
    %get3A_12 = vector.load %arg2[%get3A_10, %get3A_11] : memref<1000x128xf32, #tpu.memory_space<vmem>>, vector<1000x128xf32>
    %add3A_13 = arith.addf %get3A_9, %get3A_12 : vector<1000x128xf32>
    %div3A = vector.broadcast %max3A_6 : vector<1000x1xf32> to vector<1000x128xf32>
    %div3A_14 = arith.divf %add3A_13, %div3A : vector<1000x128xf32>
    %get3A_15 = arith.constant 0 : index
    %get3A_16 = arith.constant 0 : index
    %get3A_17 = vector.load %arg5[%get3A_15, %get3A_16] : memref<1000x128xf32, #tpu.memory_space<vmem>>, vector<1000x128xf32>
    %add3A_18 = arith.addf %div3A_14, %get3A_17 : vector<1000x128xf32>
    %swap3A = arith.constant 0 : index
    %swap3A_19 = arith.constant 0 : index
    %swap3A_20 = vector.load %arg8[%swap3A, %swap3A_19] : memref<1000x128xf32, #tpu.memory_space<vmem>>, vector<1000x128xf32>
    tpu.vector_store %arg8[%swap3A, %swap3A_19], %add3A_18 {strides = array<i32>} : memref<1000x128xf32, #tpu.memory_space<vmem>>, vector<1000x128xf32>,
    %max3A_21 = arith.constant 0.000000e+00 : f32
    %max3A_22 = vector.broadcast %max3A_21 : f32 to vector<1000x128xf32>
    %max3A_23 = arith.maximumf %add3A_18, %max3A_22 : vector<1000x128xf32>
    %get3A_24 = arith.constant 0 : index
    %get3A_25 = arith.constant 0 : index
    %get3A_26 = vector.load %arg6[%get3A_24, %get3A_25] : memref<128x128xf32, #tpu.memory_space<vmem>>, vector<128x128xf32>
    %dot_general3A = arith.constant dense<0.000000e+00> : vector<1000x128xf32>
    %dot_general3A_27 = tpu.matmul %max3A_23, %get3A_26, %dot_general3A {dimension_numbers = #tpu.dot_dimension_numbers<[1], [0], [0], [1], [0, 0, 1, 1], [], []>, transpose_lhs_hint = false} : vector<1000x128xf32>, vector<128x128xf32>, vector<1000x128xf32> -> vector<1000x128xf32>
    %swap3A_28 = arith.constant 0 : index
    %swap3A_29 = arith.constant 0 : index
    %swap3A_30 = vector.load %arg9[%swap3A_28, %swap3A_29] : memref<1000x128xf32, #tpu.memory_space<vmem>>, vector<1000x128xf32>
    tpu.vector_store %arg9[%swap3A_28, %swap3A_29], %dot_general3A_27 {strides = array<i32>} : memref<1000x128xf32, #tpu.memory_space<vmem>>, vector<1000x128xf32>,
    %get3A_31 = arith.constant 0 : index
    %get3A_32 = arith.constant 0 : index
    %get3A_33 = vector.load %arg7[%get3A_31, %get3A_32] : memref<128x128xf32, #tpu.memory_space<vmem>>, vector<128x128xf32>
    %dot_general3A_34 = arith.constant dense<0.000000e+00> : vector<1000x128xf32>
    %dot_general3A_35 = tpu.matmul %max3A_23, %get3A_33, %dot_general3A_34 {dimension_numbers = #tpu.dot_dimension_numbers<[1], [0], [0], [1], [0, 0, 1, 1], [], []>, transpose_lhs_hint = false} : vector<1000x128xf32>, vector<128x128xf32>, vector<1000x128xf32> -> vector<1000x128xf32>
    %swap3A_36 = arith.constant 0 : index
    %swap3A_37 = arith.constant 0 : index
    %swap3A_38 = vector.load %arg10[%swap3A_36, %swap3A_37] : memref<1000x128xf32, #tpu.memory_space<vmem>>, vector<1000x128xf32>
    tpu.vector_store %arg10[%swap3A_36, %swap3A_37], %dot_general3A_35 {strides = array<i32>} : memref<1000x128xf32, #tpu.memory_space<vmem>>, vector<1000x128xf32>,
    return
  }
  func.func @transform_0(%arg0: i32) -> (i32, i32) {
    %c0_i32 = arith.constant 0 : i32
    %c0_i32_0 = arith.constant 0 : i32
    return %arg0, %c0_i32 : i32, i32
  }
  func.func @transform_1(%arg0: i32) -> (i32, i32) {
    %c0_i32 = arith.constant 0 : i32
    %c0_i32_0 = arith.constant 0 : i32
    return %arg0, %c0_i32 : i32, i32
  }
  func.func @transform_2(%arg0: i32) -> (i32, i32) {
    %c0_i32 = arith.constant 0 : i32
    %c0_i32_0 = arith.constant 0 : i32
    return %arg0, %c0_i32 : i32, i32
  }
  func.func @transform_3(%arg0: i32) -> (i32, i32) {
    %c0_i32 = arith.constant 0 : i32
    %c0_i32_0 = arith.constant 0 : i32
    return %arg0, %c0_i32 : i32, i32
  }
  func.func @transform_4(%arg0: i32) -> (i32, i32) {
    %c0_i32 = arith.constant 0 : i32
    %c0_i32_0 = arith.constant 0 : i32
    return %arg0, %c0_i32 : i32, i32
  }
  func.func @transform_5(%arg0: i32) -> (i32, i32) {
    %c0_i32 = arith.constant 0 : i32
    %c0_i32_0 = arith.constant 0 : i32
    %c0_i32_1 = arith.constant 0 : i32
    return %c0_i32, %c0_i32_0 : i32, i32
  }
  func.func @transform_6(%arg0: i32) -> (i32, i32) {
    %c0_i32 = arith.constant 0 : i32
    %c0_i32_0 = arith.constant 0 : i32
    %c0_i32_1 = arith.constant 0 : i32
    return %c0_i32, %c0_i32_0 : i32, i32
  }
  func.func @transform_7(%arg0: i32) -> (i32, i32) {
    %c0_i32 = arith.constant 0 : i32
    %c0_i32_0 = arith.constant 0 : i32
    return %arg0, %c0_i32 : i32, i32
  }
  func.func @transform_8(%arg0: i32) -> (i32, i32) {
    %c0_i32 = arith.constant 0 : i32
    %c0_i32_0 = arith.constant 0 : i32
    return %arg0, %c0_i32 : i32, i32
  }
  func.func @transform_9(%arg0: i32) -> (i32, i32) {
    %c0_i32 = arith.constant 0 : i32
    %c0_i32_0 = arith.constant 0 : i32
    return %arg0, %c0_i32 : i32, i32
  }
}

module attributes {stable_mosaic.version = 14 : i64} {
  func.func @_fin_body(%arg0: i32, %arg1: memref<1000x128xf32, #tpu.memory_space<vmem>>, %arg2: memref<1000x128xf32, #tpu.memory_space<vmem>>, %arg3: memref<1000x16xf32, #tpu.memory_space<vmem>>, %arg4: memref<1000x16xf32, #tpu.memory_space<vmem>>, %arg5: memref<1000x128xf32, #tpu.memory_space<vmem>>, %arg6: memref<1x128xf32, #tpu.memory_space<vmem>>, %arg7: memref<1000x128xf32, #tpu.memory_space<vmem>>) attributes {dimension_semantics = [#tpu.dimension_semantics<arbitrary>], iteration_bounds = array<i64: 10>, scalar_prefetch = 0 : i64, scratch_operands = 0 : i64, tpu.core_type = #tpu.core_type<tc>, window_params = [{transform_indices = @transform_0, window_bounds = array<i64: 1000, 128>}, {transform_indices = @transform_1, window_bounds = array<i64: 1000, 128>}, {transform_indices = @transform_2, window_bounds = array<i64: 1000, 16>}, {transform_indices = @transform_3, window_bounds = array<i64: 1000, 16>}, {transform_indices = @transform_4, window_bounds = array<i64: 1000, 128>}, {pipeline_mode = #tpu.pipeline_mode<synchronous>, transform_indices = @transform_5, window_bounds = array<i64: 1, 128>}, {transform_indices = @transform_6, window_bounds = array<i64: 1000, 128>}]} {
    %get3A = arith.constant 0 : index
    %get3A_0 = arith.constant 0 : index
    %get3A_1 = vector.load %arg3[%get3A, %get3A_0] : memref<1000x16xf32, #tpu.memory_space<vmem>>, vector<1000x1xf32>
    %get3A_2 = arith.constant 0 : index
    %get3A_3 = arith.constant 0 : index
    %get3A_4 = vector.load %arg4[%get3A_2, %get3A_3] : memref<1000x16xf32, #tpu.memory_space<vmem>>, vector<1000x1xf32>
    %add3A = arith.addf %get3A_1, %get3A_4 : vector<1000x1xf32>
    %max3A = arith.constant 1.000000e+00 : f32
    %max3A_5 = vector.broadcast %max3A : f32 to vector<1000x1xf32>
    %max3A_6 = arith.maximumf %add3A, %max3A_5 : vector<1000x1xf32>
    %get3A_7 = arith.constant 0 : index
    %get3A_8 = arith.constant 0 : index
    %get3A_9 = vector.load %arg1[%get3A_7, %get3A_8] : memref<1000x128xf32, #tpu.memory_space<vmem>>, vector<1000x128xf32>
    %get3A_10 = arith.constant 0 : index
    %get3A_11 = arith.constant 0 : index
    %get3A_12 = vector.load %arg2[%get3A_10, %get3A_11] : memref<1000x128xf32, #tpu.memory_space<vmem>>, vector<1000x128xf32>
    %add3A_13 = arith.addf %get3A_9, %get3A_12 : vector<1000x128xf32>
    %div3A = vector.broadcast %max3A_6 : vector<1000x1xf32> to vector<1000x128xf32>
    %div3A_14 = arith.divf %add3A_13, %div3A : vector<1000x128xf32>
    %get3A_15 = arith.constant 0 : index
    %get3A_16 = arith.constant 0 : index
    %get3A_17 = vector.load %arg5[%get3A_15, %get3A_16] : memref<1000x128xf32, #tpu.memory_space<vmem>>, vector<1000x128xf32>
    %add3A_18 = arith.addf %div3A_14, %get3A_17 : vector<1000x128xf32>
    %get3A_19 = arith.constant 0 : index
    %get3A_20 = arith.constant 0 : index
    %get3A_21 = vector.load %arg6[%get3A_19, %get3A_20] : memref<1x128xf32, #tpu.memory_space<vmem>>, vector<1x128xf32>
    %add3A_22 = vector.broadcast %get3A_21 : vector<1x128xf32> to vector<1000x128xf32>
    %add3A_23 = arith.addf %add3A_18, %add3A_22 : vector<1000x128xf32>
    %swap3A = arith.constant 0 : index
    %swap3A_24 = arith.constant 0 : index
    %swap3A_25 = vector.load %arg7[%swap3A, %swap3A_24] : memref<1000x128xf32, #tpu.memory_space<vmem>>, vector<1000x128xf32>
    tpu.vector_store %arg7[%swap3A, %swap3A_24], %add3A_23 {strides = array<i32>} : memref<1000x128xf32, #tpu.memory_space<vmem>>, vector<1000x128xf32>,
    return
  }
  func.func @transform_0(%arg0: i32) -> (i32, i32) {
    %c0_i32 = arith.constant 0 : i32
    %c0_i32_0 = arith.constant 0 : i32
    return %arg0, %c0_i32 : i32, i32
  }
  func.func @transform_1(%arg0: i32) -> (i32, i32) {
    %c0_i32 = arith.constant 0 : i32
    %c0_i32_0 = arith.constant 0 : i32
    return %arg0, %c0_i32 : i32, i32
  }
  func.func @transform_2(%arg0: i32) -> (i32, i32) {
    %c0_i32 = arith.constant 0 : i32
    %c0_i32_0 = arith.constant 0 : i32
    return %arg0, %c0_i32 : i32, i32
  }
  func.func @transform_3(%arg0: i32) -> (i32, i32) {
    %c0_i32 = arith.constant 0 : i32
    %c0_i32_0 = arith.constant 0 : i32
    return %arg0, %c0_i32 : i32, i32
  }
  func.func @transform_4(%arg0: i32) -> (i32, i32) {
    %c0_i32 = arith.constant 0 : i32
    %c0_i32_0 = arith.constant 0 : i32
    return %arg0, %c0_i32 : i32, i32
  }
  func.func @transform_5(%arg0: i32) -> (i32, i32) {
    %c0_i32 = arith.constant 0 : i32
    %c0_i32_0 = arith.constant 0 : i32
    %c0_i32_1 = arith.constant 0 : i32
    return %c0_i32, %c0_i32_0 : i32, i32
  }
  func.func @transform_6(%arg0: i32) -> (i32, i32) {
    %c0_i32 = arith.constant 0 : i32
    %c0_i32_0 = arith.constant 0 : i32
    return %arg0, %c0_i32 : i32, i32
  }
}

</mosaic_0001>

<sc_bundles>
// kernel: kernel.10.cloned.1.call-start
scs
__scs_entry_jumppad:
0x0: {  	(pc) =	sbr.rel $0x88, $3  }
0x1: {  	(tag) =	ssettag $0x0;
	lr =	simm.s32 $0x1  }
0x2: {  	[smem:$0x3F99] =	sst lr;
	_ =	strace $0xD0000000  }
0x3: {  	_ = 	snop  }
0x4: {  	_ = 	snop  }
0x5: {  	_ = 	snop  }
0x6: {  	_ = 	snop  }
0x7: {  	_ = 	snop  }
__scs_overlays_trampoline_lowered:
0x8: {  	[smem:$0x3FA8] =	sst s0  }
0x9: {  	[smem:$0x3FA9] =	sst s1  }
0xa: {  	[smem:$0x3FAA] =	sst s2  }
0xb: {  	[smem:$0x3FAB] =	sst s3  }
0xc: {  	[smem:$0x3FAC] =	sst s4  }
0xd: {  	[smem:$0x3FAD] =	sst s5  }
0xe: {  	[smem:$0x3FAE] =	sst s6  }
0xf: {  	[smem:$0x3FAF] =	sst s7  }
0x10: {  	[smem:$0x3FB0] =	sst s8  }
0x11: {  	[smem:$0x3FB1] =	sst s9;
	s0 =	simm.s32 @!p0 $0x0  }
0x12: {  	s1 =	sld [smem:$0x3F97];
	s0 =	simm.s32 @p0 $0x1  }
0x13: {  	[smem:$0x3FB2] =	sst s0;
	s0 =	simm.s32 @!p1 $0x0  }
0x14: {  	s2 =	sld [smem:$0x3F96];
	s0 =	simm.s32 @p1 $0x1  }
0x15: {  	[smem:$0x3FB3] =	sst s0;
	s0 =	simm.s32 @!p2 $0x0  }
0x16: {  	s3 =	sld [smem:$0x3FDB];
	s0 =	simm.s32 @p2 $0x1  }
0x17: {  	s4 =	simm.s32 $0x1BF5;
	[smem:$0x3FB5] =	sst s0  }
0x18: {  	s0 =	sld [smem:$0x3F98];
	_ =	swait.ge [sflag:s4], $0x0  }
0x19: {  	s7 =	sld [smem:$0x3F99]  }
0x1a: {  	s8 =	sadd.s32 $0xFFFFE003, lr  }
0x1b: {  	s9 =	sadd.s32 $0xFFFFFEF7, lr;
	s5 =	simm.s32 $0xFFFFFFFF;
	p2 =	slt.u32 s8, $0xFFFFF086  }
0x1c: {  	p1 =	slt.u32 s9, $0xF7A;
	s5 =	simm.s32 @!p2 $0x0  }
0x1d: {  	s5 =	simm.s32 @p1 $0x1;
	p0 =	seq.s32 s7, s2  }
0x1e: {  	s7 =	smul.u32 @!p0 $0xF7A, s2;
	p2 =	seq.s32 @!p0 s5, $0x0  }
0x1f: {  	s9 =	smul.u32 $0xF7A, s1;
	s8 =	simm.s32 @!p0 $0x1BF5;
	p2 =	por !p2, p0  }
0x20: {  	[sflag:s8] =	ssyncset.s32 @!p0 $0xFFFFF086;
	s6 =	sadd.s32 @!p0 s3, s7;
	s7 =	simm.s32 @!p0 $0x108  }
0x21: {  	s3 =	sadd.s32 s3, s9;
	s6 =	sadd.s32 @!p0 $0x88, s6;
	s7 =	simm.s32 @p2 $0x1082  }
0x22: {  	[simem:s7], [sflag:s8] =	dma.local @!p0 [hbm:s6], $0xF7A  }
0x23: {  	s9 =	sor.u32 $0xD0000000, s2;
	s6 =	simm.s32 $0x108;
	_ =	swait.ge @!p0 [sflag:s8], $0x0  }
0x24: {  	s3 =	sadd.s32 $0x88, s3;
	s6 =	simm.s32 @!p1 $0x1082;
	[sflag:s4] =	ssyncset.s32 $0xFFFFF086  }
0x25: {  	[simem:s6], [sflag:s4] =	dma.local [hbm:s3], $0xF7A  }
0x26: {  	[smem:$0x3F99] =	sst s1;
	(tag) =	ssettag s2;
	_ =	strace s9  }
0x27: {  	s1 =	sld [smem:$0x3FA9]  }
0x28: {  	s2 =	sld [smem:$0x3FAA]  }
0x29: {  	s4 =	sld [smem:$0x3FAC]  }
0x2a: {  	p0 =	seq.s32 s5, $0x0;
	s5 =	sld [smem:$0x3FAD]  }
0x2b: {  	s6 =	sld [smem:$0x3FAE]  }
0x2c: {  	s7 =	sld [smem:$0x3FAF]  }
0x2d: {  	s3 =	simm.s32 $0x108;
	s8 =	sld [smem:$0x3FB0]  }
0x2e: {  	s3 =	simm.s32 @!p0 $0x1082;
	s9 =	sld [smem:$0x3FB1]  }
0x2f: {  	lr =	sadd.s32 s0, s3;
	s0 =	sld [smem:$0x3FA8]  }
0x30: {  	s3 =	sld [smem:$0x3FAB]  }
0x31: {  	[smem:$0x3FB4] =	sst s10  }
0x32: {  	s10 =	sld [smem:$0x3FB2];
	_ =	sdelay $0x3  }
0x33: {  	p0 =	seq.s32 s10, $0x1;
	s10 =	sld [smem:$0x3FB4];
	_ =	sdelay $0x3  }
0x34: {  	[smem:$0x3FB4] =	sst s10  }
0x35: {  	s10 =	sld [smem:$0x3FB3];
	_ =	sdelay $0x3  }
0x36: {  	p1 =	seq.s32 s10, $0x1;
	s10 =	sld [smem:$0x3FB4];
	_ =	sdelay $0x3  }
0x37: {  	[smem:$0x3FB4] =	sst s10  }
0x38: {  	s10 =	sld [smem:$0x3FB5]  }
0x39: {  	_ = 	snop;
	(pc) =	sbr.ind lr, $3  }
0x3a: {  	_ = 	snop  }
0x3b: {  	_ = 	snop  }
0x3c: {  	p2 =	seq.s32 s10, $0x1;
	s10 =	sld [smem:$0x3FB4]  }
0x3d: {  	_ =	shalt  }
0x3e: {  	_ =	shalt  }
0x3f: {  	_ =	shalt  }
0x40: {  	_ =	shalt  }
0x41: {  	_ =	shalt  }
0x42: {  	_ =	shalt  }
0x43: {  	_ =	shalt  }
0x44: {  	_ =	shalt  }
0x45: {  	_ =	shalt  }
0x46: {  	_ =	shalt  }
0x47: {  	_ =	shalt  }
0x48: {  	_ =	shalt  }
0x49: {  	_ =	shalt  }
0x4a: {  	_ =	shalt  }
0x4b: {  	_ =	shalt  }
0x4c: {  	_ =	shalt  }
0x4d: {  	_ =	shalt  }
0x4e: {  	_ =	shalt  }
0x4f: {  	_ =	shalt  }
0x50: {  	_ =	shalt  }
0x51: {  	_ =	shalt  }
0x52: {  	_ =	shalt  }
0x53: {  	_ =	shalt  }
0x54: {  	_ =	shalt  }
0x55: {  	_ =	shalt  }
0x56: {  	_ =	shalt  }
0x57: {  	_ =	shalt  }
0x58: {  	_ =	shalt  }
0x59: {  	_ =	shalt  }
0x5a: {  	_ =	shalt  }
0x5b: {  	_ =	shalt  }
0x5c: {  	_ =	shalt  }
0x5d: {  	_ =	shalt  }
0x5e: {  	_ =	shalt  }
0x5f: {  	_ =	shalt  }
0x60: {  	_ =	shalt  }
0x61: {  	_ =	shalt  }
0x62: {  	_ =	shalt  }
0x63: {  	_ =	shalt  }
0x64: {  	_ =	shalt  }
0x65: {  	_ =	shalt  }
0x66: {  	_ =	shalt  }
0x67: {  	_ =	shalt  }
0x68: {  	_ =	shalt  }
0x69: {  	_ =	shalt  }
0x6a: {  	_ =	shalt  }
0x6b: {  	_ =	shalt  }
0x6c: {  	_ =	shalt  }
0x6d: {  	_ =	shalt  }
0x6e: {  	_ =	shalt  }
0x6f: {  	_ =	shalt  }
0x70: {  	_ =	shalt  }
0x71: {  	_ =	shalt  }
0x72: {  	_ =	shalt  }
0x73: {  	_ =	shalt  }
0x74: {  	_ =	shalt  }
0x75: {  	_ =	shalt  }
0x76: {  	_ =	shalt  }
0x77: {  	_ =	shalt  }
0x78: {  	_ =	shalt  }
0x79: {  	_ =	shalt  }
0x7a: {  	_ =	shalt  }
0x7b: {  	_ =	shalt  }
0x7c: {  	_ =	shalt  }
0x7d: {  	_ =	shalt  }
0x7e: {  	_ =	shalt  }
0x7f: {  	_ =	shalt  }
0x80: {  	_ =	shalt  }
0x81: {  	_ =	shalt  }
0x82: {  	_ =	shalt  }
0x83: {  	_ =	shalt  }
0x84: {  	_ =	shalt  }
0x85: {  	_ =	shalt  }
0x86: {  	_ =	shalt  }
0x87: {  	_ =	shalt  }
.Lfunc_end0:
.L_simem_size_0:
called_computation.1_lowered:
.L_overlay_start_0:
0x88: {  	s2 =	sld [smem:$0x3FD9]  }
0x89: {  	s3 =	sld [smem:$0x3FFE];
	_ =	sdelay $0x1  }
0x8a: {  	s1 =	srdreg.scid  }
0x8b: {  	s0 =	sand.u32 $0x1, s1  }
0x8c: {  	s14 =	sshll.u32 s0, $0xA;
	s2 =	sadd.s32 s3, s2  }
0x8d: {  	s2 =	sadd.s32 s2, s14  }
0x8e: {  	[smem:$0x3FC0] =	sst s2  }
0x8f: {  	_ = 	snop  }
0x90: {  	s2 =	sld [smem:$0x3FD0];
	_ =	sdelay $0x2  }
0x91: {  	s15 =	simm.s32 $0xA;
	s4 =	simm.s32 $0x10  }
0x92: {  	[smem:s4], [sflag:s15] =	dma.local [hbm:s2], $0x1  }
0x93: {  	_ =	swait.eq [sflag:s15], $0x1  }
0x94: {  	[sflag:s15] =	ssyncset.done $0x0  }
0x95: {  	[sflag:s15] =	ssyncadd.s32 $0xFFFFFFFF  }
0x96: {  	s16 =	sld [smem:$0x10];
	(tm) =	ssettm $0x1  }
0x97: {  	s17 =	sld [smem:$0x3FFB];
	_ =	sdelay $0x3  }
0x98: {  	_ =	strace s17  }
0x99: {  	s3 =	sld [smem:$0x3FFC];
	_ =	sdelay $0x3  }
0x9a: {  	_ =	strace s3  }
0x9b: {  	s3 =	sld [smem:$0x3FFD];
	_ =	sdelay $0x3  }
0x9c: {  	_ =	strace s3  }
0x9d: {  	_ =	strace $0x8FFFFFFF  }
0x9e: {  	s18 =	sld [smem:$0x3FDB];
	_ =	sdelay $0x1  }
0x9f: {  	s19 =	simm.s32 $_scs_section_size  }
0xa0: {  	s5 =	simm.s32 $_size__tile_overlayer_lowered;
	s6 =	simm.s32 $_tile_overlayer_lowered  }
0xa1: {  	s22 =	simm.s32 $0x1BFF;
	s21 =	sshll.u32 s6, $0x1;
	s3 =	sadd.s32 s19, s18  }
0xa2: {  	s7 =	simm.s32 $0x0;
	s20 =	sshll.u32 s5, $0x1;
	s5 =	sadd.s32 s21, s3  }
0xa3: {  	[timem:s7], [sflag:s22] =	dma.local [hbm:s5], s20  }
0xa4: {  	_ =	swait.ge [sflag:s22], s20  }
0xa5: {  	s4 =	ssub.s32 $0x0, s20;
	[sflag:s22] =	ssyncset.done $0x0  }
0xa6: {  	[sflag:s22] =	ssyncadd.s32 s4;
	_ =	sdelay $0x1  }
0xa7: {  	s23 =	simm.s32 $0x1B8B  }
0xa8: {  	_ =	swait.ge [sflag:s23], $0x1  }
0xa9: {  	[sflag:s23] =	ssyncset.done $0x0  }
0xaa: {  	s25 =	simm.s32 $0x1B8E;
	s24 =	sld [smem:$0x3FFE];
	[sflag:s23] =	ssyncadd.s32 $0xFFFFFFFF  }
0xab: {  	s26 =	simm.s32 $execute0_lowered;
	[smem:$0x3FD2] =	sst s25  }
0xac: {  	s5 =	sshll.u32 s26, $0x1;
	_ =	strace $0x80000049;
	[dreg:$0x1] =	wrdreg $0xFFFFFFFF  }
0xad: {  	s28 =	simm.s32 $_size_execute0_lowered;
	s3 =	sadd.s32 s3, s5;
	[dreg:$0x0] =	wrdreg $0x0  }
0xae: {  	s5 =	sshll.u32 s28, $0x1;
	[dreg:$0x2] =	wrdreg s3  }
0xaf: {  	[dreg:$0x3] =	wrdreg s5  }
0xb0: {  	[dreg:$0x4] =	wrdreg $0xC0  }
0xb1: {  	_ =	task [dreg:s7], $0x5FFFF  }
0xb2: {  	[dreg:$0x1] =	wrdreg $0xFFFFFFFF  }
0xb3: {  	[dreg:$0x0] =	wrdreg $0x60  }
0xb4: {  	[dreg:$0x2] =	wrdreg s16  }
0xb5: {  	[dreg:$0x3] =	wrdreg s24  }
0xb6: {  	[dreg:$0x4] =	wrdreg $0x52800  }
0xb7: {  	[dreg:$0x5] =	wrdreg $0x9  }
0xb8: {  	_ =	task.clear_ibuf [dreg:s7], $0x6FFFF;
	_ =	strace $0x90000049  }
0xb9: {  	s29 =	simm.s32 $0x9;
	_ =	strace $0x8000004B  }
0xba: {  	_ =	swait.ge [sflag:s29], $0x1  }
0xbb: {  	[sflag:s29] =	ssyncadd.s32 $0xFFFFFFFF  }
0xbc: {  	_ =	strace $0x9000004B  }
0xbd: {  	_ =	sfence  }
0xbe: {  	s30 =	sld [smem:$0x0];
	_ =	sdelay $0x2  }
0xbf: {  	s31 =	sshll.u32 s1, $0xD;
	s1 =	sshrl.u32 s1, $0x2  }
0xc0: {  	s3 =	sand.u32 $0x4000, s31;
	s1 =	sadd.s32 s1, s30  }
0xc1: {  	s0 =	sor.u32 s3, s0;
	s1 =	sshll.u32 s1, $0x11  }
0xc2: {  	s0 =	sor.u32 s1, s0  }
0xc3: {  	s0 =	sadd.s32 $0x8F2B, s0  }
0xc4: {  	[sflag:s0] =	ssyncadd.remote.s32 $0x1  }
0xc5: {  	_ =	sfence.sel $0xFFFF  }
0xc6: {  	[dreg:$0x0] =	wrdreg $0xFFFFFFFF;
	(pc) =	sbr.abs _section_cstart, $3  }
0xc7: {  	[dreg:$0x1] =	wrdreg $0xFFFFFFFF  }
0xc8: {  	_ =	task.clear_ibuf [dreg:s7], $0x2FFFF;
	_ =	strace $0x9FFFFFFF  }
0xc9: {  	(tm) =	ssettm $0x7FFFFFFF  }
tec
execute0_lowered:
.L_overlay_start_1:
0x0: {  	(tag) =	ssettag $0x1  }
0x1: {  	s1 =	rddreg [dreg:$0x0]  }
0x2: {  	s0 =	rddreg [dreg:$0x1]  }
0x3: {  	s3 =	rddreg [dreg:$0x2]  }
0x4: {  	s4 =	simm.s32 $0x0;
	s2 =	srdreg.scid;
	s13 =	stileid.u32  }
0x5: {  	s28 =	simm.s32 $0xA0;
	s29 =	simm.s32 $0x1E0;
	s30 =	simm.s32 $0x1  }
0x6: {  	s31 =	simm.s32 $0x280;
	[smem:$0x7FF] =	sst s4;
	s2 =	sand.u32 $0x1, s2  }
0x7: {  	s7 =	smul.u32 $0x14000, s13;
	s5 =	sadd.s32 $0xC400, s0;
	s9 =	sadd.s32 $0x16A00, s0  }
0x8: {  	s25 =	sshll.u32 s13, $0x6;
	s19 =	smul.u32 $0x2710, s13;
	_ =	strace $0x8000004A  }
0x9: {  	s8 =	smul.u32 $0x140000, s2;
	[dreg:$0xa] =	wrdreg s9;
	s24 =	sshll.u32 s2, $0x4  }
0xa: {  	s10 =	ssub.s32 $0x2, s2;
	s2 =	smul.u32 $0x27100, s2;
	s9 =	sor.u32 s13, s24  }
0xb: {  	s6 =	sadd.s32 $0x2600, s0;
	s18 =	sor.u32 $0x1C09, s25;
	s12 =	smul.u32 $0x2710, s9  }
0xc: {  	s11 =	sshrl.u32 s10, $0x1;
	s8 =	sadd.s32 s7, s8;
	s7 =	sadd.s32 s7, s3  }
0xd: {  	s2 =	sadd.s32 s19, s2;
	s8 =	sshrl.u32 s8, $0x3;
	s26 =	sshrl.u32 s12, $0x3  }
0xe: {  	[dreg:$0xb] =	wrdreg s7;
	s0 =	sadd.s32 s8, s0;
	s14 =	sadd.s32 s5, s26  }
0xf: {  	s8 =	ssub.s32 s10, s11;
	s15 =	sadd.s32 s6, s26;
	[dreg:$0xc] =	wrdreg s14  }
0x10: {  	s16 =	sadd.s32 $0xA, s26;
	s0 =	sadd.s32 $0x69200, s0;
	[dreg:$0xd] =	wrdreg s15  }
0x11: {  	s10 =	simm.s32 $0x7;
	s20 =	sadd.s32 s5, s16;
	[dreg:$0x16] =	wrdreg s0  }
0x12: {  	s17 =	sadd.s32 $0x14, s26;
	s21 =	sadd.s32 s6, s16;
	[dreg:$0xe] =	wrdreg s20  }
0x13: {  	s11 =	simm.s32 $0x3;
	s22 =	sadd.s32 s5, s17;
	[dreg:$0xf] =	wrdreg s21  }
0x14: {  	s24 =	sadd.s32 $0x4CE, s26;
	s23 =	sadd.s32 s6, s17;
	[dreg:$0x10] =	wrdreg s22  }
0x15: {  	s7 =	sadd.s32 $0x4D8, s26;
	s25 =	sadd.s32 s5, s24;
	[dreg:$0x11] =	wrdreg s23  }
0x16: {  	s26 =	sadd.s32 $0x1E0, s2;
	s12 =	sadd.s32 s6, s24;
	[dreg:$0x12] =	wrdreg s25  }
0x17: {  	s13 =	sadd.s32 s5, s7;
	s14 =	sshrl.u32 s26, $0x3;
	[dreg:$0x13] =	wrdreg s12  }
0x18: {  	s7 =	sadd.s32 s6, s7;
	s16 =	sadd.s32 $0x190, s2;
	[dreg:$0x14] =	wrdreg s13  }
0x19: {  	s0 =	simm.s32 $0x5;
	[dreg:$0x15] =	wrdreg s7;
	s15 =	sadd.s32 s14, s6  }
0x1a: {  	s17 =	sadd.s32 s14, s5;
	s19 =	sshrl.u32 s16, $0x3;
	s21 =	sadd.s32 $0xF0, s2  }
0x1b: {  	s25 =	smax.u32 s8, $0x1;
	s2 =	sadd.s32 $0x140, s2;
	s7 =	simm.s32 $0x2A80  }
0x1c: {  	s8 =	simm.s32 $0x6;
	s12 =	simm.s32 $0xF0;
	[dreg:$0x4] =	wrdreg s15  }
0x1d: {  	s13 =	simm.s32 $0x230;
	s14 =	simm.s32 $0x8;
	[dreg:$0x5] =	wrdreg s17  }
0x1e: {  	s16 =	simm.s32 $0x0;
	s20 =	sadd.s32 s19, s6;
	[dreg:$0x17] =	wrdreg s25  }
0x1f: {  	s22 =	sadd.s32 s19, s5;
	s23 =	sshrl.u32 s21, $0x3;
	[dreg:$0x18] =	wrdreg s2  }
0x20: {  	s25 =	simm.s32 $0x50;
	s2 =	simm.s32 $0x2;
	[dreg:$0x6] =	wrdreg s20  }
0x21: {  	s15 =	simm.s32 $0x4;
	[dreg:$0x7] =	wrdreg s22;
	s24 =	sadd.s32 s23, s6  }
0x22: {  	s26 =	sadd.s32 s23, s5;
	s23 =	simm.s32 $0x9;
	[dreg:$0x8] =	wrdreg s24  }
0x23: {  	[dreg:$0x9] =	wrdreg s26;
	s24 =	simm.s32 $0x140;
	s26 =	simm.s32 $0x190  }
.LBB2_1:
0x24: {  	s9 =	rddreg [dreg:$0xb]  }
0x25: {  	s19 =	rddreg [dreg:$0xa];
	s17 =	sshrl.u32 s9, $0x3  }
0x26: {  	[spmem:s17], [sflag:s18] =	dma.local [hbm:s19], $0x2800  }
0x27: {  	_ =	swait.ge [sflag:s23], $0x2800  }
0x28: {  	[sflag:s23] =	ssyncset.done $0x0  }
0x29: {  	[sflag:s23] =	ssyncadd.s32 $0xFFFFD800  }
0x2a: {  	[bflag:$0x0] =	sbarrier.arrive $0xFFFF  }
0x2b: {  	s20 =	rddreg [dreg:$0xc]  }
0x2c: {  	[tilespmem:s4], [sflag:$0x1] =	stream.linear.gather [hbm4b:s20+s4], $0x50, $0x38;
	[tilespmem:$0x19280] =	vst v63  }
0x2d: {  	s21 =	rddreg [dreg:$0xd]  }
0x2e: {  	[tilespmem:s24], [sflag:$0x1] =	stream.linear.gather [hbm4b:s21+s4], $0x50, $0x38;
	[tilespmem:$0x19280] =	vst v63  }
0x2f: {  	s22 =	smov.u32 s18;
	s18 =	rddreg [dreg:$0xe]  }
0x30: {  	[tilespmem:s25], [sflag:$0x2] =	stream.linear.gather [hbm4b:s18+s4], $0x50, $0x38;
	[tilespmem:$0x19280] =	vst v63  }
0x31: {  	s19 =	rddreg [dreg:$0xf]  }
0x32: {  	[tilespmem:s26], [sflag:$0x2] =	stream.linear.gather [hbm4b:s19+s4], $0x50, $0x38;
	[tilespmem:$0x19280] =	vst v63  }
0x33: {  	s20 =	rddreg [dreg:$0x10]  }
0x34: {  	[tilespmem:s28], [sflag:$0x3] =	stream.linear.gather [hbm4b:s20+s4], $0x50, $0x38;
	[tilespmem:$0x19280] =	vst v63  }
0x35: {  	s21 =	rddreg [dreg:$0x11]  }
0x36: {  	[tilespmem:s29], [sflag:$0x3] =	stream.linear.gather [hbm4b:s21+s4], $0x50, $0x38;
	[tilespmem:$0x19280] =	vst v63  }
0x37: {  	_ =	swait.ge [sflag:s30], $0x50  }
0x38: {  	[sflag:s30] =	ssyncset.done $0x0  }
0x39: {  	[sflag:s30] =	ssyncadd.s32 $0xFFFFFFB0  }
0x3a: {  	_ =	swait.ge [sflag:s30], $0x50  }
0x3b: {  	[sflag:s30] =	ssyncset.done $0x0  }
0x3c: {  	[sflag:s30] =	ssyncadd.s32 $0xFFFFFFB0  }
0x3d: {  	[tilespmem:s31], [sflag:$0x5] =	stream.indirect.gather [hbm4b:s1+s25], $0x80, s4, s25, $0xb8;
	[tilespmem:$0x19280] =	vst v63  }
0x3e: {  	_ =	swait.ge [sflag:s0], $0x2800  }
0x3f: {  	[sflag:s0] =	ssyncset.done $0x0  }
0x40: {  	[sflag:s0] =	ssyncadd.s32 $0xFFFFD800  }
0x41: {  	_ =	swait.ge [sflag:s2], $0x50  }
0x42: {  	[sflag:s2] =	ssyncset.done $0x0  }
0x43: {  	[sflag:s2] =	ssyncadd.s32 $0xFFFFFFB0  }
0x44: {  	_ =	swait.ge [sflag:s2], $0x50  }
0x45: {  	[sflag:s2] =	ssyncset.done $0x0  }
0x46: {  	[sflag:s2] =	ssyncadd.s32 $0xFFFFFFB0  }
0x47: {  	[tilespmem:s7], [sflag:$0x6] =	stream.indirect.gather [hbm4b:s1+s25], $0x80, s25, s25, $0xb8;
	[tilespmem:$0x19280] =	vst v63  }
0x48: {  	_ = 	snop  }
0x49: {  	[spmem:s3] =	stream.indirect.scatter.add.f32 [tilespmem:s31], [sflag:$0x7], $0x80, s24, s25, $0xb8;
	[tilespmem:$0x19280] =	vst v63  }
0x4a: {  	_ =	swait.ge [sflag:s8], $0x2800  }
0x4b: {  	[sflag:s8] =	ssyncset.done $0x0  }
0x4c: {  	[sflag:s8] =	ssyncadd.s32 $0xFFFFD800  }
0x4d: {  	_ =	swait.ge [sflag:s10], $0x2800  }
0x4e: {  	[sflag:s10] =	ssyncset.done $0x0  }
0x4f: {  	[sflag:s10] =	ssyncadd.s32 $0xFFFFD800  }
0x50: {  	_ =	swait.ge [sflag:s11], $0x50  }
0x51: {  	[sflag:s11] =	ssyncset.done $0x0  }
0x52: {  	[sflag:s11] =	ssyncadd.s32 $0xFFFFFFB0  }
0x53: {  	_ =	swait.ge [sflag:s11], $0x50  }
0x54: {  	[sflag:s11] =	ssyncset.done $0x0  }
0x55: {  	[sflag:s11] =	ssyncadd.s32 $0xFFFFFFB0  }
0x56: {  	[tilespmem:s31], [sflag:$0x5] =	stream.indirect.gather [hbm4b:s1+s25], $0x80, s28, s25, $0xb8;
	[tilespmem:$0x19280] =	vst v63  }
0x57: {  	s9 =	rddreg [dreg:$0x9]  }
0x58: {  	[spmem:s3] =	stream.indirect.scatter.add.f32 [tilespmem:s7], [sflag:$0x8], $0x80, s26, s25, $0xb8;
	[tilespmem:$0x19280] =	vst v63  }
0x59: {  	s19 =	rddreg [dreg:$0x8];
	s18 =	sadd.s32 $0x0, s9  }
0x5a: {  	[tilespmem:s12], [sflag:$0x4] =	stream.linear.gather [hbm4b:s18+s4], $0x50, $0x38;
	[tilespmem:$0x19280] =	vst v63  }
0x5b: {  	s19 =	sadd.s32 $0x0, s19  }
0x5c: {  	[tilespmem:s13], [sflag:$0x4] =	stream.linear.gather [hbm4b:s19+s4], $0x50, $0x38;
	[tilespmem:$0x19280] =	vst v63  }
0x5d: {  	_ =	swait.ge [sflag:s0], $0x2800  }
0x5e: {  	[sflag:s0] =	ssyncset.done $0x0  }
0x5f: {  	[sflag:s0] =	ssyncadd.s32 $0xFFFFD800  }
0x60: {  	_ =	swait.ge [sflag:s14], $0x2800  }
0x61: {  	[sflag:s14] =	ssyncset.done $0x0  }
0x62: {  	[sflag:s14] =	ssyncadd.s32 $0xFFFFD800  }
0x63: {  	_ =	swait.ge [sflag:s15], $0x50  }
0x64: {  	[sflag:s15] =	ssyncset.done $0x0  }
0x65: {  	[sflag:s15] =	ssyncadd.s32 $0xFFFFFFB0  }
0x66: {  	_ =	swait.ge [sflag:s15], $0x50  }
0x67: {  	[sflag:s15] =	ssyncset.done $0x0  }
0x68: {  	s9 =	rddreg [dreg:$0x18];
	[sflag:s15] =	ssyncadd.s32 $0xFFFFFFB0  }
0x69: {  	[tilespmem:s7], [sflag:$0x6] =	stream.indirect.gather [hbm4b:s1+s25], $0x80, s12, s25, $0xb8;
	[tilespmem:$0x19280] =	vst v63  }
0x6a: {  	s20 =	sshrl.u32 s9, $0x3  }
0x6b: {  	[spmem:s3] =	stream.indirect.scatter.add.f32 [tilespmem:s31], [sflag:$0x7], $0x80, s29, s25, $0xb8;
	[tilespmem:$0x19280] =	vst v63  }
0x6c: {  	s21 =	sadd.s32 s5, s20  }
0x6d: {  	[tilespmem:s4], [sflag:$0x1] =	stream.linear.gather [hbm4b:s21+s4], $0x50, $0x38;
	[tilespmem:$0x19280] =	vst v63  }
0x6e: {  	s18 =	sadd.s32 s6, s20  }
0x6f: {  	[tilespmem:s24], [sflag:$0x1] =	stream.linear.gather [hbm4b:s18+s4], $0x50, $0x38;
	[tilespmem:$0x19280] =	vst v63  }
0x70: {  	_ =	swait.ge [sflag:s8], $0x2800  }
0x71: {  	[sflag:s8] =	ssyncset.done $0x0  }
0x72: {  	[sflag:s8] =	ssyncadd.s32 $0xFFFFD800  }
0x73: {  	_ =	swait.ge [sflag:s10], $0x2800  }
0x74: {  	[sflag:s10] =	ssyncset.done $0x0  }
0x75: {  	[sflag:s10] =	ssyncadd.s32 $0xFFFFD800  }
0x76: {  	_ =	swait.ge [sflag:s30], $0x50  }
0x77: {  	[sflag:s30] =	ssyncset.done $0x0  }
0x78: {  	[sflag:s30] =	ssyncadd.s32 $0xFFFFFFB0  }
0x79: {  	_ =	swait.ge [sflag:s30], $0x50  }
0x7a: {  	[sflag:s30] =	ssyncset.done $0x0  }
0x7b: {  	[sflag:s30] =	ssyncadd.s32 $0xFFFFFFB0  }
0x7c: {  	[tilespmem:s31], [sflag:$0x5] =	stream.indirect.gather [hbm4b:s1+s25], $0x80, s4, s25, $0xb8;
	[tilespmem:$0x19280] =	vst v63  }
0x7d: {  	s20 =	rddreg [dreg:$0x7]  }
0x7e: {  	[spmem:s3] =	stream.indirect.scatter.add.f32 [tilespmem:s7], [sflag:$0x8], $0x80, s13, s25, $0xb8;
	[tilespmem:$0x19280] =	vst v63  }
0x7f: {  	s21 =	rddreg [dreg:$0x6];
	s18 =	sadd.s32 $0x0, s20  }
0x80: {  	[tilespmem:s25], [sflag:$0x2] =	stream.linear.gather [hbm4b:s18+s4], $0x50, $0x38;
	[tilespmem:$0x19280] =	vst v63  }
0x81: {  	s19 =	sadd.s32 $0x0, s21  }
0x82: {  	[tilespmem:s26], [sflag:$0x2] =	stream.linear.gather [hbm4b:s19+s4], $0x50, $0x38;
	[tilespmem:$0x19280] =	vst v63  }
0x83: {  	_ =	swait.ge [sflag:s0], $0x2800  }
0x84: {  	[sflag:s0] =	ssyncset.done $0x0  }
0x85: {  	[sflag:s0] =	ssyncadd.s32 $0xFFFFD800  }
0x86: {  	_ =	swait.ge [sflag:s14], $0x2800  }
0x87: {  	[sflag:s14] =	ssyncset.done $0x0  }
0x88: {  	[sflag:s14] =	ssyncadd.s32 $0xFFFFD800  }
0x89: {  	_ =	swait.ge [sflag:s2], $0x50  }
0x8a: {  	[sflag:s2] =	ssyncset.done $0x0  }
0x8b: {  	[sflag:s2] =	ssyncadd.s32 $0xFFFFFFB0  }
0x8c: {  	_ =	swait.ge [sflag:s2], $0x50  }
0x8d: {  	[sflag:s2] =	ssyncset.done $0x0  }
0x8e: {  	[sflag:s2] =	ssyncadd.s32 $0xFFFFFFB0  }
0x8f: {  	[tilespmem:s7], [sflag:$0x6] =	stream.indirect.gather [hbm4b:s1+s25], $0x80, s25, s25, $0xb8;
	[tilespmem:$0x19280] =	vst v63  }
0x90: {  	s20 =	rddreg [dreg:$0x5]  }
0x91: {  	[spmem:s3] =	stream.indirect.scatter.add.f32 [tilespmem:s31], [sflag:$0x7], $0x80, s24, s25, $0xb8;
	[tilespmem:$0x19280] =	vst v63  }
0x92: {  	s21 =	rddreg [dreg:$0x4];
	s18 =	sadd.s32 $0x0, s20  }
0x93: {  	[tilespmem:s28], [sflag:$0x3] =	stream.linear.gather [hbm4b:s18+s4], $0x50, $0x38;
	[tilespmem:$0x19280] =	vst v63  }
0x94: {  	s19 =	sadd.s32 $0x140, s9;
	s20 =	sadd.s32 $0x0, s21;
	s18 =	simm.s32 $0x28  }
.LBB2_2:
0x95: {  	[tilespmem:s29], [sflag:$0x3] =	stream.linear.gather [hbm4b:s20+s4], $0x50, $0x38;
	[tilespmem:$0x19280] =	vst v63  }
0x96: {  	_ =	swait.ge [sflag:s8], $0x2800  }
0x97: {  	[sflag:s8] =	ssyncset.done $0x0  }
0x98: {  	[sflag:s8] =	ssyncadd.s32 $0xFFFFD800  }
0x99: {  	_ =	swait.ge [sflag:s10], $0x2800  }
0x9a: {  	[sflag:s10] =	ssyncset.done $0x0  }
0x9b: {  	[sflag:s10] =	ssyncadd.s32 $0xFFFFD800  }
0x9c: {  	_ =	swait.ge [sflag:s11], $0x50  }
0x9d: {  	[sflag:s11] =	ssyncset.done $0x0  }
0x9e: {  	[sflag:s11] =	ssyncadd.s32 $0xFFFFFFB0  }
0x9f: {  	_ =	swait.ge [sflag:s11], $0x50  }
0xa0: {  	[sflag:s11] =	ssyncset.done $0x0  }
0xa1: {  	[sflag:s11] =	ssyncadd.s32 $0xFFFFFFB0  }
0xa2: {  	[tilespmem:s31], [sflag:$0x5] =	stream.indirect.gather [hbm4b:s1+s25], $0x80, s28, s25, $0xb8;
	[tilespmem:$0x19280] =	vst v63  }
0xa3: {  	s20 =	smov.u32 s18;
	s21 =	rddreg [dreg:$0x9]  }
0xa4: {  	[spmem:s3] =	stream.indirect.scatter.add.f32 [tilespmem:s7], [sflag:$0x8], $0x80, s26, s25, $0xb8;
	[tilespmem:$0x19280] =	vst v63  }
0xa5: {  	s9 =	rddreg [dreg:$0x8];
	s21 =	sadd.s32 s20, s21  }
0xa6: {  	[tilespmem:s12], [sflag:$0x4] =	stream.linear.gather [hbm4b:s21+s4], $0x50, $0x38;
	[tilespmem:$0x19280] =	vst v63  }
0xa7: {  	s9 =	sadd.s32 s20, s9  }
0xa8: {  	[tilespmem:s13], [sflag:$0x4] =	stream.linear.gather [hbm4b:s9+s4], $0x50, $0x38;
	[tilespmem:$0x19280] =	vst v63  }
0xa9: {  	_ =	swait.ge [sflag:s0], $0x2800  }
0xaa: {  	[sflag:s0] =	ssyncset.done $0x0  }
0xab: {  	[sflag:s0] =	ssyncadd.s32 $0xFFFFD800  }
0xac: {  	_ =	swait.ge [sflag:s14], $0x2800  }
0xad: {  	[sflag:s14] =	ssyncset.done $0x0  }
0xae: {  	[sflag:s14] =	ssyncadd.s32 $0xFFFFD800  }
0xaf: {  	_ =	swait.ge [sflag:s15], $0x50  }
0xb0: {  	[sflag:s15] =	ssyncset.done $0x0  }
0xb1: {  	[sflag:s15] =	ssyncadd.s32 $0xFFFFFFB0  }
0xb2: {  	_ =	swait.ge [sflag:s15], $0x50  }
0xb3: {  	[sflag:s15] =	ssyncset.done $0x0  }
0xb4: {  	[sflag:s15] =	ssyncadd.s32 $0xFFFFFFB0  }
0xb5: {  	[tilespmem:s7], [sflag:$0x6] =	stream.indirect.gather [hbm4b:s1+s25], $0x80, s12, s25, $0xb8;
	[tilespmem:$0x19280] =	vst v63  }
0xb6: {  	s9 =	sshrl.u32 s19, $0x3  }
0xb7: {  	[spmem:s3] =	stream.indirect.scatter.add.f32 [tilespmem:s31], [sflag:$0x7], $0x80, s29, s25, $0xb8;
	[tilespmem:$0x19280] =	vst v63  }
0xb8: {  	s21 =	sadd.s32 s5, s9  }
0xb9: {  	[tilespmem:s4], [sflag:$0x1] =	stream.linear.gather [hbm4b:s21+s4], $0x50, $0x38;
	[tilespmem:$0x19280] =	vst v63  }
0xba: {  	s9 =	sadd.s32 s6, s9  }
0xbb: {  	[tilespmem:s24], [sflag:$0x1] =	stream.linear.gather [hbm4b:s9+s4], $0x50, $0x38;
	[tilespmem:$0x19280] =	vst v63  }
0xbc: {  	_ =	swait.ge [sflag:s8], $0x2800  }
0xbd: {  	[sflag:s8] =	ssyncset.done $0x0  }
0xbe: {  	[sflag:s8] =	ssyncadd.s32 $0xFFFFD800  }
0xbf: {  	_ =	swait.ge [sflag:s10], $0x2800  }
0xc0: {  	[sflag:s10] =	ssyncset.done $0x0  }
0xc1: {  	[sflag:s10] =	ssyncadd.s32 $0xFFFFD800  }
0xc2: {  	_ =	swait.ge [sflag:s30], $0x50  }
0xc3: {  	[sflag:s30] =	ssyncset.done $0x0  }
0xc4: {  	[sflag:s30] =	ssyncadd.s32 $0xFFFFFFB0  }
0xc5: {  	_ =	swait.ge [sflag:s30], $0x50  }
0xc6: {  	[sflag:s30] =	ssyncset.done $0x0  }
0xc7: {  	[sflag:s30] =	ssyncadd.s32 $0xFFFFFFB0  }
0xc8: {  	[tilespmem:s31], [sflag:$0x5] =	stream.indirect.gather [hbm4b:s1+s25], $0x80, s4, s25, $0xb8;
	[tilespmem:$0x19280] =	vst v63  }
0xc9: {  	s9 =	rddreg [dreg:$0x7]  }
0xca: {  	[spmem:s3] =	stream.indirect.scatter.add.f32 [tilespmem:s7], [sflag:$0x8], $0x80, s13, s25, $0xb8;
	[tilespmem:$0x19280] =	vst v63  }
0xcb: {  	s21 =	rddreg [dreg:$0x6];
	s9 =	sadd.s32 s20, s9  }
0xcc: {  	[tilespmem:s25], [sflag:$0x2] =	stream.linear.gather [hbm4b:s9+s4], $0x50, $0x38;
	[tilespmem:$0x19280] =	vst v63  }
0xcd: {  	s21 =	sadd.s32 s20, s21  }
0xce: {  	[tilespmem:s26], [sflag:$0x2] =	stream.linear.gather [hbm4b:s21+s4], $0x50, $0x38;
	[tilespmem:$0x19280] =	vst v63  }
0xcf: {  	_ =	swait.ge [sflag:s0], $0x2800  }
0xd0: {  	[sflag:s0] =	ssyncset.done $0x0  }
0xd1: {  	[sflag:s0] =	ssyncadd.s32 $0xFFFFD800  }
0xd2: {  	_ =	swait.ge [sflag:s14], $0x2800  }
0xd3: {  	[sflag:s14] =	ssyncset.done $0x0  }
0xd4: {  	[sflag:s14] =	ssyncadd.s32 $0xFFFFD800  }
0xd5: {  	_ =	swait.ge [sflag:s2], $0x50  }
0xd6: {  	[sflag:s2] =	ssyncset.done $0x0  }
0xd7: {  	[sflag:s2] =	ssyncadd.s32 $0xFFFFFFB0  }
0xd8: {  	_ =	swait.ge [sflag:s2], $0x50  }
0xd9: {  	[sflag:s2] =	ssyncset.done $0x0  }
0xda: {  	p0 =	sne.s32 s18, $0x488;
	[sflag:s2] =	ssyncadd.s32 $0xFFFFFFB0  }
0xdb: {  	[tilespmem:s7], [sflag:$0x6] =	stream.indirect.gather [hbm4b:s1+s25], $0x80, s25, s25, $0xb8;
	[tilespmem:$0x19280] =	vst v63  }
.Ltmp0:
0xdc: {  	s9 =	rddreg [dreg:$0x5];
	(pc) =	sbr.rel @p0 .LBB2_2-.Ltmp0, $4  }
0xdd: {  	s18 =	sadd.s32 $0x28, s18;
	s21 =	rddreg [dreg:$0x4]  }
0xde: {  	[spmem:s3] =	stream.indirect.scatter.add.f32 [tilespmem:s31], [sflag:$0x7], $0x80, s24, s25, $0xb8;
	[tilespmem:$0x19280] =	vst v63  }
0xdf: {  	s19 =	sadd.s32 $0x140, s19;
	s9 =	sadd.s32 s20, s9;
	s20 =	sadd.s32 s20, s21  }
0xe0: {  	[tilespmem:s28], [sflag:$0x3] =	stream.linear.gather [hbm4b:s9+s4], $0x50, $0x38;
	[tilespmem:$0x19280] =	vst v63  }
0xe1: {  	[tilespmem:s29], [sflag:$0x3] =	stream.linear.gather [hbm4b:s20+s4], $0x50, $0x38;
	[tilespmem:$0x19280] =	vst v63  }
0xe2: {  	_ =	swait.ge [sflag:s8], $0x2800  }
0xe3: {  	[sflag:s8] =	ssyncset.done $0x0  }
0xe4: {  	[sflag:s8] =	ssyncadd.s32 $0xFFFFD800  }
0xe5: {  	_ =	swait.ge [sflag:s10], $0x2800  }
0xe6: {  	[sflag:s10] =	ssyncset.done $0x0  }
0xe7: {  	[sflag:s10] =	ssyncadd.s32 $0xFFFFD800  }
0xe8: {  	_ =	swait.ge [sflag:s11], $0x50  }
0xe9: {  	[sflag:s11] =	ssyncset.done $0x0  }
0xea: {  	[sflag:s11] =	ssyncadd.s32 $0xFFFFFFB0  }
0xeb: {  	_ =	swait.ge [sflag:s11], $0x50  }
0xec: {  	[sflag:s11] =	ssyncset.done $0x0  }
0xed: {  	[sflag:s11] =	ssyncadd.s32 $0xFFFFFFB0  }
0xee: {  	[tilespmem:s31], [sflag:$0x5] =	stream.indirect.gather [hbm4b:s1+s25], $0x80, s28, s25, $0xb8;
	[tilespmem:$0x19280] =	vst v63  }
0xef: {  	_ = 	snop  }
0xf0: {  	[spmem:s3] =	stream.indirect.scatter.add.f32 [tilespmem:s7], [sflag:$0x8], $0x80, s26, s25, $0xb8;
	[tilespmem:$0x19280] =	vst v63  }
0xf1: {  	s9 =	rddreg [dreg:$0x12]  }
0xf2: {  	[tilespmem:s12], [sflag:$0x4] =	stream.linear.gather [hbm4b:s9+s4], $0x50, $0x38;
	[tilespmem:$0x19280] =	vst v63  }
0xf3: {  	s18 =	rddreg [dreg:$0x13]  }
0xf4: {  	[tilespmem:s13], [sflag:$0x4] =	stream.linear.gather [hbm4b:s18+s4], $0x50, $0x38;
	[tilespmem:$0x19280] =	vst v63  }
0xf5: {  	_ =	swait.ge [sflag:s0], $0x2800  }
0xf6: {  	[sflag:s0] =	ssyncset.done $0x0  }
0xf7: {  	[sflag:s0] =	ssyncadd.s32 $0xFFFFD800  }
0xf8: {  	_ =	swait.ge [sflag:s14], $0x2800  }
0xf9: {  	[sflag:s14] =	ssyncset.done $0x0  }
0xfa: {  	[sflag:s14] =	ssyncadd.s32 $0xFFFFD800  }
0xfb: {  	_ =	swait.ge [sflag:s15], $0x50  }
0xfc: {  	[sflag:s15] =	ssyncset.done $0x0  }
0xfd: {  	[sflag:s15] =	ssyncadd.s32 $0xFFFFFFB0  }
0xfe: {  	_ =	swait.ge [sflag:s15], $0x50  }
0xff: {  	[sflag:s15] =	ssyncset.done $0x0  }
0x100: {  	[sflag:s15] =	ssyncadd.s32 $0xFFFFFFB0  }
0x101: {  	[tilespmem:s7], [sflag:$0x6] =	stream.indirect.gather [hbm4b:s1+s25], $0x80, s12, s25, $0xb8;
	[tilespmem:$0x19280] =	vst v63  }
0x102: {  	_ = 	snop  }
0x103: {  	[spmem:s3] =	stream.indirect.scatter.add.f32 [tilespmem:s31], [sflag:$0x7], $0x80, s29, s25, $0xb8;
	[tilespmem:$0x19280] =	vst v63  }
0x104: {  	s19 =	rddreg [dreg:$0x14]  }
0x105: {  	[tilespmem:s4], [sflag:$0x1] =	stream.linear.gather [hbm4b:s19+s4], $0x50, $0x38;
	[tilespmem:$0x19280] =	vst v63  }
0x106: {  	s20 =	rddreg [dreg:$0x15]  }
0x107: {  	[tilespmem:s24], [sflag:$0x1] =	stream.linear.gather [hbm4b:s20+s4], $0x50, $0x38;
	[tilespmem:$0x19280] =	vst v63  }
0x108: {  	_ =	swait.ge [sflag:s8], $0x2800  }
0x109: {  	[sflag:s8] =	ssyncset.done $0x0  }
0x10a: {  	[sflag:s8] =	ssyncadd.s32 $0xFFFFD800  }
0x10b: {  	_ =	swait.ge [sflag:s10], $0x2800  }
0x10c: {  	[sflag:s10] =	ssyncset.done $0x0  }
0x10d: {  	[sflag:s10] =	ssyncadd.s32 $0xFFFFD800  }
0x10e: {  	_ =	swait.ge [sflag:s30], $0x50  }
0x10f: {  	[sflag:s30] =	ssyncset.done $0x0  }
0x110: {  	[sflag:s30] =	ssyncadd.s32 $0xFFFFFFB0  }
0x111: {  	_ =	swait.ge [sflag:s30], $0x50  }
0x112: {  	[sflag:s30] =	ssyncset.done $0x0  }
0x113: {  	[sflag:s30] =	ssyncadd.s32 $0xFFFFFFB0  }
0x114: {  	[tilespmem:s31], [sflag:$0x5] =	stream.indirect.gather [hbm4b:s1+s25], $0x80, s4, s25, $0xb8;
	[tilespmem:$0x19280] =	vst v63  }
0x115: {  	_ = 	snop  }
0x116: {  	[spmem:s3] =	stream.indirect.scatter.add.f32 [tilespmem:s7], [sflag:$0x8], $0x80, s13, s25, $0xb8;
	[tilespmem:$0x19280] =	vst v63  }
0x117: {  	_ =	swait.ge [sflag:s0], $0x2800  }
0x118: {  	[sflag:s0] =	ssyncset.done $0x0  }
0x119: {  	[sflag:s0] =	ssyncadd.s32 $0xFFFFD800  }
0x11a: {  	_ =	swait.ge [sflag:s14], $0x2800  }
0x11b: {  	[sflag:s14] =	ssyncset.done $0x0  }
0x11c: {  	[sflag:s14] =	ssyncadd.s32 $0xFFFFD800  }
0x11d: {  	[spmem:s3] =	stream.indirect.scatter.add.f32 [tilespmem:s31], [sflag:$0x7], $0x80, s24, s25, $0xb8;
	[tilespmem:$0x19280] =	vst v63  }
0x11e: {  	_ =	swait.ge [sflag:s10], $0x2800  }
0x11f: {  	[sflag:s10] =	ssyncset.done $0x0  }
0x120: {  	[sflag:s10] =	ssyncadd.s32 $0xFFFFD800  }
0x121: {  	[bflag:$0x0] =	sbarrier.arrive $0xFFFF  }
0x122: {  	s21 =	rddreg [dreg:$0x16]  }
0x123: {  	[hbm:s21], [sflag:s22] =	dma.local [spmem:s17], $0x2800  }
0x124: {  	_ =	swait.ge [sflag:s23], $0x2800  }
0x125: {  	s16 =	sadd.s32 $0x1, s16;
	s18 =	smov.u32 s22;
	s22 =	rddreg [dreg:$0x17]  }
0x126: {  	p0 =	sne.s32 s16, s22  }
.Ltmp1:
0x127: {  	_ = 	snop;
	(pc) =	sbr.rel @p0 .LBB2_1-.Ltmp1, $3  }
0x128: {  	_ =	sdelay $0x1  }
0x129: {  	[sflag:s23] =	ssyncset.done $0x0  }
0x12a: {  	[sflag:s23] =	ssyncadd.s32 $0xFFFFD800  }
0x12b: {  	_ =	sfence.sel $0x180000  }
0x12c: {  	[bflag:$0x0] =	sbarrier.arrive $0xFFFF  }
0x12d: {  	_ =	strace $0x9000004A  }
0x12e: {  	s0 =	stileid.u32;
	[bflag:$0x2] =	sbarrier.arrive $0xFFFF  }
0x12f: {  	p0 =	sne.s32 s0, $0x0;
	s0 =	rddreg [dreg:$0x3]  }
0x130: {  	s0 =	sadd.s32 @!p0 $0x100000, s0  }
0x131: {  	[sflag:s0] =	ssyncadd.tile.s32 @!p0 $0x1;
	_ =	shalt  }
.Lfunc_end2:
_tile_overlayer_lowered:
.L_overlay_start_2:
0x132: {  	(tag) =	ssettag $0x2  }
0x133: {  	s0 =	rddreg [dreg:$0x0];
	s2 =	stileid.u32  }
0x134: {  	s1 =	rddreg [dreg:$0x1];
	p0 =	sne.s32 s2, $0x0  }
0x135: {  	s3 =	rddreg [dreg:$0x2];
	[bflag:$0x3] =	sbarrier.arrive $0xFFFF;
	s2 =	simm.s32 @!p0 $0x1C09  }
0x136: {  	[timem:s3], [sflag:s2] =	dma.local @!p0 [hbm:s0], s1  }
0x137: {  	s0 =	simm.s32 @!p0 $0x9  }
0x138: {  	_ =	swait.ge @!p0 [sflag:s0], s1  }
0x139: {  	s1 =	ssub.s32 @!p0 $0x0, s1;
	[sflag:s0] =	ssyncset.done @!p0 $0x0  }
0x13a: {  	[sflag:s0] =	ssyncadd.s32 @!p0 s1  }
0x13b: {  	[bflag:$0x3] =	sbarrier.arrive $0xFFFF  }
0x13c: {  	_ =	shalt  }

// kernel: kernel.7.cloned.1.call-start
scs
__scs_entry_jumppad:
0x0: {  	(pc) =	sbr.rel $0x88, $3  }
0x1: {  	(tag) =	ssettag $0x0;
	lr =	simm.s32 $0x1  }
0x2: {  	[smem:$0x3F99] =	sst lr;
	_ =	strace $0xD0000000  }
0x3: {  	_ = 	snop  }
0x4: {  	_ = 	snop  }
0x5: {  	_ = 	snop  }
0x6: {  	_ = 	snop  }
0x7: {  	_ = 	snop  }
__scs_overlays_trampoline_lowered:
0x8: {  	[smem:$0x3FA8] =	sst s0  }
0x9: {  	[smem:$0x3FA9] =	sst s1  }
0xa: {  	[smem:$0x3FAA] =	sst s2  }
0xb: {  	[smem:$0x3FAB] =	sst s3  }
0xc: {  	[smem:$0x3FAC] =	sst s4  }
0xd: {  	[smem:$0x3FAD] =	sst s5  }
0xe: {  	[smem:$0x3FAE] =	sst s6  }
0xf: {  	[smem:$0x3FAF] =	sst s7  }
0x10: {  	[smem:$0x3FB0] =	sst s8  }
0x11: {  	[smem:$0x3FB1] =	sst s9;
	s0 =	simm.s32 @!p0 $0x0  }
0x12: {  	s1 =	sld [smem:$0x3F97];
	s0 =	simm.s32 @p0 $0x1  }
0x13: {  	[smem:$0x3FB2] =	sst s0;
	s0 =	simm.s32 @!p1 $0x0  }
0x14: {  	s2 =	sld [smem:$0x3F96];
	s0 =	simm.s32 @p1 $0x1  }
0x15: {  	[smem:$0x3FB3] =	sst s0;
	s0 =	simm.s32 @!p2 $0x0  }
0x16: {  	s3 =	sld [smem:$0x3FDB];
	s0 =	simm.s32 @p2 $0x1  }
0x17: {  	s4 =	simm.s32 $0x1BF5;
	[smem:$0x3FB5] =	sst s0  }
0x18: {  	s0 =	sld [smem:$0x3F98];
	_ =	swait.ge [sflag:s4], $0x0  }
0x19: {  	s7 =	sld [smem:$0x3F99]  }
0x1a: {  	s8 =	sadd.s32 $0xFFFFE003, lr  }
0x1b: {  	s9 =	sadd.s32 $0xFFFFFEF7, lr;
	s5 =	simm.s32 $0xFFFFFFFF;
	p2 =	slt.u32 s8, $0xFFFFF086  }
0x1c: {  	p1 =	slt.u32 s9, $0xF7A;
	s5 =	simm.s32 @!p2 $0x0  }
0x1d: {  	s5 =	simm.s32 @p1 $0x1;
	p0 =	seq.s32 s7, s2  }
0x1e: {  	s7 =	smul.u32 @!p0 $0xF7A, s2;
	p2 =	seq.s32 @!p0 s5, $0x0  }
0x1f: {  	s9 =	smul.u32 $0xF7A, s1;
	s8 =	simm.s32 @!p0 $0x1BF5;
	p2 =	por !p2, p0  }
0x20: {  	[sflag:s8] =	ssyncset.s32 @!p0 $0xFFFFF086;
	s6 =	sadd.s32 @!p0 s3, s7;
	s7 =	simm.s32 @!p0 $0x108  }
0x21: {  	s3 =	sadd.s32 s3, s9;
	s6 =	sadd.s32 @!p0 $0x88, s6;
	s7 =	simm.s32 @p2 $0x1082  }
0x22: {  	[simem:s7], [sflag:s8] =	dma.local @!p0 [hbm:s6], $0xF7A  }
0x23: {  	s9 =	sor.u32 $0xD0000000, s2;
	s6 =	simm.s32 $0x108;
	_ =	swait.ge @!p0 [sflag:s8], $0x0  }
0x24: {  	s3 =	sadd.s32 $0x88, s3;
	s6 =	simm.s32 @!p1 $0x1082;
	[sflag:s4] =	ssyncset.s32 $0xFFFFF086  }
0x25: {  	[simem:s6], [sflag:s4] =	dma.local [hbm:s3], $0xF7A  }
0x26: {  	[smem:$0x3F99] =	sst s1;
	(tag) =	ssettag s2;
	_ =	strace s9  }
0x27: {  	s1 =	sld [smem:$0x3FA9]  }
0x28: {  	s2 =	sld [smem:$0x3FAA]  }
0x29: {  	s4 =	sld [smem:$0x3FAC]  }
0x2a: {  	p0 =	seq.s32 s5, $0x0;
	s5 =	sld [smem:$0x3FAD]  }
0x2b: {  	s6 =	sld [smem:$0x3FAE]  }
0x2c: {  	s7 =	sld [smem:$0x3FAF]  }
0x2d: {  	s3 =	simm.s32 $0x108;
	s8 =	sld [smem:$0x3FB0]  }
0x2e: {  	s3 =	simm.s32 @!p0 $0x1082;
	s9 =	sld [smem:$0x3FB1]  }
0x2f: {  	lr =	sadd.s32 s0, s3;
	s0 =	sld [smem:$0x3FA8]  }
0x30: {  	s3 =	sld [smem:$0x3FAB]  }
0x31: {  	[smem:$0x3FB4] =	sst s10  }
0x32: {  	s10 =	sld [smem:$0x3FB2];
	_ =	sdelay $0x3  }
0x33: {  	p0 =	seq.s32 s10, $0x1;
	s10 =	sld [smem:$0x3FB4];
	_ =	sdelay $0x3  }
0x34: {  	[smem:$0x3FB4] =	sst s10  }
0x35: {  	s10 =	sld [smem:$0x3FB3];
	_ =	sdelay $0x3  }
0x36: {  	p1 =	seq.s32 s10, $0x1;
	s10 =	sld [smem:$0x3FB4];
	_ =	sdelay $0x3  }
0x37: {  	[smem:$0x3FB4] =	sst s10  }
0x38: {  	s10 =	sld [smem:$0x3FB5]  }
0x39: {  	_ = 	snop;
	(pc) =	sbr.ind lr, $3  }
0x3a: {  	_ = 	snop  }
0x3b: {  	_ = 	snop  }
0x3c: {  	p2 =	seq.s32 s10, $0x1;
	s10 =	sld [smem:$0x3FB4]  }
0x3d: {  	_ =	shalt  }
0x3e: {  	_ =	shalt  }
0x3f: {  	_ =	shalt  }
0x40: {  	_ =	shalt  }
0x41: {  	_ =	shalt  }
0x42: {  	_ =	shalt  }
0x43: {  	_ =	shalt  }
0x44: {  	_ =	shalt  }
0x45: {  	_ =	shalt  }
0x46: {  	_ =	shalt  }
0x47: {  	_ =	shalt  }
0x48: {  	_ =	shalt  }
0x49: {  	_ =	shalt  }
0x4a: {  	_ =	shalt  }
0x4b: {  	_ =	shalt  }
0x4c: {  	_ =	shalt  }
0x4d: {  	_ =	shalt  }
0x4e: {  	_ =	shalt  }
0x4f: {  	_ =	shalt  }
0x50: {  	_ =	shalt  }
0x51: {  	_ =	shalt  }
0x52: {  	_ =	shalt  }
0x53: {  	_ =	shalt  }
0x54: {  	_ =	shalt  }
0x55: {  	_ =	shalt  }
0x56: {  	_ =	shalt  }
0x57: {  	_ =	shalt  }
0x58: {  	_ =	shalt  }
0x59: {  	_ =	shalt  }
0x5a: {  	_ =	shalt  }
0x5b: {  	_ =	shalt  }
0x5c: {  	_ =	shalt  }
0x5d: {  	_ =	shalt  }
0x5e: {  	_ =	shalt  }
0x5f: {  	_ =	shalt  }
0x60: {  	_ =	shalt  }
0x61: {  	_ =	shalt  }
0x62: {  	_ =	shalt  }
0x63: {  	_ =	shalt  }
0x64: {  	_ =	shalt  }
0x65: {  	_ =	shalt  }
0x66: {  	_ =	shalt  }
0x67: {  	_ =	shalt  }
0x68: {  	_ =	shalt  }
0x69: {  	_ =	shalt  }
0x6a: {  	_ =	shalt  }
0x6b: {  	_ =	shalt  }
0x6c: {  	_ =	shalt  }
0x6d: {  	_ =	shalt  }
0x6e: {  	_ =	shalt  }
0x6f: {  	_ =	shalt  }
0x70: {  	_ =	shalt  }
0x71: {  	_ =	shalt  }
0x72: {  	_ =	shalt  }
0x73: {  	_ =	shalt  }
0x74: {  	_ =	shalt  }
0x75: {  	_ =	shalt  }
0x76: {  	_ =	shalt  }
0x77: {  	_ =	shalt  }
0x78: {  	_ =	shalt  }
0x79: {  	_ =	shalt  }
0x7a: {  	_ =	shalt  }
0x7b: {  	_ =	shalt  }
0x7c: {  	_ =	shalt  }
0x7d: {  	_ =	shalt  }
0x7e: {  	_ =	shalt  }
0x7f: {  	_ =	shalt  }
0x80: {  	_ =	shalt  }
0x81: {  	_ =	shalt  }
0x82: {  	_ =	shalt  }
0x83: {  	_ =	shalt  }
0x84: {  	_ =	shalt  }
0x85: {  	_ =	shalt  }
0x86: {  	_ =	shalt  }
0x87: {  	_ =	shalt  }
.Lfunc_end0:
.L_simem_size_0:
called_computation_lowered:
.L_overlay_start_0:
0x88: {  	s2 =	sld [smem:$0x3FD9]  }
0x89: {  	s3 =	sld [smem:$0x3FFE];
	_ =	sdelay $0x1  }
0x8a: {  	s1 =	srdreg.scid  }
0x8b: {  	s0 =	sand.u32 $0x1, s1  }
0x8c: {  	s14 =	sshll.u32 s0, $0xA;
	s2 =	sadd.s32 s3, s2  }
0x8d: {  	s2 =	sadd.s32 s2, s14  }
0x8e: {  	[smem:$0x3FC0] =	sst s2  }
0x8f: {  	_ = 	snop  }
0x90: {  	s2 =	sld [smem:$0x3FD0];
	_ =	sdelay $0x2  }
0x91: {  	s15 =	simm.s32 $0xA;
	s4 =	simm.s32 $0x10  }
0x92: {  	[smem:s4], [sflag:s15] =	dma.local [hbm:s2], $0x1  }
0x93: {  	_ =	swait.eq [sflag:s15], $0x1  }
0x94: {  	[sflag:s15] =	ssyncset.done $0x0  }
0x95: {  	s16 =	sld [smem:$0x10];
	[sflag:s15] =	ssyncadd.s32 $0xFFFFFFFF  }
0x96: {  	s17 =	sld [smem:$0x11];
	(tm) =	ssettm $0x1  }
0x97: {  	s18 =	sld [smem:$0x3FFB];
	_ =	sdelay $0x3  }
0x98: {  	_ =	strace s18  }
0x99: {  	s4 =	sld [smem:$0x3FFC];
	_ =	sdelay $0x3  }
0x9a: {  	_ =	strace s4  }
0x9b: {  	s4 =	sld [smem:$0x3FFD];
	_ =	sdelay $0x3  }
0x9c: {  	_ =	strace s4  }
0x9d: {  	_ =	strace $0x8FFFFFFF  }
0x9e: {  	s19 =	sld [smem:$0x3FDB];
	_ =	sdelay $0x1  }
0x9f: {  	s5 =	simm.s32 $_scs_section_size  }
0xa0: {  	s6 =	simm.s32 $_size__tile_overlayer_lowered;
	s7 =	simm.s32 $_tile_overlayer_lowered  }
0xa1: {  	s22 =	simm.s32 $0x1BFF;
	s21 =	sshll.u32 s7, $0x1;
	s4 =	sadd.s32 s5, s19  }
0xa2: {  	s8 =	simm.s32 $0x0;
	s20 =	sshll.u32 s6, $0x1;
	s6 =	sadd.s32 s21, s4  }
0xa3: {  	[timem:s8], [sflag:s22] =	dma.local [hbm:s6], s20  }
0xa4: {  	_ =	swait.ge [sflag:s22], s20  }
0xa5: {  	s5 =	ssub.s32 $0x0, s20;
	[sflag:s22] =	ssyncset.done $0x0  }
0xa6: {  	[sflag:s22] =	ssyncadd.s32 s5;
	_ =	sdelay $0x1  }
0xa7: {  	s23 =	simm.s32 $0x1B8B  }
0xa8: {  	_ =	swait.ge [sflag:s23], $0x1  }
0xa9: {  	[sflag:s23] =	ssyncset.done $0x0  }
0xaa: {  	s25 =	simm.s32 $0x1B8E;
	s24 =	sld [smem:$0x3FFE];
	[sflag:s23] =	ssyncadd.s32 $0xFFFFFFFF  }
0xab: {  	s26 =	simm.s32 $execute0_lowered;
	[smem:$0x3FD2] =	sst s25  }
0xac: {  	s6 =	sshll.u32 s26, $0x1;
	_ =	strace $0x80000046;
	[dreg:$0x1] =	wrdreg $0xFFFFFFFF  }
0xad: {  	s28 =	simm.s32 $_size_execute0_lowered;
	s4 =	sadd.s32 s4, s6;
	[dreg:$0x0] =	wrdreg $0x0  }
0xae: {  	s6 =	sshll.u32 s28, $0x1;
	[dreg:$0x2] =	wrdreg s4  }
0xaf: {  	[dreg:$0x3] =	wrdreg s6  }
0xb0: {  	[dreg:$0x4] =	wrdreg $0xC0  }
0xb1: {  	_ =	task [dreg:s8], $0x5FFFF  }
0xb2: {  	[dreg:$0x1] =	wrdreg $0xFFFFFFFF  }
0xb3: {  	[dreg:$0x0] =	wrdreg $0x60  }
0xb4: {  	[dreg:$0x2] =	wrdreg s16  }
0xb5: {  	[dreg:$0x3] =	wrdreg s24  }
0xb6: {  	[dreg:$0x4] =	wrdreg s17  }
0xb7: {  	[dreg:$0x5] =	wrdreg $0x52800  }
0xb8: {  	[dreg:$0x6] =	wrdreg $0x197800  }
0xb9: {  	[dreg:$0x7] =	wrdreg $0x9  }
0xba: {  	_ =	task.clear_ibuf [dreg:s8], $0x8FFFF;
	_ =	strace $0x90000046  }
0xbb: {  	s29 =	simm.s32 $0x9;
	_ =	strace $0x80000048  }
0xbc: {  	_ =	swait.ge [sflag:s29], $0x1  }
0xbd: {  	[sflag:s29] =	ssyncadd.s32 $0xFFFFFFFF  }
0xbe: {  	_ =	strace $0x90000048  }
0xbf: {  	_ =	sfence  }
0xc0: {  	s30 =	sld [smem:$0x0];
	_ =	sdelay $0x2  }
0xc1: {  	s31 =	sshll.u32 s1, $0xD;
	s1 =	sshrl.u32 s1, $0x2  }
0xc2: {  	s3 =	sand.u32 $0x4000, s31;
	s1 =	sadd.s32 s1, s30  }
0xc3: {  	s0 =	sor.u32 s3, s0;
	s1 =	sshll.u32 s1, $0x11  }
0xc4: {  	s0 =	sor.u32 s1, s0  }
0xc5: {  	s0 =	sadd.s32 $0x8F2B, s0  }
0xc6: {  	[sflag:s0] =	ssyncadd.remote.s32 $0x1  }
0xc7: {  	_ =	sfence.sel $0xFFFF  }
0xc8: {  	[dreg:$0x0] =	wrdreg $0xFFFFFFFF;
	(pc) =	sbr.abs _section_cstart, $3  }
0xc9: {  	[dreg:$0x1] =	wrdreg $0xFFFFFFFF  }
0xca: {  	_ =	task.clear_ibuf [dreg:s8], $0x2FFFF;
	_ =	strace $0x9FFFFFFF  }
0xcb: {  	(tm) =	ssettm $0x7FFFFFFF  }
tec
execute0_lowered:
.L_overlay_start_1:
0x0: {  	(tag) =	ssettag $0x1  }
0x1: {  	s1 =	rddreg [dreg:$0x0]  }
0x2: {  	s0 =	rddreg [dreg:$0x1]  }
0x3: {  	s4 =	rddreg [dreg:$0x2]  }
0x4: {  	s2 =	rddreg [dreg:$0x3]  }
0x5: {  	s3 =	rddreg [dreg:$0x4];
	s5 =	simm.s32 $0x0  }
0x6: {  	s7 =	srdreg.scid;
	s14 =	stileid.u32;
	s30 =	simm.s32 $0x19280  }
0x7: {  	s31 =	simm.s32 $0x140;
	s28 =	simm.s32 $0x0;
	[smem:$0x7FF] =	sst s5  }
0x8: {  	s6 =	sadd.s32 $0xC400, s0;
	s8 =	sand.u32 $0x1, s7;
	s9 =	smul.u32 $0x14000, s14  }
0x9: {  	s7 =	sadd.s32 $0x2600, s0;
	s10 =	sadd.s32 $0x16A00, s0;
	s11 =	sadd.s32 $0x16400, s0  }
0xa: {  	s29 =	smul.u32 $0x2800, s14;
	_ =	strace $0x80000047;
	[dreg:$0xc] =	wrdreg s10  }
0xb: {  	s25 =	sadd.s32 $0x16200, s0;
	s17 =	smul.u32 $0x2710, s14;
	[dreg:$0xd] =	wrdreg s11  }
0xc: {  	s15 =	sshll.u32 s14, $0x6;
	s24 =	smul.u32 $0x140000, s8;
	[dreg:$0xe] =	wrdreg s25  }
0xd: {  	s26 =	sshll.u32 s8, $0x4;
	s12 =	ssub.s32 $0x2, s8;
	s16 =	smul.u32 $0x27100, s8  }
0xe: {  	s25 =	sor.u32 $0x1C0B, s15;
	s8 =	smul.u32 $0x28000, s8;
	s11 =	sor.u32 s14, s26  }
0xf: {  	s13 =	sshrl.u32 s12, $0x1;
	s18 =	sadd.s32 s29, s3;
	[dreg:$0x10] =	wrdreg s25  }
0x10: {  	s10 =	sadd.s32 s9, s24;
	s11 =	smul.u32 $0x2710, s11;
	s9 =	sadd.s32 s9, s2  }
0x11: {  	[dreg:$0x11] =	wrdreg s18;
	s8 =	sadd.s32 s29, s8;
	s10 =	sshrl.u32 s10, $0x3  }
0x12: {  	[dreg:$0xf] =	wrdreg s9;
	s8 =	sshrl.u32 s8, $0x3;
	s0 =	sadd.s32 s10, s0  }
0x13: {  	s10 =	ssub.s32 s12, s13;
	s9 =	sshrl.u32 s11, $0x3;
	s11 =	sadd.s32 s17, s16  }
0x14: {  	s4 =	sadd.s32 s4, s8;
	s13 =	simm.s32 $0x5;
	s19 =	sadd.s32 $0xA, s9  }
0x15: {  	s15 =	sadd.s32 s6, s9;
	s22 =	sadd.s32 $0x1E0, s11;
	[dreg:$0x15] =	wrdreg s4  }
0x16: {  	s23 =	sadd.s32 $0x14, s9;
	s0 =	sadd.s32 $0x19200, s0;
	[dreg:$0x12] =	wrdreg s15  }
0x17: {  	s26 =	sadd.s32 $0x190, s11;
	s20 =	sadd.s32 s6, s19;
	[dreg:$0x1d] =	wrdreg s0  }
0x18: {  	s14 =	sadd.s32 $0xF0, s11;
	s21 =	sadd.s32 s7, s19;
	[dreg:$0x13] =	wrdreg s20  }
0x19: {  	s12 =	sshrl.u32 s22, $0x3;
	s17 =	sadd.s32 s6, s23;
	[dreg:$0x14] =	wrdreg s21  }
0x1a: {  	s8 =	sshrl.u32 s26, $0x3;
	s22 =	sadd.s32 s7, s9;
	[dreg:$0x16] =	wrdreg s17  }
0x1b: {  	s16 =	sshrl.u32 s14, $0x3;
	s26 =	smax.u32 s10, $0x1;
	[dreg:$0x1a] =	wrdreg s22  }
0x1c: {  	s19 =	sadd.s32 $0x4CE, s9;
	s24 =	sadd.s32 s12, s7;
	[dreg:$0x1e] =	wrdreg s26  }
0x1d: {  	s0 =	simm.s32 $0x50;
	s29 =	sadd.s32 s12, s6;
	[dreg:$0x6] =	wrdreg s24  }
0x1e: {  	s10 =	simm.s32 $0x1;
	s12 =	sadd.s32 s8, s7;
	[dreg:$0x7] =	wrdreg s29  }
0x1f: {  	s14 =	simm.s32 $0x2;
	s15 =	sadd.s32 s8, s6;
	[dreg:$0x8] =	wrdreg s12  }
0x20: {  	s18 =	sadd.s32 s16, s7;
	s8 =	sadd.s32 s16, s6;
	[dreg:$0x9] =	wrdreg s15  }
0x21: {  	s20 =	sadd.s32 s7, s23;
	s21 =	sadd.s32 s6, s19;
	[dreg:$0xa] =	wrdreg s18  }
0x22: {  	s4 =	sadd.s32 s7, s19;
	s23 =	sadd.s32 $0x4D8, s9;
	[dreg:$0x17] =	wrdreg s20  }
0x23: {  	s26 =	simm.s32 $0xB;
	s9 =	simm.s32 $0x1E0;
	[dreg:$0xb] =	wrdreg s8  }
0x24: {  	s16 =	simm.s32 $0x6;
	s17 =	simm.s32 $0x7;
	[dreg:$0x18] =	wrdreg s21  }
0x25: {  	s19 =	simm.s32 $0x3;
	s22 =	simm.s32 $0x8;
	[dreg:$0x19] =	wrdreg s4  }
0x26: {  	s24 =	sadd.s32 s6, s23;
	s4 =	sadd.s32 s7, s23;
	s29 =	sadd.s32 $0x140, s11  }
0x27: {  	s8 =	simm.s32 $0xA0;
	s11 =	simm.s32 $0x280;
	s15 =	simm.s32 $0x2A80  }
0x28: {  	s18 =	simm.s32 $0x9;
	s20 =	simm.s32 $0xF0;
	[dreg:$0x1b] =	wrdreg s24  }
0x29: {  	s21 =	simm.s32 $0x230;
	s23 =	simm.s32 $0xA;
	[dreg:$0x1c] =	wrdreg s4  }
0x2a: {  	[dreg:$0x1f] =	wrdreg s29;
	s4 =	simm.s32 $0x190;
	s24 =	simm.s32 $0x4  }
.LBB2_1:
0x2b: {  	[smem:$0x7FB] =	sst s28  }
0x2c: {  	s12 =	rddreg [dreg:$0xf]  }
0x2d: {  	s29 =	rddreg [dreg:$0xc];
	s28 =	sshrl.u32 s12, $0x3  }
0x2e: {  	[smem:$0x7FC] =	sst s28  }
0x2f: {  	[spmem:s28], [sflag:s25] =	dma.local [hbm:s29], $0x2800  }
0x30: {  	_ =	swait.ge [sflag:s26], $0x2800  }
0x31: {  	s29 =	rddreg [dreg:$0x11]  }
0x32: {  	[sflag:s26] =	ssyncset.done $0x0;
	s28 =	sshrl.u32 s29, $0x3;
	s29 =	rddreg [dreg:$0xd]  }
0x33: {  	[sflag:s26] =	ssyncadd.s32 $0xFFFFD800;
	[smem:$0x7FD] =	sst s28  }
0x34: {  	[spmem:s28], [sflag:s25] =	dma.local [hbm:s29], $0x500  }
0x35: {  	_ =	swait.ge [sflag:s26], $0x500  }
0x36: {  	[sflag:s26] =	ssyncset.done $0x0  }
0x37: {  	s25 =	rddreg [dreg:$0xe];
	[sflag:s26] =	ssyncadd.s32 $0xFFFFFB00  }
0x38: {  	[tilespmem:s30], [sflag:$0xB] =	stream.linear.gather [hbm4b:s25+s5], $0x500, $0x38;
	[tilespmem:$0x1BF80] =	vst v63  }
0x39: {  	_ =	swait.ge [sflag:s26], $0x500  }
0x3a: {  	[sflag:s26] =	ssyncset.done $0x0  }
0x3b: {  	[sflag:s26] =	ssyncadd.s32 $0xFFFFFB00  }
0x3c: {  	[bflag:$0x0] =	sbarrier.arrive $0xFFFF  }
0x3d: {  	s29 =	rddreg [dreg:$0x12]  }
0x3e: {  	[tilespmem:s5], [sflag:$0x1] =	stream.linear.gather [hbm4b:s29+s5], $0x50, $0x38;
	[tilespmem:$0x1BF80] =	vst v63  }
0x3f: {  	s25 =	rddreg [dreg:$0x1a]  }
0x40: {  	[tilespmem:s31], [sflag:$0x1] =	stream.linear.gather [hbm4b:s25+s5], $0x50, $0x38;
	[tilespmem:$0x1BF80] =	vst v63  }
0x41: {  	s26 =	rddreg [dreg:$0x13]  }
0x42: {  	[tilespmem:s0], [sflag:$0x2] =	stream.linear.gather [hbm4b:s26+s5], $0x50, $0x38;
	[tilespmem:$0x1BF80] =	vst v63  }
0x43: {  	s29 =	rddreg [dreg:$0x14]  }
0x44: {  	[tilespmem:s4], [sflag:$0x2] =	stream.linear.gather [hbm4b:s29+s5], $0x50, $0x38;
	[tilespmem:$0x1BF80] =	vst v63  }
0x45: {  	s25 =	rddreg [dreg:$0x16]  }
0x46: {  	[tilespmem:s8], [sflag:$0x3] =	stream.linear.gather [hbm4b:s25+s5], $0x50, $0x38;
	[tilespmem:$0x1BF80] =	vst v63  }
0x47: {  	s26 =	rddreg [dreg:$0x17]  }
0x48: {  	[tilespmem:s9], [sflag:$0x3] =	stream.linear.gather [hbm4b:s26+s5], $0x50, $0x38;
	[tilespmem:$0x1BF80] =	vst v63  }
0x49: {  	_ =	swait.ge [sflag:s10], $0x50  }
0x4a: {  	[sflag:s10] =	ssyncset.done $0x0  }
0x4b: {  	[sflag:s10] =	ssyncadd.s32 $0xFFFFFFB0  }
0x4c: {  	_ =	swait.ge [sflag:s10], $0x50  }
0x4d: {  	[sflag:s10] =	ssyncset.done $0x0  }
0x4e: {  	[sflag:s10] =	ssyncadd.s32 $0xFFFFFFB0  }
0x4f: {  	[tilespmem:s11], [sflag:$0x5] =	stream.indirect.gather [hbm4b:s1+s0], $0x80, s5, s0, $0xb8;
	[tilespmem:$0x1BF80] =	vst v63  }
0x50: {  	_ =	swait.ge [sflag:s13], $0x2800  }
0x51: {  	[sflag:s13] =	ssyncset.done $0x0  }
0x52: {  	[sflag:s13] =	ssyncadd.s32 $0xFFFFD800  }
0x53: {  	_ =	swait.ge [sflag:s14], $0x50  }
0x54: {  	[sflag:s14] =	ssyncset.done $0x0  }
0x55: {  	[sflag:s14] =	ssyncadd.s32 $0xFFFFFFB0  }
0x56: {  	_ =	swait.ge [sflag:s14], $0x50  }
0x57: {  	[sflag:s14] =	ssyncset.done $0x0  }
0x58: {  	[sflag:s14] =	ssyncadd.s32 $0xFFFFFFB0  }
0x59: {  	[tilespmem:s15], [sflag:$0x6] =	stream.indirect.gather [hbm4b:s1+s0], $0x80, s0, s0, $0xb8;
	[tilespmem:$0x1BF80] =	vst v63  }
0x5a: {  	_ = 	snop  }
0x5b: {  	[spmem:s2] =	stream.indirect.scatter.add.f32 [tilespmem:s11], [sflag:$0x7], $0x80, s31, s0, $0xb8;
	[tilespmem:$0x1BF80] =	vst v63  }
0x5c: {  	_ = 	snop  }
0x5d: {  	[spmem:s3] =	stream.indirect.scatter.add.f32 [tilespmem:s30], [sflag:$0x9], $0x10, s31, s0, $0xb8;
	[tilespmem:$0x1BF80] =	vst v63  }
0x5e: {  	_ =	swait.ge [sflag:s16], $0x2800  }
0x5f: {  	[sflag:s16] =	ssyncset.done $0x0  }
0x60: {  	[sflag:s16] =	ssyncadd.s32 $0xFFFFD800  }
0x61: {  	_ =	swait.ge [sflag:s17], $0x2800  }
0x62: {  	[sflag:s17] =	ssyncset.done $0x0  }
0x63: {  	[sflag:s17] =	ssyncadd.s32 $0xFFFFD800  }
0x64: {  	_ =	swait.ge [sflag:s18], $0x500  }
0x65: {  	[sflag:s18] =	ssyncset.done $0x0  }
0x66: {  	[sflag:s18] =	ssyncadd.s32 $0xFFFFFB00  }
0x67: {  	_ =	swait.ge [sflag:s19], $0x50  }
0x68: {  	[sflag:s19] =	ssyncset.done $0x0  }
0x69: {  	[sflag:s19] =	ssyncadd.s32 $0xFFFFFFB0  }
0x6a: {  	_ =	swait.ge [sflag:s19], $0x50  }
0x6b: {  	[sflag:s19] =	ssyncset.done $0x0  }
0x6c: {  	[sflag:s19] =	ssyncadd.s32 $0xFFFFFFB0  }
0x6d: {  	[tilespmem:s11], [sflag:$0x5] =	stream.indirect.gather [hbm4b:s1+s0], $0x80, s8, s0, $0xb8;
	[tilespmem:$0x1BF80] =	vst v63  }
0x6e: {  	_ = 	snop  }
0x6f: {  	[spmem:s2] =	stream.indirect.scatter.add.f32 [tilespmem:s15], [sflag:$0x8], $0x80, s4, s0, $0xb8;
	[tilespmem:$0x1BF80] =	vst v63  }
0x70: {  	s29 =	rddreg [dreg:$0xb]  }
0x71: {  	[spmem:s3] =	stream.indirect.scatter.add.f32 [tilespmem:s30], [sflag:$0xA], $0x10, s4, s0, $0xb8;
	[tilespmem:$0x1BF80] =	vst v63  }
0x72: {  	s25 =	rddreg [dreg:$0xa];
	s12 =	sadd.s32 $0x0, s29  }
0x73: {  	[tilespmem:s20], [sflag:$0x4] =	stream.linear.gather [hbm4b:s12+s5], $0x50, $0x38;
	[tilespmem:$0x1BF80] =	vst v63  }
0x74: {  	s26 =	sadd.s32 $0x0, s25  }
0x75: {  	[tilespmem:s21], [sflag:$0x4] =	stream.linear.gather [hbm4b:s26+s5], $0x50, $0x38;
	[tilespmem:$0x1BF80] =	vst v63  }
0x76: {  	_ =	swait.ge [sflag:s13], $0x2800  }
0x77: {  	[sflag:s13] =	ssyncset.done $0x0  }
0x78: {  	[sflag:s13] =	ssyncadd.s32 $0xFFFFD800  }
0x79: {  	_ =	swait.ge [sflag:s22], $0x2800  }
0x7a: {  	[sflag:s22] =	ssyncset.done $0x0  }
0x7b: {  	[sflag:s22] =	ssyncadd.s32 $0xFFFFD800  }
0x7c: {  	_ =	swait.ge [sflag:s23], $0x500  }
0x7d: {  	[sflag:s23] =	ssyncset.done $0x0  }
0x7e: {  	[sflag:s23] =	ssyncadd.s32 $0xFFFFFB00  }
0x7f: {  	_ =	swait.ge [sflag:s24], $0x50  }
0x80: {  	[sflag:s24] =	ssyncset.done $0x0  }
0x81: {  	[sflag:s24] =	ssyncadd.s32 $0xFFFFFFB0  }
0x82: {  	_ =	swait.ge [sflag:s24], $0x50  }
0x83: {  	[sflag:s24] =	ssyncset.done $0x0  }
0x84: {  	[sflag:s24] =	ssyncadd.s32 $0xFFFFFFB0  }
0x85: {  	[tilespmem:s15], [sflag:$0x6] =	stream.indirect.gather [hbm4b:s1+s0], $0x80, s20, s0, $0xb8;
	[tilespmem:$0x1BF80] =	vst v63  }
0x86: {  	s25 =	rddreg [dreg:$0x1f]  }
0x87: {  	[spmem:s2] =	stream.indirect.scatter.add.f32 [tilespmem:s11], [sflag:$0x7], $0x80, s9, s0, $0xb8;
	[tilespmem:$0x1BF80] =	vst v63  }
0x88: {  	s12 =	sshrl.u32 s25, $0x3  }
0x89: {  	[spmem:s3] =	stream.indirect.scatter.add.f32 [tilespmem:s30], [sflag:$0x9], $0x10, s9, s0, $0xb8;
	[tilespmem:$0x1BF80] =	vst v63  }
0x8a: {  	s29 =	sadd.s32 s6, s12  }
0x8b: {  	[tilespmem:s5], [sflag:$0x1] =	stream.linear.gather [hbm4b:s29+s5], $0x50, $0x38;
	[tilespmem:$0x1BF80] =	vst v63  }
0x8c: {  	s12 =	sadd.s32 s7, s12  }
0x8d: {  	[tilespmem:s31], [sflag:$0x1] =	stream.linear.gather [hbm4b:s12+s5], $0x50, $0x38;
	[tilespmem:$0x1BF80] =	vst v63  }
0x8e: {  	_ =	swait.ge [sflag:s16], $0x2800  }
0x8f: {  	[sflag:s16] =	ssyncset.done $0x0  }
0x90: {  	[sflag:s16] =	ssyncadd.s32 $0xFFFFD800  }
0x91: {  	_ =	swait.ge [sflag:s17], $0x2800  }
0x92: {  	[sflag:s17] =	ssyncset.done $0x0  }
0x93: {  	[sflag:s17] =	ssyncadd.s32 $0xFFFFD800  }
0x94: {  	_ =	swait.ge [sflag:s18], $0x500  }
0x95: {  	[sflag:s18] =	ssyncset.done $0x0  }
0x96: {  	[sflag:s18] =	ssyncadd.s32 $0xFFFFFB00  }
0x97: {  	_ =	swait.ge [sflag:s10], $0x50  }
0x98: {  	[sflag:s10] =	ssyncset.done $0x0  }
0x99: {  	[sflag:s10] =	ssyncadd.s32 $0xFFFFFFB0  }
0x9a: {  	_ =	swait.ge [sflag:s10], $0x50  }
0x9b: {  	[sflag:s10] =	ssyncset.done $0x0  }
0x9c: {  	[sflag:s10] =	ssyncadd.s32 $0xFFFFFFB0  }
0x9d: {  	[tilespmem:s11], [sflag:$0x5] =	stream.indirect.gather [hbm4b:s1+s0], $0x80, s5, s0, $0xb8;
	[tilespmem:$0x1BF80] =	vst v63  }
0x9e: {  	_ = 	snop  }
0x9f: {  	[spmem:s2] =	stream.indirect.scatter.add.f32 [tilespmem:s15], [sflag:$0x8], $0x80, s21, s0, $0xb8;
	[tilespmem:$0x1BF80] =	vst v63  }
0xa0: {  	s26 =	rddreg [dreg:$0x9]  }
0xa1: {  	[spmem:s3] =	stream.indirect.scatter.add.f32 [tilespmem:s30], [sflag:$0xA], $0x10, s21, s0, $0xb8;
	[tilespmem:$0x1BF80] =	vst v63  }
0xa2: {  	s29 =	rddreg [dreg:$0x8];
	s12 =	sadd.s32 $0x0, s26  }
0xa3: {  	[tilespmem:s0], [sflag:$0x2] =	stream.linear.gather [hbm4b:s12+s5], $0x50, $0x38;
	[tilespmem:$0x1BF80] =	vst v63  }
0xa4: {  	s26 =	sadd.s32 $0x0, s29  }
0xa5: {  	[tilespmem:s4], [sflag:$0x2] =	stream.linear.gather [hbm4b:s26+s5], $0x50, $0x38;
	[tilespmem:$0x1BF80] =	vst v63  }
0xa6: {  	_ =	swait.ge [sflag:s13], $0x2800  }
0xa7: {  	[sflag:s13] =	ssyncset.done $0x0  }
0xa8: {  	[sflag:s13] =	ssyncadd.s32 $0xFFFFD800  }
0xa9: {  	_ =	swait.ge [sflag:s22], $0x2800  }
0xaa: {  	[sflag:s22] =	ssyncset.done $0x0  }
0xab: {  	[sflag:s22] =	ssyncadd.s32 $0xFFFFD800  }
0xac: {  	_ =	swait.ge [sflag:s23], $0x500  }
0xad: {  	[sflag:s23] =	ssyncset.done $0x0  }
0xae: {  	[sflag:s23] =	ssyncadd.s32 $0xFFFFFB00  }
0xaf: {  	_ =	swait.ge [sflag:s14], $0x50  }
0xb0: {  	[sflag:s14] =	ssyncset.done $0x0  }
0xb1: {  	[sflag:s14] =	ssyncadd.s32 $0xFFFFFFB0  }
0xb2: {  	_ =	swait.ge [sflag:s14], $0x50  }
0xb3: {  	[sflag:s14] =	ssyncset.done $0x0  }
0xb4: {  	[sflag:s14] =	ssyncadd.s32 $0xFFFFFFB0  }
0xb5: {  	[tilespmem:s15], [sflag:$0x6] =	stream.indirect.gather [hbm4b:s1+s0], $0x80, s0, s0, $0xb8;
	[tilespmem:$0x1BF80] =	vst v63  }
0xb6: {  	_ = 	snop  }
0xb7: {  	[spmem:s2] =	stream.indirect.scatter.add.f32 [tilespmem:s11], [sflag:$0x7], $0x80, s31, s0, $0xb8;
	[tilespmem:$0x1BF80] =	vst v63  }
0xb8: {  	s29 =	rddreg [dreg:$0x7]  }
0xb9: {  	[spmem:s3] =	stream.indirect.scatter.add.f32 [tilespmem:s30], [sflag:$0x9], $0x10, s31, s0, $0xb8;
	[tilespmem:$0x1BF80] =	vst v63  }
0xba: {  	s28 =	rddreg [dreg:$0x6];
	s12 =	sadd.s32 $0x0, s29  }
0xbb: {  	[tilespmem:s8], [sflag:$0x3] =	stream.linear.gather [hbm4b:s12+s5], $0x50, $0x38;
	[tilespmem:$0x1BF80] =	vst v63  }
0xbc: {  	s26 =	simm.s32 $0x28;
	s12 =	sadd.s32 $0x0, s28;
	s28 =	sadd.s32 $0x140, s25  }
.LBB2_2:
0xbd: {  	[tilespmem:s9], [sflag:$0x3] =	stream.linear.gather [hbm4b:s12+s5], $0x50, $0x38;
	[tilespmem:$0x1BF80] =	vst v63  }
0xbe: {  	_ =	swait.ge [sflag:s16], $0x2800  }
0xbf: {  	[sflag:s16] =	ssyncset.done $0x0  }
0xc0: {  	[sflag:s16] =	ssyncadd.s32 $0xFFFFD800  }
0xc1: {  	_ =	swait.ge [sflag:s17], $0x2800  }
0xc2: {  	[sflag:s17] =	ssyncset.done $0x0  }
0xc3: {  	[sflag:s17] =	ssyncadd.s32 $0xFFFFD800  }
0xc4: {  	_ =	swait.ge [sflag:s18], $0x500  }
0xc5: {  	[sflag:s18] =	ssyncset.done $0x0  }
0xc6: {  	[sflag:s18] =	ssyncadd.s32 $0xFFFFFB00  }
0xc7: {  	_ =	swait.ge [sflag:s19], $0x50  }
0xc8: {  	[sflag:s19] =	ssyncset.done $0x0  }
0xc9: {  	[sflag:s19] =	ssyncadd.s32 $0xFFFFFFB0  }
0xca: {  	_ =	swait.ge [sflag:s19], $0x50  }
0xcb: {  	[sflag:s19] =	ssyncset.done $0x0  }
0xcc: {  	[sflag:s19] =	ssyncadd.s32 $0xFFFFFFB0  }
0xcd: {  	[tilespmem:s11], [sflag:$0x5] =	stream.indirect.gather [hbm4b:s1+s0], $0x80, s8, s0, $0xb8;
	[tilespmem:$0x1BF80] =	vst v63  }
0xce: {  	_ = 	snop  }
0xcf: {  	[spmem:s2] =	stream.indirect.scatter.add.f32 [tilespmem:s15], [sflag:$0x8], $0x80, s4, s0, $0xb8;
	[tilespmem:$0x1BF80] =	vst v63  }
0xd0: {  	s12 =	smov.u32 s26;
	s25 =	rddreg [dreg:$0xb]  }
0xd1: {  	[spmem:s3] =	stream.indirect.scatter.add.f32 [tilespmem:s30], [sflag:$0xA], $0x10, s4, s0, $0xb8;
	[tilespmem:$0x1BF80] =	vst v63  }
0xd2: {  	s29 =	rddreg [dreg:$0xa];
	s25 =	sadd.s32 s12, s25  }
0xd3: {  	[tilespmem:s20], [sflag:$0x4] =	stream.linear.gather [hbm4b:s25+s5], $0x50, $0x38;
	[tilespmem:$0x1BF80] =	vst v63  }
0xd4: {  	s29 =	sadd.s32 s12, s29  }
0xd5: {  	[tilespmem:s21], [sflag:$0x4] =	stream.linear.gather [hbm4b:s29+s5], $0x50, $0x38;
	[tilespmem:$0x1BF80] =	vst v63  }
0xd6: {  	_ =	swait.ge [sflag:s13], $0x2800  }
0xd7: {  	[sflag:s13] =	ssyncset.done $0x0  }
0xd8: {  	[sflag:s13] =	ssyncadd.s32 $0xFFFFD800  }
0xd9: {  	_ =	swait.ge [sflag:s22], $0x2800  }
0xda: {  	[sflag:s22] =	ssyncset.done $0x0  }
0xdb: {  	[sflag:s22] =	ssyncadd.s32 $0xFFFFD800  }
0xdc: {  	_ =	swait.ge [sflag:s23], $0x500  }
0xdd: {  	[sflag:s23] =	ssyncset.done $0x0  }
0xde: {  	[sflag:s23] =	ssyncadd.s32 $0xFFFFFB00  }
0xdf: {  	_ =	swait.ge [sflag:s24], $0x50  }
0xe0: {  	[sflag:s24] =	ssyncset.done $0x0  }
0xe1: {  	[sflag:s24] =	ssyncadd.s32 $0xFFFFFFB0  }
0xe2: {  	_ =	swait.ge [sflag:s24], $0x50  }
0xe3: {  	[sflag:s24] =	ssyncset.done $0x0  }
0xe4: {  	[sflag:s24] =	ssyncadd.s32 $0xFFFFFFB0  }
0xe5: {  	[tilespmem:s15], [sflag:$0x6] =	stream.indirect.gather [hbm4b:s1+s0], $0x80, s20, s0, $0xb8;
	[tilespmem:$0x1BF80] =	vst v63  }
0xe6: {  	_ = 	snop  }
0xe7: {  	[spmem:s2] =	stream.indirect.scatter.add.f32 [tilespmem:s11], [sflag:$0x7], $0x80, s9, s0, $0xb8;
	[tilespmem:$0x1BF80] =	vst v63  }
0xe8: {  	s25 =	sshrl.u32 s28, $0x3  }
0xe9: {  	[spmem:s3] =	stream.indirect.scatter.add.f32 [tilespmem:s30], [sflag:$0x9], $0x10, s9, s0, $0xb8;
	[tilespmem:$0x1BF80] =	vst v63  }
0xea: {  	s29 =	sadd.s32 s6, s25  }
0xeb: {  	[tilespmem:s5], [sflag:$0x1] =	stream.linear.gather [hbm4b:s29+s5], $0x50, $0x38;
	[tilespmem:$0x1BF80] =	vst v63  }
0xec: {  	s25 =	sadd.s32 s7, s25  }
0xed: {  	[tilespmem:s31], [sflag:$0x1] =	stream.linear.gather [hbm4b:s25+s5], $0x50, $0x38;
	[tilespmem:$0x1BF80] =	vst v63  }
0xee: {  	_ =	swait.ge [sflag:s16], $0x2800  }
0xef: {  	[sflag:s16] =	ssyncset.done $0x0  }
0xf0: {  	[sflag:s16] =	ssyncadd.s32 $0xFFFFD800  }
0xf1: {  	_ =	swait.ge [sflag:s17], $0x2800  }
0xf2: {  	[sflag:s17] =	ssyncset.done $0x0  }
0xf3: {  	[sflag:s17] =	ssyncadd.s32 $0xFFFFD800  }
0xf4: {  	_ =	swait.ge [sflag:s18], $0x500  }
0xf5: {  	[sflag:s18] =	ssyncset.done $0x0  }
0xf6: {  	[sflag:s18] =	ssyncadd.s32 $0xFFFFFB00  }
0xf7: {  	_ =	swait.ge [sflag:s10], $0x50  }
0xf8: {  	[sflag:s10] =	ssyncset.done $0x0  }
0xf9: {  	[sflag:s10] =	ssyncadd.s32 $0xFFFFFFB0  }
0xfa: {  	_ =	swait.ge [sflag:s10], $0x50  }
0xfb: {  	[sflag:s10] =	ssyncset.done $0x0  }
0xfc: {  	[sflag:s10] =	ssyncadd.s32 $0xFFFFFFB0  }
0xfd: {  	[tilespmem:s11], [sflag:$0x5] =	stream.indirect.gather [hbm4b:s1+s0], $0x80, s5, s0, $0xb8;
	[tilespmem:$0x1BF80] =	vst v63  }
0xfe: {  	_ = 	snop  }
0xff: {  	[spmem:s2] =	stream.indirect.scatter.add.f32 [tilespmem:s15], [sflag:$0x8], $0x80, s21, s0, $0xb8;
	[tilespmem:$0x1BF80] =	vst v63  }
0x100: {  	s25 =	rddreg [dreg:$0x9]  }
0x101: {  	[spmem:s3] =	stream.indirect.scatter.add.f32 [tilespmem:s30], [sflag:$0xA], $0x10, s21, s0, $0xb8;
	[tilespmem:$0x1BF80] =	vst v63  }
0x102: {  	s29 =	rddreg [dreg:$0x8];
	s25 =	sadd.s32 s12, s25  }
0x103: {  	[tilespmem:s0], [sflag:$0x2] =	stream.linear.gather [hbm4b:s25+s5], $0x50, $0x38;
	[tilespmem:$0x1BF80] =	vst v63  }
0x104: {  	s29 =	sadd.s32 s12, s29  }
0x105: {  	[tilespmem:s4], [sflag:$0x2] =	stream.linear.gather [hbm4b:s29+s5], $0x50, $0x38;
	[tilespmem:$0x1BF80] =	vst v63  }
0x106: {  	_ =	swait.ge [sflag:s13], $0x2800  }
0x107: {  	[sflag:s13] =	ssyncset.done $0x0  }
0x108: {  	[sflag:s13] =	ssyncadd.s32 $0xFFFFD800  }
0x109: {  	_ =	swait.ge [sflag:s22], $0x2800  }
0x10a: {  	[sflag:s22] =	ssyncset.done $0x0  }
0x10b: {  	[sflag:s22] =	ssyncadd.s32 $0xFFFFD800  }
0x10c: {  	_ =	swait.ge [sflag:s23], $0x500  }
0x10d: {  	[sflag:s23] =	ssyncset.done $0x0  }
0x10e: {  	[sflag:s23] =	ssyncadd.s32 $0xFFFFFB00  }
0x10f: {  	_ =	swait.ge [sflag:s14], $0x50  }
0x110: {  	[sflag:s14] =	ssyncset.done $0x0  }
0x111: {  	[sflag:s14] =	ssyncadd.s32 $0xFFFFFFB0  }
0x112: {  	_ =	swait.ge [sflag:s14], $0x50  }
0x113: {  	[sflag:s14] =	ssyncset.done $0x0  }
0x114: {  	[sflag:s14] =	ssyncadd.s32 $0xFFFFFFB0  }
0x115: {  	[tilespmem:s15], [sflag:$0x6] =	stream.indirect.gather [hbm4b:s1+s0], $0x80, s0, s0, $0xb8;
	[tilespmem:$0x1BF80] =	vst v63  }
0x116: {  	p0 =	sne.s32 s26, $0x488  }
0x117: {  	[spmem:s2] =	stream.indirect.scatter.add.f32 [tilespmem:s11], [sflag:$0x7], $0x80, s31, s0, $0xb8;
	[tilespmem:$0x1BF80] =	vst v63  }
.Ltmp0:
0x118: {  	s25 =	rddreg [dreg:$0x7];
	(pc) =	sbr.rel @p0 .LBB2_2-.Ltmp0, $4  }
0x119: {  	s26 =	sadd.s32 $0x28, s26;
	s29 =	rddreg [dreg:$0x6]  }
0x11a: {  	[spmem:s3] =	stream.indirect.scatter.add.f32 [tilespmem:s30], [sflag:$0x9], $0x10, s31, s0, $0xb8;
	[tilespmem:$0x1BF80] =	vst v63  }
0x11b: {  	s28 =	sadd.s32 $0x140, s28;
	s25 =	sadd.s32 s12, s25;
	s12 =	sadd.s32 s12, s29  }
0x11c: {  	[tilespmem:s8], [sflag:$0x3] =	stream.linear.gather [hbm4b:s25+s5], $0x50, $0x38;
	[tilespmem:$0x1BF80] =	vst v63  }
0x11d: {  	[tilespmem:s9], [sflag:$0x3] =	stream.linear.gather [hbm4b:s12+s5], $0x50, $0x38;
	[tilespmem:$0x1BF80] =	vst v63  }
0x11e: {  	_ =	swait.ge [sflag:s16], $0x2800  }
0x11f: {  	[sflag:s16] =	ssyncset.done $0x0  }
0x120: {  	[sflag:s16] =	ssyncadd.s32 $0xFFFFD800  }
0x121: {  	_ =	swait.ge [sflag:s17], $0x2800  }
0x122: {  	[sflag:s17] =	ssyncset.done $0x0  }
0x123: {  	[sflag:s17] =	ssyncadd.s32 $0xFFFFD800  }
0x124: {  	_ =	swait.ge [sflag:s18], $0x500  }
0x125: {  	[sflag:s18] =	ssyncset.done $0x0  }
0x126: {  	[sflag:s18] =	ssyncadd.s32 $0xFFFFFB00  }
0x127: {  	_ =	swait.ge [sflag:s19], $0x50  }
0x128: {  	[sflag:s19] =	ssyncset.done $0x0  }
0x129: {  	[sflag:s19] =	ssyncadd.s32 $0xFFFFFFB0  }
0x12a: {  	_ =	swait.ge [sflag:s19], $0x50  }
0x12b: {  	[sflag:s19] =	ssyncset.done $0x0  }
0x12c: {  	[sflag:s19] =	ssyncadd.s32 $0xFFFFFFB0  }
0x12d: {  	[tilespmem:s11], [sflag:$0x5] =	stream.indirect.gather [hbm4b:s1+s0], $0x80, s8, s0, $0xb8;
	[tilespmem:$0x1BF80] =	vst v63  }
0x12e: {  	_ = 	snop  }
0x12f: {  	[spmem:s2] =	stream.indirect.scatter.add.f32 [tilespmem:s15], [sflag:$0x8], $0x80, s4, s0, $0xb8;
	[tilespmem:$0x1BF80] =	vst v63  }
0x130: {  	_ = 	snop  }
0x131: {  	[spmem:s3] =	stream.indirect.scatter.add.f32 [tilespmem:s30], [sflag:$0xA], $0x10, s4, s0, $0xb8;
	[tilespmem:$0x1BF80] =	vst v63  }
0x132: {  	s26 =	rddreg [dreg:$0x18]  }
0x133: {  	[tilespmem:s20], [sflag:$0x4] =	stream.linear.gather [hbm4b:s26+s5], $0x50, $0x38;
	[tilespmem:$0x1BF80] =	vst v63  }
0x134: {  	s29 =	rddreg [dreg:$0x19]  }
0x135: {  	[tilespmem:s21], [sflag:$0x4] =	stream.linear.gather [hbm4b:s29+s5], $0x50, $0x38;
	[tilespmem:$0x1BF80] =	vst v63  }
0x136: {  	_ =	swait.ge [sflag:s13], $0x2800  }
0x137: {  	[sflag:s13] =	ssyncset.done $0x0  }
0x138: {  	[sflag:s13] =	ssyncadd.s32 $0xFFFFD800  }
0x139: {  	_ =	swait.ge [sflag:s22], $0x2800  }
0x13a: {  	[sflag:s22] =	ssyncset.done $0x0  }
0x13b: {  	[sflag:s22] =	ssyncadd.s32 $0xFFFFD800  }
0x13c: {  	_ =	swait.ge [sflag:s23], $0x500  }
0x13d: {  	[sflag:s23] =	ssyncset.done $0x0  }
0x13e: {  	[sflag:s23] =	ssyncadd.s32 $0xFFFFFB00  }
0x13f: {  	_ =	swait.ge [sflag:s24], $0x50  }
0x140: {  	[sflag:s24] =	ssyncset.done $0x0  }
0x141: {  	[sflag:s24] =	ssyncadd.s32 $0xFFFFFFB0  }
0x142: {  	_ =	swait.ge [sflag:s24], $0x50  }
0x143: {  	[sflag:s24] =	ssyncset.done $0x0  }
0x144: {  	[sflag:s24] =	ssyncadd.s32 $0xFFFFFFB0  }
0x145: {  	[tilespmem:s15], [sflag:$0x6] =	stream.indirect.gather [hbm4b:s1+s0], $0x80, s20, s0, $0xb8;
	[tilespmem:$0x1BF80] =	vst v63  }
0x146: {  	_ = 	snop  }
0x147: {  	[spmem:s2] =	stream.indirect.scatter.add.f32 [tilespmem:s11], [sflag:$0x7], $0x80, s9, s0, $0xb8;
	[tilespmem:$0x1BF80] =	vst v63  }
0x148: {  	_ = 	snop  }
0x149: {  	[spmem:s3] =	stream.indirect.scatter.add.f32 [tilespmem:s30], [sflag:$0x9], $0x10, s9, s0, $0xb8;
	[tilespmem:$0x1BF80] =	vst v63  }
0x14a: {  	s25 =	rddreg [dreg:$0x1b]  }
0x14b: {  	[tilespmem:s5], [sflag:$0x1] =	stream.linear.gather [hbm4b:s25+s5], $0x50, $0x38;
	[tilespmem:$0x1BF80] =	vst v63  }
0x14c: {  	s26 =	rddreg [dreg:$0x1c]  }
0x14d: {  	[tilespmem:s31], [sflag:$0x1] =	stream.linear.gather [hbm4b:s26+s5], $0x50, $0x38;
	[tilespmem:$0x1BF80] =	vst v63  }
0x14e: {  	_ =	swait.ge [sflag:s16], $0x2800  }
0x14f: {  	[sflag:s16] =	ssyncset.done $0x0  }
0x150: {  	[sflag:s16] =	ssyncadd.s32 $0xFFFFD800  }
0x151: {  	_ =	swait.ge [sflag:s17], $0x2800  }
0x152: {  	[sflag:s17] =	ssyncset.done $0x0  }
0x153: {  	[sflag:s17] =	ssyncadd.s32 $0xFFFFD800  }
0x154: {  	_ =	swait.ge [sflag:s18], $0x500  }
0x155: {  	[sflag:s18] =	ssyncset.done $0x0  }
0x156: {  	[sflag:s18] =	ssyncadd.s32 $0xFFFFFB00  }
0x157: {  	_ =	swait.ge [sflag:s10], $0x50  }
0x158: {  	[sflag:s10] =	ssyncset.done $0x0  }
0x159: {  	[sflag:s10] =	ssyncadd.s32 $0xFFFFFFB0  }
0x15a: {  	_ =	swait.ge [sflag:s10], $0x50  }
0x15b: {  	[sflag:s10] =	ssyncset.done $0x0  }
0x15c: {  	[sflag:s10] =	ssyncadd.s32 $0xFFFFFFB0  }
0x15d: {  	[tilespmem:s11], [sflag:$0x5] =	stream.indirect.gather [hbm4b:s1+s0], $0x80, s5, s0, $0xb8;
	[tilespmem:$0x1BF80] =	vst v63  }
0x15e: {  	_ = 	snop  }
0x15f: {  	[spmem:s2] =	stream.indirect.scatter.add.f32 [tilespmem:s15], [sflag:$0x8], $0x80, s21, s0, $0xb8;
	[tilespmem:$0x1BF80] =	vst v63  }
0x160: {  	_ = 	snop  }
0x161: {  	[spmem:s3] =	stream.indirect.scatter.add.f32 [tilespmem:s30], [sflag:$0xA], $0x10, s21, s0, $0xb8;
	[tilespmem:$0x1BF80] =	vst v63  }
0x162: {  	_ =	swait.ge [sflag:s13], $0x2800  }
0x163: {  	[sflag:s13] =	ssyncset.done $0x0  }
0x164: {  	[sflag:s13] =	ssyncadd.s32 $0xFFFFD800  }
0x165: {  	_ =	swait.ge [sflag:s22], $0x2800  }
0x166: {  	[sflag:s22] =	ssyncset.done $0x0  }
0x167: {  	[sflag:s22] =	ssyncadd.s32 $0xFFFFD800  }
0x168: {  	_ =	swait.ge [sflag:s23], $0x500  }
0x169: {  	[sflag:s23] =	ssyncset.done $0x0  }
0x16a: {  	[sflag:s23] =	ssyncadd.s32 $0xFFFFFB00  }
0x16b: {  	[spmem:s2] =	stream.indirect.scatter.add.f32 [tilespmem:s11], [sflag:$0x7], $0x80, s31, s0, $0xb8;
	[tilespmem:$0x1BF80] =	vst v63  }
0x16c: {  	_ = 	snop  }
0x16d: {  	[spmem:s3] =	stream.indirect.scatter.add.f32 [tilespmem:s30], [sflag:$0x9], $0x10, s31, s0, $0xb8;
	[tilespmem:$0x1BF80] =	vst v63  }
0x16e: {  	_ =	swait.ge [sflag:s17], $0x2800  }
0x16f: {  	[sflag:s17] =	ssyncset.done $0x0  }
0x170: {  	[sflag:s17] =	ssyncadd.s32 $0xFFFFD800  }
0x171: {  	_ =	swait.ge [sflag:s18], $0x500  }
0x172: {  	[sflag:s18] =	ssyncset.done $0x0  }
0x173: {  	[sflag:s18] =	ssyncadd.s32 $0xFFFFFB00  }
0x174: {  	[bflag:$0x0] =	sbarrier.arrive $0xFFFF  }
0x175: {  	s26 =	sld [smem:$0x7FC]  }
0x176: {  	s25 =	rddreg [dreg:$0x10]  }
0x177: {  	s29 =	rddreg [dreg:$0x1d]  }
0x178: {  	[hbm:s29], [sflag:s25] =	dma.local [spmem:s26], $0x2800  }
0x179: {  	s26 =	simm.s32 $0xB  }
0x17a: {  	_ =	swait.ge [sflag:s26], $0x2800  }
0x17b: {  	s28 =	sld [smem:$0x7FD]  }
0x17c: {  	[sflag:s26] =	ssyncset.done $0x0  }
0x17d: {  	s29 =	rddreg [dreg:$0x15];
	[sflag:s26] =	ssyncadd.s32 $0xFFFFD800  }
0x17e: {  	[hbm:s29], [sflag:s25] =	dma.local [spmem:s28], $0x500  }
0x17f: {  	_ =	swait.ge [sflag:s26], $0x500  }
0x180: {  	s28 =	sld [smem:$0x7FB];
	_ =	sdelay $0x2  }
0x181: {  	s29 =	rddreg [dreg:$0x1e];
	s28 =	sadd.s32 $0x1, s28  }
0x182: {  	p0 =	sne.s32 s28, s29  }
.Ltmp1:
0x183: {  	_ = 	snop;
	(pc) =	sbr.rel @p0 .LBB2_1-.Ltmp1, $3  }
0x184: {  	_ =	sdelay $0x1  }
0x185: {  	[sflag:s26] =	ssyncset.done $0x0  }
0x186: {  	[sflag:s26] =	ssyncadd.s32 $0xFFFFFB00  }
0x187: {  	_ =	sfence.sel $0x180000  }
0x188: {  	[bflag:$0x0] =	sbarrier.arrive $0xFFFF  }
0x189: {  	_ =	strace $0x90000047  }
0x18a: {  	s0 =	stileid.u32;
	[bflag:$0x2] =	sbarrier.arrive $0xFFFF  }
0x18b: {  	p0 =	sne.s32 s0, $0x0;
	s0 =	rddreg [dreg:$0x5]  }
0x18c: {  	s0 =	sadd.s32 @!p0 $0x100000, s0  }
0x18d: {  	[sflag:s0] =	ssyncadd.tile.s32 @!p0 $0x1;
	_ =	shalt  }
.Lfunc_end2:
_tile_overlayer_lowered:
.L_overlay_start_2:
0x18e: {  	(tag) =	ssettag $0x2  }
0x18f: {  	s0 =	rddreg [dreg:$0x0];
	s2 =	stileid.u32  }
0x190: {  	s1 =	rddreg [dreg:$0x1];
	p0 =	sne.s32 s2, $0x0  }
0x191: {  	s3 =	rddreg [dreg:$0x2];
	[bflag:$0x3] =	sbarrier.arrive $0xFFFF;
	s2 =	simm.s32 @!p0 $0x1C0B  }
0x192: {  	[timem:s3], [sflag:s2] =	dma.local @!p0 [hbm:s0], s1  }
0x193: {  	s0 =	simm.s32 @!p0 $0xB  }
0x194: {  	_ =	swait.ge @!p0 [sflag:s0], s1  }
0x195: {  	s1 =	ssub.s32 @!p0 $0x0, s1;
	[sflag:s0] =	ssyncset.done @!p0 $0x0  }
0x196: {  	[sflag:s0] =	ssyncadd.s32 @!p0 s1  }
0x197: {  	[bflag:$0x3] =	sbarrier.arrive $0xFFFF  }
0x198: {  	_ =	shalt  }

</sc_bundles>
